<compile_context>
chip_gen: v7x
topology: tpu7x:2x2x1
jax: 0.10.2.dev20260603
libtpu: 0.0.44.dev20260713+nightly
codegen_flags: <defaults>
</compile_context>

<pallas_src>
import functools

import jax
import jax.numpy as jnp
from jax import lax
from jax.experimental import pallas as pl
from jax.experimental.pallas import tpu as pltpu
from jax.experimental.pallas import tpu_sc as plsc

N = 10000
D = 128
E = 320000
CHUNK = 128
NC, NS = 2, 16
NW = NC * NS
CW = 80
EPAD = NW * CW * CHUNK
NROWS = NW * CW + 4
NPAD = 10112
RPS = NPAD // NS
CNTW = 16
ROWS_BLK = 2000


@functools.cache
def _make_sc_agg(first: bool):
  mesh = plsc.VectorSubcoreMesh(
      core_axis_name="core", subcore_axis_name="subcore",
      num_cores=NC, num_subcores=NS)
  out_type = [jax.ShapeDtypeStruct((NC, NPAD, D), jnp.float32)]
  scratch = [
      pltpu.VMEM_SHARED((NPAD, D), jnp.float32),
      pltpu.VMEM((CHUNK, D), jnp.float32),
      pltpu.VMEM((CHUNK, D), jnp.float32),
      pltpu.VMEM((2, CHUNK), jnp.int32),
      pltpu.VMEM((2, CHUNK), jnp.int32),
      pltpu.VMEM((2, CHUNK), jnp.int32),
      pltpu.VMEM((2, CHUNK), jnp.int32),
      pltpu.SemaphoreType.DMA,
      pltpu.SemaphoreType.DMA,
      pltpu.SemaphoreType.DMA,
      pltpu.SemaphoreType.DMA,
      pltpu.SemaphoreType.DMA,
      pltpu.SemaphoreType.DMA,
      pltpu.SemaphoreType.DMA,
      pltpu.SemaphoreType.DMA,
  ]
  if first:
    out_type.append(jax.ShapeDtypeStruct((NC, NPAD, CNTW), jnp.float32))
    scratch += [
        pltpu.VMEM_SHARED((NPAD, CNTW), jnp.float32),
        pltpu.VMEM((CHUNK, CNTW), jnp.float32),
        pltpu.SemaphoreType.DMA,
        pltpu.SemaphoreType.DMA,
        pltpu.SemaphoreType.DMA,
        pltpu.SemaphoreType.DMA,
    ]

  def body(h_hbm, src_hbm, dst_hbm, z128_hbm, *rest):
    if first:
      (z16_hbm, ones_hbm, agg_out, cnt_out, agg_sh, buf0, buf1,
       ib0, ib1, ib2, ib3, gs0, gs1, ss0, ss1, is0, is1, is2, is3,
       cnt_sh, ones_v, cs0, cs1, cs2, cs3) = rest
      cnt_sems = [cs0, cs1, cs2, cs3]
    else:
      (agg_out, agg_sh, buf0, buf1, ib0, ib1, ib2, ib3,
       gs0, gs1, ss0, ss1, is0, is1, is2, is3) = rest
    bufs, gsems, ssems = [buf0, buf1], [gs0, gs1], [ss0, ss1]
    ibufs, isems = [ib0, ib1, ib2, ib3], [is0, is1, is2, is3]
    c = lax.axis_index("core")
    s = lax.axis_index("subcore")
    w = c * NS + s
    r0 = s * RPS

    def idx_load(k, chunk):
      row = w * CW + chunk
      pltpu.async_copy(src_hbm.at[row], ibufs[k].at[0], isems[k])
      pltpu.async_copy(dst_hbm.at[row], ibufs[k].at[1], isems[k])

    def idx_wait(k, chunk):
      row = w * CW + chunk
      pltpu.make_async_copy(src_hbm.at[row], ibufs[k].at[0], isems[k]).wait()
      pltpu.make_async_copy(dst_hbm.at[row], ibufs[k].at[1], isems[k]).wait()

    def gather(b, k):
      pltpu.async_copy(h_hbm.at[ibufs[k].at[0]], bufs[b], gsems[b])

    def gather_wait(b, k):
      pltpu.make_async_copy(h_hbm.at[ibufs[k].at[0]], bufs[b],
                            gsems[b]).wait()

    def scat(b, k):
      pltpu.async_copy(bufs[b], agg_sh.at[ibufs[k].at[1]], ssems[b],
                       add=True)
      if first:
        pltpu.async_copy(ones_v, cnt_sh.at[ibufs[k].at[1]], cnt_sems[k],
                         add=True)

    def scat_wait(b, k):
      pltpu.make_async_copy(bufs[b], agg_sh.at[ibufs[k].at[1]],
                            ssems[b]).wait()

    def cnt_wait(k):
      if first:
        pltpu.make_async_copy(ones_v, cnt_sh.at[ibufs[k].at[1]],
                              cnt_sems[k]).wait()

    pltpu.sync_copy(z128_hbm.at[pl.ds(r0, RPS)], agg_sh.at[pl.ds(r0, RPS)])
    if first:
      pltpu.sync_copy(z16_hbm.at[pl.ds(r0, RPS)], cnt_sh.at[pl.ds(r0, RPS)])
      pltpu.sync_copy(ones_hbm, ones_v)
    plsc.subcore_barrier()

    for k in range(4):
      idx_load(k, k)
    idx_wait(0, 0)
    gather(0, 0)
    idx_wait(1, 1)
    gather(1, 1)

    @pl.loop(0, CW, step=4)
    def _(i):
      gather_wait(0, 0)
      scat(0, 0)
      gather_wait(1, 1)
      scat(1, 1)
      scat_wait(0, 0)
      cnt_wait(0)
      idx_load(0, i + 4)
      idx_wait(2, i + 2)
      gather(0, 2)
      scat_wait(1, 1)
      cnt_wait(1)
      idx_load(1, i + 5)
      idx_wait(3, i + 3)
      gather(1, 3)
      gather_wait(0, 2)
      scat(0, 2)
      gather_wait(1, 3)
      scat(1, 3)
      scat_wait(0, 2)
      cnt_wait(2)
      idx_load(2, i + 6)
      idx_wait(0, i + 4)
      gather(0, 0)
      scat_wait(1, 3)
      cnt_wait(3)
      idx_load(3, i + 7)
      idx_wait(1, i + 5)
      gather(1, 1)

    gather_wait(0, 0)
    gather_wait(1, 1)
    idx_wait(2, CW + 2)
    idx_wait(3, CW + 3)

    plsc.subcore_barrier()
    pltpu.sync_copy(agg_sh.at[pl.ds(r0, RPS)], agg_out.at[c, pl.ds(r0, RPS)])
    if first:
      pltpu.sync_copy(cnt_sh.at[pl.ds(r0, RPS)], cnt_out.at[c, pl.ds(r0, RPS)])

  return pl.kernel(body, out_type=tuple(out_type) if first else out_type[0],
                   mesh=mesh, scratch_types=scratch,
                   compiler_params=pltpu.CompilerParams(
                       use_tc_tiling_on_sc=False))


def _elu(z):
  return jnp.where(z > 0, z, jnp.exp(z) - 1.0)


def _tc_first_body(agg0, agg1, cnt0, cnt1, h, wl, wr, b, out, invout):
  cnt = cnt0[0][:, 0:1] + cnt1[0][:, 0:1]
  inv = 1.0 / jnp.maximum(cnt, 1.0)
  invout[...] = jnp.broadcast_to(inv, (ROWS_BLK, D))
  mean = (agg0[0] + agg1[0]) * inv
  z = (jnp.dot(mean, wl[...], preferred_element_type=jnp.float32,
               precision=lax.Precision.HIGHEST)
       + jnp.dot(h[...], wr[...], preferred_element_type=jnp.float32,
                 precision=lax.Precision.HIGHEST) + b[...])
  out[...] = _elu(z)


def _tc_mid_body(last, agg0, agg1, inv, h, wl, wr, b, out):
  mean = (agg0[0] + agg1[0]) * inv[...]
  z = (jnp.dot(mean, wl[...], preferred_element_type=jnp.float32,
               precision=lax.Precision.HIGHEST)
       + jnp.dot(h[...], wr[...], preferred_element_type=jnp.float32,
                 precision=lax.Precision.HIGHEST) + b[...])
  if last:
    m = jnp.max(z, axis=-1, keepdims=True)
    lse = jnp.log(jnp.sum(jnp.exp(z - m), axis=-1, keepdims=True)) + m
    out[...] = z - lse
  else:
    out[...] = _elu(z)


_agg_spec = lambda core: pl.BlockSpec((1, ROWS_BLK, D), lambda i, c=core: (c, i, 0))
_cnt_spec = lambda core: pl.BlockSpec((1, ROWS_BLK, CNTW), lambda i, c=core: (c, i, 0))
_row_spec = pl.BlockSpec((ROWS_BLK, D), lambda i: (i, 0))
_w_spec = pl.BlockSpec((D, D), lambda i: (0, 0))
_b_spec = pl.BlockSpec((1, D), lambda i: (0, 0))
_GRID = (N // ROWS_BLK,)

_tc_first = pl.pallas_call(
    _tc_first_body,
    grid=_GRID,
    in_specs=[_agg_spec(0), _agg_spec(1), _cnt_spec(0), _cnt_spec(1),
              _row_spec, _w_spec, _w_spec, _b_spec],
    out_specs=[_row_spec, _row_spec],
    out_shape=[jax.ShapeDtypeStruct((N, D), jnp.float32),
               jax.ShapeDtypeStruct((N, D), jnp.float32)],
)

_tc_mid = pl.pallas_call(
    functools.partial(_tc_mid_body, False),
    grid=_GRID,
    in_specs=[_agg_spec(0), _agg_spec(1), _row_spec,
              _row_spec, _w_spec, _w_spec, _b_spec],
    out_specs=_row_spec,
    out_shape=jax.ShapeDtypeStruct((N, D), jnp.float32),
)

_tc_last = pl.pallas_call(
    functools.partial(_tc_mid_body, True),
    grid=_GRID,
    in_specs=[_agg_spec(0), _agg_spec(1), _row_spec,
              _row_spec, _w_spec, _w_spec, _b_spec],
    out_specs=_row_spec,
    out_shape=jax.ShapeDtypeStruct((N, D), jnp.float32),
)


def kernel(x, edge_index, W1l, W1r, b1, W2l, W2r, b2, W3l, W3r, b3,
           W4l, W4r, b4):
  src = edge_index[0].astype(jnp.int32)
  dst = edge_index[1].astype(jnp.int32)
  npad_e = NROWS * CHUNK - E
  src_p = jnp.concatenate(
      [src, jnp.zeros((npad_e,), jnp.int32)]).reshape(NROWS, CHUNK)
  dst_p = jnp.concatenate(
      [dst, N + (jnp.arange(npad_e, dtype=jnp.int32) % (NPAD - N))]
  ).reshape(NROWS, CHUNK)
  z128 = jnp.zeros((NPAD, D), jnp.float32)
  z16 = jnp.zeros((NPAD, CNTW), jnp.float32)
  ones16 = jnp.ones((CHUNK, CNTW), jnp.float32)

  agg1, cnt = _make_sc_agg(True)(x, src_p, dst_p, z128, z16, ones16)
  _sc_agg = _make_sc_agg(False)
  h1, inv = _tc_first(agg1, agg1, cnt, cnt, x,
                      W1l, W1r, b1.reshape(1, D))
  agg2 = _sc_agg(h1, src_p, dst_p, z128)
  h2 = _tc_mid(agg2, agg2, inv, h1, W2l, W2r, b2.reshape(1, D))
  agg3 = _sc_agg(h2, src_p, dst_p, z128)
  h3 = _tc_mid(agg3, agg3, inv, h2, W3l, W3r, b3.reshape(1, D))
  agg4 = _sc_agg(h3, src_p, dst_p, z128)

  dout = W4l.shape[1]
  W4l_p = jnp.zeros((D, D), jnp.float32).at[:, :dout].set(W4l)
  W4r_p = jnp.zeros((D, D), jnp.float32).at[:, :dout].set(W4r)
  b4_p = jnp.full((1, D), -1e30, jnp.float32).at[0, :dout].set(b4)
  out = _tc_last(agg4, agg4, inv, h3, W4l_p, W4r_p, b4_p)
  return out[:, :dout]

# --- scband reference (transcript-rebuilt; emitter-appended) ---
"""Pipeline reference for scband-graph-sage-11871289606993 (READ-ONLY COPY).

The authoritative reference and input builder live on the scoring server;
editing this copy changes nothing except your own understanding.
"""

import jax, jax.numpy as jnp
import numpy as np

N_NODES = 10000
N_EDGES = 320000
D_IN = 128
H1 = 128
H2 = 128
H3 = 128
D_OUT = 40


def _glorot(key, shape):
    fan_in, fan_out = shape[0], shape[1]
    lim = jnp.sqrt(6.0 / (fan_in + fan_out))
    return jax.random.uniform(key, shape, jnp.float32, -lim, lim)


def setup_inputs(seed: int = 0) -> dict:
    key = jax.random.key(seed)
    ks = jax.random.split(key, 16)
    x = jax.random.normal(ks[0], (N_NODES, D_IN), dtype=jnp.float32)
    edge_index = jax.random.randint(ks[1], (2, N_EDGES), 0, N_NODES, dtype=jnp.int64)
    dims = [(D_IN, H1), (H1, H2), (H2, H3), (H3, D_OUT)]
    params = {}
    for i, (di, do) in enumerate(dims):
        params[f'W{i+1}l'] = _glorot(ks[2 + 3 * i], (di, do))
        params[f'W{i+1}r'] = _glorot(ks[3 + 3 * i], (di, do))
        params[f'b{i+1}'] = jnp.zeros((do,), dtype=jnp.float32)
    out = {'x': x, 'edge_index': edge_index}
    out.update(params)
    return out


def _sage_conv(x, src, dst, Wl, Wr, b):
    # PyG SAGEConv with mean aggregation: lin_l(mean_{j in N(i)} x_j) + lin_r(x_i) + b
    msg = jnp.take(x, src, axis=0)
    agg = jax.ops.segment_sum(msg, dst, num_segments=N_NODES)
    cnt = jax.ops.segment_sum(jnp.ones((src.shape[0], 1), x.dtype), dst, num_segments=N_NODES)
    mean = agg / jnp.maximum(cnt, 1.0)
    return mean @ Wl + x @ Wr + b


def reference(x, edge_index, W1l, W1r, b1, W2l, W2r, b2, W3l, W3r, b3, W4l, W4r, b4):
    src = edge_index[0]
    dst = edge_index[1]
    h = _sage_conv(x, src, dst, W1l, W1r, b1)
    h = jax.nn.elu(h)
    # dropout p=0.0 -> identity
    h = _sage_conv(h, src, dst, W2l, W2r, b2)
    h = jax.nn.elu(h)
    h = _sage_conv(h, src, dst, W3l, W3r, b3)
    # penultimate_layer = False
    h = jax.nn.elu(h)
    h = _sage_conv(h, src, dst, W4l, W4r, b4)
    return jax.nn.log_softmax(h, axis=-1)

if __name__ == "__main__":
    import jax
    _d = setup_inputs()
    print(jax.jit(kernel)(*tuple(_d.values())))

</pallas_src>

<mosaic_0001>
#map = affine_map<(d0, d1) -> (0, 0)>
#map1 = affine_map<(d0, d1) -> (0, 0, 0)>
module attributes {stable_mosaic.version = 14 : i64} {
  func.func @body(%arg0: i32, %arg1: i32, %arg2: memref<10000x128xf32, #tpu.memory_space<hbm>>, %arg3: memref<2564x128xi32, #tpu.memory_space<hbm>>, %arg4: memref<2564x128xi32, #tpu.memory_space<hbm>>, %arg5: memref<10112x128xf32, #tpu.memory_space<hbm>>, %arg6: memref<2x10112x128xf32, #tpu.memory_space<hbm>>, %arg7: memref<10112x128xf32, #tpu.memory_space<vmem_shared>>, %arg8: memref<128x128xf32, #tpu.memory_space<vmem>>, %arg9: memref<128x128xf32, #tpu.memory_space<vmem>>, %arg10: memref<2x128xi32, #tpu.memory_space<vmem>>, %arg11: memref<2x128xi32, #tpu.memory_space<vmem>>, %arg12: memref<2x128xi32, #tpu.memory_space<vmem>>, %arg13: memref<2x128xi32, #tpu.memory_space<vmem>>, %arg14: memref<!tpu.dma_semaphore, #tpu.memory_space<semaphore_mem>>, %arg15: memref<!tpu.dma_semaphore, #tpu.memory_space<semaphore_mem>>, %arg16: memref<!tpu.dma_semaphore, #tpu.memory_space<semaphore_mem>>, %arg17: memref<!tpu.dma_semaphore, #tpu.memory_space<semaphore_mem>>, %arg18: memref<!tpu.dma_semaphore, #tpu.memory_space<semaphore_mem>>, %arg19: memref<!tpu.dma_semaphore, #tpu.memory_space<semaphore_mem>>, %arg20: memref<!tpu.dma_semaphore, #tpu.memory_space<semaphore_mem>>, %arg21: memref<!tpu.dma_semaphore, #tpu.memory_space<semaphore_mem>>) attributes {dimension_semantics = [#tpu.dimension_semantics<core_parallel>, #tpu.dimension_semantics<subcore_parallel>], iteration_bounds = array<i64: 2, 16>, scalar_prefetch = 0 : i64, scratch_operands = 15 : i64, tpu.core_type = #tpu.core_type<sc_vector_subcore>, window_params = [{transform_indices = #map}, {transform_indices = #map}, {transform_indices = #map}, {transform_indices = #map}, {transform_indices = #map1}]} {
    %mul3A = arith.constant 16 : i32
    %mul3A_0 = arith.muli %arg0, %mul3A : i32
    %add3A = arith.addi %mul3A_0, %arg1 : i32
    %mul3A_1 = arith.constant 632 : i32
    %mul3A_2 = arith.muli %arg1, %mul3A_1 : i32
    "tpu.region"() ({
      %run_scoped3A = tpu.sem_alloc : memref<!tpu.dma_semaphore, #tpu.memory_space<semaphore_mem>>
      %dma_start3A_274 = arith.constant 0 : i32
      %dma_start3A_275 = tpu.memref_slice %arg7[%mul3A_2, %dma_start3A_274] : memref<10112x128xf32, #tpu.memory_space<vmem_shared>> -> memref<632x128xf32, #tpu.memory_space<vmem_shared>>
      %dma_start3A_276 = arith.constant 0 : i32
      %dma_start3A_277 = tpu.memref_slice %arg5[%mul3A_2, %dma_start3A_276] : memref<10112x128xf32, #tpu.memory_space<hbm>> -> memref<632x128xf32, #tpu.memory_space<hbm>>
      tpu.enqueue_dma source(%dma_start3A_277 : memref<632x128xf32, #tpu.memory_space<hbm>>) target(%dma_start3A_275 : memref<632x128xf32, #tpu.memory_space<vmem_shared>>) target_semaphore(%run_scoped3A : memref<!tpu.dma_semaphore, #tpu.memory_space<semaphore_mem>>)
      %dma_wait3A_278 = arith.constant 0 : i32
      %dma_wait3A_279 = tpu.memref_slice %arg7[%mul3A_2, %dma_wait3A_278] : memref<10112x128xf32, #tpu.memory_space<vmem_shared>> -> memref<632x128xf32, #tpu.memory_space<vmem_shared>>
      %dma_wait3A_280 = arith.constant 0 : i32
      %dma_wait3A_281 = tpu.memref_slice %arg5[%mul3A_2, %dma_wait3A_280] : memref<10112x128xf32, #tpu.memory_space<hbm>> -> memref<632x128xf32, #tpu.memory_space<hbm>>
      tpu.wait_dma2 semaphore(%run_scoped3A : memref<!tpu.dma_semaphore, #tpu.memory_space<semaphore_mem>>) src(%dma_wait3A_281 : memref<632x128xf32, #tpu.memory_space<hbm>>) dst(%dma_wait3A_279 : memref<632x128xf32, #tpu.memory_space<vmem_shared>>)
      tpu.yield
    }) : () -> ()
    %barrier3A = arith.constant 0 : index
    tpu.barrier barrier_id(%barrier3A)
    %mul3A_3 = arith.constant 80 : i32
    %mul3A_4 = arith.muli %add3A, %mul3A_3 : i32
    %add3A_5 = arith.constant 0 : i32
    %add3A_6 = arith.addi %mul3A_4, %add3A_5 : i32
    %dma_start3A = arith.constant 0 : i32
    %dma_start3A_7 = arith.constant 0 : i32
    %dma_start3A_8 = tpu.memref_slice %arg10[%dma_start3A, %dma_start3A_7] : memref<2x128xi32, #tpu.memory_space<vmem>> -> memref<1x128xi32, #tpu.memory_space<vmem>>
    %dma_start3A_9 = tpu.memref_squeeze %dma_start3A_8 : memref<1x128xi32, #tpu.memory_space<vmem>> -> memref<128xi32, #tpu.memory_space<vmem>>
    %dma_start3A_10 = arith.constant 0 : i32
    %dma_start3A_11 = tpu.memref_slice %arg3[%add3A_6, %dma_start3A_10] : memref<2564x128xi32, #tpu.memory_space<hbm>> -> memref<1x128xi32, #tpu.memory_space<hbm>>
    %dma_start3A_12 = tpu.memref_squeeze %dma_start3A_11 : memref<1x128xi32, #tpu.memory_space<hbm>> -> memref<128xi32, #tpu.memory_space<hbm>>
    %dma_start3A_13 = arith.constant 0 : i32
    %dma_start3A_14 = tpu.memref_slice %arg10[%dma_start3A, %dma_start3A_13] : memref<2x128xi32, #tpu.memory_space<vmem>> -> memref<1x128xi32, #tpu.memory_space<vmem>>
    %dma_start3A_15 = tpu.memref_squeeze %dma_start3A_14 : memref<1x128xi32, #tpu.memory_space<vmem>> -> memref<128xi32, #tpu.memory_space<vmem>>
    %dma_start3A_16 = arith.constant 0 : i32
    %dma_start3A_17 = tpu.memref_slice %arg3[%add3A_6, %dma_start3A_16] : memref<2564x128xi32, #tpu.memory_space<hbm>> -> memref<1x128xi32, #tpu.memory_space<hbm>>
    %dma_start3A_18 = tpu.memref_squeeze %dma_start3A_17 : memref<1x128xi32, #tpu.memory_space<hbm>> -> memref<128xi32, #tpu.memory_space<hbm>>
    tpu.enqueue_dma source(%dma_start3A_18 : memref<128xi32, #tpu.memory_space<hbm>>) target(%dma_start3A_15 : memref<128xi32, #tpu.memory_space<vmem>>) target_semaphore(%arg18 : memref<!tpu.dma_semaphore, #tpu.memory_space<semaphore_mem>>)
    %dma_start3A_19 = arith.constant 1 : i32
    %dma_start3A_20 = arith.constant 0 : i32
    %dma_start3A_21 = tpu.memref_slice %arg10[%dma_start3A_19, %dma_start3A_20] : memref<2x128xi32, #tpu.memory_space<vmem>> -> memref<1x128xi32, #tpu.memory_space<vmem>>
    %dma_start3A_22 = tpu.memref_squeeze %dma_start3A_21 : memref<1x128xi32, #tpu.memory_space<vmem>> -> memref<128xi32, #tpu.memory_space<vmem>>
    %dma_start3A_23 = arith.constant 0 : i32
    %dma_start3A_24 = tpu.memref_slice %arg4[%add3A_6, %dma_start3A_23] : memref<2564x128xi32, #tpu.memory_space<hbm>> -> memref<1x128xi32, #tpu.memory_space<hbm>>
    %dma_start3A_25 = tpu.memref_squeeze %dma_start3A_24 : memref<1x128xi32, #tpu.memory_space<hbm>> -> memref<128xi32, #tpu.memory_space<hbm>>
    %dma_start3A_26 = arith.constant 0 : i32
    %dma_start3A_27 = tpu.memref_slice %arg10[%dma_start3A_19, %dma_start3A_26] : memref<2x128xi32, #tpu.memory_space<vmem>> -> memref<1x128xi32, #tpu.memory_space<vmem>>
    %dma_start3A_28 = tpu.memref_squeeze %dma_start3A_27 : memref<1x128xi32, #tpu.memory_space<vmem>> -> memref<128xi32, #tpu.memory_space<vmem>>
    %dma_start3A_29 = arith.constant 0 : i32
    %dma_start3A_30 = tpu.memref_slice %arg4[%add3A_6, %dma_start3A_29] : memref<2564x128xi32, #tpu.memory_space<hbm>> -> memref<1x128xi32, #tpu.memory_space<hbm>>
    %dma_start3A_31 = tpu.memref_squeeze %dma_start3A_30 : memref<1x128xi32, #tpu.memory_space<hbm>> -> memref<128xi32, #tpu.memory_space<hbm>>
    tpu.enqueue_dma source(%dma_start3A_31 : memref<128xi32, #tpu.memory_space<hbm>>) target(%dma_start3A_28 : memref<128xi32, #tpu.memory_space<vmem>>) target_semaphore(%arg18 : memref<!tpu.dma_semaphore, #tpu.memory_space<semaphore_mem>>)
    %mul3A_32 = arith.constant 80 : i32
    %mul3A_33 = arith.muli %add3A, %mul3A_32 : i32
    %add3A_34 = arith.constant 1 : i32
    %add3A_35 = arith.addi %mul3A_33, %add3A_34 : i32
    %dma_start3A_36 = arith.constant 0 : i32
    %dma_start3A_37 = arith.constant 0 : i32
    %dma_start3A_38 = tpu.memref_slice %arg11[%dma_start3A_36, %dma_start3A_37] : memref<2x128xi32, #tpu.memory_space<vmem>> -> memref<1x128xi32, #tpu.memory_space<vmem>>
    %dma_start3A_39 = tpu.memref_squeeze %dma_start3A_38 : memref<1x128xi32, #tpu.memory_space<vmem>> -> memref<128xi32, #tpu.memory_space<vmem>>
    %dma_start3A_40 = arith.constant 0 : i32
    %dma_start3A_41 = tpu.memref_slice %arg3[%add3A_35, %dma_start3A_40] : memref<2564x128xi32, #tpu.memory_space<hbm>> -> memref<1x128xi32, #tpu.memory_space<hbm>>
    %dma_start3A_42 = tpu.memref_squeeze %dma_start3A_41 : memref<1x128xi32, #tpu.memory_space<hbm>> -> memref<128xi32, #tpu.memory_space<hbm>>
    %dma_start3A_43 = arith.constant 0 : i32
    %dma_start3A_44 = tpu.memref_slice %arg11[%dma_start3A_36, %dma_start3A_43] : memref<2x128xi32, #tpu.memory_space<vmem>> -> memref<1x128xi32, #tpu.memory_space<vmem>>
    %dma_start3A_45 = tpu.memref_squeeze %dma_start3A_44 : memref<1x128xi32, #tpu.memory_space<vmem>> -> memref<128xi32, #tpu.memory_space<vmem>>
    %dma_start3A_46 = arith.constant 0 : i32
    %dma_start3A_47 = tpu.memref_slice %arg3[%add3A_35, %dma_start3A_46] : memref<2564x128xi32, #tpu.memory_space<hbm>> -> memref<1x128xi32, #tpu.memory_space<hbm>>
    %dma_start3A_48 = tpu.memref_squeeze %dma_start3A_47 : memref<1x128xi32, #tpu.memory_space<hbm>> -> memref<128xi32, #tpu.memory_space<hbm>>
    tpu.enqueue_dma source(%dma_start3A_48 : memref<128xi32, #tpu.memory_space<hbm>>) target(%dma_start3A_45 : memref<128xi32, #tpu.memory_space<vmem>>) target_semaphore(%arg19 : memref<!tpu.dma_semaphore, #tpu.memory_space<semaphore_mem>>)
    %dma_start3A_49 = arith.constant 1 : i32
    %dma_start3A_50 = arith.constant 0 : i32
    %dma_start3A_51 = tpu.memref_slice %arg11[%dma_start3A_49, %dma_start3A_50] : memref<2x128xi32, #tpu.memory_space<vmem>> -> memref<1x128xi32, #tpu.memory_space<vmem>>
    %dma_start3A_52 = tpu.memref_squeeze %dma_start3A_51 : memref<1x128xi32, #tpu.memory_space<vmem>> -> memref<128xi32, #tpu.memory_space<vmem>>
    %dma_start3A_53 = arith.constant 0 : i32
    %dma_start3A_54 = tpu.memref_slice %arg4[%add3A_35, %dma_start3A_53] : memref<2564x128xi32, #tpu.memory_space<hbm>> -> memref<1x128xi32, #tpu.memory_space<hbm>>
    %dma_start3A_55 = tpu.memref_squeeze %dma_start3A_54 : memref<1x128xi32, #tpu.memory_space<hbm>> -> memref<128xi32, #tpu.memory_space<hbm>>
    %dma_start3A_56 = arith.constant 0 : i32
    %dma_start3A_57 = tpu.memref_slice %arg11[%dma_start3A_49, %dma_start3A_56] : memref<2x128xi32, #tpu.memory_space<vmem>> -> memref<1x128xi32, #tpu.memory_space<vmem>>
    %dma_start3A_58 = tpu.memref_squeeze %dma_start3A_57 : memref<1x128xi32, #tpu.memory_space<vmem>> -> memref<128xi32, #tpu.memory_space<vmem>>
    %dma_start3A_59 = arith.constant 0 : i32
    %dma_start3A_60 = tpu.memref_slice %arg4[%add3A_35, %dma_start3A_59] : memref<2564x128xi32, #tpu.memory_space<hbm>> -> memref<1x128xi32, #tpu.memory_space<hbm>>
    %dma_start3A_61 = tpu.memref_squeeze %dma_start3A_60 : memref<1x128xi32, #tpu.memory_space<hbm>> -> memref<128xi32, #tpu.memory_space<hbm>>
    tpu.enqueue_dma source(%dma_start3A_61 : memref<128xi32, #tpu.memory_space<hbm>>) target(%dma_start3A_58 : memref<128xi32, #tpu.memory_space<vmem>>) target_semaphore(%arg19 : memref<!tpu.dma_semaphore, #tpu.memory_space<semaphore_mem>>)
    %mul3A_62 = arith.constant 80 : i32
    %mul3A_63 = arith.muli %add3A, %mul3A_62 : i32
    %add3A_64 = arith.constant 2 : i32
    %add3A_65 = arith.addi %mul3A_63, %add3A_64 : i32
    %dma_start3A_66 = arith.constant 0 : i32
    %dma_start3A_67 = arith.constant 0 : i32
    %dma_start3A_68 = tpu.memref_slice %arg12[%dma_start3A_66, %dma_start3A_67] : memref<2x128xi32, #tpu.memory_space<vmem>> -> memref<1x128xi32, #tpu.memory_space<vmem>>
    %dma_start3A_69 = tpu.memref_squeeze %dma_start3A_68 : memref<1x128xi32, #tpu.memory_space<vmem>> -> memref<128xi32, #tpu.memory_space<vmem>>
    %dma_start3A_70 = arith.constant 0 : i32
    %dma_start3A_71 = tpu.memref_slice %arg3[%add3A_65, %dma_start3A_70] : memref<2564x128xi32, #tpu.memory_space<hbm>> -> memref<1x128xi32, #tpu.memory_space<hbm>>
    %dma_start3A_72 = tpu.memref_squeeze %dma_start3A_71 : memref<1x128xi32, #tpu.memory_space<hbm>> -> memref<128xi32, #tpu.memory_space<hbm>>
    %dma_start3A_73 = arith.constant 0 : i32
    %dma_start3A_74 = tpu.memref_slice %arg12[%dma_start3A_66, %dma_start3A_73] : memref<2x128xi32, #tpu.memory_space<vmem>> -> memref<1x128xi32, #tpu.memory_space<vmem>>
    %dma_start3A_75 = tpu.memref_squeeze %dma_start3A_74 : memref<1x128xi32, #tpu.memory_space<vmem>> -> memref<128xi32, #tpu.memory_space<vmem>>
    %dma_start3A_76 = arith.constant 0 : i32
    %dma_start3A_77 = tpu.memref_slice %arg3[%add3A_65, %dma_start3A_76] : memref<2564x128xi32, #tpu.memory_space<hbm>> -> memref<1x128xi32, #tpu.memory_space<hbm>>
    %dma_start3A_78 = tpu.memref_squeeze %dma_start3A_77 : memref<1x128xi32, #tpu.memory_space<hbm>> -> memref<128xi32, #tpu.memory_space<hbm>>
    tpu.enqueue_dma source(%dma_start3A_78 : memref<128xi32, #tpu.memory_space<hbm>>) target(%dma_start3A_75 : memref<128xi32, #tpu.memory_space<vmem>>) target_semaphore(%arg20 : memref<!tpu.dma_semaphore, #tpu.memory_space<semaphore_mem>>)
    %dma_start3A_79 = arith.constant 1 : i32
    %dma_start3A_80 = arith.constant 0 : i32
    %dma_start3A_81 = tpu.memref_slice %arg12[%dma_start3A_79, %dma_start3A_80] : memref<2x128xi32, #tpu.memory_space<vmem>> -> memref<1x128xi32, #tpu.memory_space<vmem>>
    %dma_start3A_82 = tpu.memref_squeeze %dma_start3A_81 : memref<1x128xi32, #tpu.memory_space<vmem>> -> memref<128xi32, #tpu.memory_space<vmem>>
    %dma_start3A_83 = arith.constant 0 : i32
    %dma_start3A_84 = tpu.memref_slice %arg4[%add3A_65, %dma_start3A_83] : memref<2564x128xi32, #tpu.memory_space<hbm>> -> memref<1x128xi32, #tpu.memory_space<hbm>>
    %dma_start3A_85 = tpu.memref_squeeze %dma_start3A_84 : memref<1x128xi32, #tpu.memory_space<hbm>> -> memref<128xi32, #tpu.memory_space<hbm>>
    %dma_start3A_86 = arith.constant 0 : i32
    %dma_start3A_87 = tpu.memref_slice %arg12[%dma_start3A_79, %dma_start3A_86] : memref<2x128xi32, #tpu.memory_space<vmem>> -> memref<1x128xi32, #tpu.memory_space<vmem>>
    %dma_start3A_88 = tpu.memref_squeeze %dma_start3A_87 : memref<1x128xi32, #tpu.memory_space<vmem>> -> memref<128xi32, #tpu.memory_space<vmem>>
    %dma_start3A_89 = arith.constant 0 : i32
    %dma_start3A_90 = tpu.memref_slice %arg4[%add3A_65, %dma_start3A_89] : memref<2564x128xi32, #tpu.memory_space<hbm>> -> memref<1x128xi32, #tpu.memory_space<hbm>>
    %dma_start3A_91 = tpu.memref_squeeze %dma_start3A_90 : memref<1x128xi32, #tpu.memory_space<hbm>> -> memref<128xi32, #tpu.memory_space<hbm>>
    tpu.enqueue_dma source(%dma_start3A_91 : memref<128xi32, #tpu.memory_space<hbm>>) target(%dma_start3A_88 : memref<128xi32, #tpu.memory_space<vmem>>) target_semaphore(%arg20 : memref<!tpu.dma_semaphore, #tpu.memory_space<semaphore_mem>>)
    %mul3A_92 = arith.constant 80 : i32
    %mul3A_93 = arith.muli %add3A, %mul3A_92 : i32
    %add3A_94 = arith.constant 3 : i32
    %add3A_95 = arith.addi %mul3A_93, %add3A_94 : i32
    %dma_start3A_96 = arith.constant 0 : i32
    %dma_start3A_97 = arith.constant 0 : i32
    %dma_start3A_98 = tpu.memref_slice %arg13[%dma_start3A_96, %dma_start3A_97] : memref<2x128xi32, #tpu.memory_space<vmem>> -> memref<1x128xi32, #tpu.memory_space<vmem>>
    %dma_start3A_99 = tpu.memref_squeeze %dma_start3A_98 : memref<1x128xi32, #tpu.memory_space<vmem>> -> memref<128xi32, #tpu.memory_space<vmem>>
    %dma_start3A_100 = arith.constant 0 : i32
    %dma_start3A_101 = tpu.memref_slice %arg3[%add3A_95, %dma_start3A_100] : memref<2564x128xi32, #tpu.memory_space<hbm>> -> memref<1x128xi32, #tpu.memory_space<hbm>>
    %dma_start3A_102 = tpu.memref_squeeze %dma_start3A_101 : memref<1x128xi32, #tpu.memory_space<hbm>> -> memref<128xi32, #tpu.memory_space<hbm>>
    %dma_start3A_103 = arith.constant 0 : i32
    %dma_start3A_104 = tpu.memref_slice %arg13[%dma_start3A_96, %dma_start3A_103] : memref<2x128xi32, #tpu.memory_space<vmem>> -> memref<1x128xi32, #tpu.memory_space<vmem>>
    %dma_start3A_105 = tpu.memref_squeeze %dma_start3A_104 : memref<1x128xi32, #tpu.memory_space<vmem>> -> memref<128xi32, #tpu.memory_space<vmem>>
    %dma_start3A_106 = arith.constant 0 : i32
    %dma_start3A_107 = tpu.memref_slice %arg3[%add3A_95, %dma_start3A_106] : memref<2564x128xi32, #tpu.memory_space<hbm>> -> memref<1x128xi32, #tpu.memory_space<hbm>>
    %dma_start3A_108 = tpu.memref_squeeze %dma_start3A_107 : memref<1x128xi32, #tpu.memory_space<hbm>> -> memref<128xi32, #tpu.memory_space<hbm>>
    tpu.enqueue_dma source(%dma_start3A_108 : memref<128xi32, #tpu.memory_space<hbm>>) target(%dma_start3A_105 : memref<128xi32, #tpu.memory_space<vmem>>) target_semaphore(%arg21 : memref<!tpu.dma_semaphore, #tpu.memory_space<semaphore_mem>>)
    %dma_start3A_109 = arith.constant 1 : i32
    %dma_start3A_110 = arith.constant 0 : i32
    %dma_start3A_111 = tpu.memref_slice %arg13[%dma_start3A_109, %dma_start3A_110] : memref<2x128xi32, #tpu.memory_space<vmem>> -> memref<1x128xi32, #tpu.memory_space<vmem>>
    %dma_start3A_112 = tpu.memref_squeeze %dma_start3A_111 : memref<1x128xi32, #tpu.memory_space<vmem>> -> memref<128xi32, #tpu.memory_space<vmem>>
    %dma_start3A_113 = arith.constant 0 : i32
    %dma_start3A_114 = tpu.memref_slice %arg4[%add3A_95, %dma_start3A_113] : memref<2564x128xi32, #tpu.memory_space<hbm>> -> memref<1x128xi32, #tpu.memory_space<hbm>>
    %dma_start3A_115 = tpu.memref_squeeze %dma_start3A_114 : memref<1x128xi32, #tpu.memory_space<hbm>> -> memref<128xi32, #tpu.memory_space<hbm>>
    %dma_start3A_116 = arith.constant 0 : i32
    %dma_start3A_117 = tpu.memref_slice %arg13[%dma_start3A_109, %dma_start3A_116] : memref<2x128xi32, #tpu.memory_space<vmem>> -> memref<1x128xi32, #tpu.memory_space<vmem>>
    %dma_start3A_118 = tpu.memref_squeeze %dma_start3A_117 : memref<1x128xi32, #tpu.memory_space<vmem>> -> memref<128xi32, #tpu.memory_space<vmem>>
    %dma_start3A_119 = arith.constant 0 : i32
    %dma_start3A_120 = tpu.memref_slice %arg4[%add3A_95, %dma_start3A_119] : memref<2564x128xi32, #tpu.memory_space<hbm>> -> memref<1x128xi32, #tpu.memory_space<hbm>>
    %dma_start3A_121 = tpu.memref_squeeze %dma_start3A_120 : memref<1x128xi32, #tpu.memory_space<hbm>> -> memref<128xi32, #tpu.memory_space<hbm>>
    tpu.enqueue_dma source(%dma_start3A_121 : memref<128xi32, #tpu.memory_space<hbm>>) target(%dma_start3A_118 : memref<128xi32, #tpu.memory_space<vmem>>) target_semaphore(%arg21 : memref<!tpu.dma_semaphore, #tpu.memory_space<semaphore_mem>>)
    %mul3A_122 = arith.constant 80 : i32
    %mul3A_123 = arith.muli %add3A, %mul3A_122 : i32
    %add3A_124 = arith.constant 0 : i32
    %add3A_125 = arith.addi %mul3A_123, %add3A_124 : i32
    %dma_wait3A = arith.constant 0 : i32
    %dma_wait3A_126 = arith.constant 0 : i32
    %dma_wait3A_127 = tpu.memref_slice %arg10[%dma_wait3A, %dma_wait3A_126] : memref<2x128xi32, #tpu.memory_space<vmem>> -> memref<1x128xi32, #tpu.memory_space<vmem>>
    %dma_wait3A_128 = tpu.memref_squeeze %dma_wait3A_127 : memref<1x128xi32, #tpu.memory_space<vmem>> -> memref<128xi32, #tpu.memory_space<vmem>>
    %dma_wait3A_129 = arith.constant 0 : i32
    %dma_wait3A_130 = tpu.memref_slice %arg3[%add3A_125, %dma_wait3A_129] : memref<2564x128xi32, #tpu.memory_space<hbm>> -> memref<1x128xi32, #tpu.memory_space<hbm>>
    %dma_wait3A_131 = tpu.memref_squeeze %dma_wait3A_130 : memref<1x128xi32, #tpu.memory_space<hbm>> -> memref<128xi32, #tpu.memory_space<hbm>>
    %dma_wait3A_132 = arith.constant 0 : i32
    %dma_wait3A_133 = tpu.memref_slice %arg10[%dma_wait3A, %dma_wait3A_132] : memref<2x128xi32, #tpu.memory_space<vmem>> -> memref<1x128xi32, #tpu.memory_space<vmem>>
    %dma_wait3A_134 = tpu.memref_squeeze %dma_wait3A_133 : memref<1x128xi32, #tpu.memory_space<vmem>> -> memref<128xi32, #tpu.memory_space<vmem>>
    %dma_wait3A_135 = arith.constant 0 : i32
    %dma_wait3A_136 = tpu.memref_slice %arg3[%add3A_125, %dma_wait3A_135] : memref<2564x128xi32, #tpu.memory_space<hbm>> -> memref<1x128xi32, #tpu.memory_space<hbm>>
    %dma_wait3A_137 = tpu.memref_squeeze %dma_wait3A_136 : memref<1x128xi32, #tpu.memory_space<hbm>> -> memref<128xi32, #tpu.memory_space<hbm>>
    tpu.wait_dma2 semaphore(%arg18 : memref<!tpu.dma_semaphore, #tpu.memory_space<semaphore_mem>>) src(%dma_wait3A_137 : memref<128xi32, #tpu.memory_space<hbm>>) dst(%dma_wait3A_134 : memref<128xi32, #tpu.memory_space<vmem>>)
    %dma_wait3A_138 = arith.constant 1 : i32
    %dma_wait3A_139 = arith.constant 0 : i32
    %dma_wait3A_140 = tpu.memref_slice %arg10[%dma_wait3A_138, %dma_wait3A_139] : memref<2x128xi32, #tpu.memory_space<vmem>> -> memref<1x128xi32, #tpu.memory_space<vmem>>
    %dma_wait3A_141 = tpu.memref_squeeze %dma_wait3A_140 : memref<1x128xi32, #tpu.memory_space<vmem>> -> memref<128xi32, #tpu.memory_space<vmem>>
    %dma_wait3A_142 = arith.constant 0 : i32
    %dma_wait3A_143 = tpu.memref_slice %arg4[%add3A_125, %dma_wait3A_142] : memref<2564x128xi32, #tpu.memory_space<hbm>> -> memref<1x128xi32, #tpu.memory_space<hbm>>
    %dma_wait3A_144 = tpu.memref_squeeze %dma_wait3A_143 : memref<1x128xi32, #tpu.memory_space<hbm>> -> memref<128xi32, #tpu.memory_space<hbm>>
    %dma_wait3A_145 = arith.constant 0 : i32
    %dma_wait3A_146 = tpu.memref_slice %arg10[%dma_wait3A_138, %dma_wait3A_145] : memref<2x128xi32, #tpu.memory_space<vmem>> -> memref<1x128xi32, #tpu.memory_space<vmem>>
    %dma_wait3A_147 = tpu.memref_squeeze %dma_wait3A_146 : memref<1x128xi32, #tpu.memory_space<vmem>> -> memref<128xi32, #tpu.memory_space<vmem>>
    %dma_wait3A_148 = arith.constant 0 : i32
    %dma_wait3A_149 = tpu.memref_slice %arg4[%add3A_125, %dma_wait3A_148] : memref<2564x128xi32, #tpu.memory_space<hbm>> -> memref<1x128xi32, #tpu.memory_space<hbm>>
    %dma_wait3A_150 = tpu.memref_squeeze %dma_wait3A_149 : memref<1x128xi32, #tpu.memory_space<hbm>> -> memref<128xi32, #tpu.memory_space<hbm>>
    tpu.wait_dma2 semaphore(%arg18 : memref<!tpu.dma_semaphore, #tpu.memory_space<semaphore_mem>>) src(%dma_wait3A_150 : memref<128xi32, #tpu.memory_space<hbm>>) dst(%dma_wait3A_147 : memref<128xi32, #tpu.memory_space<vmem>>)
    %dma_start3A_151 = arith.constant 0 : i32
    %dma_start3A_152 = arith.constant 0 : i32
    %dma_start3A_153 = tpu.memref_slice %arg10[%dma_start3A_151, %dma_start3A_152] : memref<2x128xi32, #tpu.memory_space<vmem>> -> memref<1x128xi32, #tpu.memory_space<vmem>>
    %dma_start3A_154 = tpu.memref_squeeze %dma_start3A_153 : memref<1x128xi32, #tpu.memory_space<vmem>> -> memref<128xi32, #tpu.memory_space<vmem>>
    %dma_start3A_155 = arith.constant 0 : i32
    %dma_start3A_156 = arith.constant 0 : i32
    %dma_start3A_157 = tpu.memref_slice %arg2[%dma_start3A_155, %dma_start3A_156] : memref<10000x128xf32, #tpu.memory_space<hbm>> -> memref<10000x128xf32, #tpu.memory_space<hbm>>
    tpu.enqueue_indirect_dma source(%dma_start3A_157 : memref<10000x128xf32, #tpu.memory_space<hbm>>) target(%arg8 : memref<128x128xf32, #tpu.memory_space<vmem>>) offsets(%dma_start3A_154 : memref<128xi32, #tpu.memory_space<vmem>>) semaphore(%arg14 : memref<!tpu.dma_semaphore, #tpu.memory_space<semaphore_mem>>)
    %mul3A_158 = arith.constant 80 : i32
    %mul3A_159 = arith.muli %add3A, %mul3A_158 : i32
    %add3A_160 = arith.constant 1 : i32
    %add3A_161 = arith.addi %mul3A_159, %add3A_160 : i32
    %dma_wait3A_162 = arith.constant 0 : i32
    %dma_wait3A_163 = arith.constant 0 : i32
    %dma_wait3A_164 = tpu.memref_slice %arg11[%dma_wait3A_162, %dma_wait3A_163] : memref<2x128xi32, #tpu.memory_space<vmem>> -> memref<1x128xi32, #tpu.memory_space<vmem>>
    %dma_wait3A_165 = tpu.memref_squeeze %dma_wait3A_164 : memref<1x128xi32, #tpu.memory_space<vmem>> -> memref<128xi32, #tpu.memory_space<vmem>>
    %dma_wait3A_166 = arith.constant 0 : i32
    %dma_wait3A_167 = tpu.memref_slice %arg3[%add3A_161, %dma_wait3A_166] : memref<2564x128xi32, #tpu.memory_space<hbm>> -> memref<1x128xi32, #tpu.memory_space<hbm>>
    %dma_wait3A_168 = tpu.memref_squeeze %dma_wait3A_167 : memref<1x128xi32, #tpu.memory_space<hbm>> -> memref<128xi32, #tpu.memory_space<hbm>>
    %dma_wait3A_169 = arith.constant 0 : i32
    %dma_wait3A_170 = tpu.memref_slice %arg11[%dma_wait3A_162, %dma_wait3A_169] : memref<2x128xi32, #tpu.memory_space<vmem>> -> memref<1x128xi32, #tpu.memory_space<vmem>>
    %dma_wait3A_171 = tpu.memref_squeeze %dma_wait3A_170 : memref<1x128xi32, #tpu.memory_space<vmem>> -> memref<128xi32, #tpu.memory_space<vmem>>
    %dma_wait3A_172 = arith.constant 0 : i32
    %dma_wait3A_173 = tpu.memref_slice %arg3[%add3A_161, %dma_wait3A_172] : memref<2564x128xi32, #tpu.memory_space<hbm>> -> memref<1x128xi32, #tpu.memory_space<hbm>>
    %dma_wait3A_174 = tpu.memref_squeeze %dma_wait3A_173 : memref<1x128xi32, #tpu.memory_space<hbm>> -> memref<128xi32, #tpu.memory_space<hbm>>
    tpu.wait_dma2 semaphore(%arg19 : memref<!tpu.dma_semaphore, #tpu.memory_space<semaphore_mem>>) src(%dma_wait3A_174 : memref<128xi32, #tpu.memory_space<hbm>>) dst(%dma_wait3A_171 : memref<128xi32, #tpu.memory_space<vmem>>)
    %dma_wait3A_175 = arith.constant 1 : i32
    %dma_wait3A_176 = arith.constant 0 : i32
    %dma_wait3A_177 = tpu.memref_slice %arg11[%dma_wait3A_175, %dma_wait3A_176] : memref<2x128xi32, #tpu.memory_space<vmem>> -> memref<1x128xi32, #tpu.memory_space<vmem>>
    %dma_wait3A_178 = tpu.memref_squeeze %dma_wait3A_177 : memref<1x128xi32, #tpu.memory_space<vmem>> -> memref<128xi32, #tpu.memory_space<vmem>>
    %dma_wait3A_179 = arith.constant 0 : i32
    %dma_wait3A_180 = tpu.memref_slice %arg4[%add3A_161, %dma_wait3A_179] : memref<2564x128xi32, #tpu.memory_space<hbm>> -> memref<1x128xi32, #tpu.memory_space<hbm>>
    %dma_wait3A_181 = tpu.memref_squeeze %dma_wait3A_180 : memref<1x128xi32, #tpu.memory_space<hbm>> -> memref<128xi32, #tpu.memory_space<hbm>>
    %dma_wait3A_182 = arith.constant 0 : i32
    %dma_wait3A_183 = tpu.memref_slice %arg11[%dma_wait3A_175, %dma_wait3A_182] : memref<2x128xi32, #tpu.memory_space<vmem>> -> memref<1x128xi32, #tpu.memory_space<vmem>>
    %dma_wait3A_184 = tpu.memref_squeeze %dma_wait3A_183 : memref<1x128xi32, #tpu.memory_space<vmem>> -> memref<128xi32, #tpu.memory_space<vmem>>
    %dma_wait3A_185 = arith.constant 0 : i32
    %dma_wait3A_186 = tpu.memref_slice %arg4[%add3A_161, %dma_wait3A_185] : memref<2564x128xi32, #tpu.memory_space<hbm>> -> memref<1x128xi32, #tpu.memory_space<hbm>>
    %dma_wait3A_187 = tpu.memref_squeeze %dma_wait3A_186 : memref<1x128xi32, #tpu.memory_space<hbm>> -> memref<128xi32, #tpu.memory_space<hbm>>
    tpu.wait_dma2 semaphore(%arg19 : memref<!tpu.dma_semaphore, #tpu.memory_space<semaphore_mem>>) src(%dma_wait3A_187 : memref<128xi32, #tpu.memory_space<hbm>>) dst(%dma_wait3A_184 : memref<128xi32, #tpu.memory_space<vmem>>)
    %dma_start3A_188 = arith.constant 0 : i32
    %dma_start3A_189 = arith.constant 0 : i32
    %dma_start3A_190 = tpu.memref_slice %arg11[%dma_start3A_188, %dma_start3A_189] : memref<2x128xi32, #tpu.memory_space<vmem>> -> memref<1x128xi32, #tpu.memory_space<vmem>>
    %dma_start3A_191 = tpu.memref_squeeze %dma_start3A_190 : memref<1x128xi32, #tpu.memory_space<vmem>> -> memref<128xi32, #tpu.memory_space<vmem>>
    %dma_start3A_192 = arith.constant 0 : i32
    %dma_start3A_193 = arith.constant 0 : i32
    %dma_start3A_194 = tpu.memref_slice %arg2[%dma_start3A_192, %dma_start3A_193] : memref<10000x128xf32, #tpu.memory_space<hbm>> -> memref<10000x128xf32, #tpu.memory_space<hbm>>
    tpu.enqueue_indirect_dma source(%dma_start3A_194 : memref<10000x128xf32, #tpu.memory_space<hbm>>) target(%arg9 : memref<128x128xf32, #tpu.memory_space<vmem>>) offsets(%dma_start3A_191 : memref<128xi32, #tpu.memory_space<vmem>>) semaphore(%arg15 : memref<!tpu.dma_semaphore, #tpu.memory_space<semaphore_mem>>)
    %scan3A = arith.constant 0 : i32
    %scan3A_195 = arith.constant 20 : i32
    %scan3A_196 = arith.addi %scan3A, %scan3A_195 : i32
    %scan3A_197 = arith.constant 1 : i32
    scf.for %scan3A_274 = %scan3A to %scan3A_196 step %scan3A_197  : i32 {
      %mul3A_275 = arith.constant 4 : i32
      %mul3A_276 = arith.muli %scan3A_274, %mul3A_275 : i32
      %add3A_277 = arith.constant 0 : i32
      %add3A_278 = arith.addi %add3A_277, %mul3A_276 : i32
      %dma_wait3A_279 = arith.constant 0 : i32
      %dma_wait3A_280 = arith.constant 0 : i32
      %dma_wait3A_281 = tpu.memref_slice %arg10[%dma_wait3A_279, %dma_wait3A_280] : memref<2x128xi32, #tpu.memory_space<vmem>> -> memref<1x128xi32, #tpu.memory_space<vmem>>
      %dma_wait3A_282 = tpu.memref_squeeze %dma_wait3A_281 : memref<1x128xi32, #tpu.memory_space<vmem>> -> memref<128xi32, #tpu.memory_space<vmem>>
      %dma_wait3A_283 = arith.constant 0 : i32
      %dma_wait3A_284 = arith.constant 0 : i32
      %dma_wait3A_285 = tpu.memref_slice %arg2[%dma_wait3A_283, %dma_wait3A_284] : memref<10000x128xf32, #tpu.memory_space<hbm>> -> memref<10000x128xf32, #tpu.memory_space<hbm>>
      tpu.wait_indirect_dma semaphore(%arg14 : memref<!tpu.dma_semaphore, #tpu.memory_space<semaphore_mem>>) src(%dma_wait3A_285 : memref<10000x128xf32, #tpu.memory_space<hbm>>) dst(%arg8 : memref<128x128xf32, #tpu.memory_space<vmem>>)
      %dma_start3A_286 = arith.constant 1 : i32
      %dma_start3A_287 = arith.constant 0 : i32
      %dma_start3A_288 = tpu.memref_slice %arg10[%dma_start3A_286, %dma_start3A_287] : memref<2x128xi32, #tpu.memory_space<vmem>> -> memref<1x128xi32, #tpu.memory_space<vmem>>
      %dma_start3A_289 = tpu.memref_squeeze %dma_start3A_288 : memref<1x128xi32, #tpu.memory_space<vmem>> -> memref<128xi32, #tpu.memory_space<vmem>>
      %dma_start3A_290 = arith.constant 0 : i32
      %dma_start3A_291 = arith.constant 0 : i32
      %dma_start3A_292 = tpu.memref_slice %arg7[%dma_start3A_290, %dma_start3A_291] : memref<10112x128xf32, #tpu.memory_space<vmem_shared>> -> memref<10112x128xf32, #tpu.memory_space<vmem_shared>>
      tpu.enqueue_indirect_dma source(%arg8 : memref<128x128xf32, #tpu.memory_space<vmem>>) target(%dma_start3A_292 : memref<10112x128xf32, #tpu.memory_space<vmem_shared>>) offsets(%dma_start3A_289 : memref<128xi32, #tpu.memory_space<vmem>>) semaphore(%arg16 : memref<!tpu.dma_semaphore, #tpu.memory_space<semaphore_mem>>) {add = true}
      %dma_wait3A_293 = arith.constant 0 : i32
      %dma_wait3A_294 = arith.constant 0 : i32
      %dma_wait3A_295 = tpu.memref_slice %arg11[%dma_wait3A_293, %dma_wait3A_294] : memref<2x128xi32, #tpu.memory_space<vmem>> -> memref<1x128xi32, #tpu.memory_space<vmem>>
      %dma_wait3A_296 = tpu.memref_squeeze %dma_wait3A_295 : memref<1x128xi32, #tpu.memory_space<vmem>> -> memref<128xi32, #tpu.memory_space<vmem>>
      %dma_wait3A_297 = arith.constant 0 : i32
      %dma_wait3A_298 = arith.constant 0 : i32
      %dma_wait3A_299 = tpu.memref_slice %arg2[%dma_wait3A_297, %dma_wait3A_298] : memref<10000x128xf32, #tpu.memory_space<hbm>> -> memref<10000x128xf32, #tpu.memory_space<hbm>>
      tpu.wait_indirect_dma semaphore(%arg15 : memref<!tpu.dma_semaphore, #tpu.memory_space<semaphore_mem>>) src(%dma_wait3A_299 : memref<10000x128xf32, #tpu.memory_space<hbm>>) dst(%arg9 : memref<128x128xf32, #tpu.memory_space<vmem>>)
      %dma_start3A_300 = arith.constant 1 : i32
      %dma_start3A_301 = arith.constant 0 : i32
      %dma_start3A_302 = tpu.memref_slice %arg11[%dma_start3A_300, %dma_start3A_301] : memref<2x128xi32, #tpu.memory_space<vmem>> -> memref<1x128xi32, #tpu.memory_space<vmem>>
      %dma_start3A_303 = tpu.memref_squeeze %dma_start3A_302 : memref<1x128xi32, #tpu.memory_space<vmem>> -> memref<128xi32, #tpu.memory_space<vmem>>
      %dma_start3A_304 = arith.constant 0 : i32
      %dma_start3A_305 = arith.constant 0 : i32
      %dma_start3A_306 = tpu.memref_slice %arg7[%dma_start3A_304, %dma_start3A_305] : memref<10112x128xf32, #tpu.memory_space<vmem_shared>> -> memref<10112x128xf32, #tpu.memory_space<vmem_shared>>
      tpu.enqueue_indirect_dma source(%arg9 : memref<128x128xf32, #tpu.memory_space<vmem>>) target(%dma_start3A_306 : memref<10112x128xf32, #tpu.memory_space<vmem_shared>>) offsets(%dma_start3A_303 : memref<128xi32, #tpu.memory_space<vmem>>) semaphore(%arg17 : memref<!tpu.dma_semaphore, #tpu.memory_space<semaphore_mem>>) {add = true}
      %dma_wait3A_307 = arith.constant 1 : i32
      %dma_wait3A_308 = arith.constant 0 : i32
      %dma_wait3A_309 = tpu.memref_slice %arg10[%dma_wait3A_307, %dma_wait3A_308] : memref<2x128xi32, #tpu.memory_space<vmem>> -> memref<1x128xi32, #tpu.memory_space<vmem>>
      %dma_wait3A_310 = tpu.memref_squeeze %dma_wait3A_309 : memref<1x128xi32, #tpu.memory_space<vmem>> -> memref<128xi32, #tpu.memory_space<vmem>>
      %dma_wait3A_311 = arith.constant 0 : i32
      %dma_wait3A_312 = arith.constant 0 : i32
      %dma_wait3A_313 = tpu.memref_slice %arg7[%dma_wait3A_311, %dma_wait3A_312] : memref<10112x128xf32, #tpu.memory_space<vmem_shared>> -> memref<10112x128xf32, #tpu.memory_space<vmem_shared>>
      tpu.wait_indirect_dma semaphore(%arg16 : memref<!tpu.dma_semaphore, #tpu.memory_space<semaphore_mem>>) src(%arg8 : memref<128x128xf32, #tpu.memory_space<vmem>>) dst(%dma_wait3A_313 : memref<10112x128xf32, #tpu.memory_space<vmem_shared>>)
      %add3A_314 = arith.constant 4 : i32
      %add3A_315 = arith.addi %add3A_278, %add3A_314 : i32
      %mul3A_316 = arith.constant 80 : i32
      %mul3A_317 = arith.muli %add3A, %mul3A_316 : i32
      %add3A_318 = arith.addi %mul3A_317, %add3A_315 : i32
      %dma_start3A_319 = arith.constant 0 : i32
      %dma_start3A_320 = arith.constant 0 : i32
      %dma_start3A_321 = tpu.memref_slice %arg10[%dma_start3A_319, %dma_start3A_320] : memref<2x128xi32, #tpu.memory_space<vmem>> -> memref<1x128xi32, #tpu.memory_space<vmem>>
      %dma_start3A_322 = tpu.memref_squeeze %dma_start3A_321 : memref<1x128xi32, #tpu.memory_space<vmem>> -> memref<128xi32, #tpu.memory_space<vmem>>
      %dma_start3A_323 = arith.constant 0 : i32
      %dma_start3A_324 = tpu.memref_slice %arg3[%add3A_318, %dma_start3A_323] : memref<2564x128xi32, #tpu.memory_space<hbm>> -> memref<1x128xi32, #tpu.memory_space<hbm>>
      %dma_start3A_325 = tpu.memref_squeeze %dma_start3A_324 : memref<1x128xi32, #tpu.memory_space<hbm>> -> memref<128xi32, #tpu.memory_space<hbm>>
      %dma_start3A_326 = arith.constant 0 : i32
      %dma_start3A_327 = tpu.memref_slice %arg10[%dma_start3A_319, %dma_start3A_326] : memref<2x128xi32, #tpu.memory_space<vmem>> -> memref<1x128xi32, #tpu.memory_space<vmem>>
      %dma_start3A_328 = tpu.memref_squeeze %dma_start3A_327 : memref<1x128xi32, #tpu.memory_space<vmem>> -> memref<128xi32, #tpu.memory_space<vmem>>
      %dma_start3A_329 = arith.constant 0 : i32
      %dma_start3A_330 = tpu.memref_slice %arg3[%add3A_318, %dma_start3A_329] : memref<2564x128xi32, #tpu.memory_space<hbm>> -> memref<1x128xi32, #tpu.memory_space<hbm>>
      %dma_start3A_331 = tpu.memref_squeeze %dma_start3A_330 : memref<1x128xi32, #tpu.memory_space<hbm>> -> memref<128xi32, #tpu.memory_space<hbm>>
      tpu.enqueue_dma source(%dma_start3A_331 : memref<128xi32, #tpu.memory_space<hbm>>) target(%dma_start3A_328 : memref<128xi32, #tpu.memory_space<vmem>>) target_semaphore(%arg18 : memref<!tpu.dma_semaphore, #tpu.memory_space<semaphore_mem>>)
      %dma_start3A_332 = arith.constant 1 : i32
      %dma_start3A_333 = arith.constant 0 : i32
      %dma_start3A_334 = tpu.memref_slice %arg10[%dma_start3A_332, %dma_start3A_333] : memref<2x128xi32, #tpu.memory_space<vmem>> -> memref<1x128xi32, #tpu.memory_space<vmem>>
      %dma_start3A_335 = tpu.memref_squeeze %dma_start3A_334 : memref<1x128xi32, #tpu.memory_space<vmem>> -> memref<128xi32, #tpu.memory_space<vmem>>
      %dma_start3A_336 = arith.constant 0 : i32
      %dma_start3A_337 = tpu.memref_slice %arg4[%add3A_318, %dma_start3A_336] : memref<2564x128xi32, #tpu.memory_space<hbm>> -> memref<1x128xi32, #tpu.memory_space<hbm>>
      %dma_start3A_338 = tpu.memref_squeeze %dma_start3A_337 : memref<1x128xi32, #tpu.memory_space<hbm>> -> memref<128xi32, #tpu.memory_space<hbm>>
      %dma_start3A_339 = arith.constant 0 : i32
      %dma_start3A_340 = tpu.memref_slice %arg10[%dma_start3A_332, %dma_start3A_339] : memref<2x128xi32, #tpu.memory_space<vmem>> -> memref<1x128xi32, #tpu.memory_space<vmem>>
      %dma_start3A_341 = tpu.memref_squeeze %dma_start3A_340 : memref<1x128xi32, #tpu.memory_space<vmem>> -> memref<128xi32, #tpu.memory_space<vmem>>
      %dma_start3A_342 = arith.constant 0 : i32
      %dma_start3A_343 = tpu.memref_slice %arg4[%add3A_318, %dma_start3A_342] : memref<2564x128xi32, #tpu.memory_space<hbm>> -> memref<1x128xi32, #tpu.memory_space<hbm>>
      %dma_start3A_344 = tpu.memref_squeeze %dma_start3A_343 : memref<1x128xi32, #tpu.memory_space<hbm>> -> memref<128xi32, #tpu.memory_space<hbm>>
      tpu.enqueue_dma source(%dma_start3A_344 : memref<128xi32, #tpu.memory_space<hbm>>) target(%dma_start3A_341 : memref<128xi32, #tpu.memory_space<vmem>>) target_semaphore(%arg18 : memref<!tpu.dma_semaphore, #tpu.memory_space<semaphore_mem>>)
      %add3A_345 = arith.constant 2 : i32
      %add3A_346 = arith.addi %add3A_278, %add3A_345 : i32
      %mul3A_347 = arith.constant 80 : i32
      %mul3A_348 = arith.muli %add3A, %mul3A_347 : i32
      %add3A_349 = arith.addi %mul3A_348, %add3A_346 : i32
      %dma_wait3A_350 = arith.constant 0 : i32
      %dma_wait3A_351 = arith.constant 0 : i32
      %dma_wait3A_352 = tpu.memref_slice %arg12[%dma_wait3A_350, %dma_wait3A_351] : memref<2x128xi32, #tpu.memory_space<vmem>> -> memref<1x128xi32, #tpu.memory_space<vmem>>
      %dma_wait3A_353 = tpu.memref_squeeze %dma_wait3A_352 : memref<1x128xi32, #tpu.memory_space<vmem>> -> memref<128xi32, #tpu.memory_space<vmem>>
      %dma_wait3A_354 = arith.constant 0 : i32
      %dma_wait3A_355 = tpu.memref_slice %arg3[%add3A_349, %dma_wait3A_354] : memref<2564x128xi32, #tpu.memory_space<hbm>> -> memref<1x128xi32, #tpu.memory_space<hbm>>
      %dma_wait3A_356 = tpu.memref_squeeze %dma_wait3A_355 : memref<1x128xi32, #tpu.memory_space<hbm>> -> memref<128xi32, #tpu.memory_space<hbm>>
      %dma_wait3A_357 = arith.constant 0 : i32
      %dma_wait3A_358 = tpu.memref_slice %arg12[%dma_wait3A_350, %dma_wait3A_357] : memref<2x128xi32, #tpu.memory_space<vmem>> -> memref<1x128xi32, #tpu.memory_space<vmem>>
      %dma_wait3A_359 = tpu.memref_squeeze %dma_wait3A_358 : memref<1x128xi32, #tpu.memory_space<vmem>> -> memref<128xi32, #tpu.memory_space<vmem>>
      %dma_wait3A_360 = arith.constant 0 : i32
      %dma_wait3A_361 = tpu.memref_slice %arg3[%add3A_349, %dma_wait3A_360] : memref<2564x128xi32, #tpu.memory_space<hbm>> -> memref<1x128xi32, #tpu.memory_space<hbm>>
      %dma_wait3A_362 = tpu.memref_squeeze %dma_wait3A_361 : memref<1x128xi32, #tpu.memory_space<hbm>> -> memref<128xi32, #tpu.memory_space<hbm>>
      tpu.wait_dma2 semaphore(%arg20 : memref<!tpu.dma_semaphore, #tpu.memory_space<semaphore_mem>>) src(%dma_wait3A_362 : memref<128xi32, #tpu.memory_space<hbm>>) dst(%dma_wait3A_359 : memref<128xi32, #tpu.memory_space<vmem>>)
      %dma_wait3A_363 = arith.constant 1 : i32
      %dma_wait3A_364 = arith.constant 0 : i32
      %dma_wait3A_365 = tpu.memref_slice %arg12[%dma_wait3A_363, %dma_wait3A_364] : memref<2x128xi32, #tpu.memory_space<vmem>> -> memref<1x128xi32, #tpu.memory_space<vmem>>
      %dma_wait3A_366 = tpu.memref_squeeze %dma_wait3A_365 : memref<1x128xi32, #tpu.memory_space<vmem>> -> memref<128xi32, #tpu.memory_space<vmem>>
      %dma_wait3A_367 = arith.constant 0 : i32
      %dma_wait3A_368 = tpu.memref_slice %arg4[%add3A_349, %dma_wait3A_367] : memref<2564x128xi32, #tpu.memory_space<hbm>> -> memref<1x128xi32, #tpu.memory_space<hbm>>
      %dma_wait3A_369 = tpu.memref_squeeze %dma_wait3A_368 : memref<1x128xi32, #tpu.memory_space<hbm>> -> memref<128xi32, #tpu.memory_space<hbm>>
      %dma_wait3A_370 = arith.constant 0 : i32
      %dma_wait3A_371 = tpu.memref_slice %arg12[%dma_wait3A_363, %dma_wait3A_370] : memref<2x128xi32, #tpu.memory_space<vmem>> -> memref<1x128xi32, #tpu.memory_space<vmem>>
      %dma_wait3A_372 = tpu.memref_squeeze %dma_wait3A_371 : memref<1x128xi32, #tpu.memory_space<vmem>> -> memref<128xi32, #tpu.memory_space<vmem>>
      %dma_wait3A_373 = arith.constant 0 : i32
      %dma_wait3A_374 = tpu.memref_slice %arg4[%add3A_349, %dma_wait3A_373] : memref<2564x128xi32, #tpu.memory_space<hbm>> -> memref<1x128xi32, #tpu.memory_space<hbm>>
      %dma_wait3A_375 = tpu.memref_squeeze %dma_wait3A_374 : memref<1x128xi32, #tpu.memory_space<hbm>> -> memref<128xi32, #tpu.memory_space<hbm>>
      tpu.wait_dma2 semaphore(%arg20 : memref<!tpu.dma_semaphore, #tpu.memory_space<semaphore_mem>>) src(%dma_wait3A_375 : memref<128xi32, #tpu.memory_space<hbm>>) dst(%dma_wait3A_372 : memref<128xi32, #tpu.memory_space<vmem>>)
      %dma_start3A_376 = arith.constant 0 : i32
      %dma_start3A_377 = arith.constant 0 : i32
      %dma_start3A_378 = tpu.memref_slice %arg12[%dma_start3A_376, %dma_start3A_377] : memref<2x128xi32, #tpu.memory_space<vmem>> -> memref<1x128xi32, #tpu.memory_space<vmem>>
      %dma_start3A_379 = tpu.memref_squeeze %dma_start3A_378 : memref<1x128xi32, #tpu.memory_space<vmem>> -> memref<128xi32, #tpu.memory_space<vmem>>
      %dma_start3A_380 = arith.constant 0 : i32
      %dma_start3A_381 = arith.constant 0 : i32
      %dma_start3A_382 = tpu.memref_slice %arg2[%dma_start3A_380, %dma_start3A_381] : memref<10000x128xf32, #tpu.memory_space<hbm>> -> memref<10000x128xf32, #tpu.memory_space<hbm>>
      tpu.enqueue_indirect_dma source(%dma_start3A_382 : memref<10000x128xf32, #tpu.memory_space<hbm>>) target(%arg8 : memref<128x128xf32, #tpu.memory_space<vmem>>) offsets(%dma_start3A_379 : memref<128xi32, #tpu.memory_space<vmem>>) semaphore(%arg14 : memref<!tpu.dma_semaphore, #tpu.memory_space<semaphore_mem>>)
      %dma_wait3A_383 = arith.constant 1 : i32
      %dma_wait3A_384 = arith.constant 0 : i32
      %dma_wait3A_385 = tpu.memref_slice %arg11[%dma_wait3A_383, %dma_wait3A_384] : memref<2x128xi32, #tpu.memory_space<vmem>> -> memref<1x128xi32, #tpu.memory_space<vmem>>
      %dma_wait3A_386 = tpu.memref_squeeze %dma_wait3A_385 : memref<1x128xi32, #tpu.memory_space<vmem>> -> memref<128xi32, #tpu.memory_space<vmem>>
      %dma_wait3A_387 = arith.constant 0 : i32
      %dma_wait3A_388 = arith.constant 0 : i32
      %dma_wait3A_389 = tpu.memref_slice %arg7[%dma_wait3A_387, %dma_wait3A_388] : memref<10112x128xf32, #tpu.memory_space<vmem_shared>> -> memref<10112x128xf32, #tpu.memory_space<vmem_shared>>
      tpu.wait_indirect_dma semaphore(%arg17 : memref<!tpu.dma_semaphore, #tpu.memory_space<semaphore_mem>>) src(%arg9 : memref<128x128xf32, #tpu.memory_space<vmem>>) dst(%dma_wait3A_389 : memref<10112x128xf32, #tpu.memory_space<vmem_shared>>)
      %add3A_390 = arith.constant 5 : i32
      %add3A_391 = arith.addi %add3A_278, %add3A_390 : i32
      %mul3A_392 = arith.constant 80 : i32
      %mul3A_393 = arith.muli %add3A, %mul3A_392 : i32
      %add3A_394 = arith.addi %mul3A_393, %add3A_391 : i32
      %dma_start3A_395 = arith.constant 0 : i32
      %dma_start3A_396 = arith.constant 0 : i32
      %dma_start3A_397 = tpu.memref_slice %arg11[%dma_start3A_395, %dma_start3A_396] : memref<2x128xi32, #tpu.memory_space<vmem>> -> memref<1x128xi32, #tpu.memory_space<vmem>>
      %dma_start3A_398 = tpu.memref_squeeze %dma_start3A_397 : memref<1x128xi32, #tpu.memory_space<vmem>> -> memref<128xi32, #tpu.memory_space<vmem>>
      %dma_start3A_399 = arith.constant 0 : i32
      %dma_start3A_400 = tpu.memref_slice %arg3[%add3A_394, %dma_start3A_399] : memref<2564x128xi32, #tpu.memory_space<hbm>> -> memref<1x128xi32, #tpu.memory_space<hbm>>
      %dma_start3A_401 = tpu.memref_squeeze %dma_start3A_400 : memref<1x128xi32, #tpu.memory_space<hbm>> -> memref<128xi32, #tpu.memory_space<hbm>>
      %dma_start3A_402 = arith.constant 0 : i32
      %dma_start3A_403 = tpu.memref_slice %arg11[%dma_start3A_395, %dma_start3A_402] : memref<2x128xi32, #tpu.memory_space<vmem>> -> memref<1x128xi32, #tpu.memory_space<vmem>>
      %dma_start3A_404 = tpu.memref_squeeze %dma_start3A_403 : memref<1x128xi32, #tpu.memory_space<vmem>> -> memref<128xi32, #tpu.memory_space<vmem>>
      %dma_start3A_405 = arith.constant 0 : i32
      %dma_start3A_406 = tpu.memref_slice %arg3[%add3A_394, %dma_start3A_405] : memref<2564x128xi32, #tpu.memory_space<hbm>> -> memref<1x128xi32, #tpu.memory_space<hbm>>
      %dma_start3A_407 = tpu.memref_squeeze %dma_start3A_406 : memref<1x128xi32, #tpu.memory_space<hbm>> -> memref<128xi32, #tpu.memory_space<hbm>>
      tpu.enqueue_dma source(%dma_start3A_407 : memref<128xi32, #tpu.memory_space<hbm>>) target(%dma_start3A_404 : memref<128xi32, #tpu.memory_space<vmem>>) target_semaphore(%arg19 : memref<!tpu.dma_semaphore, #tpu.memory_space<semaphore_mem>>)
      %dma_start3A_408 = arith.constant 1 : i32
      %dma_start3A_409 = arith.constant 0 : i32
      %dma_start3A_410 = tpu.memref_slice %arg11[%dma_start3A_408, %dma_start3A_409] : memref<2x128xi32, #tpu.memory_space<vmem>> -> memref<1x128xi32, #tpu.memory_space<vmem>>
      %dma_start3A_411 = tpu.memref_squeeze %dma_start3A_410 : memref<1x128xi32, #tpu.memory_space<vmem>> -> memref<128xi32, #tpu.memory_space<vmem>>
      %dma_start3A_412 = arith.constant 0 : i32
      %dma_start3A_413 = tpu.memref_slice %arg4[%add3A_394, %dma_start3A_412] : memref<2564x128xi32, #tpu.memory_space<hbm>> -> memref<1x128xi32, #tpu.memory_space<hbm>>
      %dma_start3A_414 = tpu.memref_squeeze %dma_start3A_413 : memref<1x128xi32, #tpu.memory_space<hbm>> -> memref<128xi32, #tpu.memory_space<hbm>>
      %dma_start3A_415 = arith.constant 0 : i32
      %dma_start3A_416 = tpu.memref_slice %arg11[%dma_start3A_408, %dma_start3A_415] : memref<2x128xi32, #tpu.memory_space<vmem>> -> memref<1x128xi32, #tpu.memory_space<vmem>>
      %dma_start3A_417 = tpu.memref_squeeze %dma_start3A_416 : memref<1x128xi32, #tpu.memory_space<vmem>> -> memref<128xi32, #tpu.memory_space<vmem>>
      %dma_start3A_418 = arith.constant 0 : i32
      %dma_start3A_419 = tpu.memref_slice %arg4[%add3A_394, %dma_start3A_418] : memref<2564x128xi32, #tpu.memory_space<hbm>> -> memref<1x128xi32, #tpu.memory_space<hbm>>
      %dma_start3A_420 = tpu.memref_squeeze %dma_start3A_419 : memref<1x128xi32, #tpu.memory_space<hbm>> -> memref<128xi32, #tpu.memory_space<hbm>>
      tpu.enqueue_dma source(%dma_start3A_420 : memref<128xi32, #tpu.memory_space<hbm>>) target(%dma_start3A_417 : memref<128xi32, #tpu.memory_space<vmem>>) target_semaphore(%arg19 : memref<!tpu.dma_semaphore, #tpu.memory_space<semaphore_mem>>)
      %add3A_421 = arith.constant 3 : i32
      %add3A_422 = arith.addi %add3A_278, %add3A_421 : i32
      %mul3A_423 = arith.constant 80 : i32
      %mul3A_424 = arith.muli %add3A, %mul3A_423 : i32
      %add3A_425 = arith.addi %mul3A_424, %add3A_422 : i32
      %dma_wait3A_426 = arith.constant 0 : i32
      %dma_wait3A_427 = arith.constant 0 : i32
      %dma_wait3A_428 = tpu.memref_slice %arg13[%dma_wait3A_426, %dma_wait3A_427] : memref<2x128xi32, #tpu.memory_space<vmem>> -> memref<1x128xi32, #tpu.memory_space<vmem>>
      %dma_wait3A_429 = tpu.memref_squeeze %dma_wait3A_428 : memref<1x128xi32, #tpu.memory_space<vmem>> -> memref<128xi32, #tpu.memory_space<vmem>>
      %dma_wait3A_430 = arith.constant 0 : i32
      %dma_wait3A_431 = tpu.memref_slice %arg3[%add3A_425, %dma_wait3A_430] : memref<2564x128xi32, #tpu.memory_space<hbm>> -> memref<1x128xi32, #tpu.memory_space<hbm>>
      %dma_wait3A_432 = tpu.memref_squeeze %dma_wait3A_431 : memref<1x128xi32, #tpu.memory_space<hbm>> -> memref<128xi32, #tpu.memory_space<hbm>>
      %dma_wait3A_433 = arith.constant 0 : i32
      %dma_wait3A_434 = tpu.memref_slice %arg13[%dma_wait3A_426, %dma_wait3A_433] : memref<2x128xi32, #tpu.memory_space<vmem>> -> memref<1x128xi32, #tpu.memory_space<vmem>>
      %dma_wait3A_435 = tpu.memref_squeeze %dma_wait3A_434 : memref<1x128xi32, #tpu.memory_space<vmem>> -> memref<128xi32, #tpu.memory_space<vmem>>
      %dma_wait3A_436 = arith.constant 0 : i32
      %dma_wait3A_437 = tpu.memref_slice %arg3[%add3A_425, %dma_wait3A_436] : memref<2564x128xi32, #tpu.memory_space<hbm>> -> memref<1x128xi32, #tpu.memory_space<hbm>>
      %dma_wait3A_438 = tpu.memref_squeeze %dma_wait3A_437 : memref<1x128xi32, #tpu.memory_space<hbm>> -> memref<128xi32, #tpu.memory_space<hbm>>
      tpu.wait_dma2 semaphore(%arg21 : memref<!tpu.dma_semaphore, #tpu.memory_space<semaphore_mem>>) src(%dma_wait3A_438 : memref<128xi32, #tpu.memory_space<hbm>>) dst(%dma_wait3A_435 : memref<128xi32, #tpu.memory_space<vmem>>)
      %dma_wait3A_439 = arith.constant 1 : i32
      %dma_wait3A_440 = arith.constant 0 : i32
      %dma_wait3A_441 = tpu.memref_slice %arg13[%dma_wait3A_439, %dma_wait3A_440] : memref<2x128xi32, #tpu.memory_space<vmem>> -> memref<1x128xi32, #tpu.memory_space<vmem>>
      %dma_wait3A_442 = tpu.memref_squeeze %dma_wait3A_441 : memref<1x128xi32, #tpu.memory_space<vmem>> -> memref<128xi32, #tpu.memory_space<vmem>>
      %dma_wait3A_443 = arith.constant 0 : i32
      %dma_wait3A_444 = tpu.memref_slice %arg4[%add3A_425, %dma_wait3A_443] : memref<2564x128xi32, #tpu.memory_space<hbm>> -> memref<1x128xi32, #tpu.memory_space<hbm>>
      %dma_wait3A_445 = tpu.memref_squeeze %dma_wait3A_444 : memref<1x128xi32, #tpu.memory_space<hbm>> -> memref<128xi32, #tpu.memory_space<hbm>>
      %dma_wait3A_446 = arith.constant 0 : i32
      %dma_wait3A_447 = tpu.memref_slice %arg13[%dma_wait3A_439, %dma_wait3A_446] : memref<2x128xi32, #tpu.memory_space<vmem>> -> memref<1x128xi32, #tpu.memory_space<vmem>>
      %dma_wait3A_448 = tpu.memref_squeeze %dma_wait3A_447 : memref<1x128xi32, #tpu.memory_space<vmem>> -> memref<128xi32, #tpu.memory_space<vmem>>
      %dma_wait3A_449 = arith.constant 0 : i32
      %dma_wait3A_450 = tpu.memref_slice %arg4[%add3A_425, %dma_wait3A_449] : memref<2564x128xi32, #tpu.memory_space<hbm>> -> memref<1x128xi32, #tpu.memory_space<hbm>>
      %dma_wait3A_451 = tpu.memref_squeeze %dma_wait3A_450 : memref<1x128xi32, #tpu.memory_space<hbm>> -> memref<128xi32, #tpu.memory_space<hbm>>
      tpu.wait_dma2 semaphore(%arg21 : memref<!tpu.dma_semaphore, #tpu.memory_space<semaphore_mem>>) src(%dma_wait3A_451 : memref<128xi32, #tpu.memory_space<hbm>>) dst(%dma_wait3A_448 : memref<128xi32, #tpu.memory_space<vmem>>)
      %dma_start3A_452 = arith.constant 0 : i32
      %dma_start3A_453 = arith.constant 0 : i32
      %dma_start3A_454 = tpu.memref_slice %arg13[%dma_start3A_452, %dma_start3A_453] : memref<2x128xi32, #tpu.memory_space<vmem>> -> memref<1x128xi32, #tpu.memory_space<vmem>>
      %dma_start3A_455 = tpu.memref_squeeze %dma_start3A_454 : memref<1x128xi32, #tpu.memory_space<vmem>> -> memref<128xi32, #tpu.memory_space<vmem>>
      %dma_start3A_456 = arith.constant 0 : i32
      %dma_start3A_457 = arith.constant 0 : i32
      %dma_start3A_458 = tpu.memref_slice %arg2[%dma_start3A_456, %dma_start3A_457] : memref<10000x128xf32, #tpu.memory_space<hbm>> -> memref<10000x128xf32, #tpu.memory_space<hbm>>
      tpu.enqueue_indirect_dma source(%dma_start3A_458 : memref<10000x128xf32, #tpu.memory_space<hbm>>) target(%arg9 : memref<128x128xf32, #tpu.memory_space<vmem>>) offsets(%dma_start3A_455 : memref<128xi32, #tpu.memory_space<vmem>>) semaphore(%arg15 : memref<!tpu.dma_semaphore, #tpu.memory_space<semaphore_mem>>)
      %dma_wait3A_459 = arith.constant 0 : i32
      %dma_wait3A_460 = arith.constant 0 : i32
      %dma_wait3A_461 = tpu.memref_slice %arg12[%dma_wait3A_459, %dma_wait3A_460] : memref<2x128xi32, #tpu.memory_space<vmem>> -> memref<1x128xi32, #tpu.memory_space<vmem>>
      %dma_wait3A_462 = tpu.memref_squeeze %dma_wait3A_461 : memref<1x128xi32, #tpu.memory_space<vmem>> -> memref<128xi32, #tpu.memory_space<vmem>>
      %dma_wait3A_463 = arith.constant 0 : i32
      %dma_wait3A_464 = arith.constant 0 : i32
      %dma_wait3A_465 = tpu.memref_slice %arg2[%dma_wait3A_463, %dma_wait3A_464] : memref<10000x128xf32, #tpu.memory_space<hbm>> -> memref<10000x128xf32, #tpu.memory_space<hbm>>
      tpu.wait_indirect_dma semaphore(%arg14 : memref<!tpu.dma_semaphore, #tpu.memory_space<semaphore_mem>>) src(%dma_wait3A_465 : memref<10000x128xf32, #tpu.memory_space<hbm>>) dst(%arg8 : memref<128x128xf32, #tpu.memory_space<vmem>>)
      %dma_start3A_466 = arith.constant 1 : i32
      %dma_start3A_467 = arith.constant 0 : i32
      %dma_start3A_468 = tpu.memref_slice %arg12[%dma_start3A_466, %dma_start3A_467] : memref<2x128xi32, #tpu.memory_space<vmem>> -> memref<1x128xi32, #tpu.memory_space<vmem>>
      %dma_start3A_469 = tpu.memref_squeeze %dma_start3A_468 : memref<1x128xi32, #tpu.memory_space<vmem>> -> memref<128xi32, #tpu.memory_space<vmem>>
      %dma_start3A_470 = arith.constant 0 : i32
      %dma_start3A_471 = arith.constant 0 : i32
      %dma_start3A_472 = tpu.memref_slice %arg7[%dma_start3A_470, %dma_start3A_471] : memref<10112x128xf32, #tpu.memory_space<vmem_shared>> -> memref<10112x128xf32, #tpu.memory_space<vmem_shared>>
      tpu.enqueue_indirect_dma source(%arg8 : memref<128x128xf32, #tpu.memory_space<vmem>>) target(%dma_start3A_472 : memref<10112x128xf32, #tpu.memory_space<vmem_shared>>) offsets(%dma_start3A_469 : memref<128xi32, #tpu.memory_space<vmem>>) semaphore(%arg16 : memref<!tpu.dma_semaphore, #tpu.memory_space<semaphore_mem>>) {add = true}
      %dma_wait3A_473 = arith.constant 0 : i32
      %dma_wait3A_474 = arith.constant 0 : i32
      %dma_wait3A_475 = tpu.memref_slice %arg13[%dma_wait3A_473, %dma_wait3A_474] : memref<2x128xi32, #tpu.memory_space<vmem>> -> memref<1x128xi32, #tpu.memory_space<vmem>>
      %dma_wait3A_476 = tpu.memref_squeeze %dma_wait3A_475 : memref<1x128xi32, #tpu.memory_space<vmem>> -> memref<128xi32, #tpu.memory_space<vmem>>
      %dma_wait3A_477 = arith.constant 0 : i32
      %dma_wait3A_478 = arith.constant 0 : i32
      %dma_wait3A_479 = tpu.memref_slice %arg2[%dma_wait3A_477, %dma_wait3A_478] : memref<10000x128xf32, #tpu.memory_space<hbm>> -> memref<10000x128xf32, #tpu.memory_space<hbm>>
      tpu.wait_indirect_dma semaphore(%arg15 : memref<!tpu.dma_semaphore, #tpu.memory_space<semaphore_mem>>) src(%dma_wait3A_479 : memref<10000x128xf32, #tpu.memory_space<hbm>>) dst(%arg9 : memref<128x128xf32, #tpu.memory_space<vmem>>)
      %dma_start3A_480 = arith.constant 1 : i32
      %dma_start3A_481 = arith.constant 0 : i32
      %dma_start3A_482 = tpu.memref_slice %arg13[%dma_start3A_480, %dma_start3A_481] : memref<2x128xi32, #tpu.memory_space<vmem>> -> memref<1x128xi32, #tpu.memory_space<vmem>>
      %dma_start3A_483 = tpu.memref_squeeze %dma_start3A_482 : memref<1x128xi32, #tpu.memory_space<vmem>> -> memref<128xi32, #tpu.memory_space<vmem>>
      %dma_start3A_484 = arith.constant 0 : i32
      %dma_start3A_485 = arith.constant 0 : i32
      %dma_start3A_486 = tpu.memref_slice %arg7[%dma_start3A_484, %dma_start3A_485] : memref<10112x128xf32, #tpu.memory_space<vmem_shared>> -> memref<10112x128xf32, #tpu.memory_space<vmem_shared>>
      tpu.enqueue_indirect_dma source(%arg9 : memref<128x128xf32, #tpu.memory_space<vmem>>) target(%dma_start3A_486 : memref<10112x128xf32, #tpu.memory_space<vmem_shared>>) offsets(%dma_start3A_483 : memref<128xi32, #tpu.memory_space<vmem>>) semaphore(%arg17 : memref<!tpu.dma_semaphore, #tpu.memory_space<semaphore_mem>>) {add = true}
      %dma_wait3A_487 = arith.constant 1 : i32
      %dma_wait3A_488 = arith.constant 0 : i32
      %dma_wait3A_489 = tpu.memref_slice %arg12[%dma_wait3A_487, %dma_wait3A_488] : memref<2x128xi32, #tpu.memory_space<vmem>> -> memref<1x128xi32, #tpu.memory_space<vmem>>
      %dma_wait3A_490 = tpu.memref_squeeze %dma_wait3A_489 : memref<1x128xi32, #tpu.memory_space<vmem>> -> memref<128xi32, #tpu.memory_space<vmem>>
      %dma_wait3A_491 = arith.constant 0 : i32
      %dma_wait3A_492 = arith.constant 0 : i32
      %dma_wait3A_493 = tpu.memref_slice %arg7[%dma_wait3A_491, %dma_wait3A_492] : memref<10112x128xf32, #tpu.memory_space<vmem_shared>> -> memref<10112x128xf32, #tpu.memory_space<vmem_shared>>
      tpu.wait_indirect_dma semaphore(%arg16 : memref<!tpu.dma_semaphore, #tpu.memory_space<semaphore_mem>>) src(%arg8 : memref<128x128xf32, #tpu.memory_space<vmem>>) dst(%dma_wait3A_493 : memref<10112x128xf32, #tpu.memory_space<vmem_shared>>)
      %add3A_494 = arith.constant 6 : i32
      %add3A_495 = arith.addi %add3A_278, %add3A_494 : i32
      %mul3A_496 = arith.constant 80 : i32
      %mul3A_497 = arith.muli %add3A, %mul3A_496 : i32
      %add3A_498 = arith.addi %mul3A_497, %add3A_495 : i32
      %dma_start3A_499 = arith.constant 0 : i32
      %dma_start3A_500 = arith.constant 0 : i32
      %dma_start3A_501 = tpu.memref_slice %arg12[%dma_start3A_499, %dma_start3A_500] : memref<2x128xi32, #tpu.memory_space<vmem>> -> memref<1x128xi32, #tpu.memory_space<vmem>>
      %dma_start3A_502 = tpu.memref_squeeze %dma_start3A_501 : memref<1x128xi32, #tpu.memory_space<vmem>> -> memref<128xi32, #tpu.memory_space<vmem>>
      %dma_start3A_503 = arith.constant 0 : i32
      %dma_start3A_504 = tpu.memref_slice %arg3[%add3A_498, %dma_start3A_503] : memref<2564x128xi32, #tpu.memory_space<hbm>> -> memref<1x128xi32, #tpu.memory_space<hbm>>
      %dma_start3A_505 = tpu.memref_squeeze %dma_start3A_504 : memref<1x128xi32, #tpu.memory_space<hbm>> -> memref<128xi32, #tpu.memory_space<hbm>>
      %dma_start3A_506 = arith.constant 0 : i32
      %dma_start3A_507 = tpu.memref_slice %arg12[%dma_start3A_499, %dma_start3A_506] : memref<2x128xi32, #tpu.memory_space<vmem>> -> memref<1x128xi32, #tpu.memory_space<vmem>>
      %dma_start3A_508 = tpu.memref_squeeze %dma_start3A_507 : memref<1x128xi32, #tpu.memory_space<vmem>> -> memref<128xi32, #tpu.memory_space<vmem>>
      %dma_start3A_509 = arith.constant 0 : i32
      %dma_start3A_510 = tpu.memref_slice %arg3[%add3A_498, %dma_start3A_509] : memref<2564x128xi32, #tpu.memory_space<hbm>> -> memref<1x128xi32, #tpu.memory_space<hbm>>
      %dma_start3A_511 = tpu.memref_squeeze %dma_start3A_510 : memref<1x128xi32, #tpu.memory_space<hbm>> -> memref<128xi32, #tpu.memory_space<hbm>>
      tpu.enqueue_dma source(%dma_start3A_511 : memref<128xi32, #tpu.memory_space<hbm>>) target(%dma_start3A_508 : memref<128xi32, #tpu.memory_space<vmem>>) target_semaphore(%arg20 : memref<!tpu.dma_semaphore, #tpu.memory_space<semaphore_mem>>)
      %dma_start3A_512 = arith.constant 1 : i32
      %dma_start3A_513 = arith.constant 0 : i32
      %dma_start3A_514 = tpu.memref_slice %arg12[%dma_start3A_512, %dma_start3A_513] : memref<2x128xi32, #tpu.memory_space<vmem>> -> memref<1x128xi32, #tpu.memory_space<vmem>>
      %dma_start3A_515 = tpu.memref_squeeze %dma_start3A_514 : memref<1x128xi32, #tpu.memory_space<vmem>> -> memref<128xi32, #tpu.memory_space<vmem>>
      %dma_start3A_516 = arith.constant 0 : i32
      %dma_start3A_517 = tpu.memref_slice %arg4[%add3A_498, %dma_start3A_516] : memref<2564x128xi32, #tpu.memory_space<hbm>> -> memref<1x128xi32, #tpu.memory_space<hbm>>
      %dma_start3A_518 = tpu.memref_squeeze %dma_start3A_517 : memref<1x128xi32, #tpu.memory_space<hbm>> -> memref<128xi32, #tpu.memory_space<hbm>>
      %dma_start3A_519 = arith.constant 0 : i32
      %dma_start3A_520 = tpu.memref_slice %arg12[%dma_start3A_512, %dma_start3A_519] : memref<2x128xi32, #tpu.memory_space<vmem>> -> memref<1x128xi32, #tpu.memory_space<vmem>>
      %dma_start3A_521 = tpu.memref_squeeze %dma_start3A_520 : memref<1x128xi32, #tpu.memory_space<vmem>> -> memref<128xi32, #tpu.memory_space<vmem>>
      %dma_start3A_522 = arith.constant 0 : i32
      %dma_start3A_523 = tpu.memref_slice %arg4[%add3A_498, %dma_start3A_522] : memref<2564x128xi32, #tpu.memory_space<hbm>> -> memref<1x128xi32, #tpu.memory_space<hbm>>
      %dma_start3A_524 = tpu.memref_squeeze %dma_start3A_523 : memref<1x128xi32, #tpu.memory_space<hbm>> -> memref<128xi32, #tpu.memory_space<hbm>>
      tpu.enqueue_dma source(%dma_start3A_524 : memref<128xi32, #tpu.memory_space<hbm>>) target(%dma_start3A_521 : memref<128xi32, #tpu.memory_space<vmem>>) target_semaphore(%arg20 : memref<!tpu.dma_semaphore, #tpu.memory_space<semaphore_mem>>)
      %add3A_525 = arith.constant 4 : i32
      %add3A_526 = arith.addi %add3A_278, %add3A_525 : i32
      %mul3A_527 = arith.constant 80 : i32
      %mul3A_528 = arith.muli %add3A, %mul3A_527 : i32
      %add3A_529 = arith.addi %mul3A_528, %add3A_526 : i32
      %dma_wait3A_530 = arith.constant 0 : i32
      %dma_wait3A_531 = arith.constant 0 : i32
      %dma_wait3A_532 = tpu.memref_slice %arg10[%dma_wait3A_530, %dma_wait3A_531] : memref<2x128xi32, #tpu.memory_space<vmem>> -> memref<1x128xi32, #tpu.memory_space<vmem>>
      %dma_wait3A_533 = tpu.memref_squeeze %dma_wait3A_532 : memref<1x128xi32, #tpu.memory_space<vmem>> -> memref<128xi32, #tpu.memory_space<vmem>>
      %dma_wait3A_534 = arith.constant 0 : i32
      %dma_wait3A_535 = tpu.memref_slice %arg3[%add3A_529, %dma_wait3A_534] : memref<2564x128xi32, #tpu.memory_space<hbm>> -> memref<1x128xi32, #tpu.memory_space<hbm>>
      %dma_wait3A_536 = tpu.memref_squeeze %dma_wait3A_535 : memref<1x128xi32, #tpu.memory_space<hbm>> -> memref<128xi32, #tpu.memory_space<hbm>>
      %dma_wait3A_537 = arith.constant 0 : i32
      %dma_wait3A_538 = tpu.memref_slice %arg10[%dma_wait3A_530, %dma_wait3A_537] : memref<2x128xi32, #tpu.memory_space<vmem>> -> memref<1x128xi32, #tpu.memory_space<vmem>>
      %dma_wait3A_539 = tpu.memref_squeeze %dma_wait3A_538 : memref<1x128xi32, #tpu.memory_space<vmem>> -> memref<128xi32, #tpu.memory_space<vmem>>
      %dma_wait3A_540 = arith.constant 0 : i32
      %dma_wait3A_541 = tpu.memref_slice %arg3[%add3A_529, %dma_wait3A_540] : memref<2564x128xi32, #tpu.memory_space<hbm>> -> memref<1x128xi32, #tpu.memory_space<hbm>>
      %dma_wait3A_542 = tpu.memref_squeeze %dma_wait3A_541 : memref<1x128xi32, #tpu.memory_space<hbm>> -> memref<128xi32, #tpu.memory_space<hbm>>
      tpu.wait_dma2 semaphore(%arg18 : memref<!tpu.dma_semaphore, #tpu.memory_space<semaphore_mem>>) src(%dma_wait3A_542 : memref<128xi32, #tpu.memory_space<hbm>>) dst(%dma_wait3A_539 : memref<128xi32, #tpu.memory_space<vmem>>)
      %dma_wait3A_543 = arith.constant 1 : i32
      %dma_wait3A_544 = arith.constant 0 : i32
      %dma_wait3A_545 = tpu.memref_slice %arg10[%dma_wait3A_543, %dma_wait3A_544] : memref<2x128xi32, #tpu.memory_space<vmem>> -> memref<1x128xi32, #tpu.memory_space<vmem>>
      %dma_wait3A_546 = tpu.memref_squeeze %dma_wait3A_545 : memref<1x128xi32, #tpu.memory_space<vmem>> -> memref<128xi32, #tpu.memory_space<vmem>>
      %dma_wait3A_547 = arith.constant 0 : i32
      %dma_wait3A_548 = tpu.memref_slice %arg4[%add3A_529, %dma_wait3A_547] : memref<2564x128xi32, #tpu.memory_space<hbm>> -> memref<1x128xi32, #tpu.memory_space<hbm>>
      %dma_wait3A_549 = tpu.memref_squeeze %dma_wait3A_548 : memref<1x128xi32, #tpu.memory_space<hbm>> -> memref<128xi32, #tpu.memory_space<hbm>>
      %dma_wait3A_550 = arith.constant 0 : i32
      %dma_wait3A_551 = tpu.memref_slice %arg10[%dma_wait3A_543, %dma_wait3A_550] : memref<2x128xi32, #tpu.memory_space<vmem>> -> memref<1x128xi32, #tpu.memory_space<vmem>>
      %dma_wait3A_552 = tpu.memref_squeeze %dma_wait3A_551 : memref<1x128xi32, #tpu.memory_space<vmem>> -> memref<128xi32, #tpu.memory_space<vmem>>
      %dma_wait3A_553 = arith.constant 0 : i32
      %dma_wait3A_554 = tpu.memref_slice %arg4[%add3A_529, %dma_wait3A_553] : memref<2564x128xi32, #tpu.memory_space<hbm>> -> memref<1x128xi32, #tpu.memory_space<hbm>>
      %dma_wait3A_555 = tpu.memref_squeeze %dma_wait3A_554 : memref<1x128xi32, #tpu.memory_space<hbm>> -> memref<128xi32, #tpu.memory_space<hbm>>
      tpu.wait_dma2 semaphore(%arg18 : memref<!tpu.dma_semaphore, #tpu.memory_space<semaphore_mem>>) src(%dma_wait3A_555 : memref<128xi32, #tpu.memory_space<hbm>>) dst(%dma_wait3A_552 : memref<128xi32, #tpu.memory_space<vmem>>)
      %dma_start3A_556 = arith.constant 0 : i32
      %dma_start3A_557 = arith.constant 0 : i32
      %dma_start3A_558 = tpu.memref_slice %arg10[%dma_start3A_556, %dma_start3A_557] : memref<2x128xi32, #tpu.memory_space<vmem>> -> memref<1x128xi32, #tpu.memory_space<vmem>>
      %dma_start3A_559 = tpu.memref_squeeze %dma_start3A_558 : memref<1x128xi32, #tpu.memory_space<vmem>> -> memref<128xi32, #tpu.memory_space<vmem>>
      %dma_start3A_560 = arith.constant 0 : i32
      %dma_start3A_561 = arith.constant 0 : i32
      %dma_start3A_562 = tpu.memref_slice %arg2[%dma_start3A_560, %dma_start3A_561] : memref<10000x128xf32, #tpu.memory_space<hbm>> -> memref<10000x128xf32, #tpu.memory_space<hbm>>
      tpu.enqueue_indirect_dma source(%dma_start3A_562 : memref<10000x128xf32, #tpu.memory_space<hbm>>) target(%arg8 : memref<128x128xf32, #tpu.memory_space<vmem>>) offsets(%dma_start3A_559 : memref<128xi32, #tpu.memory_space<vmem>>) semaphore(%arg14 : memref<!tpu.dma_semaphore, #tpu.memory_space<semaphore_mem>>)
      %dma_wait3A_563 = arith.constant 1 : i32
      %dma_wait3A_564 = arith.constant 0 : i32
      %dma_wait3A_565 = tpu.memref_slice %arg13[%dma_wait3A_563, %dma_wait3A_564] : memref<2x128xi32, #tpu.memory_space<vmem>> -> memref<1x128xi32, #tpu.memory_space<vmem>>
      %dma_wait3A_566 = tpu.memref_squeeze %dma_wait3A_565 : memref<1x128xi32, #tpu.memory_space<vmem>> -> memref<128xi32, #tpu.memory_space<vmem>>
      %dma_wait3A_567 = arith.constant 0 : i32
      %dma_wait3A_568 = arith.constant 0 : i32
      %dma_wait3A_569 = tpu.memref_slice %arg7[%dma_wait3A_567, %dma_wait3A_568] : memref<10112x128xf32, #tpu.memory_space<vmem_shared>> -> memref<10112x128xf32, #tpu.memory_space<vmem_shared>>
      tpu.wait_indirect_dma semaphore(%arg17 : memref<!tpu.dma_semaphore, #tpu.memory_space<semaphore_mem>>) src(%arg9 : memref<128x128xf32, #tpu.memory_space<vmem>>) dst(%dma_wait3A_569 : memref<10112x128xf32, #tpu.memory_space<vmem_shared>>)
      %add3A_570 = arith.constant 7 : i32
      %add3A_571 = arith.addi %add3A_278, %add3A_570 : i32
      %mul3A_572 = arith.constant 80 : i32
      %mul3A_573 = arith.muli %add3A, %mul3A_572 : i32
      %add3A_574 = arith.addi %mul3A_573, %add3A_571 : i32
      %dma_start3A_575 = arith.constant 0 : i32
      %dma_start3A_576 = arith.constant 0 : i32
      %dma_start3A_577 = tpu.memref_slice %arg13[%dma_start3A_575, %dma_start3A_576] : memref<2x128xi32, #tpu.memory_space<vmem>> -> memref<1x128xi32, #tpu.memory_space<vmem>>
      %dma_start3A_578 = tpu.memref_squeeze %dma_start3A_577 : memref<1x128xi32, #tpu.memory_space<vmem>> -> memref<128xi32, #tpu.memory_space<vmem>>
      %dma_start3A_579 = arith.constant 0 : i32
      %dma_start3A_580 = tpu.memref_slice %arg3[%add3A_574, %dma_start3A_579] : memref<2564x128xi32, #tpu.memory_space<hbm>> -> memref<1x128xi32, #tpu.memory_space<hbm>>
      %dma_start3A_581 = tpu.memref_squeeze %dma_start3A_580 : memref<1x128xi32, #tpu.memory_space<hbm>> -> memref<128xi32, #tpu.memory_space<hbm>>
      %dma_start3A_582 = arith.constant 0 : i32
      %dma_start3A_583 = tpu.memref_slice %arg13[%dma_start3A_575, %dma_start3A_582] : memref<2x128xi32, #tpu.memory_space<vmem>> -> memref<1x128xi32, #tpu.memory_space<vmem>>
      %dma_start3A_584 = tpu.memref_squeeze %dma_start3A_583 : memref<1x128xi32, #tpu.memory_space<vmem>> -> memref<128xi32, #tpu.memory_space<vmem>>
      %dma_start3A_585 = arith.constant 0 : i32
      %dma_start3A_586 = tpu.memref_slice %arg3[%add3A_574, %dma_start3A_585] : memref<2564x128xi32, #tpu.memory_space<hbm>> -> memref<1x128xi32, #tpu.memory_space<hbm>>
      %dma_start3A_587 = tpu.memref_squeeze %dma_start3A_586 : memref<1x128xi32, #tpu.memory_space<hbm>> -> memref<128xi32, #tpu.memory_space<hbm>>
      tpu.enqueue_dma source(%dma_start3A_587 : memref<128xi32, #tpu.memory_space<hbm>>) target(%dma_start3A_584 : memref<128xi32, #tpu.memory_space<vmem>>) target_semaphore(%arg21 : memref<!tpu.dma_semaphore, #tpu.memory_space<semaphore_mem>>)
      %dma_start3A_588 = arith.constant 1 : i32
      %dma_start3A_589 = arith.constant 0 : i32
      %dma_start3A_590 = tpu.memref_slice %arg13[%dma_start3A_588, %dma_start3A_589] : memref<2x128xi32, #tpu.memory_space<vmem>> -> memref<1x128xi32, #tpu.memory_space<vmem>>
      %dma_start3A_591 = tpu.memref_squeeze %dma_start3A_590 : memref<1x128xi32, #tpu.memory_space<vmem>> -> memref<128xi32, #tpu.memory_space<vmem>>
      %dma_start3A_592 = arith.constant 0 : i32
      %dma_start3A_593 = tpu.memref_slice %arg4[%add3A_574, %dma_start3A_592] : memref<2564x128xi32, #tpu.memory_space<hbm>> -> memref<1x128xi32, #tpu.memory_space<hbm>>
      %dma_start3A_594 = tpu.memref_squeeze %dma_start3A_593 : memref<1x128xi32, #tpu.memory_space<hbm>> -> memref<128xi32, #tpu.memory_space<hbm>>
      %dma_start3A_595 = arith.constant 0 : i32
      %dma_start3A_596 = tpu.memref_slice %arg13[%dma_start3A_588, %dma_start3A_595] : memref<2x128xi32, #tpu.memory_space<vmem>> -> memref<1x128xi32, #tpu.memory_space<vmem>>
      %dma_start3A_597 = tpu.memref_squeeze %dma_start3A_596 : memref<1x128xi32, #tpu.memory_space<vmem>> -> memref<128xi32, #tpu.memory_space<vmem>>
      %dma_start3A_598 = arith.constant 0 : i32
      %dma_start3A_599 = tpu.memref_slice %arg4[%add3A_574, %dma_start3A_598] : memref<2564x128xi32, #tpu.memory_space<hbm>> -> memref<1x128xi32, #tpu.memory_space<hbm>>
      %dma_start3A_600 = tpu.memref_squeeze %dma_start3A_599 : memref<1x128xi32, #tpu.memory_space<hbm>> -> memref<128xi32, #tpu.memory_space<hbm>>
      tpu.enqueue_dma source(%dma_start3A_600 : memref<128xi32, #tpu.memory_space<hbm>>) target(%dma_start3A_597 : memref<128xi32, #tpu.memory_space<vmem>>) target_semaphore(%arg21 : memref<!tpu.dma_semaphore, #tpu.memory_space<semaphore_mem>>)
      %add3A_601 = arith.constant 5 : i32
      %add3A_602 = arith.addi %add3A_278, %add3A_601 : i32
      %mul3A_603 = arith.constant 80 : i32
      %mul3A_604 = arith.muli %add3A, %mul3A_603 : i32
      %add3A_605 = arith.addi %mul3A_604, %add3A_602 : i32
      %dma_wait3A_606 = arith.constant 0 : i32
      %dma_wait3A_607 = arith.constant 0 : i32
      %dma_wait3A_608 = tpu.memref_slice %arg11[%dma_wait3A_606, %dma_wait3A_607] : memref<2x128xi32, #tpu.memory_space<vmem>> -> memref<1x128xi32, #tpu.memory_space<vmem>>
      %dma_wait3A_609 = tpu.memref_squeeze %dma_wait3A_608 : memref<1x128xi32, #tpu.memory_space<vmem>> -> memref<128xi32, #tpu.memory_space<vmem>>
      %dma_wait3A_610 = arith.constant 0 : i32
      %dma_wait3A_611 = tpu.memref_slice %arg3[%add3A_605, %dma_wait3A_610] : memref<2564x128xi32, #tpu.memory_space<hbm>> -> memref<1x128xi32, #tpu.memory_space<hbm>>
      %dma_wait3A_612 = tpu.memref_squeeze %dma_wait3A_611 : memref<1x128xi32, #tpu.memory_space<hbm>> -> memref<128xi32, #tpu.memory_space<hbm>>
      %dma_wait3A_613 = arith.constant 0 : i32
      %dma_wait3A_614 = tpu.memref_slice %arg11[%dma_wait3A_606, %dma_wait3A_613] : memref<2x128xi32, #tpu.memory_space<vmem>> -> memref<1x128xi32, #tpu.memory_space<vmem>>
      %dma_wait3A_615 = tpu.memref_squeeze %dma_wait3A_614 : memref<1x128xi32, #tpu.memory_space<vmem>> -> memref<128xi32, #tpu.memory_space<vmem>>
      %dma_wait3A_616 = arith.constant 0 : i32
      %dma_wait3A_617 = tpu.memref_slice %arg3[%add3A_605, %dma_wait3A_616] : memref<2564x128xi32, #tpu.memory_space<hbm>> -> memref<1x128xi32, #tpu.memory_space<hbm>>
      %dma_wait3A_618 = tpu.memref_squeeze %dma_wait3A_617 : memref<1x128xi32, #tpu.memory_space<hbm>> -> memref<128xi32, #tpu.memory_space<hbm>>
      tpu.wait_dma2 semaphore(%arg19 : memref<!tpu.dma_semaphore, #tpu.memory_space<semaphore_mem>>) src(%dma_wait3A_618 : memref<128xi32, #tpu.memory_space<hbm>>) dst(%dma_wait3A_615 : memref<128xi32, #tpu.memory_space<vmem>>)
      %dma_wait3A_619 = arith.constant 1 : i32
      %dma_wait3A_620 = arith.constant 0 : i32
      %dma_wait3A_621 = tpu.memref_slice %arg11[%dma_wait3A_619, %dma_wait3A_620] : memref<2x128xi32, #tpu.memory_space<vmem>> -> memref<1x128xi32, #tpu.memory_space<vmem>>
      %dma_wait3A_622 = tpu.memref_squeeze %dma_wait3A_621 : memref<1x128xi32, #tpu.memory_space<vmem>> -> memref<128xi32, #tpu.memory_space<vmem>>
      %dma_wait3A_623 = arith.constant 0 : i32
      %dma_wait3A_624 = tpu.memref_slice %arg4[%add3A_605, %dma_wait3A_623] : memref<2564x128xi32, #tpu.memory_space<hbm>> -> memref<1x128xi32, #tpu.memory_space<hbm>>
      %dma_wait3A_625 = tpu.memref_squeeze %dma_wait3A_624 : memref<1x128xi32, #tpu.memory_space<hbm>> -> memref<128xi32, #tpu.memory_space<hbm>>
      %dma_wait3A_626 = arith.constant 0 : i32
      %dma_wait3A_627 = tpu.memref_slice %arg11[%dma_wait3A_619, %dma_wait3A_626] : memref<2x128xi32, #tpu.memory_space<vmem>> -> memref<1x128xi32, #tpu.memory_space<vmem>>
      %dma_wait3A_628 = tpu.memref_squeeze %dma_wait3A_627 : memref<1x128xi32, #tpu.memory_space<vmem>> -> memref<128xi32, #tpu.memory_space<vmem>>
      %dma_wait3A_629 = arith.constant 0 : i32
      %dma_wait3A_630 = tpu.memref_slice %arg4[%add3A_605, %dma_wait3A_629] : memref<2564x128xi32, #tpu.memory_space<hbm>> -> memref<1x128xi32, #tpu.memory_space<hbm>>
      %dma_wait3A_631 = tpu.memref_squeeze %dma_wait3A_630 : memref<1x128xi32, #tpu.memory_space<hbm>> -> memref<128xi32, #tpu.memory_space<hbm>>
      tpu.wait_dma2 semaphore(%arg19 : memref<!tpu.dma_semaphore, #tpu.memory_space<semaphore_mem>>) src(%dma_wait3A_631 : memref<128xi32, #tpu.memory_space<hbm>>) dst(%dma_wait3A_628 : memref<128xi32, #tpu.memory_space<vmem>>)
      %dma_start3A_632 = arith.constant 0 : i32
      %dma_start3A_633 = arith.constant 0 : i32
      %dma_start3A_634 = tpu.memref_slice %arg11[%dma_start3A_632, %dma_start3A_633] : memref<2x128xi32, #tpu.memory_space<vmem>> -> memref<1x128xi32, #tpu.memory_space<vmem>>
      %dma_start3A_635 = tpu.memref_squeeze %dma_start3A_634 : memref<1x128xi32, #tpu.memory_space<vmem>> -> memref<128xi32, #tpu.memory_space<vmem>>
      %dma_start3A_636 = arith.constant 0 : i32
      %dma_start3A_637 = arith.constant 0 : i32
      %dma_start3A_638 = tpu.memref_slice %arg2[%dma_start3A_636, %dma_start3A_637] : memref<10000x128xf32, #tpu.memory_space<hbm>> -> memref<10000x128xf32, #tpu.memory_space<hbm>>
      tpu.enqueue_indirect_dma source(%dma_start3A_638 : memref<10000x128xf32, #tpu.memory_space<hbm>>) target(%arg9 : memref<128x128xf32, #tpu.memory_space<vmem>>) offsets(%dma_start3A_635 : memref<128xi32, #tpu.memory_space<vmem>>) semaphore(%arg15 : memref<!tpu.dma_semaphore, #tpu.memory_space<semaphore_mem>>)
    }
    %scan3A_198 = arith.constant 20 : i32
    %dma_wait3A_199 = arith.constant 0 : i32
    %dma_wait3A_200 = arith.constant 0 : i32
    %dma_wait3A_201 = tpu.memref_slice %arg10[%dma_wait3A_199, %dma_wait3A_200] : memref<2x128xi32, #tpu.memory_space<vmem>> -> memref<1x128xi32, #tpu.memory_space<vmem>>
    %dma_wait3A_202 = tpu.memref_squeeze %dma_wait3A_201 : memref<1x128xi32, #tpu.memory_space<vmem>> -> memref<128xi32, #tpu.memory_space<vmem>>
    %dma_wait3A_203 = arith.constant 0 : i32
    %dma_wait3A_204 = arith.constant 0 : i32
    %dma_wait3A_205 = tpu.memref_slice %arg2[%dma_wait3A_203, %dma_wait3A_204] : memref<10000x128xf32, #tpu.memory_space<hbm>> -> memref<10000x128xf32, #tpu.memory_space<hbm>>
    tpu.wait_indirect_dma semaphore(%arg14 : memref<!tpu.dma_semaphore, #tpu.memory_space<semaphore_mem>>) src(%dma_wait3A_205 : memref<10000x128xf32, #tpu.memory_space<hbm>>) dst(%arg8 : memref<128x128xf32, #tpu.memory_space<vmem>>)
    %dma_wait3A_206 = arith.constant 0 : i32
    %dma_wait3A_207 = arith.constant 0 : i32
    %dma_wait3A_208 = tpu.memref_slice %arg11[%dma_wait3A_206, %dma_wait3A_207] : memref<2x128xi32, #tpu.memory_space<vmem>> -> memref<1x128xi32, #tpu.memory_space<vmem>>
    %dma_wait3A_209 = tpu.memref_squeeze %dma_wait3A_208 : memref<1x128xi32, #tpu.memory_space<vmem>> -> memref<128xi32, #tpu.memory_space<vmem>>
    %dma_wait3A_210 = arith.constant 0 : i32
    %dma_wait3A_211 = arith.constant 0 : i32
    %dma_wait3A_212 = tpu.memref_slice %arg2[%dma_wait3A_210, %dma_wait3A_211] : memref<10000x128xf32, #tpu.memory_space<hbm>> -> memref<10000x128xf32, #tpu.memory_space<hbm>>
    tpu.wait_indirect_dma semaphore(%arg15 : memref<!tpu.dma_semaphore, #tpu.memory_space<semaphore_mem>>) src(%dma_wait3A_212 : memref<10000x128xf32, #tpu.memory_space<hbm>>) dst(%arg9 : memref<128x128xf32, #tpu.memory_space<vmem>>)
    %mul3A_213 = arith.constant 80 : i32
    %mul3A_214 = arith.muli %add3A, %mul3A_213 : i32
    %add3A_215 = arith.constant 82 : i32
    %add3A_216 = arith.addi %mul3A_214, %add3A_215 : i32
    %dma_wait3A_217 = arith.constant 0 : i32
    %dma_wait3A_218 = arith.constant 0 : i32
    %dma_wait3A_219 = tpu.memref_slice %arg12[%dma_wait3A_217, %dma_wait3A_218] : memref<2x128xi32, #tpu.memory_space<vmem>> -> memref<1x128xi32, #tpu.memory_space<vmem>>
    %dma_wait3A_220 = tpu.memref_squeeze %dma_wait3A_219 : memref<1x128xi32, #tpu.memory_space<vmem>> -> memref<128xi32, #tpu.memory_space<vmem>>
    %dma_wait3A_221 = arith.constant 0 : i32
    %dma_wait3A_222 = tpu.memref_slice %arg3[%add3A_216, %dma_wait3A_221] : memref<2564x128xi32, #tpu.memory_space<hbm>> -> memref<1x128xi32, #tpu.memory_space<hbm>>
    %dma_wait3A_223 = tpu.memref_squeeze %dma_wait3A_222 : memref<1x128xi32, #tpu.memory_space<hbm>> -> memref<128xi32, #tpu.memory_space<hbm>>
    %dma_wait3A_224 = arith.constant 0 : i32
    %dma_wait3A_225 = tpu.memref_slice %arg12[%dma_wait3A_217, %dma_wait3A_224] : memref<2x128xi32, #tpu.memory_space<vmem>> -> memref<1x128xi32, #tpu.memory_space<vmem>>
    %dma_wait3A_226 = tpu.memref_squeeze %dma_wait3A_225 : memref<1x128xi32, #tpu.memory_space<vmem>> -> memref<128xi32, #tpu.memory_space<vmem>>
    %dma_wait3A_227 = arith.constant 0 : i32
    %dma_wait3A_228 = tpu.memref_slice %arg3[%add3A_216, %dma_wait3A_227] : memref<2564x128xi32, #tpu.memory_space<hbm>> -> memref<1x128xi32, #tpu.memory_space<hbm>>
    %dma_wait3A_229 = tpu.memref_squeeze %dma_wait3A_228 : memref<1x128xi32, #tpu.memory_space<hbm>> -> memref<128xi32, #tpu.memory_space<hbm>>
    tpu.wait_dma2 semaphore(%arg20 : memref<!tpu.dma_semaphore, #tpu.memory_space<semaphore_mem>>) src(%dma_wait3A_229 : memref<128xi32, #tpu.memory_space<hbm>>) dst(%dma_wait3A_226 : memref<128xi32, #tpu.memory_space<vmem>>)
    %dma_wait3A_230 = arith.constant 1 : i32
    %dma_wait3A_231 = arith.constant 0 : i32
    %dma_wait3A_232 = tpu.memref_slice %arg12[%dma_wait3A_230, %dma_wait3A_231] : memref<2x128xi32, #tpu.memory_space<vmem>> -> memref<1x128xi32, #tpu.memory_space<vmem>>
    %dma_wait3A_233 = tpu.memref_squeeze %dma_wait3A_232 : memref<1x128xi32, #tpu.memory_space<vmem>> -> memref<128xi32, #tpu.memory_space<vmem>>
    %dma_wait3A_234 = arith.constant 0 : i32
    %dma_wait3A_235 = tpu.memref_slice %arg4[%add3A_216, %dma_wait3A_234] : memref<2564x128xi32, #tpu.memory_space<hbm>> -> memref<1x128xi32, #tpu.memory_space<hbm>>
    %dma_wait3A_236 = tpu.memref_squeeze %dma_wait3A_235 : memref<1x128xi32, #tpu.memory_space<hbm>> -> memref<128xi32, #tpu.memory_space<hbm>>
    %dma_wait3A_237 = arith.constant 0 : i32
    %dma_wait3A_238 = tpu.memref_slice %arg12[%dma_wait3A_230, %dma_wait3A_237] : memref<2x128xi32, #tpu.memory_space<vmem>> -> memref<1x128xi32, #tpu.memory_space<vmem>>
    %dma_wait3A_239 = tpu.memref_squeeze %dma_wait3A_238 : memref<1x128xi32, #tpu.memory_space<vmem>> -> memref<128xi32, #tpu.memory_space<vmem>>
    %dma_wait3A_240 = arith.constant 0 : i32
    %dma_wait3A_241 = tpu.memref_slice %arg4[%add3A_216, %dma_wait3A_240] : memref<2564x128xi32, #tpu.memory_space<hbm>> -> memref<1x128xi32, #tpu.memory_space<hbm>>
    %dma_wait3A_242 = tpu.memref_squeeze %dma_wait3A_241 : memref<1x128xi32, #tpu.memory_space<hbm>> -> memref<128xi32, #tpu.memory_space<hbm>>
    tpu.wait_dma2 semaphore(%arg20 : memref<!tpu.dma_semaphore, #tpu.memory_space<semaphore_mem>>) src(%dma_wait3A_242 : memref<128xi32, #tpu.memory_space<hbm>>) dst(%dma_wait3A_239 : memref<128xi32, #tpu.memory_space<vmem>>)
    %mul3A_243 = arith.constant 80 : i32
    %mul3A_244 = arith.muli %add3A, %mul3A_243 : i32
    %add3A_245 = arith.constant 83 : i32
    %add3A_246 = arith.addi %mul3A_244, %add3A_245 : i32
    %dma_wait3A_247 = arith.constant 0 : i32
    %dma_wait3A_248 = arith.constant 0 : i32
    %dma_wait3A_249 = tpu.memref_slice %arg13[%dma_wait3A_247, %dma_wait3A_248] : memref<2x128xi32, #tpu.memory_space<vmem>> -> memref<1x128xi32, #tpu.memory_space<vmem>>
    %dma_wait3A_250 = tpu.memref_squeeze %dma_wait3A_249 : memref<1x128xi32, #tpu.memory_space<vmem>> -> memref<128xi32, #tpu.memory_space<vmem>>
    %dma_wait3A_251 = arith.constant 0 : i32
    %dma_wait3A_252 = tpu.memref_slice %arg3[%add3A_246, %dma_wait3A_251] : memref<2564x128xi32, #tpu.memory_space<hbm>> -> memref<1x128xi32, #tpu.memory_space<hbm>>
    %dma_wait3A_253 = tpu.memref_squeeze %dma_wait3A_252 : memref<1x128xi32, #tpu.memory_space<hbm>> -> memref<128xi32, #tpu.memory_space<hbm>>
    %dma_wait3A_254 = arith.constant 0 : i32
    %dma_wait3A_255 = tpu.memref_slice %arg13[%dma_wait3A_247, %dma_wait3A_254] : memref<2x128xi32, #tpu.memory_space<vmem>> -> memref<1x128xi32, #tpu.memory_space<vmem>>
    %dma_wait3A_256 = tpu.memref_squeeze %dma_wait3A_255 : memref<1x128xi32, #tpu.memory_space<vmem>> -> memref<128xi32, #tpu.memory_space<vmem>>
    %dma_wait3A_257 = arith.constant 0 : i32
    %dma_wait3A_258 = tpu.memref_slice %arg3[%add3A_246, %dma_wait3A_257] : memref<2564x128xi32, #tpu.memory_space<hbm>> -> memref<1x128xi32, #tpu.memory_space<hbm>>
    %dma_wait3A_259 = tpu.memref_squeeze %dma_wait3A_258 : memref<1x128xi32, #tpu.memory_space<hbm>> -> memref<128xi32, #tpu.memory_space<hbm>>
    tpu.wait_dma2 semaphore(%arg21 : memref<!tpu.dma_semaphore, #tpu.memory_space<semaphore_mem>>) src(%dma_wait3A_259 : memref<128xi32, #tpu.memory_space<hbm>>) dst(%dma_wait3A_256 : memref<128xi32, #tpu.memory_space<vmem>>)
    %dma_wait3A_260 = arith.constant 1 : i32
    %dma_wait3A_261 = arith.constant 0 : i32
    %dma_wait3A_262 = tpu.memref_slice %arg13[%dma_wait3A_260, %dma_wait3A_261] : memref<2x128xi32, #tpu.memory_space<vmem>> -> memref<1x128xi32, #tpu.memory_space<vmem>>
    %dma_wait3A_263 = tpu.memref_squeeze %dma_wait3A_262 : memref<1x128xi32, #tpu.memory_space<vmem>> -> memref<128xi32, #tpu.memory_space<vmem>>
    %dma_wait3A_264 = arith.constant 0 : i32
    %dma_wait3A_265 = tpu.memref_slice %arg4[%add3A_246, %dma_wait3A_264] : memref<2564x128xi32, #tpu.memory_space<hbm>> -> memref<1x128xi32, #tpu.memory_space<hbm>>
    %dma_wait3A_266 = tpu.memref_squeeze %dma_wait3A_265 : memref<1x128xi32, #tpu.memory_space<hbm>> -> memref<128xi32, #tpu.memory_space<hbm>>
    %dma_wait3A_267 = arith.constant 0 : i32
    %dma_wait3A_268 = tpu.memref_slice %arg13[%dma_wait3A_260, %dma_wait3A_267] : memref<2x128xi32, #tpu.memory_space<vmem>> -> memref<1x128xi32, #tpu.memory_space<vmem>>
    %dma_wait3A_269 = tpu.memref_squeeze %dma_wait3A_268 : memref<1x128xi32, #tpu.memory_space<vmem>> -> memref<128xi32, #tpu.memory_space<vmem>>
    %dma_wait3A_270 = arith.constant 0 : i32
    %dma_wait3A_271 = tpu.memref_slice %arg4[%add3A_246, %dma_wait3A_270] : memref<2564x128xi32, #tpu.memory_space<hbm>> -> memref<1x128xi32, #tpu.memory_space<hbm>>
    %dma_wait3A_272 = tpu.memref_squeeze %dma_wait3A_271 : memref<1x128xi32, #tpu.memory_space<hbm>> -> memref<128xi32, #tpu.memory_space<hbm>>
    tpu.wait_dma2 semaphore(%arg21 : memref<!tpu.dma_semaphore, #tpu.memory_space<semaphore_mem>>) src(%dma_wait3A_272 : memref<128xi32, #tpu.memory_space<hbm>>) dst(%dma_wait3A_269 : memref<128xi32, #tpu.memory_space<vmem>>)
    %barrier3A_273 = arith.constant 0 : index
    tpu.barrier barrier_id(%barrier3A_273)
    "tpu.region"() ({
      %run_scoped3A = tpu.sem_alloc : memref<!tpu.dma_semaphore, #tpu.memory_space<semaphore_mem>>
      %dma_start3A_274 = arith.constant 0 : i32
      %dma_start3A_275 = tpu.memref_slice %arg6[%arg0, %mul3A_2, %dma_start3A_274] : memref<2x10112x128xf32, #tpu.memory_space<hbm>> -> memref<1x632x128xf32, #tpu.memory_space<hbm>>
      %dma_start3A_276 = tpu.memref_squeeze %dma_start3A_275 : memref<1x632x128xf32, #tpu.memory_space<hbm>> -> memref<632x128xf32, #tpu.memory_space<hbm>>
      %dma_start3A_277 = arith.constant 0 : i32
      %dma_start3A_278 = tpu.memref_slice %arg7[%mul3A_2, %dma_start3A_277] : memref<10112x128xf32, #tpu.memory_space<vmem_shared>> -> memref<632x128xf32, #tpu.memory_space<vmem_shared>>
      tpu.enqueue_dma source(%dma_start3A_278 : memref<632x128xf32, #tpu.memory_space<vmem_shared>>) target(%dma_start3A_276 : memref<632x128xf32, #tpu.memory_space<hbm>>) target_semaphore(%run_scoped3A : memref<!tpu.dma_semaphore, #tpu.memory_space<semaphore_mem>>)
      %dma_wait3A_279 = arith.constant 0 : i32
      %dma_wait3A_280 = tpu.memref_slice %arg6[%arg0, %mul3A_2, %dma_wait3A_279] : memref<2x10112x128xf32, #tpu.memory_space<hbm>> -> memref<1x632x128xf32, #tpu.memory_space<hbm>>
      %dma_wait3A_281 = tpu.memref_squeeze %dma_wait3A_280 : memref<1x632x128xf32, #tpu.memory_space<hbm>> -> memref<632x128xf32, #tpu.memory_space<hbm>>
      %dma_wait3A_282 = arith.constant 0 : i32
      %dma_wait3A_283 = tpu.memref_slice %arg7[%mul3A_2, %dma_wait3A_282] : memref<10112x128xf32, #tpu.memory_space<vmem_shared>> -> memref<632x128xf32, #tpu.memory_space<vmem_shared>>
      tpu.wait_dma2 semaphore(%run_scoped3A : memref<!tpu.dma_semaphore, #tpu.memory_space<semaphore_mem>>) src(%dma_wait3A_283 : memref<632x128xf32, #tpu.memory_space<vmem_shared>>) dst(%dma_wait3A_281 : memref<632x128xf32, #tpu.memory_space<hbm>>)
      tpu.yield
    }) : () -> ()
    return
  }
}

#map = affine_map<(d0, d1) -> (0, 0)>
#map1 = affine_map<(d0, d1) -> (0, 0, 0)>
module attributes {stable_mosaic.version = 14 : i64} {
  func.func @body(%arg0: i32, %arg1: i32, %arg2: memref<10000x128xf32, #tpu.memory_space<hbm>>, %arg3: memref<2564x128xi32, #tpu.memory_space<hbm>>, %arg4: memref<2564x128xi32, #tpu.memory_space<hbm>>, %arg5: memref<10112x128xf32, #tpu.memory_space<hbm>>, %arg6: memref<10112x16xf32, #tpu.memory_space<hbm>>, %arg7: memref<128x16xf32, #tpu.memory_space<hbm>>, %arg8: memref<2x10112x128xf32, #tpu.memory_space<hbm>>, %arg9: memref<2x10112x16xf32, #tpu.memory_space<hbm>>, %arg10: memref<10112x128xf32, #tpu.memory_space<vmem_shared>>, %arg11: memref<128x128xf32, #tpu.memory_space<vmem>>, %arg12: memref<128x128xf32, #tpu.memory_space<vmem>>, %arg13: memref<2x128xi32, #tpu.memory_space<vmem>>, %arg14: memref<2x128xi32, #tpu.memory_space<vmem>>, %arg15: memref<2x128xi32, #tpu.memory_space<vmem>>, %arg16: memref<2x128xi32, #tpu.memory_space<vmem>>, %arg17: memref<!tpu.dma_semaphore, #tpu.memory_space<semaphore_mem>>, %arg18: memref<!tpu.dma_semaphore, #tpu.memory_space<semaphore_mem>>, %arg19: memref<!tpu.dma_semaphore, #tpu.memory_space<semaphore_mem>>, %arg20: memref<!tpu.dma_semaphore, #tpu.memory_space<semaphore_mem>>, %arg21: memref<!tpu.dma_semaphore, #tpu.memory_space<semaphore_mem>>, %arg22: memref<!tpu.dma_semaphore, #tpu.memory_space<semaphore_mem>>, %arg23: memref<!tpu.dma_semaphore, #tpu.memory_space<semaphore_mem>>, %arg24: memref<!tpu.dma_semaphore, #tpu.memory_space<semaphore_mem>>, %arg25: memref<10112x16xf32, #tpu.memory_space<vmem_shared>>, %arg26: memref<128x16xf32, #tpu.memory_space<vmem>>, %arg27: memref<!tpu.dma_semaphore, #tpu.memory_space<semaphore_mem>>, %arg28: memref<!tpu.dma_semaphore, #tpu.memory_space<semaphore_mem>>, %arg29: memref<!tpu.dma_semaphore, #tpu.memory_space<semaphore_mem>>, %arg30: memref<!tpu.dma_semaphore, #tpu.memory_space<semaphore_mem>>) attributes {dimension_semantics = [#tpu.dimension_semantics<core_parallel>, #tpu.dimension_semantics<subcore_parallel>], iteration_bounds = array<i64: 2, 16>, scalar_prefetch = 0 : i64, scratch_operands = 21 : i64, tpu.core_type = #tpu.core_type<sc_vector_subcore>, window_params = [{transform_indices = #map}, {transform_indices = #map}, {transform_indices = #map}, {transform_indices = #map}, {transform_indices = #map}, {transform_indices = #map}, {transform_indices = #map1}, {transform_indices = #map1}]} {
    %mul3A = arith.constant 16 : i32
    %mul3A_0 = arith.muli %arg0, %mul3A : i32
    %add3A = arith.addi %mul3A_0, %arg1 : i32
    %mul3A_1 = arith.constant 632 : i32
    %mul3A_2 = arith.muli %arg1, %mul3A_1 : i32
    "tpu.region"() ({
      %run_scoped3A = tpu.sem_alloc : memref<!tpu.dma_semaphore, #tpu.memory_space<semaphore_mem>>
      %dma_start3A_274 = arith.constant 0 : i32
      %dma_start3A_275 = tpu.memref_slice %arg10[%mul3A_2, %dma_start3A_274] : memref<10112x128xf32, #tpu.memory_space<vmem_shared>> -> memref<632x128xf32, #tpu.memory_space<vmem_shared>>
      %dma_start3A_276 = arith.constant 0 : i32
      %dma_start3A_277 = tpu.memref_slice %arg5[%mul3A_2, %dma_start3A_276] : memref<10112x128xf32, #tpu.memory_space<hbm>> -> memref<632x128xf32, #tpu.memory_space<hbm>>
      tpu.enqueue_dma source(%dma_start3A_277 : memref<632x128xf32, #tpu.memory_space<hbm>>) target(%dma_start3A_275 : memref<632x128xf32, #tpu.memory_space<vmem_shared>>) target_semaphore(%run_scoped3A : memref<!tpu.dma_semaphore, #tpu.memory_space<semaphore_mem>>)
      %dma_wait3A_278 = arith.constant 0 : i32
      %dma_wait3A_279 = tpu.memref_slice %arg10[%mul3A_2, %dma_wait3A_278] : memref<10112x128xf32, #tpu.memory_space<vmem_shared>> -> memref<632x128xf32, #tpu.memory_space<vmem_shared>>
      %dma_wait3A_280 = arith.constant 0 : i32
      %dma_wait3A_281 = tpu.memref_slice %arg5[%mul3A_2, %dma_wait3A_280] : memref<10112x128xf32, #tpu.memory_space<hbm>> -> memref<632x128xf32, #tpu.memory_space<hbm>>
      tpu.wait_dma2 semaphore(%run_scoped3A : memref<!tpu.dma_semaphore, #tpu.memory_space<semaphore_mem>>) src(%dma_wait3A_281 : memref<632x128xf32, #tpu.memory_space<hbm>>) dst(%dma_wait3A_279 : memref<632x128xf32, #tpu.memory_space<vmem_shared>>)
      tpu.yield
    }) : () -> ()
    "tpu.region"() ({
      %run_scoped3A = tpu.sem_alloc : memref<!tpu.dma_semaphore, #tpu.memory_space<semaphore_mem>>
      %dma_start3A_274 = arith.constant 0 : i32
      %dma_start3A_275 = tpu.memref_slice %arg25[%mul3A_2, %dma_start3A_274] : memref<10112x16xf32, #tpu.memory_space<vmem_shared>> -> memref<632x16xf32, #tpu.memory_space<vmem_shared>>
      %dma_start3A_276 = arith.constant 0 : i32
      %dma_start3A_277 = tpu.memref_slice %arg6[%mul3A_2, %dma_start3A_276] : memref<10112x16xf32, #tpu.memory_space<hbm>> -> memref<632x16xf32, #tpu.memory_space<hbm>>
      tpu.enqueue_dma source(%dma_start3A_277 : memref<632x16xf32, #tpu.memory_space<hbm>>) target(%dma_start3A_275 : memref<632x16xf32, #tpu.memory_space<vmem_shared>>) target_semaphore(%run_scoped3A : memref<!tpu.dma_semaphore, #tpu.memory_space<semaphore_mem>>)
      %dma_wait3A_278 = arith.constant 0 : i32
      %dma_wait3A_279 = tpu.memref_slice %arg25[%mul3A_2, %dma_wait3A_278] : memref<10112x16xf32, #tpu.memory_space<vmem_shared>> -> memref<632x16xf32, #tpu.memory_space<vmem_shared>>
      %dma_wait3A_280 = arith.constant 0 : i32
      %dma_wait3A_281 = tpu.memref_slice %arg6[%mul3A_2, %dma_wait3A_280] : memref<10112x16xf32, #tpu.memory_space<hbm>> -> memref<632x16xf32, #tpu.memory_space<hbm>>
      tpu.wait_dma2 semaphore(%run_scoped3A : memref<!tpu.dma_semaphore, #tpu.memory_space<semaphore_mem>>) src(%dma_wait3A_281 : memref<632x16xf32, #tpu.memory_space<hbm>>) dst(%dma_wait3A_279 : memref<632x16xf32, #tpu.memory_space<vmem_shared>>)
      tpu.yield
    }) : () -> ()
    "tpu.region"() ({
      %run_scoped3A = tpu.sem_alloc : memref<!tpu.dma_semaphore, #tpu.memory_space<semaphore_mem>>
      tpu.enqueue_dma source(%arg7 : memref<128x16xf32, #tpu.memory_space<hbm>>) target(%arg26 : memref<128x16xf32, #tpu.memory_space<vmem>>) target_semaphore(%run_scoped3A : memref<!tpu.dma_semaphore, #tpu.memory_space<semaphore_mem>>)
      tpu.wait_dma2 semaphore(%run_scoped3A : memref<!tpu.dma_semaphore, #tpu.memory_space<semaphore_mem>>) src(%arg7 : memref<128x16xf32, #tpu.memory_space<hbm>>) dst(%arg26 : memref<128x16xf32, #tpu.memory_space<vmem>>)
      tpu.yield
    }) : () -> ()
    %barrier3A = arith.constant 0 : index
    tpu.barrier barrier_id(%barrier3A)
    %mul3A_3 = arith.constant 80 : i32
    %mul3A_4 = arith.muli %add3A, %mul3A_3 : i32
    %add3A_5 = arith.constant 0 : i32
    %add3A_6 = arith.addi %mul3A_4, %add3A_5 : i32
    %dma_start3A = arith.constant 0 : i32
    %dma_start3A_7 = arith.constant 0 : i32
    %dma_start3A_8 = tpu.memref_slice %arg13[%dma_start3A, %dma_start3A_7] : memref<2x128xi32, #tpu.memory_space<vmem>> -> memref<1x128xi32, #tpu.memory_space<vmem>>
    %dma_start3A_9 = tpu.memref_squeeze %dma_start3A_8 : memref<1x128xi32, #tpu.memory_space<vmem>> -> memref<128xi32, #tpu.memory_space<vmem>>
    %dma_start3A_10 = arith.constant 0 : i32
    %dma_start3A_11 = tpu.memref_slice %arg3[%add3A_6, %dma_start3A_10] : memref<2564x128xi32, #tpu.memory_space<hbm>> -> memref<1x128xi32, #tpu.memory_space<hbm>>
    %dma_start3A_12 = tpu.memref_squeeze %dma_start3A_11 : memref<1x128xi32, #tpu.memory_space<hbm>> -> memref<128xi32, #tpu.memory_space<hbm>>
    %dma_start3A_13 = arith.constant 0 : i32
    %dma_start3A_14 = tpu.memref_slice %arg13[%dma_start3A, %dma_start3A_13] : memref<2x128xi32, #tpu.memory_space<vmem>> -> memref<1x128xi32, #tpu.memory_space<vmem>>
    %dma_start3A_15 = tpu.memref_squeeze %dma_start3A_14 : memref<1x128xi32, #tpu.memory_space<vmem>> -> memref<128xi32, #tpu.memory_space<vmem>>
    %dma_start3A_16 = arith.constant 0 : i32
    %dma_start3A_17 = tpu.memref_slice %arg3[%add3A_6, %dma_start3A_16] : memref<2564x128xi32, #tpu.memory_space<hbm>> -> memref<1x128xi32, #tpu.memory_space<hbm>>
    %dma_start3A_18 = tpu.memref_squeeze %dma_start3A_17 : memref<1x128xi32, #tpu.memory_space<hbm>> -> memref<128xi32, #tpu.memory_space<hbm>>
    tpu.enqueue_dma source(%dma_start3A_18 : memref<128xi32, #tpu.memory_space<hbm>>) target(%dma_start3A_15 : memref<128xi32, #tpu.memory_space<vmem>>) target_semaphore(%arg21 : memref<!tpu.dma_semaphore, #tpu.memory_space<semaphore_mem>>)
    %dma_start3A_19 = arith.constant 1 : i32
    %dma_start3A_20 = arith.constant 0 : i32
    %dma_start3A_21 = tpu.memref_slice %arg13[%dma_start3A_19, %dma_start3A_20] : memref<2x128xi32, #tpu.memory_space<vmem>> -> memref<1x128xi32, #tpu.memory_space<vmem>>
    %dma_start3A_22 = tpu.memref_squeeze %dma_start3A_21 : memref<1x128xi32, #tpu.memory_space<vmem>> -> memref<128xi32, #tpu.memory_space<vmem>>
    %dma_start3A_23 = arith.constant 0 : i32
    %dma_start3A_24 = tpu.memref_slice %arg4[%add3A_6, %dma_start3A_23] : memref<2564x128xi32, #tpu.memory_space<hbm>> -> memref<1x128xi32, #tpu.memory_space<hbm>>
    %dma_start3A_25 = tpu.memref_squeeze %dma_start3A_24 : memref<1x128xi32, #tpu.memory_space<hbm>> -> memref<128xi32, #tpu.memory_space<hbm>>
    %dma_start3A_26 = arith.constant 0 : i32
    %dma_start3A_27 = tpu.memref_slice %arg13[%dma_start3A_19, %dma_start3A_26] : memref<2x128xi32, #tpu.memory_space<vmem>> -> memref<1x128xi32, #tpu.memory_space<vmem>>
    %dma_start3A_28 = tpu.memref_squeeze %dma_start3A_27 : memref<1x128xi32, #tpu.memory_space<vmem>> -> memref<128xi32, #tpu.memory_space<vmem>>
    %dma_start3A_29 = arith.constant 0 : i32
    %dma_start3A_30 = tpu.memref_slice %arg4[%add3A_6, %dma_start3A_29] : memref<2564x128xi32, #tpu.memory_space<hbm>> -> memref<1x128xi32, #tpu.memory_space<hbm>>
    %dma_start3A_31 = tpu.memref_squeeze %dma_start3A_30 : memref<1x128xi32, #tpu.memory_space<hbm>> -> memref<128xi32, #tpu.memory_space<hbm>>
    tpu.enqueue_dma source(%dma_start3A_31 : memref<128xi32, #tpu.memory_space<hbm>>) target(%dma_start3A_28 : memref<128xi32, #tpu.memory_space<vmem>>) target_semaphore(%arg21 : memref<!tpu.dma_semaphore, #tpu.memory_space<semaphore_mem>>)
    %mul3A_32 = arith.constant 80 : i32
    %mul3A_33 = arith.muli %add3A, %mul3A_32 : i32
    %add3A_34 = arith.constant 1 : i32
    %add3A_35 = arith.addi %mul3A_33, %add3A_34 : i32
    %dma_start3A_36 = arith.constant 0 : i32
    %dma_start3A_37 = arith.constant 0 : i32
    %dma_start3A_38 = tpu.memref_slice %arg14[%dma_start3A_36, %dma_start3A_37] : memref<2x128xi32, #tpu.memory_space<vmem>> -> memref<1x128xi32, #tpu.memory_space<vmem>>
    %dma_start3A_39 = tpu.memref_squeeze %dma_start3A_38 : memref<1x128xi32, #tpu.memory_space<vmem>> -> memref<128xi32, #tpu.memory_space<vmem>>
    %dma_start3A_40 = arith.constant 0 : i32
    %dma_start3A_41 = tpu.memref_slice %arg3[%add3A_35, %dma_start3A_40] : memref<2564x128xi32, #tpu.memory_space<hbm>> -> memref<1x128xi32, #tpu.memory_space<hbm>>
    %dma_start3A_42 = tpu.memref_squeeze %dma_start3A_41 : memref<1x128xi32, #tpu.memory_space<hbm>> -> memref<128xi32, #tpu.memory_space<hbm>>
    %dma_start3A_43 = arith.constant 0 : i32
    %dma_start3A_44 = tpu.memref_slice %arg14[%dma_start3A_36, %dma_start3A_43] : memref<2x128xi32, #tpu.memory_space<vmem>> -> memref<1x128xi32, #tpu.memory_space<vmem>>
    %dma_start3A_45 = tpu.memref_squeeze %dma_start3A_44 : memref<1x128xi32, #tpu.memory_space<vmem>> -> memref<128xi32, #tpu.memory_space<vmem>>
    %dma_start3A_46 = arith.constant 0 : i32
    %dma_start3A_47 = tpu.memref_slice %arg3[%add3A_35, %dma_start3A_46] : memref<2564x128xi32, #tpu.memory_space<hbm>> -> memref<1x128xi32, #tpu.memory_space<hbm>>
    %dma_start3A_48 = tpu.memref_squeeze %dma_start3A_47 : memref<1x128xi32, #tpu.memory_space<hbm>> -> memref<128xi32, #tpu.memory_space<hbm>>
    tpu.enqueue_dma source(%dma_start3A_48 : memref<128xi32, #tpu.memory_space<hbm>>) target(%dma_start3A_45 : memref<128xi32, #tpu.memory_space<vmem>>) target_semaphore(%arg22 : memref<!tpu.dma_semaphore, #tpu.memory_space<semaphore_mem>>)
    %dma_start3A_49 = arith.constant 1 : i32
    %dma_start3A_50 = arith.constant 0 : i32
    %dma_start3A_51 = tpu.memref_slice %arg14[%dma_start3A_49, %dma_start3A_50] : memref<2x128xi32, #tpu.memory_space<vmem>> -> memref<1x128xi32, #tpu.memory_space<vmem>>
    %dma_start3A_52 = tpu.memref_squeeze %dma_start3A_51 : memref<1x128xi32, #tpu.memory_space<vmem>> -> memref<128xi32, #tpu.memory_space<vmem>>
    %dma_start3A_53 = arith.constant 0 : i32
    %dma_start3A_54 = tpu.memref_slice %arg4[%add3A_35, %dma_start3A_53] : memref<2564x128xi32, #tpu.memory_space<hbm>> -> memref<1x128xi32, #tpu.memory_space<hbm>>
    %dma_start3A_55 = tpu.memref_squeeze %dma_start3A_54 : memref<1x128xi32, #tpu.memory_space<hbm>> -> memref<128xi32, #tpu.memory_space<hbm>>
    %dma_start3A_56 = arith.constant 0 : i32
    %dma_start3A_57 = tpu.memref_slice %arg14[%dma_start3A_49, %dma_start3A_56] : memref<2x128xi32, #tpu.memory_space<vmem>> -> memref<1x128xi32, #tpu.memory_space<vmem>>
    %dma_start3A_58 = tpu.memref_squeeze %dma_start3A_57 : memref<1x128xi32, #tpu.memory_space<vmem>> -> memref<128xi32, #tpu.memory_space<vmem>>
    %dma_start3A_59 = arith.constant 0 : i32
    %dma_start3A_60 = tpu.memref_slice %arg4[%add3A_35, %dma_start3A_59] : memref<2564x128xi32, #tpu.memory_space<hbm>> -> memref<1x128xi32, #tpu.memory_space<hbm>>
    %dma_start3A_61 = tpu.memref_squeeze %dma_start3A_60 : memref<1x128xi32, #tpu.memory_space<hbm>> -> memref<128xi32, #tpu.memory_space<hbm>>
    tpu.enqueue_dma source(%dma_start3A_61 : memref<128xi32, #tpu.memory_space<hbm>>) target(%dma_start3A_58 : memref<128xi32, #tpu.memory_space<vmem>>) target_semaphore(%arg22 : memref<!tpu.dma_semaphore, #tpu.memory_space<semaphore_mem>>)
    %mul3A_62 = arith.constant 80 : i32
    %mul3A_63 = arith.muli %add3A, %mul3A_62 : i32
    %add3A_64 = arith.constant 2 : i32
    %add3A_65 = arith.addi %mul3A_63, %add3A_64 : i32
    %dma_start3A_66 = arith.constant 0 : i32
    %dma_start3A_67 = arith.constant 0 : i32
    %dma_start3A_68 = tpu.memref_slice %arg15[%dma_start3A_66, %dma_start3A_67] : memref<2x128xi32, #tpu.memory_space<vmem>> -> memref<1x128xi32, #tpu.memory_space<vmem>>
    %dma_start3A_69 = tpu.memref_squeeze %dma_start3A_68 : memref<1x128xi32, #tpu.memory_space<vmem>> -> memref<128xi32, #tpu.memory_space<vmem>>
    %dma_start3A_70 = arith.constant 0 : i32
    %dma_start3A_71 = tpu.memref_slice %arg3[%add3A_65, %dma_start3A_70] : memref<2564x128xi32, #tpu.memory_space<hbm>> -> memref<1x128xi32, #tpu.memory_space<hbm>>
    %dma_start3A_72 = tpu.memref_squeeze %dma_start3A_71 : memref<1x128xi32, #tpu.memory_space<hbm>> -> memref<128xi32, #tpu.memory_space<hbm>>
    %dma_start3A_73 = arith.constant 0 : i32
    %dma_start3A_74 = tpu.memref_slice %arg15[%dma_start3A_66, %dma_start3A_73] : memref<2x128xi32, #tpu.memory_space<vmem>> -> memref<1x128xi32, #tpu.memory_space<vmem>>
    %dma_start3A_75 = tpu.memref_squeeze %dma_start3A_74 : memref<1x128xi32, #tpu.memory_space<vmem>> -> memref<128xi32, #tpu.memory_space<vmem>>
    %dma_start3A_76 = arith.constant 0 : i32
    %dma_start3A_77 = tpu.memref_slice %arg3[%add3A_65, %dma_start3A_76] : memref<2564x128xi32, #tpu.memory_space<hbm>> -> memref<1x128xi32, #tpu.memory_space<hbm>>
    %dma_start3A_78 = tpu.memref_squeeze %dma_start3A_77 : memref<1x128xi32, #tpu.memory_space<hbm>> -> memref<128xi32, #tpu.memory_space<hbm>>
    tpu.enqueue_dma source(%dma_start3A_78 : memref<128xi32, #tpu.memory_space<hbm>>) target(%dma_start3A_75 : memref<128xi32, #tpu.memory_space<vmem>>) target_semaphore(%arg23 : memref<!tpu.dma_semaphore, #tpu.memory_space<semaphore_mem>>)
    %dma_start3A_79 = arith.constant 1 : i32
    %dma_start3A_80 = arith.constant 0 : i32
    %dma_start3A_81 = tpu.memref_slice %arg15[%dma_start3A_79, %dma_start3A_80] : memref<2x128xi32, #tpu.memory_space<vmem>> -> memref<1x128xi32, #tpu.memory_space<vmem>>
    %dma_start3A_82 = tpu.memref_squeeze %dma_start3A_81 : memref<1x128xi32, #tpu.memory_space<vmem>> -> memref<128xi32, #tpu.memory_space<vmem>>
    %dma_start3A_83 = arith.constant 0 : i32
    %dma_start3A_84 = tpu.memref_slice %arg4[%add3A_65, %dma_start3A_83] : memref<2564x128xi32, #tpu.memory_space<hbm>> -> memref<1x128xi32, #tpu.memory_space<hbm>>
    %dma_start3A_85 = tpu.memref_squeeze %dma_start3A_84 : memref<1x128xi32, #tpu.memory_space<hbm>> -> memref<128xi32, #tpu.memory_space<hbm>>
    %dma_start3A_86 = arith.constant 0 : i32
    %dma_start3A_87 = tpu.memref_slice %arg15[%dma_start3A_79, %dma_start3A_86] : memref<2x128xi32, #tpu.memory_space<vmem>> -> memref<1x128xi32, #tpu.memory_space<vmem>>
    %dma_start3A_88 = tpu.memref_squeeze %dma_start3A_87 : memref<1x128xi32, #tpu.memory_space<vmem>> -> memref<128xi32, #tpu.memory_space<vmem>>
    %dma_start3A_89 = arith.constant 0 : i32
    %dma_start3A_90 = tpu.memref_slice %arg4[%add3A_65, %dma_start3A_89] : memref<2564x128xi32, #tpu.memory_space<hbm>> -> memref<1x128xi32, #tpu.memory_space<hbm>>
    %dma_start3A_91 = tpu.memref_squeeze %dma_start3A_90 : memref<1x128xi32, #tpu.memory_space<hbm>> -> memref<128xi32, #tpu.memory_space<hbm>>
    tpu.enqueue_dma source(%dma_start3A_91 : memref<128xi32, #tpu.memory_space<hbm>>) target(%dma_start3A_88 : memref<128xi32, #tpu.memory_space<vmem>>) target_semaphore(%arg23 : memref<!tpu.dma_semaphore, #tpu.memory_space<semaphore_mem>>)
    %mul3A_92 = arith.constant 80 : i32
    %mul3A_93 = arith.muli %add3A, %mul3A_92 : i32
    %add3A_94 = arith.constant 3 : i32
    %add3A_95 = arith.addi %mul3A_93, %add3A_94 : i32
    %dma_start3A_96 = arith.constant 0 : i32
    %dma_start3A_97 = arith.constant 0 : i32
    %dma_start3A_98 = tpu.memref_slice %arg16[%dma_start3A_96, %dma_start3A_97] : memref<2x128xi32, #tpu.memory_space<vmem>> -> memref<1x128xi32, #tpu.memory_space<vmem>>
    %dma_start3A_99 = tpu.memref_squeeze %dma_start3A_98 : memref<1x128xi32, #tpu.memory_space<vmem>> -> memref<128xi32, #tpu.memory_space<vmem>>
    %dma_start3A_100 = arith.constant 0 : i32
    %dma_start3A_101 = tpu.memref_slice %arg3[%add3A_95, %dma_start3A_100] : memref<2564x128xi32, #tpu.memory_space<hbm>> -> memref<1x128xi32, #tpu.memory_space<hbm>>
    %dma_start3A_102 = tpu.memref_squeeze %dma_start3A_101 : memref<1x128xi32, #tpu.memory_space<hbm>> -> memref<128xi32, #tpu.memory_space<hbm>>
    %dma_start3A_103 = arith.constant 0 : i32
    %dma_start3A_104 = tpu.memref_slice %arg16[%dma_start3A_96, %dma_start3A_103] : memref<2x128xi32, #tpu.memory_space<vmem>> -> memref<1x128xi32, #tpu.memory_space<vmem>>
    %dma_start3A_105 = tpu.memref_squeeze %dma_start3A_104 : memref<1x128xi32, #tpu.memory_space<vmem>> -> memref<128xi32, #tpu.memory_space<vmem>>
    %dma_start3A_106 = arith.constant 0 : i32
    %dma_start3A_107 = tpu.memref_slice %arg3[%add3A_95, %dma_start3A_106] : memref<2564x128xi32, #tpu.memory_space<hbm>> -> memref<1x128xi32, #tpu.memory_space<hbm>>
    %dma_start3A_108 = tpu.memref_squeeze %dma_start3A_107 : memref<1x128xi32, #tpu.memory_space<hbm>> -> memref<128xi32, #tpu.memory_space<hbm>>
    tpu.enqueue_dma source(%dma_start3A_108 : memref<128xi32, #tpu.memory_space<hbm>>) target(%dma_start3A_105 : memref<128xi32, #tpu.memory_space<vmem>>) target_semaphore(%arg24 : memref<!tpu.dma_semaphore, #tpu.memory_space<semaphore_mem>>)
    %dma_start3A_109 = arith.constant 1 : i32
    %dma_start3A_110 = arith.constant 0 : i32
    %dma_start3A_111 = tpu.memref_slice %arg16[%dma_start3A_109, %dma_start3A_110] : memref<2x128xi32, #tpu.memory_space<vmem>> -> memref<1x128xi32, #tpu.memory_space<vmem>>
    %dma_start3A_112 = tpu.memref_squeeze %dma_start3A_111 : memref<1x128xi32, #tpu.memory_space<vmem>> -> memref<128xi32, #tpu.memory_space<vmem>>
    %dma_start3A_113 = arith.constant 0 : i32
    %dma_start3A_114 = tpu.memref_slice %arg4[%add3A_95, %dma_start3A_113] : memref<2564x128xi32, #tpu.memory_space<hbm>> -> memref<1x128xi32, #tpu.memory_space<hbm>>
    %dma_start3A_115 = tpu.memref_squeeze %dma_start3A_114 : memref<1x128xi32, #tpu.memory_space<hbm>> -> memref<128xi32, #tpu.memory_space<hbm>>
    %dma_start3A_116 = arith.constant 0 : i32
    %dma_start3A_117 = tpu.memref_slice %arg16[%dma_start3A_109, %dma_start3A_116] : memref<2x128xi32, #tpu.memory_space<vmem>> -> memref<1x128xi32, #tpu.memory_space<vmem>>
    %dma_start3A_118 = tpu.memref_squeeze %dma_start3A_117 : memref<1x128xi32, #tpu.memory_space<vmem>> -> memref<128xi32, #tpu.memory_space<vmem>>
    %dma_start3A_119 = arith.constant 0 : i32
    %dma_start3A_120 = tpu.memref_slice %arg4[%add3A_95, %dma_start3A_119] : memref<2564x128xi32, #tpu.memory_space<hbm>> -> memref<1x128xi32, #tpu.memory_space<hbm>>
    %dma_start3A_121 = tpu.memref_squeeze %dma_start3A_120 : memref<1x128xi32, #tpu.memory_space<hbm>> -> memref<128xi32, #tpu.memory_space<hbm>>
    tpu.enqueue_dma source(%dma_start3A_121 : memref<128xi32, #tpu.memory_space<hbm>>) target(%dma_start3A_118 : memref<128xi32, #tpu.memory_space<vmem>>) target_semaphore(%arg24 : memref<!tpu.dma_semaphore, #tpu.memory_space<semaphore_mem>>)
    %mul3A_122 = arith.constant 80 : i32
    %mul3A_123 = arith.muli %add3A, %mul3A_122 : i32
    %add3A_124 = arith.constant 0 : i32
    %add3A_125 = arith.addi %mul3A_123, %add3A_124 : i32
    %dma_wait3A = arith.constant 0 : i32
    %dma_wait3A_126 = arith.constant 0 : i32
    %dma_wait3A_127 = tpu.memref_slice %arg13[%dma_wait3A, %dma_wait3A_126] : memref<2x128xi32, #tpu.memory_space<vmem>> -> memref<1x128xi32, #tpu.memory_space<vmem>>
    %dma_wait3A_128 = tpu.memref_squeeze %dma_wait3A_127 : memref<1x128xi32, #tpu.memory_space<vmem>> -> memref<128xi32, #tpu.memory_space<vmem>>
    %dma_wait3A_129 = arith.constant 0 : i32
    %dma_wait3A_130 = tpu.memref_slice %arg3[%add3A_125, %dma_wait3A_129] : memref<2564x128xi32, #tpu.memory_space<hbm>> -> memref<1x128xi32, #tpu.memory_space<hbm>>
    %dma_wait3A_131 = tpu.memref_squeeze %dma_wait3A_130 : memref<1x128xi32, #tpu.memory_space<hbm>> -> memref<128xi32, #tpu.memory_space<hbm>>
    %dma_wait3A_132 = arith.constant 0 : i32
    %dma_wait3A_133 = tpu.memref_slice %arg13[%dma_wait3A, %dma_wait3A_132] : memref<2x128xi32, #tpu.memory_space<vmem>> -> memref<1x128xi32, #tpu.memory_space<vmem>>
    %dma_wait3A_134 = tpu.memref_squeeze %dma_wait3A_133 : memref<1x128xi32, #tpu.memory_space<vmem>> -> memref<128xi32, #tpu.memory_space<vmem>>
    %dma_wait3A_135 = arith.constant 0 : i32
    %dma_wait3A_136 = tpu.memref_slice %arg3[%add3A_125, %dma_wait3A_135] : memref<2564x128xi32, #tpu.memory_space<hbm>> -> memref<1x128xi32, #tpu.memory_space<hbm>>
    %dma_wait3A_137 = tpu.memref_squeeze %dma_wait3A_136 : memref<1x128xi32, #tpu.memory_space<hbm>> -> memref<128xi32, #tpu.memory_space<hbm>>
    tpu.wait_dma2 semaphore(%arg21 : memref<!tpu.dma_semaphore, #tpu.memory_space<semaphore_mem>>) src(%dma_wait3A_137 : memref<128xi32, #tpu.memory_space<hbm>>) dst(%dma_wait3A_134 : memref<128xi32, #tpu.memory_space<vmem>>)
    %dma_wait3A_138 = arith.constant 1 : i32
    %dma_wait3A_139 = arith.constant 0 : i32
    %dma_wait3A_140 = tpu.memref_slice %arg13[%dma_wait3A_138, %dma_wait3A_139] : memref<2x128xi32, #tpu.memory_space<vmem>> -> memref<1x128xi32, #tpu.memory_space<vmem>>
    %dma_wait3A_141 = tpu.memref_squeeze %dma_wait3A_140 : memref<1x128xi32, #tpu.memory_space<vmem>> -> memref<128xi32, #tpu.memory_space<vmem>>
    %dma_wait3A_142 = arith.constant 0 : i32
    %dma_wait3A_143 = tpu.memref_slice %arg4[%add3A_125, %dma_wait3A_142] : memref<2564x128xi32, #tpu.memory_space<hbm>> -> memref<1x128xi32, #tpu.memory_space<hbm>>
    %dma_wait3A_144 = tpu.memref_squeeze %dma_wait3A_143 : memref<1x128xi32, #tpu.memory_space<hbm>> -> memref<128xi32, #tpu.memory_space<hbm>>
    %dma_wait3A_145 = arith.constant 0 : i32
    %dma_wait3A_146 = tpu.memref_slice %arg13[%dma_wait3A_138, %dma_wait3A_145] : memref<2x128xi32, #tpu.memory_space<vmem>> -> memref<1x128xi32, #tpu.memory_space<vmem>>
    %dma_wait3A_147 = tpu.memref_squeeze %dma_wait3A_146 : memref<1x128xi32, #tpu.memory_space<vmem>> -> memref<128xi32, #tpu.memory_space<vmem>>
    %dma_wait3A_148 = arith.constant 0 : i32
    %dma_wait3A_149 = tpu.memref_slice %arg4[%add3A_125, %dma_wait3A_148] : memref<2564x128xi32, #tpu.memory_space<hbm>> -> memref<1x128xi32, #tpu.memory_space<hbm>>
    %dma_wait3A_150 = tpu.memref_squeeze %dma_wait3A_149 : memref<1x128xi32, #tpu.memory_space<hbm>> -> memref<128xi32, #tpu.memory_space<hbm>>
    tpu.wait_dma2 semaphore(%arg21 : memref<!tpu.dma_semaphore, #tpu.memory_space<semaphore_mem>>) src(%dma_wait3A_150 : memref<128xi32, #tpu.memory_space<hbm>>) dst(%dma_wait3A_147 : memref<128xi32, #tpu.memory_space<vmem>>)
    %dma_start3A_151 = arith.constant 0 : i32
    %dma_start3A_152 = arith.constant 0 : i32
    %dma_start3A_153 = tpu.memref_slice %arg13[%dma_start3A_151, %dma_start3A_152] : memref<2x128xi32, #tpu.memory_space<vmem>> -> memref<1x128xi32, #tpu.memory_space<vmem>>
    %dma_start3A_154 = tpu.memref_squeeze %dma_start3A_153 : memref<1x128xi32, #tpu.memory_space<vmem>> -> memref<128xi32, #tpu.memory_space<vmem>>
    %dma_start3A_155 = arith.constant 0 : i32
    %dma_start3A_156 = arith.constant 0 : i32
    %dma_start3A_157 = tpu.memref_slice %arg2[%dma_start3A_155, %dma_start3A_156] : memref<10000x128xf32, #tpu.memory_space<hbm>> -> memref<10000x128xf32, #tpu.memory_space<hbm>>
    tpu.enqueue_indirect_dma source(%dma_start3A_157 : memref<10000x128xf32, #tpu.memory_space<hbm>>) target(%arg11 : memref<128x128xf32, #tpu.memory_space<vmem>>) offsets(%dma_start3A_154 : memref<128xi32, #tpu.memory_space<vmem>>) semaphore(%arg17 : memref<!tpu.dma_semaphore, #tpu.memory_space<semaphore_mem>>)
    %mul3A_158 = arith.constant 80 : i32
    %mul3A_159 = arith.muli %add3A, %mul3A_158 : i32
    %add3A_160 = arith.constant 1 : i32
    %add3A_161 = arith.addi %mul3A_159, %add3A_160 : i32
    %dma_wait3A_162 = arith.constant 0 : i32
    %dma_wait3A_163 = arith.constant 0 : i32
    %dma_wait3A_164 = tpu.memref_slice %arg14[%dma_wait3A_162, %dma_wait3A_163] : memref<2x128xi32, #tpu.memory_space<vmem>> -> memref<1x128xi32, #tpu.memory_space<vmem>>
    %dma_wait3A_165 = tpu.memref_squeeze %dma_wait3A_164 : memref<1x128xi32, #tpu.memory_space<vmem>> -> memref<128xi32, #tpu.memory_space<vmem>>
    %dma_wait3A_166 = arith.constant 0 : i32
    %dma_wait3A_167 = tpu.memref_slice %arg3[%add3A_161, %dma_wait3A_166] : memref<2564x128xi32, #tpu.memory_space<hbm>> -> memref<1x128xi32, #tpu.memory_space<hbm>>
    %dma_wait3A_168 = tpu.memref_squeeze %dma_wait3A_167 : memref<1x128xi32, #tpu.memory_space<hbm>> -> memref<128xi32, #tpu.memory_space<hbm>>
    %dma_wait3A_169 = arith.constant 0 : i32
    %dma_wait3A_170 = tpu.memref_slice %arg14[%dma_wait3A_162, %dma_wait3A_169] : memref<2x128xi32, #tpu.memory_space<vmem>> -> memref<1x128xi32, #tpu.memory_space<vmem>>
    %dma_wait3A_171 = tpu.memref_squeeze %dma_wait3A_170 : memref<1x128xi32, #tpu.memory_space<vmem>> -> memref<128xi32, #tpu.memory_space<vmem>>
    %dma_wait3A_172 = arith.constant 0 : i32
    %dma_wait3A_173 = tpu.memref_slice %arg3[%add3A_161, %dma_wait3A_172] : memref<2564x128xi32, #tpu.memory_space<hbm>> -> memref<1x128xi32, #tpu.memory_space<hbm>>
    %dma_wait3A_174 = tpu.memref_squeeze %dma_wait3A_173 : memref<1x128xi32, #tpu.memory_space<hbm>> -> memref<128xi32, #tpu.memory_space<hbm>>
    tpu.wait_dma2 semaphore(%arg22 : memref<!tpu.dma_semaphore, #tpu.memory_space<semaphore_mem>>) src(%dma_wait3A_174 : memref<128xi32, #tpu.memory_space<hbm>>) dst(%dma_wait3A_171 : memref<128xi32, #tpu.memory_space<vmem>>)
    %dma_wait3A_175 = arith.constant 1 : i32
    %dma_wait3A_176 = arith.constant 0 : i32
    %dma_wait3A_177 = tpu.memref_slice %arg14[%dma_wait3A_175, %dma_wait3A_176] : memref<2x128xi32, #tpu.memory_space<vmem>> -> memref<1x128xi32, #tpu.memory_space<vmem>>
    %dma_wait3A_178 = tpu.memref_squeeze %dma_wait3A_177 : memref<1x128xi32, #tpu.memory_space<vmem>> -> memref<128xi32, #tpu.memory_space<vmem>>
    %dma_wait3A_179 = arith.constant 0 : i32
    %dma_wait3A_180 = tpu.memref_slice %arg4[%add3A_161, %dma_wait3A_179] : memref<2564x128xi32, #tpu.memory_space<hbm>> -> memref<1x128xi32, #tpu.memory_space<hbm>>
    %dma_wait3A_181 = tpu.memref_squeeze %dma_wait3A_180 : memref<1x128xi32, #tpu.memory_space<hbm>> -> memref<128xi32, #tpu.memory_space<hbm>>
    %dma_wait3A_182 = arith.constant 0 : i32
    %dma_wait3A_183 = tpu.memref_slice %arg14[%dma_wait3A_175, %dma_wait3A_182] : memref<2x128xi32, #tpu.memory_space<vmem>> -> memref<1x128xi32, #tpu.memory_space<vmem>>
    %dma_wait3A_184 = tpu.memref_squeeze %dma_wait3A_183 : memref<1x128xi32, #tpu.memory_space<vmem>> -> memref<128xi32, #tpu.memory_space<vmem>>
    %dma_wait3A_185 = arith.constant 0 : i32
    %dma_wait3A_186 = tpu.memref_slice %arg4[%add3A_161, %dma_wait3A_185] : memref<2564x128xi32, #tpu.memory_space<hbm>> -> memref<1x128xi32, #tpu.memory_space<hbm>>
    %dma_wait3A_187 = tpu.memref_squeeze %dma_wait3A_186 : memref<1x128xi32, #tpu.memory_space<hbm>> -> memref<128xi32, #tpu.memory_space<hbm>>
    tpu.wait_dma2 semaphore(%arg22 : memref<!tpu.dma_semaphore, #tpu.memory_space<semaphore_mem>>) src(%dma_wait3A_187 : memref<128xi32, #tpu.memory_space<hbm>>) dst(%dma_wait3A_184 : memref<128xi32, #tpu.memory_space<vmem>>)
    %dma_start3A_188 = arith.constant 0 : i32
    %dma_start3A_189 = arith.constant 0 : i32
    %dma_start3A_190 = tpu.memref_slice %arg14[%dma_start3A_188, %dma_start3A_189] : memref<2x128xi32, #tpu.memory_space<vmem>> -> memref<1x128xi32, #tpu.memory_space<vmem>>
    %dma_start3A_191 = tpu.memref_squeeze %dma_start3A_190 : memref<1x128xi32, #tpu.memory_space<vmem>> -> memref<128xi32, #tpu.memory_space<vmem>>
    %dma_start3A_192 = arith.constant 0 : i32
    %dma_start3A_193 = arith.constant 0 : i32
    %dma_start3A_194 = tpu.memref_slice %arg2[%dma_start3A_192, %dma_start3A_193] : memref<10000x128xf32, #tpu.memory_space<hbm>> -> memref<10000x128xf32, #tpu.memory_space<hbm>>
    tpu.enqueue_indirect_dma source(%dma_start3A_194 : memref<10000x128xf32, #tpu.memory_space<hbm>>) target(%arg12 : memref<128x128xf32, #tpu.memory_space<vmem>>) offsets(%dma_start3A_191 : memref<128xi32, #tpu.memory_space<vmem>>) semaphore(%arg18 : memref<!tpu.dma_semaphore, #tpu.memory_space<semaphore_mem>>)
    %scan3A = arith.constant 0 : i32
    %scan3A_195 = arith.constant 20 : i32
    %scan3A_196 = arith.addi %scan3A, %scan3A_195 : i32
    %scan3A_197 = arith.constant 1 : i32
    scf.for %scan3A_274 = %scan3A to %scan3A_196 step %scan3A_197  : i32 {
      %mul3A_275 = arith.constant 4 : i32
      %mul3A_276 = arith.muli %scan3A_274, %mul3A_275 : i32
      %add3A_277 = arith.constant 0 : i32
      %add3A_278 = arith.addi %add3A_277, %mul3A_276 : i32
      %dma_wait3A_279 = arith.constant 0 : i32
      %dma_wait3A_280 = arith.constant 0 : i32
      %dma_wait3A_281 = tpu.memref_slice %arg13[%dma_wait3A_279, %dma_wait3A_280] : memref<2x128xi32, #tpu.memory_space<vmem>> -> memref<1x128xi32, #tpu.memory_space<vmem>>
      %dma_wait3A_282 = tpu.memref_squeeze %dma_wait3A_281 : memref<1x128xi32, #tpu.memory_space<vmem>> -> memref<128xi32, #tpu.memory_space<vmem>>
      %dma_wait3A_283 = arith.constant 0 : i32
      %dma_wait3A_284 = arith.constant 0 : i32
      %dma_wait3A_285 = tpu.memref_slice %arg2[%dma_wait3A_283, %dma_wait3A_284] : memref<10000x128xf32, #tpu.memory_space<hbm>> -> memref<10000x128xf32, #tpu.memory_space<hbm>>
      tpu.wait_indirect_dma semaphore(%arg17 : memref<!tpu.dma_semaphore, #tpu.memory_space<semaphore_mem>>) src(%dma_wait3A_285 : memref<10000x128xf32, #tpu.memory_space<hbm>>) dst(%arg11 : memref<128x128xf32, #tpu.memory_space<vmem>>)
      %dma_start3A_286 = arith.constant 1 : i32
      %dma_start3A_287 = arith.constant 0 : i32
      %dma_start3A_288 = tpu.memref_slice %arg13[%dma_start3A_286, %dma_start3A_287] : memref<2x128xi32, #tpu.memory_space<vmem>> -> memref<1x128xi32, #tpu.memory_space<vmem>>
      %dma_start3A_289 = tpu.memref_squeeze %dma_start3A_288 : memref<1x128xi32, #tpu.memory_space<vmem>> -> memref<128xi32, #tpu.memory_space<vmem>>
      %dma_start3A_290 = arith.constant 0 : i32
      %dma_start3A_291 = arith.constant 0 : i32
      %dma_start3A_292 = tpu.memref_slice %arg10[%dma_start3A_290, %dma_start3A_291] : memref<10112x128xf32, #tpu.memory_space<vmem_shared>> -> memref<10112x128xf32, #tpu.memory_space<vmem_shared>>
      tpu.enqueue_indirect_dma source(%arg11 : memref<128x128xf32, #tpu.memory_space<vmem>>) target(%dma_start3A_292 : memref<10112x128xf32, #tpu.memory_space<vmem_shared>>) offsets(%dma_start3A_289 : memref<128xi32, #tpu.memory_space<vmem>>) semaphore(%arg19 : memref<!tpu.dma_semaphore, #tpu.memory_space<semaphore_mem>>) {add = true}
      %dma_start3A_293 = arith.constant 1 : i32
      %dma_start3A_294 = arith.constant 0 : i32
      %dma_start3A_295 = tpu.memref_slice %arg13[%dma_start3A_293, %dma_start3A_294] : memref<2x128xi32, #tpu.memory_space<vmem>> -> memref<1x128xi32, #tpu.memory_space<vmem>>
      %dma_start3A_296 = tpu.memref_squeeze %dma_start3A_295 : memref<1x128xi32, #tpu.memory_space<vmem>> -> memref<128xi32, #tpu.memory_space<vmem>>
      %dma_start3A_297 = arith.constant 0 : i32
      %dma_start3A_298 = arith.constant 0 : i32
      %dma_start3A_299 = tpu.memref_slice %arg25[%dma_start3A_297, %dma_start3A_298] : memref<10112x16xf32, #tpu.memory_space<vmem_shared>> -> memref<10112x16xf32, #tpu.memory_space<vmem_shared>>
      tpu.enqueue_indirect_dma source(%arg26 : memref<128x16xf32, #tpu.memory_space<vmem>>) target(%dma_start3A_299 : memref<10112x16xf32, #tpu.memory_space<vmem_shared>>) offsets(%dma_start3A_296 : memref<128xi32, #tpu.memory_space<vmem>>) semaphore(%arg27 : memref<!tpu.dma_semaphore, #tpu.memory_space<semaphore_mem>>) {add = true}
      %dma_wait3A_300 = arith.constant 0 : i32
      %dma_wait3A_301 = arith.constant 0 : i32
      %dma_wait3A_302 = tpu.memref_slice %arg14[%dma_wait3A_300, %dma_wait3A_301] : memref<2x128xi32, #tpu.memory_space<vmem>> -> memref<1x128xi32, #tpu.memory_space<vmem>>
      %dma_wait3A_303 = tpu.memref_squeeze %dma_wait3A_302 : memref<1x128xi32, #tpu.memory_space<vmem>> -> memref<128xi32, #tpu.memory_space<vmem>>
      %dma_wait3A_304 = arith.constant 0 : i32
      %dma_wait3A_305 = arith.constant 0 : i32
      %dma_wait3A_306 = tpu.memref_slice %arg2[%dma_wait3A_304, %dma_wait3A_305] : memref<10000x128xf32, #tpu.memory_space<hbm>> -> memref<10000x128xf32, #tpu.memory_space<hbm>>
      tpu.wait_indirect_dma semaphore(%arg18 : memref<!tpu.dma_semaphore, #tpu.memory_space<semaphore_mem>>) src(%dma_wait3A_306 : memref<10000x128xf32, #tpu.memory_space<hbm>>) dst(%arg12 : memref<128x128xf32, #tpu.memory_space<vmem>>)
      %dma_start3A_307 = arith.constant 1 : i32
      %dma_start3A_308 = arith.constant 0 : i32
      %dma_start3A_309 = tpu.memref_slice %arg14[%dma_start3A_307, %dma_start3A_308] : memref<2x128xi32, #tpu.memory_space<vmem>> -> memref<1x128xi32, #tpu.memory_space<vmem>>
      %dma_start3A_310 = tpu.memref_squeeze %dma_start3A_309 : memref<1x128xi32, #tpu.memory_space<vmem>> -> memref<128xi32, #tpu.memory_space<vmem>>
      %dma_start3A_311 = arith.constant 0 : i32
      %dma_start3A_312 = arith.constant 0 : i32
      %dma_start3A_313 = tpu.memref_slice %arg10[%dma_start3A_311, %dma_start3A_312] : memref<10112x128xf32, #tpu.memory_space<vmem_shared>> -> memref<10112x128xf32, #tpu.memory_space<vmem_shared>>
      tpu.enqueue_indirect_dma source(%arg12 : memref<128x128xf32, #tpu.memory_space<vmem>>) target(%dma_start3A_313 : memref<10112x128xf32, #tpu.memory_space<vmem_shared>>) offsets(%dma_start3A_310 : memref<128xi32, #tpu.memory_space<vmem>>) semaphore(%arg20 : memref<!tpu.dma_semaphore, #tpu.memory_space<semaphore_mem>>) {add = true}
      %dma_start3A_314 = arith.constant 1 : i32
      %dma_start3A_315 = arith.constant 0 : i32
      %dma_start3A_316 = tpu.memref_slice %arg14[%dma_start3A_314, %dma_start3A_315] : memref<2x128xi32, #tpu.memory_space<vmem>> -> memref<1x128xi32, #tpu.memory_space<vmem>>
      %dma_start3A_317 = tpu.memref_squeeze %dma_start3A_316 : memref<1x128xi32, #tpu.memory_space<vmem>> -> memref<128xi32, #tpu.memory_space<vmem>>
      %dma_start3A_318 = arith.constant 0 : i32
      %dma_start3A_319 = arith.constant 0 : i32
      %dma_start3A_320 = tpu.memref_slice %arg25[%dma_start3A_318, %dma_start3A_319] : memref<10112x16xf32, #tpu.memory_space<vmem_shared>> -> memref<10112x16xf32, #tpu.memory_space<vmem_shared>>
      tpu.enqueue_indirect_dma source(%arg26 : memref<128x16xf32, #tpu.memory_space<vmem>>) target(%dma_start3A_320 : memref<10112x16xf32, #tpu.memory_space<vmem_shared>>) offsets(%dma_start3A_317 : memref<128xi32, #tpu.memory_space<vmem>>) semaphore(%arg28 : memref<!tpu.dma_semaphore, #tpu.memory_space<semaphore_mem>>) {add = true}
      %dma_wait3A_321 = arith.constant 1 : i32
      %dma_wait3A_322 = arith.constant 0 : i32
      %dma_wait3A_323 = tpu.memref_slice %arg13[%dma_wait3A_321, %dma_wait3A_322] : memref<2x128xi32, #tpu.memory_space<vmem>> -> memref<1x128xi32, #tpu.memory_space<vmem>>
      %dma_wait3A_324 = tpu.memref_squeeze %dma_wait3A_323 : memref<1x128xi32, #tpu.memory_space<vmem>> -> memref<128xi32, #tpu.memory_space<vmem>>
      %dma_wait3A_325 = arith.constant 0 : i32
      %dma_wait3A_326 = arith.constant 0 : i32
      %dma_wait3A_327 = tpu.memref_slice %arg10[%dma_wait3A_325, %dma_wait3A_326] : memref<10112x128xf32, #tpu.memory_space<vmem_shared>> -> memref<10112x128xf32, #tpu.memory_space<vmem_shared>>
      tpu.wait_indirect_dma semaphore(%arg19 : memref<!tpu.dma_semaphore, #tpu.memory_space<semaphore_mem>>) src(%arg11 : memref<128x128xf32, #tpu.memory_space<vmem>>) dst(%dma_wait3A_327 : memref<10112x128xf32, #tpu.memory_space<vmem_shared>>)
      %dma_wait3A_328 = arith.constant 1 : i32
      %dma_wait3A_329 = arith.constant 0 : i32
      %dma_wait3A_330 = tpu.memref_slice %arg13[%dma_wait3A_328, %dma_wait3A_329] : memref<2x128xi32, #tpu.memory_space<vmem>> -> memref<1x128xi32, #tpu.memory_space<vmem>>
      %dma_wait3A_331 = tpu.memref_squeeze %dma_wait3A_330 : memref<1x128xi32, #tpu.memory_space<vmem>> -> memref<128xi32, #tpu.memory_space<vmem>>
      %dma_wait3A_332 = arith.constant 0 : i32
      %dma_wait3A_333 = arith.constant 0 : i32
      %dma_wait3A_334 = tpu.memref_slice %arg25[%dma_wait3A_332, %dma_wait3A_333] : memref<10112x16xf32, #tpu.memory_space<vmem_shared>> -> memref<10112x16xf32, #tpu.memory_space<vmem_shared>>
      tpu.wait_indirect_dma semaphore(%arg27 : memref<!tpu.dma_semaphore, #tpu.memory_space<semaphore_mem>>) src(%arg26 : memref<128x16xf32, #tpu.memory_space<vmem>>) dst(%dma_wait3A_334 : memref<10112x16xf32, #tpu.memory_space<vmem_shared>>)
      %add3A_335 = arith.constant 4 : i32
      %add3A_336 = arith.addi %add3A_278, %add3A_335 : i32
      %mul3A_337 = arith.constant 80 : i32
      %mul3A_338 = arith.muli %add3A, %mul3A_337 : i32
      %add3A_339 = arith.addi %mul3A_338, %add3A_336 : i32
      %dma_start3A_340 = arith.constant 0 : i32
      %dma_start3A_341 = arith.constant 0 : i32
      %dma_start3A_342 = tpu.memref_slice %arg13[%dma_start3A_340, %dma_start3A_341] : memref<2x128xi32, #tpu.memory_space<vmem>> -> memref<1x128xi32, #tpu.memory_space<vmem>>
      %dma_start3A_343 = tpu.memref_squeeze %dma_start3A_342 : memref<1x128xi32, #tpu.memory_space<vmem>> -> memref<128xi32, #tpu.memory_space<vmem>>
      %dma_start3A_344 = arith.constant 0 : i32
      %dma_start3A_345 = tpu.memref_slice %arg3[%add3A_339, %dma_start3A_344] : memref<2564x128xi32, #tpu.memory_space<hbm>> -> memref<1x128xi32, #tpu.memory_space<hbm>>
      %dma_start3A_346 = tpu.memref_squeeze %dma_start3A_345 : memref<1x128xi32, #tpu.memory_space<hbm>> -> memref<128xi32, #tpu.memory_space<hbm>>
      %dma_start3A_347 = arith.constant 0 : i32
      %dma_start3A_348 = tpu.memref_slice %arg13[%dma_start3A_340, %dma_start3A_347] : memref<2x128xi32, #tpu.memory_space<vmem>> -> memref<1x128xi32, #tpu.memory_space<vmem>>
      %dma_start3A_349 = tpu.memref_squeeze %dma_start3A_348 : memref<1x128xi32, #tpu.memory_space<vmem>> -> memref<128xi32, #tpu.memory_space<vmem>>
      %dma_start3A_350 = arith.constant 0 : i32
      %dma_start3A_351 = tpu.memref_slice %arg3[%add3A_339, %dma_start3A_350] : memref<2564x128xi32, #tpu.memory_space<hbm>> -> memref<1x128xi32, #tpu.memory_space<hbm>>
      %dma_start3A_352 = tpu.memref_squeeze %dma_start3A_351 : memref<1x128xi32, #tpu.memory_space<hbm>> -> memref<128xi32, #tpu.memory_space<hbm>>
      tpu.enqueue_dma source(%dma_start3A_352 : memref<128xi32, #tpu.memory_space<hbm>>) target(%dma_start3A_349 : memref<128xi32, #tpu.memory_space<vmem>>) target_semaphore(%arg21 : memref<!tpu.dma_semaphore, #tpu.memory_space<semaphore_mem>>)
      %dma_start3A_353 = arith.constant 1 : i32
      %dma_start3A_354 = arith.constant 0 : i32
      %dma_start3A_355 = tpu.memref_slice %arg13[%dma_start3A_353, %dma_start3A_354] : memref<2x128xi32, #tpu.memory_space<vmem>> -> memref<1x128xi32, #tpu.memory_space<vmem>>
      %dma_start3A_356 = tpu.memref_squeeze %dma_start3A_355 : memref<1x128xi32, #tpu.memory_space<vmem>> -> memref<128xi32, #tpu.memory_space<vmem>>
      %dma_start3A_357 = arith.constant 0 : i32
      %dma_start3A_358 = tpu.memref_slice %arg4[%add3A_339, %dma_start3A_357] : memref<2564x128xi32, #tpu.memory_space<hbm>> -> memref<1x128xi32, #tpu.memory_space<hbm>>
      %dma_start3A_359 = tpu.memref_squeeze %dma_start3A_358 : memref<1x128xi32, #tpu.memory_space<hbm>> -> memref<128xi32, #tpu.memory_space<hbm>>
      %dma_start3A_360 = arith.constant 0 : i32
      %dma_start3A_361 = tpu.memref_slice %arg13[%dma_start3A_353, %dma_start3A_360] : memref<2x128xi32, #tpu.memory_space<vmem>> -> memref<1x128xi32, #tpu.memory_space<vmem>>
      %dma_start3A_362 = tpu.memref_squeeze %dma_start3A_361 : memref<1x128xi32, #tpu.memory_space<vmem>> -> memref<128xi32, #tpu.memory_space<vmem>>
      %dma_start3A_363 = arith.constant 0 : i32
      %dma_start3A_364 = tpu.memref_slice %arg4[%add3A_339, %dma_start3A_363] : memref<2564x128xi32, #tpu.memory_space<hbm>> -> memref<1x128xi32, #tpu.memory_space<hbm>>
      %dma_start3A_365 = tpu.memref_squeeze %dma_start3A_364 : memref<1x128xi32, #tpu.memory_space<hbm>> -> memref<128xi32, #tpu.memory_space<hbm>>
      tpu.enqueue_dma source(%dma_start3A_365 : memref<128xi32, #tpu.memory_space<hbm>>) target(%dma_start3A_362 : memref<128xi32, #tpu.memory_space<vmem>>) target_semaphore(%arg21 : memref<!tpu.dma_semaphore, #tpu.memory_space<semaphore_mem>>)
      %add3A_366 = arith.constant 2 : i32
      %add3A_367 = arith.addi %add3A_278, %add3A_366 : i32
      %mul3A_368 = arith.constant 80 : i32
      %mul3A_369 = arith.muli %add3A, %mul3A_368 : i32
      %add3A_370 = arith.addi %mul3A_369, %add3A_367 : i32
      %dma_wait3A_371 = arith.constant 0 : i32
      %dma_wait3A_372 = arith.constant 0 : i32
      %dma_wait3A_373 = tpu.memref_slice %arg15[%dma_wait3A_371, %dma_wait3A_372] : memref<2x128xi32, #tpu.memory_space<vmem>> -> memref<1x128xi32, #tpu.memory_space<vmem>>
      %dma_wait3A_374 = tpu.memref_squeeze %dma_wait3A_373 : memref<1x128xi32, #tpu.memory_space<vmem>> -> memref<128xi32, #tpu.memory_space<vmem>>
      %dma_wait3A_375 = arith.constant 0 : i32
      %dma_wait3A_376 = tpu.memref_slice %arg3[%add3A_370, %dma_wait3A_375] : memref<2564x128xi32, #tpu.memory_space<hbm>> -> memref<1x128xi32, #tpu.memory_space<hbm>>
      %dma_wait3A_377 = tpu.memref_squeeze %dma_wait3A_376 : memref<1x128xi32, #tpu.memory_space<hbm>> -> memref<128xi32, #tpu.memory_space<hbm>>
      %dma_wait3A_378 = arith.constant 0 : i32
      %dma_wait3A_379 = tpu.memref_slice %arg15[%dma_wait3A_371, %dma_wait3A_378] : memref<2x128xi32, #tpu.memory_space<vmem>> -> memref<1x128xi32, #tpu.memory_space<vmem>>
      %dma_wait3A_380 = tpu.memref_squeeze %dma_wait3A_379 : memref<1x128xi32, #tpu.memory_space<vmem>> -> memref<128xi32, #tpu.memory_space<vmem>>
      %dma_wait3A_381 = arith.constant 0 : i32
      %dma_wait3A_382 = tpu.memref_slice %arg3[%add3A_370, %dma_wait3A_381] : memref<2564x128xi32, #tpu.memory_space<hbm>> -> memref<1x128xi32, #tpu.memory_space<hbm>>
      %dma_wait3A_383 = tpu.memref_squeeze %dma_wait3A_382 : memref<1x128xi32, #tpu.memory_space<hbm>> -> memref<128xi32, #tpu.memory_space<hbm>>
      tpu.wait_dma2 semaphore(%arg23 : memref<!tpu.dma_semaphore, #tpu.memory_space<semaphore_mem>>) src(%dma_wait3A_383 : memref<128xi32, #tpu.memory_space<hbm>>) dst(%dma_wait3A_380 : memref<128xi32, #tpu.memory_space<vmem>>)
      %dma_wait3A_384 = arith.constant 1 : i32
      %dma_wait3A_385 = arith.constant 0 : i32
      %dma_wait3A_386 = tpu.memref_slice %arg15[%dma_wait3A_384, %dma_wait3A_385] : memref<2x128xi32, #tpu.memory_space<vmem>> -> memref<1x128xi32, #tpu.memory_space<vmem>>
      %dma_wait3A_387 = tpu.memref_squeeze %dma_wait3A_386 : memref<1x128xi32, #tpu.memory_space<vmem>> -> memref<128xi32, #tpu.memory_space<vmem>>
      %dma_wait3A_388 = arith.constant 0 : i32
      %dma_wait3A_389 = tpu.memref_slice %arg4[%add3A_370, %dma_wait3A_388] : memref<2564x128xi32, #tpu.memory_space<hbm>> -> memref<1x128xi32, #tpu.memory_space<hbm>>
      %dma_wait3A_390 = tpu.memref_squeeze %dma_wait3A_389 : memref<1x128xi32, #tpu.memory_space<hbm>> -> memref<128xi32, #tpu.memory_space<hbm>>
      %dma_wait3A_391 = arith.constant 0 : i32
      %dma_wait3A_392 = tpu.memref_slice %arg15[%dma_wait3A_384, %dma_wait3A_391] : memref<2x128xi32, #tpu.memory_space<vmem>> -> memref<1x128xi32, #tpu.memory_space<vmem>>
      %dma_wait3A_393 = tpu.memref_squeeze %dma_wait3A_392 : memref<1x128xi32, #tpu.memory_space<vmem>> -> memref<128xi32, #tpu.memory_space<vmem>>
      %dma_wait3A_394 = arith.constant 0 : i32
      %dma_wait3A_395 = tpu.memref_slice %arg4[%add3A_370, %dma_wait3A_394] : memref<2564x128xi32, #tpu.memory_space<hbm>> -> memref<1x128xi32, #tpu.memory_space<hbm>>
      %dma_wait3A_396 = tpu.memref_squeeze %dma_wait3A_395 : memref<1x128xi32, #tpu.memory_space<hbm>> -> memref<128xi32, #tpu.memory_space<hbm>>
      tpu.wait_dma2 semaphore(%arg23 : memref<!tpu.dma_semaphore, #tpu.memory_space<semaphore_mem>>) src(%dma_wait3A_396 : memref<128xi32, #tpu.memory_space<hbm>>) dst(%dma_wait3A_393 : memref<128xi32, #tpu.memory_space<vmem>>)
      %dma_start3A_397 = arith.constant 0 : i32
      %dma_start3A_398 = arith.constant 0 : i32
      %dma_start3A_399 = tpu.memref_slice %arg15[%dma_start3A_397, %dma_start3A_398] : memref<2x128xi32, #tpu.memory_space<vmem>> -> memref<1x128xi32, #tpu.memory_space<vmem>>
      %dma_start3A_400 = tpu.memref_squeeze %dma_start3A_399 : memref<1x128xi32, #tpu.memory_space<vmem>> -> memref<128xi32, #tpu.memory_space<vmem>>
      %dma_start3A_401 = arith.constant 0 : i32
      %dma_start3A_402 = arith.constant 0 : i32
      %dma_start3A_403 = tpu.memref_slice %arg2[%dma_start3A_401, %dma_start3A_402] : memref<10000x128xf32, #tpu.memory_space<hbm>> -> memref<10000x128xf32, #tpu.memory_space<hbm>>
      tpu.enqueue_indirect_dma source(%dma_start3A_403 : memref<10000x128xf32, #tpu.memory_space<hbm>>) target(%arg11 : memref<128x128xf32, #tpu.memory_space<vmem>>) offsets(%dma_start3A_400 : memref<128xi32, #tpu.memory_space<vmem>>) semaphore(%arg17 : memref<!tpu.dma_semaphore, #tpu.memory_space<semaphore_mem>>)
      %dma_wait3A_404 = arith.constant 1 : i32
      %dma_wait3A_405 = arith.constant 0 : i32
      %dma_wait3A_406 = tpu.memref_slice %arg14[%dma_wait3A_404, %dma_wait3A_405] : memref<2x128xi32, #tpu.memory_space<vmem>> -> memref<1x128xi32, #tpu.memory_space<vmem>>
      %dma_wait3A_407 = tpu.memref_squeeze %dma_wait3A_406 : memref<1x128xi32, #tpu.memory_space<vmem>> -> memref<128xi32, #tpu.memory_space<vmem>>
      %dma_wait3A_408 = arith.constant 0 : i32
      %dma_wait3A_409 = arith.constant 0 : i32
      %dma_wait3A_410 = tpu.memref_slice %arg10[%dma_wait3A_408, %dma_wait3A_409] : memref<10112x128xf32, #tpu.memory_space<vmem_shared>> -> memref<10112x128xf32, #tpu.memory_space<vmem_shared>>
      tpu.wait_indirect_dma semaphore(%arg20 : memref<!tpu.dma_semaphore, #tpu.memory_space<semaphore_mem>>) src(%arg12 : memref<128x128xf32, #tpu.memory_space<vmem>>) dst(%dma_wait3A_410 : memref<10112x128xf32, #tpu.memory_space<vmem_shared>>)
      %dma_wait3A_411 = arith.constant 1 : i32
      %dma_wait3A_412 = arith.constant 0 : i32
      %dma_wait3A_413 = tpu.memref_slice %arg14[%dma_wait3A_411, %dma_wait3A_412] : memref<2x128xi32, #tpu.memory_space<vmem>> -> memref<1x128xi32, #tpu.memory_space<vmem>>
      %dma_wait3A_414 = tpu.memref_squeeze %dma_wait3A_413 : memref<1x128xi32, #tpu.memory_space<vmem>> -> memref<128xi32, #tpu.memory_space<vmem>>
      %dma_wait3A_415 = arith.constant 0 : i32
      %dma_wait3A_416 = arith.constant 0 : i32
      %dma_wait3A_417 = tpu.memref_slice %arg25[%dma_wait3A_415, %dma_wait3A_416] : memref<10112x16xf32, #tpu.memory_space<vmem_shared>> -> memref<10112x16xf32, #tpu.memory_space<vmem_shared>>
      tpu.wait_indirect_dma semaphore(%arg28 : memref<!tpu.dma_semaphore, #tpu.memory_space<semaphore_mem>>) src(%arg26 : memref<128x16xf32, #tpu.memory_space<vmem>>) dst(%dma_wait3A_417 : memref<10112x16xf32, #tpu.memory_space<vmem_shared>>)
      %add3A_418 = arith.constant 5 : i32
      %add3A_419 = arith.addi %add3A_278, %add3A_418 : i32
      %mul3A_420 = arith.constant 80 : i32
      %mul3A_421 = arith.muli %add3A, %mul3A_420 : i32
      %add3A_422 = arith.addi %mul3A_421, %add3A_419 : i32
      %dma_start3A_423 = arith.constant 0 : i32
      %dma_start3A_424 = arith.constant 0 : i32
      %dma_start3A_425 = tpu.memref_slice %arg14[%dma_start3A_423, %dma_start3A_424] : memref<2x128xi32, #tpu.memory_space<vmem>> -> memref<1x128xi32, #tpu.memory_space<vmem>>
      %dma_start3A_426 = tpu.memref_squeeze %dma_start3A_425 : memref<1x128xi32, #tpu.memory_space<vmem>> -> memref<128xi32, #tpu.memory_space<vmem>>
      %dma_start3A_427 = arith.constant 0 : i32
      %dma_start3A_428 = tpu.memref_slice %arg3[%add3A_422, %dma_start3A_427] : memref<2564x128xi32, #tpu.memory_space<hbm>> -> memref<1x128xi32, #tpu.memory_space<hbm>>
      %dma_start3A_429 = tpu.memref_squeeze %dma_start3A_428 : memref<1x128xi32, #tpu.memory_space<hbm>> -> memref<128xi32, #tpu.memory_space<hbm>>
      %dma_start3A_430 = arith.constant 0 : i32
      %dma_start3A_431 = tpu.memref_slice %arg14[%dma_start3A_423, %dma_start3A_430] : memref<2x128xi32, #tpu.memory_space<vmem>> -> memref<1x128xi32, #tpu.memory_space<vmem>>
      %dma_start3A_432 = tpu.memref_squeeze %dma_start3A_431 : memref<1x128xi32, #tpu.memory_space<vmem>> -> memref<128xi32, #tpu.memory_space<vmem>>
      %dma_start3A_433 = arith.constant 0 : i32
      %dma_start3A_434 = tpu.memref_slice %arg3[%add3A_422, %dma_start3A_433] : memref<2564x128xi32, #tpu.memory_space<hbm>> -> memref<1x128xi32, #tpu.memory_space<hbm>>
      %dma_start3A_435 = tpu.memref_squeeze %dma_start3A_434 : memref<1x128xi32, #tpu.memory_space<hbm>> -> memref<128xi32, #tpu.memory_space<hbm>>
      tpu.enqueue_dma source(%dma_start3A_435 : memref<128xi32, #tpu.memory_space<hbm>>) target(%dma_start3A_432 : memref<128xi32, #tpu.memory_space<vmem>>) target_semaphore(%arg22 : memref<!tpu.dma_semaphore, #tpu.memory_space<semaphore_mem>>)
      %dma_start3A_436 = arith.constant 1 : i32
      %dma_start3A_437 = arith.constant 0 : i32
      %dma_start3A_438 = tpu.memref_slice %arg14[%dma_start3A_436, %dma_start3A_437] : memref<2x128xi32, #tpu.memory_space<vmem>> -> memref<1x128xi32, #tpu.memory_space<vmem>>
      %dma_start3A_439 = tpu.memref_squeeze %dma_start3A_438 : memref<1x128xi32, #tpu.memory_space<vmem>> -> memref<128xi32, #tpu.memory_space<vmem>>
      %dma_start3A_440 = arith.constant 0 : i32
      %dma_start3A_441 = tpu.memref_slice %arg4[%add3A_422, %dma_start3A_440] : memref<2564x128xi32, #tpu.memory_space<hbm>> -> memref<1x128xi32, #tpu.memory_space<hbm>>
      %dma_start3A_442 = tpu.memref_squeeze %dma_start3A_441 : memref<1x128xi32, #tpu.memory_space<hbm>> -> memref<128xi32, #tpu.memory_space<hbm>>
      %dma_start3A_443 = arith.constant 0 : i32
      %dma_start3A_444 = tpu.memref_slice %arg14[%dma_start3A_436, %dma_start3A_443] : memref<2x128xi32, #tpu.memory_space<vmem>> -> memref<1x128xi32, #tpu.memory_space<vmem>>
      %dma_start3A_445 = tpu.memref_squeeze %dma_start3A_444 : memref<1x128xi32, #tpu.memory_space<vmem>> -> memref<128xi32, #tpu.memory_space<vmem>>
      %dma_start3A_446 = arith.constant 0 : i32
      %dma_start3A_447 = tpu.memref_slice %arg4[%add3A_422, %dma_start3A_446] : memref<2564x128xi32, #tpu.memory_space<hbm>> -> memref<1x128xi32, #tpu.memory_space<hbm>>
      %dma_start3A_448 = tpu.memref_squeeze %dma_start3A_447 : memref<1x128xi32, #tpu.memory_space<hbm>> -> memref<128xi32, #tpu.memory_space<hbm>>
      tpu.enqueue_dma source(%dma_start3A_448 : memref<128xi32, #tpu.memory_space<hbm>>) target(%dma_start3A_445 : memref<128xi32, #tpu.memory_space<vmem>>) target_semaphore(%arg22 : memref<!tpu.dma_semaphore, #tpu.memory_space<semaphore_mem>>)
      %add3A_449 = arith.constant 3 : i32
      %add3A_450 = arith.addi %add3A_278, %add3A_449 : i32
      %mul3A_451 = arith.constant 80 : i32
      %mul3A_452 = arith.muli %add3A, %mul3A_451 : i32
      %add3A_453 = arith.addi %mul3A_452, %add3A_450 : i32
      %dma_wait3A_454 = arith.constant 0 : i32
      %dma_wait3A_455 = arith.constant 0 : i32
      %dma_wait3A_456 = tpu.memref_slice %arg16[%dma_wait3A_454, %dma_wait3A_455] : memref<2x128xi32, #tpu.memory_space<vmem>> -> memref<1x128xi32, #tpu.memory_space<vmem>>
      %dma_wait3A_457 = tpu.memref_squeeze %dma_wait3A_456 : memref<1x128xi32, #tpu.memory_space<vmem>> -> memref<128xi32, #tpu.memory_space<vmem>>
      %dma_wait3A_458 = arith.constant 0 : i32
      %dma_wait3A_459 = tpu.memref_slice %arg3[%add3A_453, %dma_wait3A_458] : memref<2564x128xi32, #tpu.memory_space<hbm>> -> memref<1x128xi32, #tpu.memory_space<hbm>>
      %dma_wait3A_460 = tpu.memref_squeeze %dma_wait3A_459 : memref<1x128xi32, #tpu.memory_space<hbm>> -> memref<128xi32, #tpu.memory_space<hbm>>
      %dma_wait3A_461 = arith.constant 0 : i32
      %dma_wait3A_462 = tpu.memref_slice %arg16[%dma_wait3A_454, %dma_wait3A_461] : memref<2x128xi32, #tpu.memory_space<vmem>> -> memref<1x128xi32, #tpu.memory_space<vmem>>
      %dma_wait3A_463 = tpu.memref_squeeze %dma_wait3A_462 : memref<1x128xi32, #tpu.memory_space<vmem>> -> memref<128xi32, #tpu.memory_space<vmem>>
      %dma_wait3A_464 = arith.constant 0 : i32
      %dma_wait3A_465 = tpu.memref_slice %arg3[%add3A_453, %dma_wait3A_464] : memref<2564x128xi32, #tpu.memory_space<hbm>> -> memref<1x128xi32, #tpu.memory_space<hbm>>
      %dma_wait3A_466 = tpu.memref_squeeze %dma_wait3A_465 : memref<1x128xi32, #tpu.memory_space<hbm>> -> memref<128xi32, #tpu.memory_space<hbm>>
      tpu.wait_dma2 semaphore(%arg24 : memref<!tpu.dma_semaphore, #tpu.memory_space<semaphore_mem>>) src(%dma_wait3A_466 : memref<128xi32, #tpu.memory_space<hbm>>) dst(%dma_wait3A_463 : memref<128xi32, #tpu.memory_space<vmem>>)
      %dma_wait3A_467 = arith.constant 1 : i32
      %dma_wait3A_468 = arith.constant 0 : i32
      %dma_wait3A_469 = tpu.memref_slice %arg16[%dma_wait3A_467, %dma_wait3A_468] : memref<2x128xi32, #tpu.memory_space<vmem>> -> memref<1x128xi32, #tpu.memory_space<vmem>>
      %dma_wait3A_470 = tpu.memref_squeeze %dma_wait3A_469 : memref<1x128xi32, #tpu.memory_space<vmem>> -> memref<128xi32, #tpu.memory_space<vmem>>
      %dma_wait3A_471 = arith.constant 0 : i32
      %dma_wait3A_472 = tpu.memref_slice %arg4[%add3A_453, %dma_wait3A_471] : memref<2564x128xi32, #tpu.memory_space<hbm>> -> memref<1x128xi32, #tpu.memory_space<hbm>>
      %dma_wait3A_473 = tpu.memref_squeeze %dma_wait3A_472 : memref<1x128xi32, #tpu.memory_space<hbm>> -> memref<128xi32, #tpu.memory_space<hbm>>
      %dma_wait3A_474 = arith.constant 0 : i32
      %dma_wait3A_475 = tpu.memref_slice %arg16[%dma_wait3A_467, %dma_wait3A_474] : memref<2x128xi32, #tpu.memory_space<vmem>> -> memref<1x128xi32, #tpu.memory_space<vmem>>
      %dma_wait3A_476 = tpu.memref_squeeze %dma_wait3A_475 : memref<1x128xi32, #tpu.memory_space<vmem>> -> memref<128xi32, #tpu.memory_space<vmem>>
      %dma_wait3A_477 = arith.constant 0 : i32
      %dma_wait3A_478 = tpu.memref_slice %arg4[%add3A_453, %dma_wait3A_477] : memref<2564x128xi32, #tpu.memory_space<hbm>> -> memref<1x128xi32, #tpu.memory_space<hbm>>
      %dma_wait3A_479 = tpu.memref_squeeze %dma_wait3A_478 : memref<1x128xi32, #tpu.memory_space<hbm>> -> memref<128xi32, #tpu.memory_space<hbm>>
      tpu.wait_dma2 semaphore(%arg24 : memref<!tpu.dma_semaphore, #tpu.memory_space<semaphore_mem>>) src(%dma_wait3A_479 : memref<128xi32, #tpu.memory_space<hbm>>) dst(%dma_wait3A_476 : memref<128xi32, #tpu.memory_space<vmem>>)
      %dma_start3A_480 = arith.constant 0 : i32
      %dma_start3A_481 = arith.constant 0 : i32
      %dma_start3A_482 = tpu.memref_slice %arg16[%dma_start3A_480, %dma_start3A_481] : memref<2x128xi32, #tpu.memory_space<vmem>> -> memref<1x128xi32, #tpu.memory_space<vmem>>
      %dma_start3A_483 = tpu.memref_squeeze %dma_start3A_482 : memref<1x128xi32, #tpu.memory_space<vmem>> -> memref<128xi32, #tpu.memory_space<vmem>>
      %dma_start3A_484 = arith.constant 0 : i32
      %dma_start3A_485 = arith.constant 0 : i32
      %dma_start3A_486 = tpu.memref_slice %arg2[%dma_start3A_484, %dma_start3A_485] : memref<10000x128xf32, #tpu.memory_space<hbm>> -> memref<10000x128xf32, #tpu.memory_space<hbm>>
      tpu.enqueue_indirect_dma source(%dma_start3A_486 : memref<10000x128xf32, #tpu.memory_space<hbm>>) target(%arg12 : memref<128x128xf32, #tpu.memory_space<vmem>>) offsets(%dma_start3A_483 : memref<128xi32, #tpu.memory_space<vmem>>) semaphore(%arg18 : memref<!tpu.dma_semaphore, #tpu.memory_space<semaphore_mem>>)
      %dma_wait3A_487 = arith.constant 0 : i32
      %dma_wait3A_488 = arith.constant 0 : i32
      %dma_wait3A_489 = tpu.memref_slice %arg15[%dma_wait3A_487, %dma_wait3A_488] : memref<2x128xi32, #tpu.memory_space<vmem>> -> memref<1x128xi32, #tpu.memory_space<vmem>>
      %dma_wait3A_490 = tpu.memref_squeeze %dma_wait3A_489 : memref<1x128xi32, #tpu.memory_space<vmem>> -> memref<128xi32, #tpu.memory_space<vmem>>
      %dma_wait3A_491 = arith.constant 0 : i32
      %dma_wait3A_492 = arith.constant 0 : i32
      %dma_wait3A_493 = tpu.memref_slice %arg2[%dma_wait3A_491, %dma_wait3A_492] : memref<10000x128xf32, #tpu.memory_space<hbm>> -> memref<10000x128xf32, #tpu.memory_space<hbm>>
      tpu.wait_indirect_dma semaphore(%arg17 : memref<!tpu.dma_semaphore, #tpu.memory_space<semaphore_mem>>) src(%dma_wait3A_493 : memref<10000x128xf32, #tpu.memory_space<hbm>>) dst(%arg11 : memref<128x128xf32, #tpu.memory_space<vmem>>)
      %dma_start3A_494 = arith.constant 1 : i32
      %dma_start3A_495 = arith.constant 0 : i32
      %dma_start3A_496 = tpu.memref_slice %arg15[%dma_start3A_494, %dma_start3A_495] : memref<2x128xi32, #tpu.memory_space<vmem>> -> memref<1x128xi32, #tpu.memory_space<vmem>>
      %dma_start3A_497 = tpu.memref_squeeze %dma_start3A_496 : memref<1x128xi32, #tpu.memory_space<vmem>> -> memref<128xi32, #tpu.memory_space<vmem>>
      %dma_start3A_498 = arith.constant 0 : i32
      %dma_start3A_499 = arith.constant 0 : i32
      %dma_start3A_500 = tpu.memref_slice %arg10[%dma_start3A_498, %dma_start3A_499] : memref<10112x128xf32, #tpu.memory_space<vmem_shared>> -> memref<10112x128xf32, #tpu.memory_space<vmem_shared>>
      tpu.enqueue_indirect_dma source(%arg11 : memref<128x128xf32, #tpu.memory_space<vmem>>) target(%dma_start3A_500 : memref<10112x128xf32, #tpu.memory_space<vmem_shared>>) offsets(%dma_start3A_497 : memref<128xi32, #tpu.memory_space<vmem>>) semaphore(%arg19 : memref<!tpu.dma_semaphore, #tpu.memory_space<semaphore_mem>>) {add = true}
      %dma_start3A_501 = arith.constant 1 : i32
      %dma_start3A_502 = arith.constant 0 : i32
      %dma_start3A_503 = tpu.memref_slice %arg15[%dma_start3A_501, %dma_start3A_502] : memref<2x128xi32, #tpu.memory_space<vmem>> -> memref<1x128xi32, #tpu.memory_space<vmem>>
      %dma_start3A_504 = tpu.memref_squeeze %dma_start3A_503 : memref<1x128xi32, #tpu.memory_space<vmem>> -> memref<128xi32, #tpu.memory_space<vmem>>
      %dma_start3A_505 = arith.constant 0 : i32
      %dma_start3A_506 = arith.constant 0 : i32
      %dma_start3A_507 = tpu.memref_slice %arg25[%dma_start3A_505, %dma_start3A_506] : memref<10112x16xf32, #tpu.memory_space<vmem_shared>> -> memref<10112x16xf32, #tpu.memory_space<vmem_shared>>
      tpu.enqueue_indirect_dma source(%arg26 : memref<128x16xf32, #tpu.memory_space<vmem>>) target(%dma_start3A_507 : memref<10112x16xf32, #tpu.memory_space<vmem_shared>>) offsets(%dma_start3A_504 : memref<128xi32, #tpu.memory_space<vmem>>) semaphore(%arg29 : memref<!tpu.dma_semaphore, #tpu.memory_space<semaphore_mem>>) {add = true}
      %dma_wait3A_508 = arith.constant 0 : i32
      %dma_wait3A_509 = arith.constant 0 : i32
      %dma_wait3A_510 = tpu.memref_slice %arg16[%dma_wait3A_508, %dma_wait3A_509] : memref<2x128xi32, #tpu.memory_space<vmem>> -> memref<1x128xi32, #tpu.memory_space<vmem>>
      %dma_wait3A_511 = tpu.memref_squeeze %dma_wait3A_510 : memref<1x128xi32, #tpu.memory_space<vmem>> -> memref<128xi32, #tpu.memory_space<vmem>>
      %dma_wait3A_512 = arith.constant 0 : i32
      %dma_wait3A_513 = arith.constant 0 : i32
      %dma_wait3A_514 = tpu.memref_slice %arg2[%dma_wait3A_512, %dma_wait3A_513] : memref<10000x128xf32, #tpu.memory_space<hbm>> -> memref<10000x128xf32, #tpu.memory_space<hbm>>
      tpu.wait_indirect_dma semaphore(%arg18 : memref<!tpu.dma_semaphore, #tpu.memory_space<semaphore_mem>>) src(%dma_wait3A_514 : memref<10000x128xf32, #tpu.memory_space<hbm>>) dst(%arg12 : memref<128x128xf32, #tpu.memory_space<vmem>>)
      %dma_start3A_515 = arith.constant 1 : i32
      %dma_start3A_516 = arith.constant 0 : i32
      %dma_start3A_517 = tpu.memref_slice %arg16[%dma_start3A_515, %dma_start3A_516] : memref<2x128xi32, #tpu.memory_space<vmem>> -> memref<1x128xi32, #tpu.memory_space<vmem>>
      %dma_start3A_518 = tpu.memref_squeeze %dma_start3A_517 : memref<1x128xi32, #tpu.memory_space<vmem>> -> memref<128xi32, #tpu.memory_space<vmem>>
      %dma_start3A_519 = arith.constant 0 : i32
      %dma_start3A_520 = arith.constant 0 : i32
      %dma_start3A_521 = tpu.memref_slice %arg10[%dma_start3A_519, %dma_start3A_520] : memref<10112x128xf32, #tpu.memory_space<vmem_shared>> -> memref<10112x128xf32, #tpu.memory_space<vmem_shared>>
      tpu.enqueue_indirect_dma source(%arg12 : memref<128x128xf32, #tpu.memory_space<vmem>>) target(%dma_start3A_521 : memref<10112x128xf32, #tpu.memory_space<vmem_shared>>) offsets(%dma_start3A_518 : memref<128xi32, #tpu.memory_space<vmem>>) semaphore(%arg20 : memref<!tpu.dma_semaphore, #tpu.memory_space<semaphore_mem>>) {add = true}
      %dma_start3A_522 = arith.constant 1 : i32
      %dma_start3A_523 = arith.constant 0 : i32
      %dma_start3A_524 = tpu.memref_slice %arg16[%dma_start3A_522, %dma_start3A_523] : memref<2x128xi32, #tpu.memory_space<vmem>> -> memref<1x128xi32, #tpu.memory_space<vmem>>
      %dma_start3A_525 = tpu.memref_squeeze %dma_start3A_524 : memref<1x128xi32, #tpu.memory_space<vmem>> -> memref<128xi32, #tpu.memory_space<vmem>>
      %dma_start3A_526 = arith.constant 0 : i32
      %dma_start3A_527 = arith.constant 0 : i32
      %dma_start3A_528 = tpu.memref_slice %arg25[%dma_start3A_526, %dma_start3A_527] : memref<10112x16xf32, #tpu.memory_space<vmem_shared>> -> memref<10112x16xf32, #tpu.memory_space<vmem_shared>>
      tpu.enqueue_indirect_dma source(%arg26 : memref<128x16xf32, #tpu.memory_space<vmem>>) target(%dma_start3A_528 : memref<10112x16xf32, #tpu.memory_space<vmem_shared>>) offsets(%dma_start3A_525 : memref<128xi32, #tpu.memory_space<vmem>>) semaphore(%arg30 : memref<!tpu.dma_semaphore, #tpu.memory_space<semaphore_mem>>) {add = true}
      %dma_wait3A_529 = arith.constant 1 : i32
      %dma_wait3A_530 = arith.constant 0 : i32
      %dma_wait3A_531 = tpu.memref_slice %arg15[%dma_wait3A_529, %dma_wait3A_530] : memref<2x128xi32, #tpu.memory_space<vmem>> -> memref<1x128xi32, #tpu.memory_space<vmem>>
      %dma_wait3A_532 = tpu.memref_squeeze %dma_wait3A_531 : memref<1x128xi32, #tpu.memory_space<vmem>> -> memref<128xi32, #tpu.memory_space<vmem>>
      %dma_wait3A_533 = arith.constant 0 : i32
      %dma_wait3A_534 = arith.constant 0 : i32
      %dma_wait3A_535 = tpu.memref_slice %arg10[%dma_wait3A_533, %dma_wait3A_534] : memref<10112x128xf32, #tpu.memory_space<vmem_shared>> -> memref<10112x128xf32, #tpu.memory_space<vmem_shared>>
      tpu.wait_indirect_dma semaphore(%arg19 : memref<!tpu.dma_semaphore, #tpu.memory_space<semaphore_mem>>) src(%arg11 : memref<128x128xf32, #tpu.memory_space<vmem>>) dst(%dma_wait3A_535 : memref<10112x128xf32, #tpu.memory_space<vmem_shared>>)
      %dma_wait3A_536 = arith.constant 1 : i32
      %dma_wait3A_537 = arith.constant 0 : i32
      %dma_wait3A_538 = tpu.memref_slice %arg15[%dma_wait3A_536, %dma_wait3A_537] : memref<2x128xi32, #tpu.memory_space<vmem>> -> memref<1x128xi32, #tpu.memory_space<vmem>>
      %dma_wait3A_539 = tpu.memref_squeeze %dma_wait3A_538 : memref<1x128xi32, #tpu.memory_space<vmem>> -> memref<128xi32, #tpu.memory_space<vmem>>
      %dma_wait3A_540 = arith.constant 0 : i32
      %dma_wait3A_541 = arith.constant 0 : i32
      %dma_wait3A_542 = tpu.memref_slice %arg25[%dma_wait3A_540, %dma_wait3A_541] : memref<10112x16xf32, #tpu.memory_space<vmem_shared>> -> memref<10112x16xf32, #tpu.memory_space<vmem_shared>>
      tpu.wait_indirect_dma semaphore(%arg29 : memref<!tpu.dma_semaphore, #tpu.memory_space<semaphore_mem>>) src(%arg26 : memref<128x16xf32, #tpu.memory_space<vmem>>) dst(%dma_wait3A_542 : memref<10112x16xf32, #tpu.memory_space<vmem_shared>>)
      %add3A_543 = arith.constant 6 : i32
      %add3A_544 = arith.addi %add3A_278, %add3A_543 : i32
      %mul3A_545 = arith.constant 80 : i32
      %mul3A_546 = arith.muli %add3A, %mul3A_545 : i32
      %add3A_547 = arith.addi %mul3A_546, %add3A_544 : i32
      %dma_start3A_548 = arith.constant 0 : i32
      %dma_start3A_549 = arith.constant 0 : i32
      %dma_start3A_550 = tpu.memref_slice %arg15[%dma_start3A_548, %dma_start3A_549] : memref<2x128xi32, #tpu.memory_space<vmem>> -> memref<1x128xi32, #tpu.memory_space<vmem>>
      %dma_start3A_551 = tpu.memref_squeeze %dma_start3A_550 : memref<1x128xi32, #tpu.memory_space<vmem>> -> memref<128xi32, #tpu.memory_space<vmem>>
      %dma_start3A_552 = arith.constant 0 : i32
      %dma_start3A_553 = tpu.memref_slice %arg3[%add3A_547, %dma_start3A_552] : memref<2564x128xi32, #tpu.memory_space<hbm>> -> memref<1x128xi32, #tpu.memory_space<hbm>>
      %dma_start3A_554 = tpu.memref_squeeze %dma_start3A_553 : memref<1x128xi32, #tpu.memory_space<hbm>> -> memref<128xi32, #tpu.memory_space<hbm>>
      %dma_start3A_555 = arith.constant 0 : i32
      %dma_start3A_556 = tpu.memref_slice %arg15[%dma_start3A_548, %dma_start3A_555] : memref<2x128xi32, #tpu.memory_space<vmem>> -> memref<1x128xi32, #tpu.memory_space<vmem>>
      %dma_start3A_557 = tpu.memref_squeeze %dma_start3A_556 : memref<1x128xi32, #tpu.memory_space<vmem>> -> memref<128xi32, #tpu.memory_space<vmem>>
      %dma_start3A_558 = arith.constant 0 : i32
      %dma_start3A_559 = tpu.memref_slice %arg3[%add3A_547, %dma_start3A_558] : memref<2564x128xi32, #tpu.memory_space<hbm>> -> memref<1x128xi32, #tpu.memory_space<hbm>>
      %dma_start3A_560 = tpu.memref_squeeze %dma_start3A_559 : memref<1x128xi32, #tpu.memory_space<hbm>> -> memref<128xi32, #tpu.memory_space<hbm>>
      tpu.enqueue_dma source(%dma_start3A_560 : memref<128xi32, #tpu.memory_space<hbm>>) target(%dma_start3A_557 : memref<128xi32, #tpu.memory_space<vmem>>) target_semaphore(%arg23 : memref<!tpu.dma_semaphore, #tpu.memory_space<semaphore_mem>>)
      %dma_start3A_561 = arith.constant 1 : i32
      %dma_start3A_562 = arith.constant 0 : i32
      %dma_start3A_563 = tpu.memref_slice %arg15[%dma_start3A_561, %dma_start3A_562] : memref<2x128xi32, #tpu.memory_space<vmem>> -> memref<1x128xi32, #tpu.memory_space<vmem>>
      %dma_start3A_564 = tpu.memref_squeeze %dma_start3A_563 : memref<1x128xi32, #tpu.memory_space<vmem>> -> memref<128xi32, #tpu.memory_space<vmem>>
      %dma_start3A_565 = arith.constant 0 : i32
      %dma_start3A_566 = tpu.memref_slice %arg4[%add3A_547, %dma_start3A_565] : memref<2564x128xi32, #tpu.memory_space<hbm>> -> memref<1x128xi32, #tpu.memory_space<hbm>>
      %dma_start3A_567 = tpu.memref_squeeze %dma_start3A_566 : memref<1x128xi32, #tpu.memory_space<hbm>> -> memref<128xi32, #tpu.memory_space<hbm>>
      %dma_start3A_568 = arith.constant 0 : i32
      %dma_start3A_569 = tpu.memref_slice %arg15[%dma_start3A_561, %dma_start3A_568] : memref<2x128xi32, #tpu.memory_space<vmem>> -> memref<1x128xi32, #tpu.memory_space<vmem>>
      %dma_start3A_570 = tpu.memref_squeeze %dma_start3A_569 : memref<1x128xi32, #tpu.memory_space<vmem>> -> memref<128xi32, #tpu.memory_space<vmem>>
      %dma_start3A_571 = arith.constant 0 : i32
      %dma_start3A_572 = tpu.memref_slice %arg4[%add3A_547, %dma_start3A_571] : memref<2564x128xi32, #tpu.memory_space<hbm>> -> memref<1x128xi32, #tpu.memory_space<hbm>>
      %dma_start3A_573 = tpu.memref_squeeze %dma_start3A_572 : memref<1x128xi32, #tpu.memory_space<hbm>> -> memref<128xi32, #tpu.memory_space<hbm>>
      tpu.enqueue_dma source(%dma_start3A_573 : memref<128xi32, #tpu.memory_space<hbm>>) target(%dma_start3A_570 : memref<128xi32, #tpu.memory_space<vmem>>) target_semaphore(%arg23 : memref<!tpu.dma_semaphore, #tpu.memory_space<semaphore_mem>>)
      %add3A_574 = arith.constant 4 : i32
      %add3A_575 = arith.addi %add3A_278, %add3A_574 : i32
      %mul3A_576 = arith.constant 80 : i32
      %mul3A_577 = arith.muli %add3A, %mul3A_576 : i32
      %add3A_578 = arith.addi %mul3A_577, %add3A_575 : i32
      %dma_wait3A_579 = arith.constant 0 : i32
      %dma_wait3A_580 = arith.constant 0 : i32
      %dma_wait3A_581 = tpu.memref_slice %arg13[%dma_wait3A_579, %dma_wait3A_580] : memref<2x128xi32, #tpu.memory_space<vmem>> -> memref<1x128xi32, #tpu.memory_space<vmem>>
      %dma_wait3A_582 = tpu.memref_squeeze %dma_wait3A_581 : memref<1x128xi32, #tpu.memory_space<vmem>> -> memref<128xi32, #tpu.memory_space<vmem>>
      %dma_wait3A_583 = arith.constant 0 : i32
      %dma_wait3A_584 = tpu.memref_slice %arg3[%add3A_578, %dma_wait3A_583] : memref<2564x128xi32, #tpu.memory_space<hbm>> -> memref<1x128xi32, #tpu.memory_space<hbm>>
      %dma_wait3A_585 = tpu.memref_squeeze %dma_wait3A_584 : memref<1x128xi32, #tpu.memory_space<hbm>> -> memref<128xi32, #tpu.memory_space<hbm>>
      %dma_wait3A_586 = arith.constant 0 : i32
      %dma_wait3A_587 = tpu.memref_slice %arg13[%dma_wait3A_579, %dma_wait3A_586] : memref<2x128xi32, #tpu.memory_space<vmem>> -> memref<1x128xi32, #tpu.memory_space<vmem>>
      %dma_wait3A_588 = tpu.memref_squeeze %dma_wait3A_587 : memref<1x128xi32, #tpu.memory_space<vmem>> -> memref<128xi32, #tpu.memory_space<vmem>>
      %dma_wait3A_589 = arith.constant 0 : i32
      %dma_wait3A_590 = tpu.memref_slice %arg3[%add3A_578, %dma_wait3A_589] : memref<2564x128xi32, #tpu.memory_space<hbm>> -> memref<1x128xi32, #tpu.memory_space<hbm>>
      %dma_wait3A_591 = tpu.memref_squeeze %dma_wait3A_590 : memref<1x128xi32, #tpu.memory_space<hbm>> -> memref<128xi32, #tpu.memory_space<hbm>>
      tpu.wait_dma2 semaphore(%arg21 : memref<!tpu.dma_semaphore, #tpu.memory_space<semaphore_mem>>) src(%dma_wait3A_591 : memref<128xi32, #tpu.memory_space<hbm>>) dst(%dma_wait3A_588 : memref<128xi32, #tpu.memory_space<vmem>>)
      %dma_wait3A_592 = arith.constant 1 : i32
      %dma_wait3A_593 = arith.constant 0 : i32
      %dma_wait3A_594 = tpu.memref_slice %arg13[%dma_wait3A_592, %dma_wait3A_593] : memref<2x128xi32, #tpu.memory_space<vmem>> -> memref<1x128xi32, #tpu.memory_space<vmem>>
      %dma_wait3A_595 = tpu.memref_squeeze %dma_wait3A_594 : memref<1x128xi32, #tpu.memory_space<vmem>> -> memref<128xi32, #tpu.memory_space<vmem>>
      %dma_wait3A_596 = arith.constant 0 : i32
      %dma_wait3A_597 = tpu.memref_slice %arg4[%add3A_578, %dma_wait3A_596] : memref<2564x128xi32, #tpu.memory_space<hbm>> -> memref<1x128xi32, #tpu.memory_space<hbm>>
      %dma_wait3A_598 = tpu.memref_squeeze %dma_wait3A_597 : memref<1x128xi32, #tpu.memory_space<hbm>> -> memref<128xi32, #tpu.memory_space<hbm>>
      %dma_wait3A_599 = arith.constant 0 : i32
      %dma_wait3A_600 = tpu.memref_slice %arg13[%dma_wait3A_592, %dma_wait3A_599] : memref<2x128xi32, #tpu.memory_space<vmem>> -> memref<1x128xi32, #tpu.memory_space<vmem>>
      %dma_wait3A_601 = tpu.memref_squeeze %dma_wait3A_600 : memref<1x128xi32, #tpu.memory_space<vmem>> -> memref<128xi32, #tpu.memory_space<vmem>>
      %dma_wait3A_602 = arith.constant 0 : i32
      %dma_wait3A_603 = tpu.memref_slice %arg4[%add3A_578, %dma_wait3A_602] : memref<2564x128xi32, #tpu.memory_space<hbm>> -> memref<1x128xi32, #tpu.memory_space<hbm>>
      %dma_wait3A_604 = tpu.memref_squeeze %dma_wait3A_603 : memref<1x128xi32, #tpu.memory_space<hbm>> -> memref<128xi32, #tpu.memory_space<hbm>>
      tpu.wait_dma2 semaphore(%arg21 : memref<!tpu.dma_semaphore, #tpu.memory_space<semaphore_mem>>) src(%dma_wait3A_604 : memref<128xi32, #tpu.memory_space<hbm>>) dst(%dma_wait3A_601 : memref<128xi32, #tpu.memory_space<vmem>>)
      %dma_start3A_605 = arith.constant 0 : i32
      %dma_start3A_606 = arith.constant 0 : i32
      %dma_start3A_607 = tpu.memref_slice %arg13[%dma_start3A_605, %dma_start3A_606] : memref<2x128xi32, #tpu.memory_space<vmem>> -> memref<1x128xi32, #tpu.memory_space<vmem>>
      %dma_start3A_608 = tpu.memref_squeeze %dma_start3A_607 : memref<1x128xi32, #tpu.memory_space<vmem>> -> memref<128xi32, #tpu.memory_space<vmem>>
      %dma_start3A_609 = arith.constant 0 : i32
      %dma_start3A_610 = arith.constant 0 : i32
      %dma_start3A_611 = tpu.memref_slice %arg2[%dma_start3A_609, %dma_start3A_610] : memref<10000x128xf32, #tpu.memory_space<hbm>> -> memref<10000x128xf32, #tpu.memory_space<hbm>>
      tpu.enqueue_indirect_dma source(%dma_start3A_611 : memref<10000x128xf32, #tpu.memory_space<hbm>>) target(%arg11 : memref<128x128xf32, #tpu.memory_space<vmem>>) offsets(%dma_start3A_608 : memref<128xi32, #tpu.memory_space<vmem>>) semaphore(%arg17 : memref<!tpu.dma_semaphore, #tpu.memory_space<semaphore_mem>>)
      %dma_wait3A_612 = arith.constant 1 : i32
      %dma_wait3A_613 = arith.constant 0 : i32
      %dma_wait3A_614 = tpu.memref_slice %arg16[%dma_wait3A_612, %dma_wait3A_613] : memref<2x128xi32, #tpu.memory_space<vmem>> -> memref<1x128xi32, #tpu.memory_space<vmem>>
      %dma_wait3A_615 = tpu.memref_squeeze %dma_wait3A_614 : memref<1x128xi32, #tpu.memory_space<vmem>> -> memref<128xi32, #tpu.memory_space<vmem>>
      %dma_wait3A_616 = arith.constant 0 : i32
      %dma_wait3A_617 = arith.constant 0 : i32
      %dma_wait3A_618 = tpu.memref_slice %arg10[%dma_wait3A_616, %dma_wait3A_617] : memref<10112x128xf32, #tpu.memory_space<vmem_shared>> -> memref<10112x128xf32, #tpu.memory_space<vmem_shared>>
      tpu.wait_indirect_dma semaphore(%arg20 : memref<!tpu.dma_semaphore, #tpu.memory_space<semaphore_mem>>) src(%arg12 : memref<128x128xf32, #tpu.memory_space<vmem>>) dst(%dma_wait3A_618 : memref<10112x128xf32, #tpu.memory_space<vmem_shared>>)
      %dma_wait3A_619 = arith.constant 1 : i32
      %dma_wait3A_620 = arith.constant 0 : i32
      %dma_wait3A_621 = tpu.memref_slice %arg16[%dma_wait3A_619, %dma_wait3A_620] : memref<2x128xi32, #tpu.memory_space<vmem>> -> memref<1x128xi32, #tpu.memory_space<vmem>>
      %dma_wait3A_622 = tpu.memref_squeeze %dma_wait3A_621 : memref<1x128xi32, #tpu.memory_space<vmem>> -> memref<128xi32, #tpu.memory_space<vmem>>
      %dma_wait3A_623 = arith.constant 0 : i32
      %dma_wait3A_624 = arith.constant 0 : i32
      %dma_wait3A_625 = tpu.memref_slice %arg25[%dma_wait3A_623, %dma_wait3A_624] : memref<10112x16xf32, #tpu.memory_space<vmem_shared>> -> memref<10112x16xf32, #tpu.memory_space<vmem_shared>>
      tpu.wait_indirect_dma semaphore(%arg30 : memref<!tpu.dma_semaphore, #tpu.memory_space<semaphore_mem>>) src(%arg26 : memref<128x16xf32, #tpu.memory_space<vmem>>) dst(%dma_wait3A_625 : memref<10112x16xf32, #tpu.memory_space<vmem_shared>>)
      %add3A_626 = arith.constant 7 : i32
      %add3A_627 = arith.addi %add3A_278, %add3A_626 : i32
      %mul3A_628 = arith.constant 80 : i32
      %mul3A_629 = arith.muli %add3A, %mul3A_628 : i32
      %add3A_630 = arith.addi %mul3A_629, %add3A_627 : i32
      %dma_start3A_631 = arith.constant 0 : i32
      %dma_start3A_632 = arith.constant 0 : i32
      %dma_start3A_633 = tpu.memref_slice %arg16[%dma_start3A_631, %dma_start3A_632] : memref<2x128xi32, #tpu.memory_space<vmem>> -> memref<1x128xi32, #tpu.memory_space<vmem>>
      %dma_start3A_634 = tpu.memref_squeeze %dma_start3A_633 : memref<1x128xi32, #tpu.memory_space<vmem>> -> memref<128xi32, #tpu.memory_space<vmem>>
      %dma_start3A_635 = arith.constant 0 : i32
      %dma_start3A_636 = tpu.memref_slice %arg3[%add3A_630, %dma_start3A_635] : memref<2564x128xi32, #tpu.memory_space<hbm>> -> memref<1x128xi32, #tpu.memory_space<hbm>>
      %dma_start3A_637 = tpu.memref_squeeze %dma_start3A_636 : memref<1x128xi32, #tpu.memory_space<hbm>> -> memref<128xi32, #tpu.memory_space<hbm>>
      %dma_start3A_638 = arith.constant 0 : i32
      %dma_start3A_639 = tpu.memref_slice %arg16[%dma_start3A_631, %dma_start3A_638] : memref<2x128xi32, #tpu.memory_space<vmem>> -> memref<1x128xi32, #tpu.memory_space<vmem>>
      %dma_start3A_640 = tpu.memref_squeeze %dma_start3A_639 : memref<1x128xi32, #tpu.memory_space<vmem>> -> memref<128xi32, #tpu.memory_space<vmem>>
      %dma_start3A_641 = arith.constant 0 : i32
      %dma_start3A_642 = tpu.memref_slice %arg3[%add3A_630, %dma_start3A_641] : memref<2564x128xi32, #tpu.memory_space<hbm>> -> memref<1x128xi32, #tpu.memory_space<hbm>>
      %dma_start3A_643 = tpu.memref_squeeze %dma_start3A_642 : memref<1x128xi32, #tpu.memory_space<hbm>> -> memref<128xi32, #tpu.memory_space<hbm>>
      tpu.enqueue_dma source(%dma_start3A_643 : memref<128xi32, #tpu.memory_space<hbm>>) target(%dma_start3A_640 : memref<128xi32, #tpu.memory_space<vmem>>) target_semaphore(%arg24 : memref<!tpu.dma_semaphore, #tpu.memory_space<semaphore_mem>>)
      %dma_start3A_644 = arith.constant 1 : i32
      %dma_start3A_645 = arith.constant 0 : i32
      %dma_start3A_646 = tpu.memref_slice %arg16[%dma_start3A_644, %dma_start3A_645] : memref<2x128xi32, #tpu.memory_space<vmem>> -> memref<1x128xi32, #tpu.memory_space<vmem>>
      %dma_start3A_647 = tpu.memref_squeeze %dma_start3A_646 : memref<1x128xi32, #tpu.memory_space<vmem>> -> memref<128xi32, #tpu.memory_space<vmem>>
      %dma_start3A_648 = arith.constant 0 : i32
      %dma_start3A_649 = tpu.memref_slice %arg4[%add3A_630, %dma_start3A_648] : memref<2564x128xi32, #tpu.memory_space<hbm>> -> memref<1x128xi32, #tpu.memory_space<hbm>>
      %dma_start3A_650 = tpu.memref_squeeze %dma_start3A_649 : memref<1x128xi32, #tpu.memory_space<hbm>> -> memref<128xi32, #tpu.memory_space<hbm>>
      %dma_start3A_651 = arith.constant 0 : i32
      %dma_start3A_652 = tpu.memref_slice %arg16[%dma_start3A_644, %dma_start3A_651] : memref<2x128xi32, #tpu.memory_space<vmem>> -> memref<1x128xi32, #tpu.memory_space<vmem>>
      %dma_start3A_653 = tpu.memref_squeeze %dma_start3A_652 : memref<1x128xi32, #tpu.memory_space<vmem>> -> memref<128xi32, #tpu.memory_space<vmem>>
      %dma_start3A_654 = arith.constant 0 : i32
      %dma_start3A_655 = tpu.memref_slice %arg4[%add3A_630, %dma_start3A_654] : memref<2564x128xi32, #tpu.memory_space<hbm>> -> memref<1x128xi32, #tpu.memory_space<hbm>>
      %dma_start3A_656 = tpu.memref_squeeze %dma_start3A_655 : memref<1x128xi32, #tpu.memory_space<hbm>> -> memref<128xi32, #tpu.memory_space<hbm>>
      tpu.enqueue_dma source(%dma_start3A_656 : memref<128xi32, #tpu.memory_space<hbm>>) target(%dma_start3A_653 : memref<128xi32, #tpu.memory_space<vmem>>) target_semaphore(%arg24 : memref<!tpu.dma_semaphore, #tpu.memory_space<semaphore_mem>>)
      %add3A_657 = arith.constant 5 : i32
      %add3A_658 = arith.addi %add3A_278, %add3A_657 : i32
      %mul3A_659 = arith.constant 80 : i32
      %mul3A_660 = arith.muli %add3A, %mul3A_659 : i32
      %add3A_661 = arith.addi %mul3A_660, %add3A_658 : i32
      %dma_wait3A_662 = arith.constant 0 : i32
      %dma_wait3A_663 = arith.constant 0 : i32
      %dma_wait3A_664 = tpu.memref_slice %arg14[%dma_wait3A_662, %dma_wait3A_663] : memref<2x128xi32, #tpu.memory_space<vmem>> -> memref<1x128xi32, #tpu.memory_space<vmem>>
      %dma_wait3A_665 = tpu.memref_squeeze %dma_wait3A_664 : memref<1x128xi32, #tpu.memory_space<vmem>> -> memref<128xi32, #tpu.memory_space<vmem>>
      %dma_wait3A_666 = arith.constant 0 : i32
      %dma_wait3A_667 = tpu.memref_slice %arg3[%add3A_661, %dma_wait3A_666] : memref<2564x128xi32, #tpu.memory_space<hbm>> -> memref<1x128xi32, #tpu.memory_space<hbm>>
      %dma_wait3A_668 = tpu.memref_squeeze %dma_wait3A_667 : memref<1x128xi32, #tpu.memory_space<hbm>> -> memref<128xi32, #tpu.memory_space<hbm>>
      %dma_wait3A_669 = arith.constant 0 : i32
      %dma_wait3A_670 = tpu.memref_slice %arg14[%dma_wait3A_662, %dma_wait3A_669] : memref<2x128xi32, #tpu.memory_space<vmem>> -> memref<1x128xi32, #tpu.memory_space<vmem>>
      %dma_wait3A_671 = tpu.memref_squeeze %dma_wait3A_670 : memref<1x128xi32, #tpu.memory_space<vmem>> -> memref<128xi32, #tpu.memory_space<vmem>>
      %dma_wait3A_672 = arith.constant 0 : i32
      %dma_wait3A_673 = tpu.memref_slice %arg3[%add3A_661, %dma_wait3A_672] : memref<2564x128xi32, #tpu.memory_space<hbm>> -> memref<1x128xi32, #tpu.memory_space<hbm>>
      %dma_wait3A_674 = tpu.memref_squeeze %dma_wait3A_673 : memref<1x128xi32, #tpu.memory_space<hbm>> -> memref<128xi32, #tpu.memory_space<hbm>>
      tpu.wait_dma2 semaphore(%arg22 : memref<!tpu.dma_semaphore, #tpu.memory_space<semaphore_mem>>) src(%dma_wait3A_674 : memref<128xi32, #tpu.memory_space<hbm>>) dst(%dma_wait3A_671 : memref<128xi32, #tpu.memory_space<vmem>>)
      %dma_wait3A_675 = arith.constant 1 : i32
      %dma_wait3A_676 = arith.constant 0 : i32
      %dma_wait3A_677 = tpu.memref_slice %arg14[%dma_wait3A_675, %dma_wait3A_676] : memref<2x128xi32, #tpu.memory_space<vmem>> -> memref<1x128xi32, #tpu.memory_space<vmem>>
      %dma_wait3A_678 = tpu.memref_squeeze %dma_wait3A_677 : memref<1x128xi32, #tpu.memory_space<vmem>> -> memref<128xi32, #tpu.memory_space<vmem>>
      %dma_wait3A_679 = arith.constant 0 : i32
      %dma_wait3A_680 = tpu.memref_slice %arg4[%add3A_661, %dma_wait3A_679] : memref<2564x128xi32, #tpu.memory_space<hbm>> -> memref<1x128xi32, #tpu.memory_space<hbm>>
      %dma_wait3A_681 = tpu.memref_squeeze %dma_wait3A_680 : memref<1x128xi32, #tpu.memory_space<hbm>> -> memref<128xi32, #tpu.memory_space<hbm>>
      %dma_wait3A_682 = arith.constant 0 : i32
      %dma_wait3A_683 = tpu.memref_slice %arg14[%dma_wait3A_675, %dma_wait3A_682] : memref<2x128xi32, #tpu.memory_space<vmem>> -> memref<1x128xi32, #tpu.memory_space<vmem>>
      %dma_wait3A_684 = tpu.memref_squeeze %dma_wait3A_683 : memref<1x128xi32, #tpu.memory_space<vmem>> -> memref<128xi32, #tpu.memory_space<vmem>>
      %dma_wait3A_685 = arith.constant 0 : i32
      %dma_wait3A_686 = tpu.memref_slice %arg4[%add3A_661, %dma_wait3A_685] : memref<2564x128xi32, #tpu.memory_space<hbm>> -> memref<1x128xi32, #tpu.memory_space<hbm>>
      %dma_wait3A_687 = tpu.memref_squeeze %dma_wait3A_686 : memref<1x128xi32, #tpu.memory_space<hbm>> -> memref<128xi32, #tpu.memory_space<hbm>>
      tpu.wait_dma2 semaphore(%arg22 : memref<!tpu.dma_semaphore, #tpu.memory_space<semaphore_mem>>) src(%dma_wait3A_687 : memref<128xi32, #tpu.memory_space<hbm>>) dst(%dma_wait3A_684 : memref<128xi32, #tpu.memory_space<vmem>>)
      %dma_start3A_688 = arith.constant 0 : i32
      %dma_start3A_689 = arith.constant 0 : i32
      %dma_start3A_690 = tpu.memref_slice %arg14[%dma_start3A_688, %dma_start3A_689] : memref<2x128xi32, #tpu.memory_space<vmem>> -> memref<1x128xi32, #tpu.memory_space<vmem>>
      %dma_start3A_691 = tpu.memref_squeeze %dma_start3A_690 : memref<1x128xi32, #tpu.memory_space<vmem>> -> memref<128xi32, #tpu.memory_space<vmem>>
      %dma_start3A_692 = arith.constant 0 : i32
      %dma_start3A_693 = arith.constant 0 : i32
      %dma_start3A_694 = tpu.memref_slice %arg2[%dma_start3A_692, %dma_start3A_693] : memref<10000x128xf32, #tpu.memory_space<hbm>> -> memref<10000x128xf32, #tpu.memory_space<hbm>>
      tpu.enqueue_indirect_dma source(%dma_start3A_694 : memref<10000x128xf32, #tpu.memory_space<hbm>>) target(%arg12 : memref<128x128xf32, #tpu.memory_space<vmem>>) offsets(%dma_start3A_691 : memref<128xi32, #tpu.memory_space<vmem>>) semaphore(%arg18 : memref<!tpu.dma_semaphore, #tpu.memory_space<semaphore_mem>>)
    }
    %scan3A_198 = arith.constant 20 : i32
    %dma_wait3A_199 = arith.constant 0 : i32
    %dma_wait3A_200 = arith.constant 0 : i32
    %dma_wait3A_201 = tpu.memref_slice %arg13[%dma_wait3A_199, %dma_wait3A_200] : memref<2x128xi32, #tpu.memory_space<vmem>> -> memref<1x128xi32, #tpu.memory_space<vmem>>
    %dma_wait3A_202 = tpu.memref_squeeze %dma_wait3A_201 : memref<1x128xi32, #tpu.memory_space<vmem>> -> memref<128xi32, #tpu.memory_space<vmem>>
    %dma_wait3A_203 = arith.constant 0 : i32
    %dma_wait3A_204 = arith.constant 0 : i32
    %dma_wait3A_205 = tpu.memref_slice %arg2[%dma_wait3A_203, %dma_wait3A_204] : memref<10000x128xf32, #tpu.memory_space<hbm>> -> memref<10000x128xf32, #tpu.memory_space<hbm>>
    tpu.wait_indirect_dma semaphore(%arg17 : memref<!tpu.dma_semaphore, #tpu.memory_space<semaphore_mem>>) src(%dma_wait3A_205 : memref<10000x128xf32, #tpu.memory_space<hbm>>) dst(%arg11 : memref<128x128xf32, #tpu.memory_space<vmem>>)
    %dma_wait3A_206 = arith.constant 0 : i32
    %dma_wait3A_207 = arith.constant 0 : i32
    %dma_wait3A_208 = tpu.memref_slice %arg14[%dma_wait3A_206, %dma_wait3A_207] : memref<2x128xi32, #tpu.memory_space<vmem>> -> memref<1x128xi32, #tpu.memory_space<vmem>>
    %dma_wait3A_209 = tpu.memref_squeeze %dma_wait3A_208 : memref<1x128xi32, #tpu.memory_space<vmem>> -> memref<128xi32, #tpu.memory_space<vmem>>
    %dma_wait3A_210 = arith.constant 0 : i32
    %dma_wait3A_211 = arith.constant 0 : i32
    %dma_wait3A_212 = tpu.memref_slice %arg2[%dma_wait3A_210, %dma_wait3A_211] : memref<10000x128xf32, #tpu.memory_space<hbm>> -> memref<10000x128xf32, #tpu.memory_space<hbm>>
    tpu.wait_indirect_dma semaphore(%arg18 : memref<!tpu.dma_semaphore, #tpu.memory_space<semaphore_mem>>) src(%dma_wait3A_212 : memref<10000x128xf32, #tpu.memory_space<hbm>>) dst(%arg12 : memref<128x128xf32, #tpu.memory_space<vmem>>)
    %mul3A_213 = arith.constant 80 : i32
    %mul3A_214 = arith.muli %add3A, %mul3A_213 : i32
    %add3A_215 = arith.constant 82 : i32
    %add3A_216 = arith.addi %mul3A_214, %add3A_215 : i32
    %dma_wait3A_217 = arith.constant 0 : i32
    %dma_wait3A_218 = arith.constant 0 : i32
    %dma_wait3A_219 = tpu.memref_slice %arg15[%dma_wait3A_217, %dma_wait3A_218] : memref<2x128xi32, #tpu.memory_space<vmem>> -> memref<1x128xi32, #tpu.memory_space<vmem>>
    %dma_wait3A_220 = tpu.memref_squeeze %dma_wait3A_219 : memref<1x128xi32, #tpu.memory_space<vmem>> -> memref<128xi32, #tpu.memory_space<vmem>>
    %dma_wait3A_221 = arith.constant 0 : i32
    %dma_wait3A_222 = tpu.memref_slice %arg3[%add3A_216, %dma_wait3A_221] : memref<2564x128xi32, #tpu.memory_space<hbm>> -> memref<1x128xi32, #tpu.memory_space<hbm>>
    %dma_wait3A_223 = tpu.memref_squeeze %dma_wait3A_222 : memref<1x128xi32, #tpu.memory_space<hbm>> -> memref<128xi32, #tpu.memory_space<hbm>>
    %dma_wait3A_224 = arith.constant 0 : i32
    %dma_wait3A_225 = tpu.memref_slice %arg15[%dma_wait3A_217, %dma_wait3A_224] : memref<2x128xi32, #tpu.memory_space<vmem>> -> memref<1x128xi32, #tpu.memory_space<vmem>>
    %dma_wait3A_226 = tpu.memref_squeeze %dma_wait3A_225 : memref<1x128xi32, #tpu.memory_space<vmem>> -> memref<128xi32, #tpu.memory_space<vmem>>
    %dma_wait3A_227 = arith.constant 0 : i32
    %dma_wait3A_228 = tpu.memref_slice %arg3[%add3A_216, %dma_wait3A_227] : memref<2564x128xi32, #tpu.memory_space<hbm>> -> memref<1x128xi32, #tpu.memory_space<hbm>>
    %dma_wait3A_229 = tpu.memref_squeeze %dma_wait3A_228 : memref<1x128xi32, #tpu.memory_space<hbm>> -> memref<128xi32, #tpu.memory_space<hbm>>
    tpu.wait_dma2 semaphore(%arg23 : memref<!tpu.dma_semaphore, #tpu.memory_space<semaphore_mem>>) src(%dma_wait3A_229 : memref<128xi32, #tpu.memory_space<hbm>>) dst(%dma_wait3A_226 : memref<128xi32, #tpu.memory_space<vmem>>)
    %dma_wait3A_230 = arith.constant 1 : i32
    %dma_wait3A_231 = arith.constant 0 : i32
    %dma_wait3A_232 = tpu.memref_slice %arg15[%dma_wait3A_230, %dma_wait3A_231] : memref<2x128xi32, #tpu.memory_space<vmem>> -> memref<1x128xi32, #tpu.memory_space<vmem>>
    %dma_wait3A_233 = tpu.memref_squeeze %dma_wait3A_232 : memref<1x128xi32, #tpu.memory_space<vmem>> -> memref<128xi32, #tpu.memory_space<vmem>>
    %dma_wait3A_234 = arith.constant 0 : i32
    %dma_wait3A_235 = tpu.memref_slice %arg4[%add3A_216, %dma_wait3A_234] : memref<2564x128xi32, #tpu.memory_space<hbm>> -> memref<1x128xi32, #tpu.memory_space<hbm>>
    %dma_wait3A_236 = tpu.memref_squeeze %dma_wait3A_235 : memref<1x128xi32, #tpu.memory_space<hbm>> -> memref<128xi32, #tpu.memory_space<hbm>>
    %dma_wait3A_237 = arith.constant 0 : i32
    %dma_wait3A_238 = tpu.memref_slice %arg15[%dma_wait3A_230, %dma_wait3A_237] : memref<2x128xi32, #tpu.memory_space<vmem>> -> memref<1x128xi32, #tpu.memory_space<vmem>>
    %dma_wait3A_239 = tpu.memref_squeeze %dma_wait3A_238 : memref<1x128xi32, #tpu.memory_space<vmem>> -> memref<128xi32, #tpu.memory_space<vmem>>
    %dma_wait3A_240 = arith.constant 0 : i32
    %dma_wait3A_241 = tpu.memref_slice %arg4[%add3A_216, %dma_wait3A_240] : memref<2564x128xi32, #tpu.memory_space<hbm>> -> memref<1x128xi32, #tpu.memory_space<hbm>>
    %dma_wait3A_242 = tpu.memref_squeeze %dma_wait3A_241 : memref<1x128xi32, #tpu.memory_space<hbm>> -> memref<128xi32, #tpu.memory_space<hbm>>
    tpu.wait_dma2 semaphore(%arg23 : memref<!tpu.dma_semaphore, #tpu.memory_space<semaphore_mem>>) src(%dma_wait3A_242 : memref<128xi32, #tpu.memory_space<hbm>>) dst(%dma_wait3A_239 : memref<128xi32, #tpu.memory_space<vmem>>)
    %mul3A_243 = arith.constant 80 : i32
    %mul3A_244 = arith.muli %add3A, %mul3A_243 : i32
    %add3A_245 = arith.constant 83 : i32
    %add3A_246 = arith.addi %mul3A_244, %add3A_245 : i32
    %dma_wait3A_247 = arith.constant 0 : i32
    %dma_wait3A_248 = arith.constant 0 : i32
    %dma_wait3A_249 = tpu.memref_slice %arg16[%dma_wait3A_247, %dma_wait3A_248] : memref<2x128xi32, #tpu.memory_space<vmem>> -> memref<1x128xi32, #tpu.memory_space<vmem>>
    %dma_wait3A_250 = tpu.memref_squeeze %dma_wait3A_249 : memref<1x128xi32, #tpu.memory_space<vmem>> -> memref<128xi32, #tpu.memory_space<vmem>>
    %dma_wait3A_251 = arith.constant 0 : i32
    %dma_wait3A_252 = tpu.memref_slice %arg3[%add3A_246, %dma_wait3A_251] : memref<2564x128xi32, #tpu.memory_space<hbm>> -> memref<1x128xi32, #tpu.memory_space<hbm>>
    %dma_wait3A_253 = tpu.memref_squeeze %dma_wait3A_252 : memref<1x128xi32, #tpu.memory_space<hbm>> -> memref<128xi32, #tpu.memory_space<hbm>>
    %dma_wait3A_254 = arith.constant 0 : i32
    %dma_wait3A_255 = tpu.memref_slice %arg16[%dma_wait3A_247, %dma_wait3A_254] : memref<2x128xi32, #tpu.memory_space<vmem>> -> memref<1x128xi32, #tpu.memory_space<vmem>>
    %dma_wait3A_256 = tpu.memref_squeeze %dma_wait3A_255 : memref<1x128xi32, #tpu.memory_space<vmem>> -> memref<128xi32, #tpu.memory_space<vmem>>
    %dma_wait3A_257 = arith.constant 0 : i32
    %dma_wait3A_258 = tpu.memref_slice %arg3[%add3A_246, %dma_wait3A_257] : memref<2564x128xi32, #tpu.memory_space<hbm>> -> memref<1x128xi32, #tpu.memory_space<hbm>>
    %dma_wait3A_259 = tpu.memref_squeeze %dma_wait3A_258 : memref<1x128xi32, #tpu.memory_space<hbm>> -> memref<128xi32, #tpu.memory_space<hbm>>
    tpu.wait_dma2 semaphore(%arg24 : memref<!tpu.dma_semaphore, #tpu.memory_space<semaphore_mem>>) src(%dma_wait3A_259 : memref<128xi32, #tpu.memory_space<hbm>>) dst(%dma_wait3A_256 : memref<128xi32, #tpu.memory_space<vmem>>)
    %dma_wait3A_260 = arith.constant 1 : i32
    %dma_wait3A_261 = arith.constant 0 : i32
    %dma_wait3A_262 = tpu.memref_slice %arg16[%dma_wait3A_260, %dma_wait3A_261] : memref<2x128xi32, #tpu.memory_space<vmem>> -> memref<1x128xi32, #tpu.memory_space<vmem>>
    %dma_wait3A_263 = tpu.memref_squeeze %dma_wait3A_262 : memref<1x128xi32, #tpu.memory_space<vmem>> -> memref<128xi32, #tpu.memory_space<vmem>>
    %dma_wait3A_264 = arith.constant 0 : i32
    %dma_wait3A_265 = tpu.memref_slice %arg4[%add3A_246, %dma_wait3A_264] : memref<2564x128xi32, #tpu.memory_space<hbm>> -> memref<1x128xi32, #tpu.memory_space<hbm>>
    %dma_wait3A_266 = tpu.memref_squeeze %dma_wait3A_265 : memref<1x128xi32, #tpu.memory_space<hbm>> -> memref<128xi32, #tpu.memory_space<hbm>>
    %dma_wait3A_267 = arith.constant 0 : i32
    %dma_wait3A_268 = tpu.memref_slice %arg16[%dma_wait3A_260, %dma_wait3A_267] : memref<2x128xi32, #tpu.memory_space<vmem>> -> memref<1x128xi32, #tpu.memory_space<vmem>>
    %dma_wait3A_269 = tpu.memref_squeeze %dma_wait3A_268 : memref<1x128xi32, #tpu.memory_space<vmem>> -> memref<128xi32, #tpu.memory_space<vmem>>
    %dma_wait3A_270 = arith.constant 0 : i32
    %dma_wait3A_271 = tpu.memref_slice %arg4[%add3A_246, %dma_wait3A_270] : memref<2564x128xi32, #tpu.memory_space<hbm>> -> memref<1x128xi32, #tpu.memory_space<hbm>>
    %dma_wait3A_272 = tpu.memref_squeeze %dma_wait3A_271 : memref<1x128xi32, #tpu.memory_space<hbm>> -> memref<128xi32, #tpu.memory_space<hbm>>
    tpu.wait_dma2 semaphore(%arg24 : memref<!tpu.dma_semaphore, #tpu.memory_space<semaphore_mem>>) src(%dma_wait3A_272 : memref<128xi32, #tpu.memory_space<hbm>>) dst(%dma_wait3A_269 : memref<128xi32, #tpu.memory_space<vmem>>)
    %barrier3A_273 = arith.constant 0 : index
    tpu.barrier barrier_id(%barrier3A_273)
    "tpu.region"() ({
      %run_scoped3A = tpu.sem_alloc : memref<!tpu.dma_semaphore, #tpu.memory_space<semaphore_mem>>
      %dma_start3A_274 = arith.constant 0 : i32
      %dma_start3A_275 = tpu.memref_slice %arg8[%arg0, %mul3A_2, %dma_start3A_274] : memref<2x10112x128xf32, #tpu.memory_space<hbm>> -> memref<1x632x128xf32, #tpu.memory_space<hbm>>
      %dma_start3A_276 = tpu.memref_squeeze %dma_start3A_275 : memref<1x632x128xf32, #tpu.memory_space<hbm>> -> memref<632x128xf32, #tpu.memory_space<hbm>>
      %dma_start3A_277 = arith.constant 0 : i32
      %dma_start3A_278 = tpu.memref_slice %arg10[%mul3A_2, %dma_start3A_277] : memref<10112x128xf32, #tpu.memory_space<vmem_shared>> -> memref<632x128xf32, #tpu.memory_space<vmem_shared>>
      tpu.enqueue_dma source(%dma_start3A_278 : memref<632x128xf32, #tpu.memory_space<vmem_shared>>) target(%dma_start3A_276 : memref<632x128xf32, #tpu.memory_space<hbm>>) target_semaphore(%run_scoped3A : memref<!tpu.dma_semaphore, #tpu.memory_space<semaphore_mem>>)
      %dma_wait3A_279 = arith.constant 0 : i32
      %dma_wait3A_280 = tpu.memref_slice %arg8[%arg0, %mul3A_2, %dma_wait3A_279] : memref<2x10112x128xf32, #tpu.memory_space<hbm>> -> memref<1x632x128xf32, #tpu.memory_space<hbm>>
      %dma_wait3A_281 = tpu.memref_squeeze %dma_wait3A_280 : memref<1x632x128xf32, #tpu.memory_space<hbm>> -> memref<632x128xf32, #tpu.memory_space<hbm>>
      %dma_wait3A_282 = arith.constant 0 : i32
      %dma_wait3A_283 = tpu.memref_slice %arg10[%mul3A_2, %dma_wait3A_282] : memref<10112x128xf32, #tpu.memory_space<vmem_shared>> -> memref<632x128xf32, #tpu.memory_space<vmem_shared>>
      tpu.wait_dma2 semaphore(%run_scoped3A : memref<!tpu.dma_semaphore, #tpu.memory_space<semaphore_mem>>) src(%dma_wait3A_283 : memref<632x128xf32, #tpu.memory_space<vmem_shared>>) dst(%dma_wait3A_281 : memref<632x128xf32, #tpu.memory_space<hbm>>)
      tpu.yield
    }) : () -> ()
    "tpu.region"() ({
      %run_scoped3A = tpu.sem_alloc : memref<!tpu.dma_semaphore, #tpu.memory_space<semaphore_mem>>
      %dma_start3A_274 = arith.constant 0 : i32
      %dma_start3A_275 = tpu.memref_slice %arg9[%arg0, %mul3A_2, %dma_start3A_274] : memref<2x10112x16xf32, #tpu.memory_space<hbm>> -> memref<1x632x16xf32, #tpu.memory_space<hbm>>
      %dma_start3A_276 = tpu.memref_squeeze %dma_start3A_275 : memref<1x632x16xf32, #tpu.memory_space<hbm>> -> memref<632x16xf32, #tpu.memory_space<hbm>>
      %dma_start3A_277 = arith.constant 0 : i32
      %dma_start3A_278 = tpu.memref_slice %arg25[%mul3A_2, %dma_start3A_277] : memref<10112x16xf32, #tpu.memory_space<vmem_shared>> -> memref<632x16xf32, #tpu.memory_space<vmem_shared>>
      tpu.enqueue_dma source(%dma_start3A_278 : memref<632x16xf32, #tpu.memory_space<vmem_shared>>) target(%dma_start3A_276 : memref<632x16xf32, #tpu.memory_space<hbm>>) target_semaphore(%run_scoped3A : memref<!tpu.dma_semaphore, #tpu.memory_space<semaphore_mem>>)
      %dma_wait3A_279 = arith.constant 0 : i32
      %dma_wait3A_280 = tpu.memref_slice %arg9[%arg0, %mul3A_2, %dma_wait3A_279] : memref<2x10112x16xf32, #tpu.memory_space<hbm>> -> memref<1x632x16xf32, #tpu.memory_space<hbm>>
      %dma_wait3A_281 = tpu.memref_squeeze %dma_wait3A_280 : memref<1x632x16xf32, #tpu.memory_space<hbm>> -> memref<632x16xf32, #tpu.memory_space<hbm>>
      %dma_wait3A_282 = arith.constant 0 : i32
      %dma_wait3A_283 = tpu.memref_slice %arg25[%mul3A_2, %dma_wait3A_282] : memref<10112x16xf32, #tpu.memory_space<vmem_shared>> -> memref<632x16xf32, #tpu.memory_space<vmem_shared>>
      tpu.wait_dma2 semaphore(%run_scoped3A : memref<!tpu.dma_semaphore, #tpu.memory_space<semaphore_mem>>) src(%dma_wait3A_283 : memref<632x16xf32, #tpu.memory_space<vmem_shared>>) dst(%dma_wait3A_281 : memref<632x16xf32, #tpu.memory_space<hbm>>)
      tpu.yield
    }) : () -> ()
    return
  }
}

#map = affine_map<(d0, d1) -> (0, 0)>
#map1 = affine_map<(d0, d1) -> (0, 0, 0)>
module attributes {stable_mosaic.version = 14 : i64} {
  func.func @body(%arg0: i32, %arg1: i32, %arg2: memref<10000x128xf32, #tpu.memory_space<hbm>>, %arg3: memref<2564x128xi32, #tpu.memory_space<hbm>>, %arg4: memref<2564x128xi32, #tpu.memory_space<hbm>>, %arg5: memref<10112x128xf32, #tpu.memory_space<hbm>>, %arg6: memref<2x10112x128xf32, #tpu.memory_space<hbm>>, %arg7: memref<10112x128xf32, #tpu.memory_space<vmem_shared>>, %arg8: memref<128x128xf32, #tpu.memory_space<vmem>>, %arg9: memref<128x128xf32, #tpu.memory_space<vmem>>, %arg10: memref<2x128xi32, #tpu.memory_space<vmem>>, %arg11: memref<2x128xi32, #tpu.memory_space<vmem>>, %arg12: memref<2x128xi32, #tpu.memory_space<vmem>>, %arg13: memref<2x128xi32, #tpu.memory_space<vmem>>, %arg14: memref<!tpu.dma_semaphore, #tpu.memory_space<semaphore_mem>>, %arg15: memref<!tpu.dma_semaphore, #tpu.memory_space<semaphore_mem>>, %arg16: memref<!tpu.dma_semaphore, #tpu.memory_space<semaphore_mem>>, %arg17: memref<!tpu.dma_semaphore, #tpu.memory_space<semaphore_mem>>, %arg18: memref<!tpu.dma_semaphore, #tpu.memory_space<semaphore_mem>>, %arg19: memref<!tpu.dma_semaphore, #tpu.memory_space<semaphore_mem>>, %arg20: memref<!tpu.dma_semaphore, #tpu.memory_space<semaphore_mem>>, %arg21: memref<!tpu.dma_semaphore, #tpu.memory_space<semaphore_mem>>) attributes {dimension_semantics = [#tpu.dimension_semantics<core_parallel>, #tpu.dimension_semantics<subcore_parallel>], iteration_bounds = array<i64: 2, 16>, scalar_prefetch = 0 : i64, scratch_operands = 15 : i64, tpu.core_type = #tpu.core_type<sc_vector_subcore>, window_params = [{transform_indices = #map}, {transform_indices = #map}, {transform_indices = #map}, {transform_indices = #map}, {transform_indices = #map1}]} {
    %mul3A = arith.constant 16 : i32
    %mul3A_0 = arith.muli %arg0, %mul3A : i32
    %add3A = arith.addi %mul3A_0, %arg1 : i32
    %mul3A_1 = arith.constant 632 : i32
    %mul3A_2 = arith.muli %arg1, %mul3A_1 : i32
    "tpu.region"() ({
      %run_scoped3A = tpu.sem_alloc : memref<!tpu.dma_semaphore, #tpu.memory_space<semaphore_mem>>
      %dma_start3A_274 = arith.constant 0 : i32
      %dma_start3A_275 = tpu.memref_slice %arg7[%mul3A_2, %dma_start3A_274] : memref<10112x128xf32, #tpu.memory_space<vmem_shared>> -> memref<632x128xf32, #tpu.memory_space<vmem_shared>>
      %dma_start3A_276 = arith.constant 0 : i32
      %dma_start3A_277 = tpu.memref_slice %arg5[%mul3A_2, %dma_start3A_276] : memref<10112x128xf32, #tpu.memory_space<hbm>> -> memref<632x128xf32, #tpu.memory_space<hbm>>
      tpu.enqueue_dma source(%dma_start3A_277 : memref<632x128xf32, #tpu.memory_space<hbm>>) target(%dma_start3A_275 : memref<632x128xf32, #tpu.memory_space<vmem_shared>>) target_semaphore(%run_scoped3A : memref<!tpu.dma_semaphore, #tpu.memory_space<semaphore_mem>>)
      %dma_wait3A_278 = arith.constant 0 : i32
      %dma_wait3A_279 = tpu.memref_slice %arg7[%mul3A_2, %dma_wait3A_278] : memref<10112x128xf32, #tpu.memory_space<vmem_shared>> -> memref<632x128xf32, #tpu.memory_space<vmem_shared>>
      %dma_wait3A_280 = arith.constant 0 : i32
      %dma_wait3A_281 = tpu.memref_slice %arg5[%mul3A_2, %dma_wait3A_280] : memref<10112x128xf32, #tpu.memory_space<hbm>> -> memref<632x128xf32, #tpu.memory_space<hbm>>
      tpu.wait_dma2 semaphore(%run_scoped3A : memref<!tpu.dma_semaphore, #tpu.memory_space<semaphore_mem>>) src(%dma_wait3A_281 : memref<632x128xf32, #tpu.memory_space<hbm>>) dst(%dma_wait3A_279 : memref<632x128xf32, #tpu.memory_space<vmem_shared>>)
      tpu.yield
    }) : () -> ()
    %barrier3A = arith.constant 0 : index
    tpu.barrier barrier_id(%barrier3A)
    %mul3A_3 = arith.constant 80 : i32
    %mul3A_4 = arith.muli %add3A, %mul3A_3 : i32
    %add3A_5 = arith.constant 0 : i32
    %add3A_6 = arith.addi %mul3A_4, %add3A_5 : i32
    %dma_start3A = arith.constant 0 : i32
    %dma_start3A_7 = arith.constant 0 : i32
    %dma_start3A_8 = tpu.memref_slice %arg10[%dma_start3A, %dma_start3A_7] : memref<2x128xi32, #tpu.memory_space<vmem>> -> memref<1x128xi32, #tpu.memory_space<vmem>>
    %dma_start3A_9 = tpu.memref_squeeze %dma_start3A_8 : memref<1x128xi32, #tpu.memory_space<vmem>> -> memref<128xi32, #tpu.memory_space<vmem>>
    %dma_start3A_10 = arith.constant 0 : i32
    %dma_start3A_11 = tpu.memref_slice %arg3[%add3A_6, %dma_start3A_10] : memref<2564x128xi32, #tpu.memory_space<hbm>> -> memref<1x128xi32, #tpu.memory_space<hbm>>
    %dma_start3A_12 = tpu.memref_squeeze %dma_start3A_11 : memref<1x128xi32, #tpu.memory_space<hbm>> -> memref<128xi32, #tpu.memory_space<hbm>>
    %dma_start3A_13 = arith.constant 0 : i32
    %dma_start3A_14 = tpu.memref_slice %arg10[%dma_start3A, %dma_start3A_13] : memref<2x128xi32, #tpu.memory_space<vmem>> -> memref<1x128xi32, #tpu.memory_space<vmem>>
    %dma_start3A_15 = tpu.memref_squeeze %dma_start3A_14 : memref<1x128xi32, #tpu.memory_space<vmem>> -> memref<128xi32, #tpu.memory_space<vmem>>
    %dma_start3A_16 = arith.constant 0 : i32
    %dma_start3A_17 = tpu.memref_slice %arg3[%add3A_6, %dma_start3A_16] : memref<2564x128xi32, #tpu.memory_space<hbm>> -> memref<1x128xi32, #tpu.memory_space<hbm>>
    %dma_start3A_18 = tpu.memref_squeeze %dma_start3A_17 : memref<1x128xi32, #tpu.memory_space<hbm>> -> memref<128xi32, #tpu.memory_space<hbm>>
    tpu.enqueue_dma source(%dma_start3A_18 : memref<128xi32, #tpu.memory_space<hbm>>) target(%dma_start3A_15 : memref<128xi32, #tpu.memory_space<vmem>>) target_semaphore(%arg18 : memref<!tpu.dma_semaphore, #tpu.memory_space<semaphore_mem>>)
    %dma_start3A_19 = arith.constant 1 : i32
    %dma_start3A_20 = arith.constant 0 : i32
    %dma_start3A_21 = tpu.memref_slice %arg10[%dma_start3A_19, %dma_start3A_20] : memref<2x128xi32, #tpu.memory_space<vmem>> -> memref<1x128xi32, #tpu.memory_space<vmem>>
    %dma_start3A_22 = tpu.memref_squeeze %dma_start3A_21 : memref<1x128xi32, #tpu.memory_space<vmem>> -> memref<128xi32, #tpu.memory_space<vmem>>
    %dma_start3A_23 = arith.constant 0 : i32
    %dma_start3A_24 = tpu.memref_slice %arg4[%add3A_6, %dma_start3A_23] : memref<2564x128xi32, #tpu.memory_space<hbm>> -> memref<1x128xi32, #tpu.memory_space<hbm>>
    %dma_start3A_25 = tpu.memref_squeeze %dma_start3A_24 : memref<1x128xi32, #tpu.memory_space<hbm>> -> memref<128xi32, #tpu.memory_space<hbm>>
    %dma_start3A_26 = arith.constant 0 : i32
    %dma_start3A_27 = tpu.memref_slice %arg10[%dma_start3A_19, %dma_start3A_26] : memref<2x128xi32, #tpu.memory_space<vmem>> -> memref<1x128xi32, #tpu.memory_space<vmem>>
    %dma_start3A_28 = tpu.memref_squeeze %dma_start3A_27 : memref<1x128xi32, #tpu.memory_space<vmem>> -> memref<128xi32, #tpu.memory_space<vmem>>
    %dma_start3A_29 = arith.constant 0 : i32
    %dma_start3A_30 = tpu.memref_slice %arg4[%add3A_6, %dma_start3A_29] : memref<2564x128xi32, #tpu.memory_space<hbm>> -> memref<1x128xi32, #tpu.memory_space<hbm>>
    %dma_start3A_31 = tpu.memref_squeeze %dma_start3A_30 : memref<1x128xi32, #tpu.memory_space<hbm>> -> memref<128xi32, #tpu.memory_space<hbm>>
    tpu.enqueue_dma source(%dma_start3A_31 : memref<128xi32, #tpu.memory_space<hbm>>) target(%dma_start3A_28 : memref<128xi32, #tpu.memory_space<vmem>>) target_semaphore(%arg18 : memref<!tpu.dma_semaphore, #tpu.memory_space<semaphore_mem>>)
    %mul3A_32 = arith.constant 80 : i32
    %mul3A_33 = arith.muli %add3A, %mul3A_32 : i32
    %add3A_34 = arith.constant 1 : i32
    %add3A_35 = arith.addi %mul3A_33, %add3A_34 : i32
    %dma_start3A_36 = arith.constant 0 : i32
    %dma_start3A_37 = arith.constant 0 : i32
    %dma_start3A_38 = tpu.memref_slice %arg11[%dma_start3A_36, %dma_start3A_37] : memref<2x128xi32, #tpu.memory_space<vmem>> -> memref<1x128xi32, #tpu.memory_space<vmem>>
    %dma_start3A_39 = tpu.memref_squeeze %dma_start3A_38 : memref<1x128xi32, #tpu.memory_space<vmem>> -> memref<128xi32, #tpu.memory_space<vmem>>
    %dma_start3A_40 = arith.constant 0 : i32
    %dma_start3A_41 = tpu.memref_slice %arg3[%add3A_35, %dma_start3A_40] : memref<2564x128xi32, #tpu.memory_space<hbm>> -> memref<1x128xi32, #tpu.memory_space<hbm>>
    %dma_start3A_42 = tpu.memref_squeeze %dma_start3A_41 : memref<1x128xi32, #tpu.memory_space<hbm>> -> memref<128xi32, #tpu.memory_space<hbm>>
    %dma_start3A_43 = arith.constant 0 : i32
    %dma_start3A_44 = tpu.memref_slice %arg11[%dma_start3A_36, %dma_start3A_43] : memref<2x128xi32, #tpu.memory_space<vmem>> -> memref<1x128xi32, #tpu.memory_space<vmem>>
    %dma_start3A_45 = tpu.memref_squeeze %dma_start3A_44 : memref<1x128xi32, #tpu.memory_space<vmem>> -> memref<128xi32, #tpu.memory_space<vmem>>
    %dma_start3A_46 = arith.constant 0 : i32
    %dma_start3A_47 = tpu.memref_slice %arg3[%add3A_35, %dma_start3A_46] : memref<2564x128xi32, #tpu.memory_space<hbm>> -> memref<1x128xi32, #tpu.memory_space<hbm>>
    %dma_start3A_48 = tpu.memref_squeeze %dma_start3A_47 : memref<1x128xi32, #tpu.memory_space<hbm>> -> memref<128xi32, #tpu.memory_space<hbm>>
    tpu.enqueue_dma source(%dma_start3A_48 : memref<128xi32, #tpu.memory_space<hbm>>) target(%dma_start3A_45 : memref<128xi32, #tpu.memory_space<vmem>>) target_semaphore(%arg19 : memref<!tpu.dma_semaphore, #tpu.memory_space<semaphore_mem>>)
    %dma_start3A_49 = arith.constant 1 : i32
    %dma_start3A_50 = arith.constant 0 : i32
    %dma_start3A_51 = tpu.memref_slice %arg11[%dma_start3A_49, %dma_start3A_50] : memref<2x128xi32, #tpu.memory_space<vmem>> -> memref<1x128xi32, #tpu.memory_space<vmem>>
    %dma_start3A_52 = tpu.memref_squeeze %dma_start3A_51 : memref<1x128xi32, #tpu.memory_space<vmem>> -> memref<128xi32, #tpu.memory_space<vmem>>
    %dma_start3A_53 = arith.constant 0 : i32
    %dma_start3A_54 = tpu.memref_slice %arg4[%add3A_35, %dma_start3A_53] : memref<2564x128xi32, #tpu.memory_space<hbm>> -> memref<1x128xi32, #tpu.memory_space<hbm>>
    %dma_start3A_55 = tpu.memref_squeeze %dma_start3A_54 : memref<1x128xi32, #tpu.memory_space<hbm>> -> memref<128xi32, #tpu.memory_space<hbm>>
    %dma_start3A_56 = arith.constant 0 : i32
    %dma_start3A_57 = tpu.memref_slice %arg11[%dma_start3A_49, %dma_start3A_56] : memref<2x128xi32, #tpu.memory_space<vmem>> -> memref<1x128xi32, #tpu.memory_space<vmem>>
    %dma_start3A_58 = tpu.memref_squeeze %dma_start3A_57 : memref<1x128xi32, #tpu.memory_space<vmem>> -> memref<128xi32, #tpu.memory_space<vmem>>
    %dma_start3A_59 = arith.constant 0 : i32
    %dma_start3A_60 = tpu.memref_slice %arg4[%add3A_35, %dma_start3A_59] : memref<2564x128xi32, #tpu.memory_space<hbm>> -> memref<1x128xi32, #tpu.memory_space<hbm>>
    %dma_start3A_61 = tpu.memref_squeeze %dma_start3A_60 : memref<1x128xi32, #tpu.memory_space<hbm>> -> memref<128xi32, #tpu.memory_space<hbm>>
    tpu.enqueue_dma source(%dma_start3A_61 : memref<128xi32, #tpu.memory_space<hbm>>) target(%dma_start3A_58 : memref<128xi32, #tpu.memory_space<vmem>>) target_semaphore(%arg19 : memref<!tpu.dma_semaphore, #tpu.memory_space<semaphore_mem>>)
    %mul3A_62 = arith.constant 80 : i32
    %mul3A_63 = arith.muli %add3A, %mul3A_62 : i32
    %add3A_64 = arith.constant 2 : i32
    %add3A_65 = arith.addi %mul3A_63, %add3A_64 : i32
    %dma_start3A_66 = arith.constant 0 : i32
    %dma_start3A_67 = arith.constant 0 : i32
    %dma_start3A_68 = tpu.memref_slice %arg12[%dma_start3A_66, %dma_start3A_67] : memref<2x128xi32, #tpu.memory_space<vmem>> -> memref<1x128xi32, #tpu.memory_space<vmem>>
    %dma_start3A_69 = tpu.memref_squeeze %dma_start3A_68 : memref<1x128xi32, #tpu.memory_space<vmem>> -> memref<128xi32, #tpu.memory_space<vmem>>
    %dma_start3A_70 = arith.constant 0 : i32
    %dma_start3A_71 = tpu.memref_slice %arg3[%add3A_65, %dma_start3A_70] : memref<2564x128xi32, #tpu.memory_space<hbm>> -> memref<1x128xi32, #tpu.memory_space<hbm>>
    %dma_start3A_72 = tpu.memref_squeeze %dma_start3A_71 : memref<1x128xi32, #tpu.memory_space<hbm>> -> memref<128xi32, #tpu.memory_space<hbm>>
    %dma_start3A_73 = arith.constant 0 : i32
    %dma_start3A_74 = tpu.memref_slice %arg12[%dma_start3A_66, %dma_start3A_73] : memref<2x128xi32, #tpu.memory_space<vmem>> -> memref<1x128xi32, #tpu.memory_space<vmem>>
    %dma_start3A_75 = tpu.memref_squeeze %dma_start3A_74 : memref<1x128xi32, #tpu.memory_space<vmem>> -> memref<128xi32, #tpu.memory_space<vmem>>
    %dma_start3A_76 = arith.constant 0 : i32
    %dma_start3A_77 = tpu.memref_slice %arg3[%add3A_65, %dma_start3A_76] : memref<2564x128xi32, #tpu.memory_space<hbm>> -> memref<1x128xi32, #tpu.memory_space<hbm>>
    %dma_start3A_78 = tpu.memref_squeeze %dma_start3A_77 : memref<1x128xi32, #tpu.memory_space<hbm>> -> memref<128xi32, #tpu.memory_space<hbm>>
    tpu.enqueue_dma source(%dma_start3A_78 : memref<128xi32, #tpu.memory_space<hbm>>) target(%dma_start3A_75 : memref<128xi32, #tpu.memory_space<vmem>>) target_semaphore(%arg20 : memref<!tpu.dma_semaphore, #tpu.memory_space<semaphore_mem>>)
    %dma_start3A_79 = arith.constant 1 : i32
    %dma_start3A_80 = arith.constant 0 : i32
    %dma_start3A_81 = tpu.memref_slice %arg12[%dma_start3A_79, %dma_start3A_80] : memref<2x128xi32, #tpu.memory_space<vmem>> -> memref<1x128xi32, #tpu.memory_space<vmem>>
    %dma_start3A_82 = tpu.memref_squeeze %dma_start3A_81 : memref<1x128xi32, #tpu.memory_space<vmem>> -> memref<128xi32, #tpu.memory_space<vmem>>
    %dma_start3A_83 = arith.constant 0 : i32
    %dma_start3A_84 = tpu.memref_slice %arg4[%add3A_65, %dma_start3A_83] : memref<2564x128xi32, #tpu.memory_space<hbm>> -> memref<1x128xi32, #tpu.memory_space<hbm>>
    %dma_start3A_85 = tpu.memref_squeeze %dma_start3A_84 : memref<1x128xi32, #tpu.memory_space<hbm>> -> memref<128xi32, #tpu.memory_space<hbm>>
    %dma_start3A_86 = arith.constant 0 : i32
    %dma_start3A_87 = tpu.memref_slice %arg12[%dma_start3A_79, %dma_start3A_86] : memref<2x128xi32, #tpu.memory_space<vmem>> -> memref<1x128xi32, #tpu.memory_space<vmem>>
    %dma_start3A_88 = tpu.memref_squeeze %dma_start3A_87 : memref<1x128xi32, #tpu.memory_space<vmem>> -> memref<128xi32, #tpu.memory_space<vmem>>
    %dma_start3A_89 = arith.constant 0 : i32
    %dma_start3A_90 = tpu.memref_slice %arg4[%add3A_65, %dma_start3A_89] : memref<2564x128xi32, #tpu.memory_space<hbm>> -> memref<1x128xi32, #tpu.memory_space<hbm>>
    %dma_start3A_91 = tpu.memref_squeeze %dma_start3A_90 : memref<1x128xi32, #tpu.memory_space<hbm>> -> memref<128xi32, #tpu.memory_space<hbm>>
    tpu.enqueue_dma source(%dma_start3A_91 : memref<128xi32, #tpu.memory_space<hbm>>) target(%dma_start3A_88 : memref<128xi32, #tpu.memory_space<vmem>>) target_semaphore(%arg20 : memref<!tpu.dma_semaphore, #tpu.memory_space<semaphore_mem>>)
    %mul3A_92 = arith.constant 80 : i32
    %mul3A_93 = arith.muli %add3A, %mul3A_92 : i32
    %add3A_94 = arith.constant 3 : i32
    %add3A_95 = arith.addi %mul3A_93, %add3A_94 : i32
    %dma_start3A_96 = arith.constant 0 : i32
    %dma_start3A_97 = arith.constant 0 : i32
    %dma_start3A_98 = tpu.memref_slice %arg13[%dma_start3A_96, %dma_start3A_97] : memref<2x128xi32, #tpu.memory_space<vmem>> -> memref<1x128xi32, #tpu.memory_space<vmem>>
    %dma_start3A_99 = tpu.memref_squeeze %dma_start3A_98 : memref<1x128xi32, #tpu.memory_space<vmem>> -> memref<128xi32, #tpu.memory_space<vmem>>
    %dma_start3A_100 = arith.constant 0 : i32
    %dma_start3A_101 = tpu.memref_slice %arg3[%add3A_95, %dma_start3A_100] : memref<2564x128xi32, #tpu.memory_space<hbm>> -> memref<1x128xi32, #tpu.memory_space<hbm>>
    %dma_start3A_102 = tpu.memref_squeeze %dma_start3A_101 : memref<1x128xi32, #tpu.memory_space<hbm>> -> memref<128xi32, #tpu.memory_space<hbm>>
    %dma_start3A_103 = arith.constant 0 : i32
    %dma_start3A_104 = tpu.memref_slice %arg13[%dma_start3A_96, %dma_start3A_103] : memref<2x128xi32, #tpu.memory_space<vmem>> -> memref<1x128xi32, #tpu.memory_space<vmem>>
    %dma_start3A_105 = tpu.memref_squeeze %dma_start3A_104 : memref<1x128xi32, #tpu.memory_space<vmem>> -> memref<128xi32, #tpu.memory_space<vmem>>
    %dma_start3A_106 = arith.constant 0 : i32
    %dma_start3A_107 = tpu.memref_slice %arg3[%add3A_95, %dma_start3A_106] : memref<2564x128xi32, #tpu.memory_space<hbm>> -> memref<1x128xi32, #tpu.memory_space<hbm>>
    %dma_start3A_108 = tpu.memref_squeeze %dma_start3A_107 : memref<1x128xi32, #tpu.memory_space<hbm>> -> memref<128xi32, #tpu.memory_space<hbm>>
    tpu.enqueue_dma source(%dma_start3A_108 : memref<128xi32, #tpu.memory_space<hbm>>) target(%dma_start3A_105 : memref<128xi32, #tpu.memory_space<vmem>>) target_semaphore(%arg21 : memref<!tpu.dma_semaphore, #tpu.memory_space<semaphore_mem>>)
    %dma_start3A_109 = arith.constant 1 : i32
    %dma_start3A_110 = arith.constant 0 : i32
    %dma_start3A_111 = tpu.memref_slice %arg13[%dma_start3A_109, %dma_start3A_110] : memref<2x128xi32, #tpu.memory_space<vmem>> -> memref<1x128xi32, #tpu.memory_space<vmem>>
    %dma_start3A_112 = tpu.memref_squeeze %dma_start3A_111 : memref<1x128xi32, #tpu.memory_space<vmem>> -> memref<128xi32, #tpu.memory_space<vmem>>
    %dma_start3A_113 = arith.constant 0 : i32
    %dma_start3A_114 = tpu.memref_slice %arg4[%add3A_95, %dma_start3A_113] : memref<2564x128xi32, #tpu.memory_space<hbm>> -> memref<1x128xi32, #tpu.memory_space<hbm>>
    %dma_start3A_115 = tpu.memref_squeeze %dma_start3A_114 : memref<1x128xi32, #tpu.memory_space<hbm>> -> memref<128xi32, #tpu.memory_space<hbm>>
    %dma_start3A_116 = arith.constant 0 : i32
    %dma_start3A_117 = tpu.memref_slice %arg13[%dma_start3A_109, %dma_start3A_116] : memref<2x128xi32, #tpu.memory_space<vmem>> -> memref<1x128xi32, #tpu.memory_space<vmem>>
    %dma_start3A_118 = tpu.memref_squeeze %dma_start3A_117 : memref<1x128xi32, #tpu.memory_space<vmem>> -> memref<128xi32, #tpu.memory_space<vmem>>
    %dma_start3A_119 = arith.constant 0 : i32
    %dma_start3A_120 = tpu.memref_slice %arg4[%add3A_95, %dma_start3A_119] : memref<2564x128xi32, #tpu.memory_space<hbm>> -> memref<1x128xi32, #tpu.memory_space<hbm>>
    %dma_start3A_121 = tpu.memref_squeeze %dma_start3A_120 : memref<1x128xi32, #tpu.memory_space<hbm>> -> memref<128xi32, #tpu.memory_space<hbm>>
    tpu.enqueue_dma source(%dma_start3A_121 : memref<128xi32, #tpu.memory_space<hbm>>) target(%dma_start3A_118 : memref<128xi32, #tpu.memory_space<vmem>>) target_semaphore(%arg21 : memref<!tpu.dma_semaphore, #tpu.memory_space<semaphore_mem>>)
    %mul3A_122 = arith.constant 80 : i32
    %mul3A_123 = arith.muli %add3A, %mul3A_122 : i32
    %add3A_124 = arith.constant 0 : i32
    %add3A_125 = arith.addi %mul3A_123, %add3A_124 : i32
    %dma_wait3A = arith.constant 0 : i32
    %dma_wait3A_126 = arith.constant 0 : i32
    %dma_wait3A_127 = tpu.memref_slice %arg10[%dma_wait3A, %dma_wait3A_126] : memref<2x128xi32, #tpu.memory_space<vmem>> -> memref<1x128xi32, #tpu.memory_space<vmem>>
    %dma_wait3A_128 = tpu.memref_squeeze %dma_wait3A_127 : memref<1x128xi32, #tpu.memory_space<vmem>> -> memref<128xi32, #tpu.memory_space<vmem>>
    %dma_wait3A_129 = arith.constant 0 : i32
    %dma_wait3A_130 = tpu.memref_slice %arg3[%add3A_125, %dma_wait3A_129] : memref<2564x128xi32, #tpu.memory_space<hbm>> -> memref<1x128xi32, #tpu.memory_space<hbm>>
    %dma_wait3A_131 = tpu.memref_squeeze %dma_wait3A_130 : memref<1x128xi32, #tpu.memory_space<hbm>> -> memref<128xi32, #tpu.memory_space<hbm>>
    %dma_wait3A_132 = arith.constant 0 : i32
    %dma_wait3A_133 = tpu.memref_slice %arg10[%dma_wait3A, %dma_wait3A_132] : memref<2x128xi32, #tpu.memory_space<vmem>> -> memref<1x128xi32, #tpu.memory_space<vmem>>
    %dma_wait3A_134 = tpu.memref_squeeze %dma_wait3A_133 : memref<1x128xi32, #tpu.memory_space<vmem>> -> memref<128xi32, #tpu.memory_space<vmem>>
    %dma_wait3A_135 = arith.constant 0 : i32
    %dma_wait3A_136 = tpu.memref_slice %arg3[%add3A_125, %dma_wait3A_135] : memref<2564x128xi32, #tpu.memory_space<hbm>> -> memref<1x128xi32, #tpu.memory_space<hbm>>
    %dma_wait3A_137 = tpu.memref_squeeze %dma_wait3A_136 : memref<1x128xi32, #tpu.memory_space<hbm>> -> memref<128xi32, #tpu.memory_space<hbm>>
    tpu.wait_dma2 semaphore(%arg18 : memref<!tpu.dma_semaphore, #tpu.memory_space<semaphore_mem>>) src(%dma_wait3A_137 : memref<128xi32, #tpu.memory_space<hbm>>) dst(%dma_wait3A_134 : memref<128xi32, #tpu.memory_space<vmem>>)
    %dma_wait3A_138 = arith.constant 1 : i32
    %dma_wait3A_139 = arith.constant 0 : i32
    %dma_wait3A_140 = tpu.memref_slice %arg10[%dma_wait3A_138, %dma_wait3A_139] : memref<2x128xi32, #tpu.memory_space<vmem>> -> memref<1x128xi32, #tpu.memory_space<vmem>>
    %dma_wait3A_141 = tpu.memref_squeeze %dma_wait3A_140 : memref<1x128xi32, #tpu.memory_space<vmem>> -> memref<128xi32, #tpu.memory_space<vmem>>
    %dma_wait3A_142 = arith.constant 0 : i32
    %dma_wait3A_143 = tpu.memref_slice %arg4[%add3A_125, %dma_wait3A_142] : memref<2564x128xi32, #tpu.memory_space<hbm>> -> memref<1x128xi32, #tpu.memory_space<hbm>>
    %dma_wait3A_144 = tpu.memref_squeeze %dma_wait3A_143 : memref<1x128xi32, #tpu.memory_space<hbm>> -> memref<128xi32, #tpu.memory_space<hbm>>
    %dma_wait3A_145 = arith.constant 0 : i32
    %dma_wait3A_146 = tpu.memref_slice %arg10[%dma_wait3A_138, %dma_wait3A_145] : memref<2x128xi32, #tpu.memory_space<vmem>> -> memref<1x128xi32, #tpu.memory_space<vmem>>
    %dma_wait3A_147 = tpu.memref_squeeze %dma_wait3A_146 : memref<1x128xi32, #tpu.memory_space<vmem>> -> memref<128xi32, #tpu.memory_space<vmem>>
    %dma_wait3A_148 = arith.constant 0 : i32
    %dma_wait3A_149 = tpu.memref_slice %arg4[%add3A_125, %dma_wait3A_148] : memref<2564x128xi32, #tpu.memory_space<hbm>> -> memref<1x128xi32, #tpu.memory_space<hbm>>
    %dma_wait3A_150 = tpu.memref_squeeze %dma_wait3A_149 : memref<1x128xi32, #tpu.memory_space<hbm>> -> memref<128xi32, #tpu.memory_space<hbm>>
    tpu.wait_dma2 semaphore(%arg18 : memref<!tpu.dma_semaphore, #tpu.memory_space<semaphore_mem>>) src(%dma_wait3A_150 : memref<128xi32, #tpu.memory_space<hbm>>) dst(%dma_wait3A_147 : memref<128xi32, #tpu.memory_space<vmem>>)
    %dma_start3A_151 = arith.constant 0 : i32
    %dma_start3A_152 = arith.constant 0 : i32
    %dma_start3A_153 = tpu.memref_slice %arg10[%dma_start3A_151, %dma_start3A_152] : memref<2x128xi32, #tpu.memory_space<vmem>> -> memref<1x128xi32, #tpu.memory_space<vmem>>
    %dma_start3A_154 = tpu.memref_squeeze %dma_start3A_153 : memref<1x128xi32, #tpu.memory_space<vmem>> -> memref<128xi32, #tpu.memory_space<vmem>>
    %dma_start3A_155 = arith.constant 0 : i32
    %dma_start3A_156 = arith.constant 0 : i32
    %dma_start3A_157 = tpu.memref_slice %arg2[%dma_start3A_155, %dma_start3A_156] : memref<10000x128xf32, #tpu.memory_space<hbm>> -> memref<10000x128xf32, #tpu.memory_space<hbm>>
    tpu.enqueue_indirect_dma source(%dma_start3A_157 : memref<10000x128xf32, #tpu.memory_space<hbm>>) target(%arg8 : memref<128x128xf32, #tpu.memory_space<vmem>>) offsets(%dma_start3A_154 : memref<128xi32, #tpu.memory_space<vmem>>) semaphore(%arg14 : memref<!tpu.dma_semaphore, #tpu.memory_space<semaphore_mem>>)
    %mul3A_158 = arith.constant 80 : i32
    %mul3A_159 = arith.muli %add3A, %mul3A_158 : i32
    %add3A_160 = arith.constant 1 : i32
    %add3A_161 = arith.addi %mul3A_159, %add3A_160 : i32
    %dma_wait3A_162 = arith.constant 0 : i32
    %dma_wait3A_163 = arith.constant 0 : i32
    %dma_wait3A_164 = tpu.memref_slice %arg11[%dma_wait3A_162, %dma_wait3A_163] : memref<2x128xi32, #tpu.memory_space<vmem>> -> memref<1x128xi32, #tpu.memory_space<vmem>>
    %dma_wait3A_165 = tpu.memref_squeeze %dma_wait3A_164 : memref<1x128xi32, #tpu.memory_space<vmem>> -> memref<128xi32, #tpu.memory_space<vmem>>
    %dma_wait3A_166 = arith.constant 0 : i32
    %dma_wait3A_167 = tpu.memref_slice %arg3[%add3A_161, %dma_wait3A_166] : memref<2564x128xi32, #tpu.memory_space<hbm>> -> memref<1x128xi32, #tpu.memory_space<hbm>>
    %dma_wait3A_168 = tpu.memref_squeeze %dma_wait3A_167 : memref<1x128xi32, #tpu.memory_space<hbm>> -> memref<128xi32, #tpu.memory_space<hbm>>
    %dma_wait3A_169 = arith.constant 0 : i32
    %dma_wait3A_170 = tpu.memref_slice %arg11[%dma_wait3A_162, %dma_wait3A_169] : memref<2x128xi32, #tpu.memory_space<vmem>> -> memref<1x128xi32, #tpu.memory_space<vmem>>
    %dma_wait3A_171 = tpu.memref_squeeze %dma_wait3A_170 : memref<1x128xi32, #tpu.memory_space<vmem>> -> memref<128xi32, #tpu.memory_space<vmem>>
    %dma_wait3A_172 = arith.constant 0 : i32
    %dma_wait3A_173 = tpu.memref_slice %arg3[%add3A_161, %dma_wait3A_172] : memref<2564x128xi32, #tpu.memory_space<hbm>> -> memref<1x128xi32, #tpu.memory_space<hbm>>
    %dma_wait3A_174 = tpu.memref_squeeze %dma_wait3A_173 : memref<1x128xi32, #tpu.memory_space<hbm>> -> memref<128xi32, #tpu.memory_space<hbm>>
    tpu.wait_dma2 semaphore(%arg19 : memref<!tpu.dma_semaphore, #tpu.memory_space<semaphore_mem>>) src(%dma_wait3A_174 : memref<128xi32, #tpu.memory_space<hbm>>) dst(%dma_wait3A_171 : memref<128xi32, #tpu.memory_space<vmem>>)
    %dma_wait3A_175 = arith.constant 1 : i32
    %dma_wait3A_176 = arith.constant 0 : i32
    %dma_wait3A_177 = tpu.memref_slice %arg11[%dma_wait3A_175, %dma_wait3A_176] : memref<2x128xi32, #tpu.memory_space<vmem>> -> memref<1x128xi32, #tpu.memory_space<vmem>>
    %dma_wait3A_178 = tpu.memref_squeeze %dma_wait3A_177 : memref<1x128xi32, #tpu.memory_space<vmem>> -> memref<128xi32, #tpu.memory_space<vmem>>
    %dma_wait3A_179 = arith.constant 0 : i32
    %dma_wait3A_180 = tpu.memref_slice %arg4[%add3A_161, %dma_wait3A_179] : memref<2564x128xi32, #tpu.memory_space<hbm>> -> memref<1x128xi32, #tpu.memory_space<hbm>>
    %dma_wait3A_181 = tpu.memref_squeeze %dma_wait3A_180 : memref<1x128xi32, #tpu.memory_space<hbm>> -> memref<128xi32, #tpu.memory_space<hbm>>
    %dma_wait3A_182 = arith.constant 0 : i32
    %dma_wait3A_183 = tpu.memref_slice %arg11[%dma_wait3A_175, %dma_wait3A_182] : memref<2x128xi32, #tpu.memory_space<vmem>> -> memref<1x128xi32, #tpu.memory_space<vmem>>
    %dma_wait3A_184 = tpu.memref_squeeze %dma_wait3A_183 : memref<1x128xi32, #tpu.memory_space<vmem>> -> memref<128xi32, #tpu.memory_space<vmem>>
    %dma_wait3A_185 = arith.constant 0 : i32
    %dma_wait3A_186 = tpu.memref_slice %arg4[%add3A_161, %dma_wait3A_185] : memref<2564x128xi32, #tpu.memory_space<hbm>> -> memref<1x128xi32, #tpu.memory_space<hbm>>
    %dma_wait3A_187 = tpu.memref_squeeze %dma_wait3A_186 : memref<1x128xi32, #tpu.memory_space<hbm>> -> memref<128xi32, #tpu.memory_space<hbm>>
    tpu.wait_dma2 semaphore(%arg19 : memref<!tpu.dma_semaphore, #tpu.memory_space<semaphore_mem>>) src(%dma_wait3A_187 : memref<128xi32, #tpu.memory_space<hbm>>) dst(%dma_wait3A_184 : memref<128xi32, #tpu.memory_space<vmem>>)
    %dma_start3A_188 = arith.constant 0 : i32
    %dma_start3A_189 = arith.constant 0 : i32
    %dma_start3A_190 = tpu.memref_slice %arg11[%dma_start3A_188, %dma_start3A_189] : memref<2x128xi32, #tpu.memory_space<vmem>> -> memref<1x128xi32, #tpu.memory_space<vmem>>
    %dma_start3A_191 = tpu.memref_squeeze %dma_start3A_190 : memref<1x128xi32, #tpu.memory_space<vmem>> -> memref<128xi32, #tpu.memory_space<vmem>>
    %dma_start3A_192 = arith.constant 0 : i32
    %dma_start3A_193 = arith.constant 0 : i32
    %dma_start3A_194 = tpu.memref_slice %arg2[%dma_start3A_192, %dma_start3A_193] : memref<10000x128xf32, #tpu.memory_space<hbm>> -> memref<10000x128xf32, #tpu.memory_space<hbm>>
    tpu.enqueue_indirect_dma source(%dma_start3A_194 : memref<10000x128xf32, #tpu.memory_space<hbm>>) target(%arg9 : memref<128x128xf32, #tpu.memory_space<vmem>>) offsets(%dma_start3A_191 : memref<128xi32, #tpu.memory_space<vmem>>) semaphore(%arg15 : memref<!tpu.dma_semaphore, #tpu.memory_space<semaphore_mem>>)
    %scan3A = arith.constant 0 : i32
    %scan3A_195 = arith.constant 20 : i32
    %scan3A_196 = arith.addi %scan3A, %scan3A_195 : i32
    %scan3A_197 = arith.constant 1 : i32
    scf.for %scan3A_274 = %scan3A to %scan3A_196 step %scan3A_197  : i32 {
      %mul3A_275 = arith.constant 4 : i32
      %mul3A_276 = arith.muli %scan3A_274, %mul3A_275 : i32
      %add3A_277 = arith.constant 0 : i32
      %add3A_278 = arith.addi %add3A_277, %mul3A_276 : i32
      %dma_wait3A_279 = arith.constant 0 : i32
      %dma_wait3A_280 = arith.constant 0 : i32
      %dma_wait3A_281 = tpu.memref_slice %arg10[%dma_wait3A_279, %dma_wait3A_280] : memref<2x128xi32, #tpu.memory_space<vmem>> -> memref<1x128xi32, #tpu.memory_space<vmem>>
      %dma_wait3A_282 = tpu.memref_squeeze %dma_wait3A_281 : memref<1x128xi32, #tpu.memory_space<vmem>> -> memref<128xi32, #tpu.memory_space<vmem>>
      %dma_wait3A_283 = arith.constant 0 : i32
      %dma_wait3A_284 = arith.constant 0 : i32
      %dma_wait3A_285 = tpu.memref_slice %arg2[%dma_wait3A_283, %dma_wait3A_284] : memref<10000x128xf32, #tpu.memory_space<hbm>> -> memref<10000x128xf32, #tpu.memory_space<hbm>>
      tpu.wait_indirect_dma semaphore(%arg14 : memref<!tpu.dma_semaphore, #tpu.memory_space<semaphore_mem>>) src(%dma_wait3A_285 : memref<10000x128xf32, #tpu.memory_space<hbm>>) dst(%arg8 : memref<128x128xf32, #tpu.memory_space<vmem>>)
      %dma_start3A_286 = arith.constant 1 : i32
      %dma_start3A_287 = arith.constant 0 : i32
      %dma_start3A_288 = tpu.memref_slice %arg10[%dma_start3A_286, %dma_start3A_287] : memref<2x128xi32, #tpu.memory_space<vmem>> -> memref<1x128xi32, #tpu.memory_space<vmem>>
      %dma_start3A_289 = tpu.memref_squeeze %dma_start3A_288 : memref<1x128xi32, #tpu.memory_space<vmem>> -> memref<128xi32, #tpu.memory_space<vmem>>
      %dma_start3A_290 = arith.constant 0 : i32
      %dma_start3A_291 = arith.constant 0 : i32
      %dma_start3A_292 = tpu.memref_slice %arg7[%dma_start3A_290, %dma_start3A_291] : memref<10112x128xf32, #tpu.memory_space<vmem_shared>> -> memref<10112x128xf32, #tpu.memory_space<vmem_shared>>
      tpu.enqueue_indirect_dma source(%arg8 : memref<128x128xf32, #tpu.memory_space<vmem>>) target(%dma_start3A_292 : memref<10112x128xf32, #tpu.memory_space<vmem_shared>>) offsets(%dma_start3A_289 : memref<128xi32, #tpu.memory_space<vmem>>) semaphore(%arg16 : memref<!tpu.dma_semaphore, #tpu.memory_space<semaphore_mem>>) {add = true}
      %dma_wait3A_293 = arith.constant 0 : i32
      %dma_wait3A_294 = arith.constant 0 : i32
      %dma_wait3A_295 = tpu.memref_slice %arg11[%dma_wait3A_293, %dma_wait3A_294] : memref<2x128xi32, #tpu.memory_space<vmem>> -> memref<1x128xi32, #tpu.memory_space<vmem>>
      %dma_wait3A_296 = tpu.memref_squeeze %dma_wait3A_295 : memref<1x128xi32, #tpu.memory_space<vmem>> -> memref<128xi32, #tpu.memory_space<vmem>>
      %dma_wait3A_297 = arith.constant 0 : i32
      %dma_wait3A_298 = arith.constant 0 : i32
      %dma_wait3A_299 = tpu.memref_slice %arg2[%dma_wait3A_297, %dma_wait3A_298] : memref<10000x128xf32, #tpu.memory_space<hbm>> -> memref<10000x128xf32, #tpu.memory_space<hbm>>
      tpu.wait_indirect_dma semaphore(%arg15 : memref<!tpu.dma_semaphore, #tpu.memory_space<semaphore_mem>>) src(%dma_wait3A_299 : memref<10000x128xf32, #tpu.memory_space<hbm>>) dst(%arg9 : memref<128x128xf32, #tpu.memory_space<vmem>>)
      %dma_start3A_300 = arith.constant 1 : i32
      %dma_start3A_301 = arith.constant 0 : i32
      %dma_start3A_302 = tpu.memref_slice %arg11[%dma_start3A_300, %dma_start3A_301] : memref<2x128xi32, #tpu.memory_space<vmem>> -> memref<1x128xi32, #tpu.memory_space<vmem>>
      %dma_start3A_303 = tpu.memref_squeeze %dma_start3A_302 : memref<1x128xi32, #tpu.memory_space<vmem>> -> memref<128xi32, #tpu.memory_space<vmem>>
      %dma_start3A_304 = arith.constant 0 : i32
      %dma_start3A_305 = arith.constant 0 : i32
      %dma_start3A_306 = tpu.memref_slice %arg7[%dma_start3A_304, %dma_start3A_305] : memref<10112x128xf32, #tpu.memory_space<vmem_shared>> -> memref<10112x128xf32, #tpu.memory_space<vmem_shared>>
      tpu.enqueue_indirect_dma source(%arg9 : memref<128x128xf32, #tpu.memory_space<vmem>>) target(%dma_start3A_306 : memref<10112x128xf32, #tpu.memory_space<vmem_shared>>) offsets(%dma_start3A_303 : memref<128xi32, #tpu.memory_space<vmem>>) semaphore(%arg17 : memref<!tpu.dma_semaphore, #tpu.memory_space<semaphore_mem>>) {add = true}
      %dma_wait3A_307 = arith.constant 1 : i32
      %dma_wait3A_308 = arith.constant 0 : i32
      %dma_wait3A_309 = tpu.memref_slice %arg10[%dma_wait3A_307, %dma_wait3A_308] : memref<2x128xi32, #tpu.memory_space<vmem>> -> memref<1x128xi32, #tpu.memory_space<vmem>>
      %dma_wait3A_310 = tpu.memref_squeeze %dma_wait3A_309 : memref<1x128xi32, #tpu.memory_space<vmem>> -> memref<128xi32, #tpu.memory_space<vmem>>
      %dma_wait3A_311 = arith.constant 0 : i32
      %dma_wait3A_312 = arith.constant 0 : i32
      %dma_wait3A_313 = tpu.memref_slice %arg7[%dma_wait3A_311, %dma_wait3A_312] : memref<10112x128xf32, #tpu.memory_space<vmem_shared>> -> memref<10112x128xf32, #tpu.memory_space<vmem_shared>>
      tpu.wait_indirect_dma semaphore(%arg16 : memref<!tpu.dma_semaphore, #tpu.memory_space<semaphore_mem>>) src(%arg8 : memref<128x128xf32, #tpu.memory_space<vmem>>) dst(%dma_wait3A_313 : memref<10112x128xf32, #tpu.memory_space<vmem_shared>>)
      %add3A_314 = arith.constant 4 : i32
      %add3A_315 = arith.addi %add3A_278, %add3A_314 : i32
      %mul3A_316 = arith.constant 80 : i32
      %mul3A_317 = arith.muli %add3A, %mul3A_316 : i32
      %add3A_318 = arith.addi %mul3A_317, %add3A_315 : i32
      %dma_start3A_319 = arith.constant 0 : i32
      %dma_start3A_320 = arith.constant 0 : i32
      %dma_start3A_321 = tpu.memref_slice %arg10[%dma_start3A_319, %dma_start3A_320] : memref<2x128xi32, #tpu.memory_space<vmem>> -> memref<1x128xi32, #tpu.memory_space<vmem>>
      %dma_start3A_322 = tpu.memref_squeeze %dma_start3A_321 : memref<1x128xi32, #tpu.memory_space<vmem>> -> memref<128xi32, #tpu.memory_space<vmem>>
      %dma_start3A_323 = arith.constant 0 : i32
      %dma_start3A_324 = tpu.memref_slice %arg3[%add3A_318, %dma_start3A_323] : memref<2564x128xi32, #tpu.memory_space<hbm>> -> memref<1x128xi32, #tpu.memory_space<hbm>>
      %dma_start3A_325 = tpu.memref_squeeze %dma_start3A_324 : memref<1x128xi32, #tpu.memory_space<hbm>> -> memref<128xi32, #tpu.memory_space<hbm>>
      %dma_start3A_326 = arith.constant 0 : i32
      %dma_start3A_327 = tpu.memref_slice %arg10[%dma_start3A_319, %dma_start3A_326] : memref<2x128xi32, #tpu.memory_space<vmem>> -> memref<1x128xi32, #tpu.memory_space<vmem>>
      %dma_start3A_328 = tpu.memref_squeeze %dma_start3A_327 : memref<1x128xi32, #tpu.memory_space<vmem>> -> memref<128xi32, #tpu.memory_space<vmem>>
      %dma_start3A_329 = arith.constant 0 : i32
      %dma_start3A_330 = tpu.memref_slice %arg3[%add3A_318, %dma_start3A_329] : memref<2564x128xi32, #tpu.memory_space<hbm>> -> memref<1x128xi32, #tpu.memory_space<hbm>>
      %dma_start3A_331 = tpu.memref_squeeze %dma_start3A_330 : memref<1x128xi32, #tpu.memory_space<hbm>> -> memref<128xi32, #tpu.memory_space<hbm>>
      tpu.enqueue_dma source(%dma_start3A_331 : memref<128xi32, #tpu.memory_space<hbm>>) target(%dma_start3A_328 : memref<128xi32, #tpu.memory_space<vmem>>) target_semaphore(%arg18 : memref<!tpu.dma_semaphore, #tpu.memory_space<semaphore_mem>>)
      %dma_start3A_332 = arith.constant 1 : i32
      %dma_start3A_333 = arith.constant 0 : i32
      %dma_start3A_334 = tpu.memref_slice %arg10[%dma_start3A_332, %dma_start3A_333] : memref<2x128xi32, #tpu.memory_space<vmem>> -> memref<1x128xi32, #tpu.memory_space<vmem>>
      %dma_start3A_335 = tpu.memref_squeeze %dma_start3A_334 : memref<1x128xi32, #tpu.memory_space<vmem>> -> memref<128xi32, #tpu.memory_space<vmem>>
      %dma_start3A_336 = arith.constant 0 : i32
      %dma_start3A_337 = tpu.memref_slice %arg4[%add3A_318, %dma_start3A_336] : memref<2564x128xi32, #tpu.memory_space<hbm>> -> memref<1x128xi32, #tpu.memory_space<hbm>>
      %dma_start3A_338 = tpu.memref_squeeze %dma_start3A_337 : memref<1x128xi32, #tpu.memory_space<hbm>> -> memref<128xi32, #tpu.memory_space<hbm>>
      %dma_start3A_339 = arith.constant 0 : i32
      %dma_start3A_340 = tpu.memref_slice %arg10[%dma_start3A_332, %dma_start3A_339] : memref<2x128xi32, #tpu.memory_space<vmem>> -> memref<1x128xi32, #tpu.memory_space<vmem>>
      %dma_start3A_341 = tpu.memref_squeeze %dma_start3A_340 : memref<1x128xi32, #tpu.memory_space<vmem>> -> memref<128xi32, #tpu.memory_space<vmem>>
      %dma_start3A_342 = arith.constant 0 : i32
      %dma_start3A_343 = tpu.memref_slice %arg4[%add3A_318, %dma_start3A_342] : memref<2564x128xi32, #tpu.memory_space<hbm>> -> memref<1x128xi32, #tpu.memory_space<hbm>>
      %dma_start3A_344 = tpu.memref_squeeze %dma_start3A_343 : memref<1x128xi32, #tpu.memory_space<hbm>> -> memref<128xi32, #tpu.memory_space<hbm>>
      tpu.enqueue_dma source(%dma_start3A_344 : memref<128xi32, #tpu.memory_space<hbm>>) target(%dma_start3A_341 : memref<128xi32, #tpu.memory_space<vmem>>) target_semaphore(%arg18 : memref<!tpu.dma_semaphore, #tpu.memory_space<semaphore_mem>>)
      %add3A_345 = arith.constant 2 : i32
      %add3A_346 = arith.addi %add3A_278, %add3A_345 : i32
      %mul3A_347 = arith.constant 80 : i32
      %mul3A_348 = arith.muli %add3A, %mul3A_347 : i32
      %add3A_349 = arith.addi %mul3A_348, %add3A_346 : i32
      %dma_wait3A_350 = arith.constant 0 : i32
      %dma_wait3A_351 = arith.constant 0 : i32
      %dma_wait3A_352 = tpu.memref_slice %arg12[%dma_wait3A_350, %dma_wait3A_351] : memref<2x128xi32, #tpu.memory_space<vmem>> -> memref<1x128xi32, #tpu.memory_space<vmem>>
      %dma_wait3A_353 = tpu.memref_squeeze %dma_wait3A_352 : memref<1x128xi32, #tpu.memory_space<vmem>> -> memref<128xi32, #tpu.memory_space<vmem>>
      %dma_wait3A_354 = arith.constant 0 : i32
      %dma_wait3A_355 = tpu.memref_slice %arg3[%add3A_349, %dma_wait3A_354] : memref<2564x128xi32, #tpu.memory_space<hbm>> -> memref<1x128xi32, #tpu.memory_space<hbm>>
      %dma_wait3A_356 = tpu.memref_squeeze %dma_wait3A_355 : memref<1x128xi32, #tpu.memory_space<hbm>> -> memref<128xi32, #tpu.memory_space<hbm>>
      %dma_wait3A_357 = arith.constant 0 : i32
      %dma_wait3A_358 = tpu.memref_slice %arg12[%dma_wait3A_350, %dma_wait3A_357] : memref<2x128xi32, #tpu.memory_space<vmem>> -> memref<1x128xi32, #tpu.memory_space<vmem>>
      %dma_wait3A_359 = tpu.memref_squeeze %dma_wait3A_358 : memref<1x128xi32, #tpu.memory_space<vmem>> -> memref<128xi32, #tpu.memory_space<vmem>>
      %dma_wait3A_360 = arith.constant 0 : i32
      %dma_wait3A_361 = tpu.memref_slice %arg3[%add3A_349, %dma_wait3A_360] : memref<2564x128xi32, #tpu.memory_space<hbm>> -> memref<1x128xi32, #tpu.memory_space<hbm>>
      %dma_wait3A_362 = tpu.memref_squeeze %dma_wait3A_361 : memref<1x128xi32, #tpu.memory_space<hbm>> -> memref<128xi32, #tpu.memory_space<hbm>>
      tpu.wait_dma2 semaphore(%arg20 : memref<!tpu.dma_semaphore, #tpu.memory_space<semaphore_mem>>) src(%dma_wait3A_362 : memref<128xi32, #tpu.memory_space<hbm>>) dst(%dma_wait3A_359 : memref<128xi32, #tpu.memory_space<vmem>>)
      %dma_wait3A_363 = arith.constant 1 : i32
      %dma_wait3A_364 = arith.constant 0 : i32
      %dma_wait3A_365 = tpu.memref_slice %arg12[%dma_wait3A_363, %dma_wait3A_364] : memref<2x128xi32, #tpu.memory_space<vmem>> -> memref<1x128xi32, #tpu.memory_space<vmem>>
      %dma_wait3A_366 = tpu.memref_squeeze %dma_wait3A_365 : memref<1x128xi32, #tpu.memory_space<vmem>> -> memref<128xi32, #tpu.memory_space<vmem>>
      %dma_wait3A_367 = arith.constant 0 : i32
      %dma_wait3A_368 = tpu.memref_slice %arg4[%add3A_349, %dma_wait3A_367] : memref<2564x128xi32, #tpu.memory_space<hbm>> -> memref<1x128xi32, #tpu.memory_space<hbm>>
      %dma_wait3A_369 = tpu.memref_squeeze %dma_wait3A_368 : memref<1x128xi32, #tpu.memory_space<hbm>> -> memref<128xi32, #tpu.memory_space<hbm>>
      %dma_wait3A_370 = arith.constant 0 : i32
      %dma_wait3A_371 = tpu.memref_slice %arg12[%dma_wait3A_363, %dma_wait3A_370] : memref<2x128xi32, #tpu.memory_space<vmem>> -> memref<1x128xi32, #tpu.memory_space<vmem>>
      %dma_wait3A_372 = tpu.memref_squeeze %dma_wait3A_371 : memref<1x128xi32, #tpu.memory_space<vmem>> -> memref<128xi32, #tpu.memory_space<vmem>>
      %dma_wait3A_373 = arith.constant 0 : i32
      %dma_wait3A_374 = tpu.memref_slice %arg4[%add3A_349, %dma_wait3A_373] : memref<2564x128xi32, #tpu.memory_space<hbm>> -> memref<1x128xi32, #tpu.memory_space<hbm>>
      %dma_wait3A_375 = tpu.memref_squeeze %dma_wait3A_374 : memref<1x128xi32, #tpu.memory_space<hbm>> -> memref<128xi32, #tpu.memory_space<hbm>>
      tpu.wait_dma2 semaphore(%arg20 : memref<!tpu.dma_semaphore, #tpu.memory_space<semaphore_mem>>) src(%dma_wait3A_375 : memref<128xi32, #tpu.memory_space<hbm>>) dst(%dma_wait3A_372 : memref<128xi32, #tpu.memory_space<vmem>>)
      %dma_start3A_376 = arith.constant 0 : i32
      %dma_start3A_377 = arith.constant 0 : i32
      %dma_start3A_378 = tpu.memref_slice %arg12[%dma_start3A_376, %dma_start3A_377] : memref<2x128xi32, #tpu.memory_space<vmem>> -> memref<1x128xi32, #tpu.memory_space<vmem>>
      %dma_start3A_379 = tpu.memref_squeeze %dma_start3A_378 : memref<1x128xi32, #tpu.memory_space<vmem>> -> memref<128xi32, #tpu.memory_space<vmem>>
      %dma_start3A_380 = arith.constant 0 : i32
      %dma_start3A_381 = arith.constant 0 : i32
      %dma_start3A_382 = tpu.memref_slice %arg2[%dma_start3A_380, %dma_start3A_381] : memref<10000x128xf32, #tpu.memory_space<hbm>> -> memref<10000x128xf32, #tpu.memory_space<hbm>>
      tpu.enqueue_indirect_dma source(%dma_start3A_382 : memref<10000x128xf32, #tpu.memory_space<hbm>>) target(%arg8 : memref<128x128xf32, #tpu.memory_space<vmem>>) offsets(%dma_start3A_379 : memref<128xi32, #tpu.memory_space<vmem>>) semaphore(%arg14 : memref<!tpu.dma_semaphore, #tpu.memory_space<semaphore_mem>>)
      %dma_wait3A_383 = arith.constant 1 : i32
      %dma_wait3A_384 = arith.constant 0 : i32
      %dma_wait3A_385 = tpu.memref_slice %arg11[%dma_wait3A_383, %dma_wait3A_384] : memref<2x128xi32, #tpu.memory_space<vmem>> -> memref<1x128xi32, #tpu.memory_space<vmem>>
      %dma_wait3A_386 = tpu.memref_squeeze %dma_wait3A_385 : memref<1x128xi32, #tpu.memory_space<vmem>> -> memref<128xi32, #tpu.memory_space<vmem>>
      %dma_wait3A_387 = arith.constant 0 : i32
      %dma_wait3A_388 = arith.constant 0 : i32
      %dma_wait3A_389 = tpu.memref_slice %arg7[%dma_wait3A_387, %dma_wait3A_388] : memref<10112x128xf32, #tpu.memory_space<vmem_shared>> -> memref<10112x128xf32, #tpu.memory_space<vmem_shared>>
      tpu.wait_indirect_dma semaphore(%arg17 : memref<!tpu.dma_semaphore, #tpu.memory_space<semaphore_mem>>) src(%arg9 : memref<128x128xf32, #tpu.memory_space<vmem>>) dst(%dma_wait3A_389 : memref<10112x128xf32, #tpu.memory_space<vmem_shared>>)
      %add3A_390 = arith.constant 5 : i32
      %add3A_391 = arith.addi %add3A_278, %add3A_390 : i32
      %mul3A_392 = arith.constant 80 : i32
      %mul3A_393 = arith.muli %add3A, %mul3A_392 : i32
      %add3A_394 = arith.addi %mul3A_393, %add3A_391 : i32
      %dma_start3A_395 = arith.constant 0 : i32
      %dma_start3A_396 = arith.constant 0 : i32
      %dma_start3A_397 = tpu.memref_slice %arg11[%dma_start3A_395, %dma_start3A_396] : memref<2x128xi32, #tpu.memory_space<vmem>> -> memref<1x128xi32, #tpu.memory_space<vmem>>
      %dma_start3A_398 = tpu.memref_squeeze %dma_start3A_397 : memref<1x128xi32, #tpu.memory_space<vmem>> -> memref<128xi32, #tpu.memory_space<vmem>>
      %dma_start3A_399 = arith.constant 0 : i32
      %dma_start3A_400 = tpu.memref_slice %arg3[%add3A_394, %dma_start3A_399] : memref<2564x128xi32, #tpu.memory_space<hbm>> -> memref<1x128xi32, #tpu.memory_space<hbm>>
      %dma_start3A_401 = tpu.memref_squeeze %dma_start3A_400 : memref<1x128xi32, #tpu.memory_space<hbm>> -> memref<128xi32, #tpu.memory_space<hbm>>
      %dma_start3A_402 = arith.constant 0 : i32
      %dma_start3A_403 = tpu.memref_slice %arg11[%dma_start3A_395, %dma_start3A_402] : memref<2x128xi32, #tpu.memory_space<vmem>> -> memref<1x128xi32, #tpu.memory_space<vmem>>
      %dma_start3A_404 = tpu.memref_squeeze %dma_start3A_403 : memref<1x128xi32, #tpu.memory_space<vmem>> -> memref<128xi32, #tpu.memory_space<vmem>>
      %dma_start3A_405 = arith.constant 0 : i32
      %dma_start3A_406 = tpu.memref_slice %arg3[%add3A_394, %dma_start3A_405] : memref<2564x128xi32, #tpu.memory_space<hbm>> -> memref<1x128xi32, #tpu.memory_space<hbm>>
      %dma_start3A_407 = tpu.memref_squeeze %dma_start3A_406 : memref<1x128xi32, #tpu.memory_space<hbm>> -> memref<128xi32, #tpu.memory_space<hbm>>
      tpu.enqueue_dma source(%dma_start3A_407 : memref<128xi32, #tpu.memory_space<hbm>>) target(%dma_start3A_404 : memref<128xi32, #tpu.memory_space<vmem>>) target_semaphore(%arg19 : memref<!tpu.dma_semaphore, #tpu.memory_space<semaphore_mem>>)
      %dma_start3A_408 = arith.constant 1 : i32
      %dma_start3A_409 = arith.constant 0 : i32
      %dma_start3A_410 = tpu.memref_slice %arg11[%dma_start3A_408, %dma_start3A_409] : memref<2x128xi32, #tpu.memory_space<vmem>> -> memref<1x128xi32, #tpu.memory_space<vmem>>
      %dma_start3A_411 = tpu.memref_squeeze %dma_start3A_410 : memref<1x128xi32, #tpu.memory_space<vmem>> -> memref<128xi32, #tpu.memory_space<vmem>>
      %dma_start3A_412 = arith.constant 0 : i32
      %dma_start3A_413 = tpu.memref_slice %arg4[%add3A_394, %dma_start3A_412] : memref<2564x128xi32, #tpu.memory_space<hbm>> -> memref<1x128xi32, #tpu.memory_space<hbm>>
      %dma_start3A_414 = tpu.memref_squeeze %dma_start3A_413 : memref<1x128xi32, #tpu.memory_space<hbm>> -> memref<128xi32, #tpu.memory_space<hbm>>
      %dma_start3A_415 = arith.constant 0 : i32
      %dma_start3A_416 = tpu.memref_slice %arg11[%dma_start3A_408, %dma_start3A_415] : memref<2x128xi32, #tpu.memory_space<vmem>> -> memref<1x128xi32, #tpu.memory_space<vmem>>
      %dma_start3A_417 = tpu.memref_squeeze %dma_start3A_416 : memref<1x128xi32, #tpu.memory_space<vmem>> -> memref<128xi32, #tpu.memory_space<vmem>>
      %dma_start3A_418 = arith.constant 0 : i32
      %dma_start3A_419 = tpu.memref_slice %arg4[%add3A_394, %dma_start3A_418] : memref<2564x128xi32, #tpu.memory_space<hbm>> -> memref<1x128xi32, #tpu.memory_space<hbm>>
      %dma_start3A_420 = tpu.memref_squeeze %dma_start3A_419 : memref<1x128xi32, #tpu.memory_space<hbm>> -> memref<128xi32, #tpu.memory_space<hbm>>
      tpu.enqueue_dma source(%dma_start3A_420 : memref<128xi32, #tpu.memory_space<hbm>>) target(%dma_start3A_417 : memref<128xi32, #tpu.memory_space<vmem>>) target_semaphore(%arg19 : memref<!tpu.dma_semaphore, #tpu.memory_space<semaphore_mem>>)
      %add3A_421 = arith.constant 3 : i32
      %add3A_422 = arith.addi %add3A_278, %add3A_421 : i32
      %mul3A_423 = arith.constant 80 : i32
      %mul3A_424 = arith.muli %add3A, %mul3A_423 : i32
      %add3A_425 = arith.addi %mul3A_424, %add3A_422 : i32
      %dma_wait3A_426 = arith.constant 0 : i32
      %dma_wait3A_427 = arith.constant 0 : i32
      %dma_wait3A_428 = tpu.memref_slice %arg13[%dma_wait3A_426, %dma_wait3A_427] : memref<2x128xi32, #tpu.memory_space<vmem>> -> memref<1x128xi32, #tpu.memory_space<vmem>>
      %dma_wait3A_429 = tpu.memref_squeeze %dma_wait3A_428 : memref<1x128xi32, #tpu.memory_space<vmem>> -> memref<128xi32, #tpu.memory_space<vmem>>
      %dma_wait3A_430 = arith.constant 0 : i32
      %dma_wait3A_431 = tpu.memref_slice %arg3[%add3A_425, %dma_wait3A_430] : memref<2564x128xi32, #tpu.memory_space<hbm>> -> memref<1x128xi32, #tpu.memory_space<hbm>>
      %dma_wait3A_432 = tpu.memref_squeeze %dma_wait3A_431 : memref<1x128xi32, #tpu.memory_space<hbm>> -> memref<128xi32, #tpu.memory_space<hbm>>
      %dma_wait3A_433 = arith.constant 0 : i32
      %dma_wait3A_434 = tpu.memref_slice %arg13[%dma_wait3A_426, %dma_wait3A_433] : memref<2x128xi32, #tpu.memory_space<vmem>> -> memref<1x128xi32, #tpu.memory_space<vmem>>
      %dma_wait3A_435 = tpu.memref_squeeze %dma_wait3A_434 : memref<1x128xi32, #tpu.memory_space<vmem>> -> memref<128xi32, #tpu.memory_space<vmem>>
      %dma_wait3A_436 = arith.constant 0 : i32
      %dma_wait3A_437 = tpu.memref_slice %arg3[%add3A_425, %dma_wait3A_436] : memref<2564x128xi32, #tpu.memory_space<hbm>> -> memref<1x128xi32, #tpu.memory_space<hbm>>
      %dma_wait3A_438 = tpu.memref_squeeze %dma_wait3A_437 : memref<1x128xi32, #tpu.memory_space<hbm>> -> memref<128xi32, #tpu.memory_space<hbm>>
      tpu.wait_dma2 semaphore(%arg21 : memref<!tpu.dma_semaphore, #tpu.memory_space<semaphore_mem>>) src(%dma_wait3A_438 : memref<128xi32, #tpu.memory_space<hbm>>) dst(%dma_wait3A_435 : memref<128xi32, #tpu.memory_space<vmem>>)
      %dma_wait3A_439 = arith.constant 1 : i32
      %dma_wait3A_440 = arith.constant 0 : i32
      %dma_wait3A_441 = tpu.memref_slice %arg13[%dma_wait3A_439, %dma_wait3A_440] : memref<2x128xi32, #tpu.memory_space<vmem>> -> memref<1x128xi32, #tpu.memory_space<vmem>>
      %dma_wait3A_442 = tpu.memref_squeeze %dma_wait3A_441 : memref<1x128xi32, #tpu.memory_space<vmem>> -> memref<128xi32, #tpu.memory_space<vmem>>
      %dma_wait3A_443 = arith.constant 0 : i32
      %dma_wait3A_444 = tpu.memref_slice %arg4[%add3A_425, %dma_wait3A_443] : memref<2564x128xi32, #tpu.memory_space<hbm>> -> memref<1x128xi32, #tpu.memory_space<hbm>>
      %dma_wait3A_445 = tpu.memref_squeeze %dma_wait3A_444 : memref<1x128xi32, #tpu.memory_space<hbm>> -> memref<128xi32, #tpu.memory_space<hbm>>
      %dma_wait3A_446 = arith.constant 0 : i32
      %dma_wait3A_447 = tpu.memref_slice %arg13[%dma_wait3A_439, %dma_wait3A_446] : memref<2x128xi32, #tpu.memory_space<vmem>> -> memref<1x128xi32, #tpu.memory_space<vmem>>
      %dma_wait3A_448 = tpu.memref_squeeze %dma_wait3A_447 : memref<1x128xi32, #tpu.memory_space<vmem>> -> memref<128xi32, #tpu.memory_space<vmem>>
      %dma_wait3A_449 = arith.constant 0 : i32
      %dma_wait3A_450 = tpu.memref_slice %arg4[%add3A_425, %dma_wait3A_449] : memref<2564x128xi32, #tpu.memory_space<hbm>> -> memref<1x128xi32, #tpu.memory_space<hbm>>
      %dma_wait3A_451 = tpu.memref_squeeze %dma_wait3A_450 : memref<1x128xi32, #tpu.memory_space<hbm>> -> memref<128xi32, #tpu.memory_space<hbm>>
      tpu.wait_dma2 semaphore(%arg21 : memref<!tpu.dma_semaphore, #tpu.memory_space<semaphore_mem>>) src(%dma_wait3A_451 : memref<128xi32, #tpu.memory_space<hbm>>) dst(%dma_wait3A_448 : memref<128xi32, #tpu.memory_space<vmem>>)
      %dma_start3A_452 = arith.constant 0 : i32
      %dma_start3A_453 = arith.constant 0 : i32
      %dma_start3A_454 = tpu.memref_slice %arg13[%dma_start3A_452, %dma_start3A_453] : memref<2x128xi32, #tpu.memory_space<vmem>> -> memref<1x128xi32, #tpu.memory_space<vmem>>
      %dma_start3A_455 = tpu.memref_squeeze %dma_start3A_454 : memref<1x128xi32, #tpu.memory_space<vmem>> -> memref<128xi32, #tpu.memory_space<vmem>>
      %dma_start3A_456 = arith.constant 0 : i32
      %dma_start3A_457 = arith.constant 0 : i32
      %dma_start3A_458 = tpu.memref_slice %arg2[%dma_start3A_456, %dma_start3A_457] : memref<10000x128xf32, #tpu.memory_space<hbm>> -> memref<10000x128xf32, #tpu.memory_space<hbm>>
      tpu.enqueue_indirect_dma source(%dma_start3A_458 : memref<10000x128xf32, #tpu.memory_space<hbm>>) target(%arg9 : memref<128x128xf32, #tpu.memory_space<vmem>>) offsets(%dma_start3A_455 : memref<128xi32, #tpu.memory_space<vmem>>) semaphore(%arg15 : memref<!tpu.dma_semaphore, #tpu.memory_space<semaphore_mem>>)
      %dma_wait3A_459 = arith.constant 0 : i32
      %dma_wait3A_460 = arith.constant 0 : i32
      %dma_wait3A_461 = tpu.memref_slice %arg12[%dma_wait3A_459, %dma_wait3A_460] : memref<2x128xi32, #tpu.memory_space<vmem>> -> memref<1x128xi32, #tpu.memory_space<vmem>>
      %dma_wait3A_462 = tpu.memref_squeeze %dma_wait3A_461 : memref<1x128xi32, #tpu.memory_space<vmem>> -> memref<128xi32, #tpu.memory_space<vmem>>
      %dma_wait3A_463 = arith.constant 0 : i32
      %dma_wait3A_464 = arith.constant 0 : i32
      %dma_wait3A_465 = tpu.memref_slice %arg2[%dma_wait3A_463, %dma_wait3A_464] : memref<10000x128xf32, #tpu.memory_space<hbm>> -> memref<10000x128xf32, #tpu.memory_space<hbm>>
      tpu.wait_indirect_dma semaphore(%arg14 : memref<!tpu.dma_semaphore, #tpu.memory_space<semaphore_mem>>) src(%dma_wait3A_465 : memref<10000x128xf32, #tpu.memory_space<hbm>>) dst(%arg8 : memref<128x128xf32, #tpu.memory_space<vmem>>)
      %dma_start3A_466 = arith.constant 1 : i32
      %dma_start3A_467 = arith.constant 0 : i32
      %dma_start3A_468 = tpu.memref_slice %arg12[%dma_start3A_466, %dma_start3A_467] : memref<2x128xi32, #tpu.memory_space<vmem>> -> memref<1x128xi32, #tpu.memory_space<vmem>>
      %dma_start3A_469 = tpu.memref_squeeze %dma_start3A_468 : memref<1x128xi32, #tpu.memory_space<vmem>> -> memref<128xi32, #tpu.memory_space<vmem>>
      %dma_start3A_470 = arith.constant 0 : i32
      %dma_start3A_471 = arith.constant 0 : i32
      %dma_start3A_472 = tpu.memref_slice %arg7[%dma_start3A_470, %dma_start3A_471] : memref<10112x128xf32, #tpu.memory_space<vmem_shared>> -> memref<10112x128xf32, #tpu.memory_space<vmem_shared>>
      tpu.enqueue_indirect_dma source(%arg8 : memref<128x128xf32, #tpu.memory_space<vmem>>) target(%dma_start3A_472 : memref<10112x128xf32, #tpu.memory_space<vmem_shared>>) offsets(%dma_start3A_469 : memref<128xi32, #tpu.memory_space<vmem>>) semaphore(%arg16 : memref<!tpu.dma_semaphore, #tpu.memory_space<semaphore_mem>>) {add = true}
      %dma_wait3A_473 = arith.constant 0 : i32
      %dma_wait3A_474 = arith.constant 0 : i32
      %dma_wait3A_475 = tpu.memref_slice %arg13[%dma_wait3A_473, %dma_wait3A_474] : memref<2x128xi32, #tpu.memory_space<vmem>> -> memref<1x128xi32, #tpu.memory_space<vmem>>
      %dma_wait3A_476 = tpu.memref_squeeze %dma_wait3A_475 : memref<1x128xi32, #tpu.memory_space<vmem>> -> memref<128xi32, #tpu.memory_space<vmem>>
      %dma_wait3A_477 = arith.constant 0 : i32
      %dma_wait3A_478 = arith.constant 0 : i32
      %dma_wait3A_479 = tpu.memref_slice %arg2[%dma_wait3A_477, %dma_wait3A_478] : memref<10000x128xf32, #tpu.memory_space<hbm>> -> memref<10000x128xf32, #tpu.memory_space<hbm>>
      tpu.wait_indirect_dma semaphore(%arg15 : memref<!tpu.dma_semaphore, #tpu.memory_space<semaphore_mem>>) src(%dma_wait3A_479 : memref<10000x128xf32, #tpu.memory_space<hbm>>) dst(%arg9 : memref<128x128xf32, #tpu.memory_space<vmem>>)
      %dma_start3A_480 = arith.constant 1 : i32
      %dma_start3A_481 = arith.constant 0 : i32
      %dma_start3A_482 = tpu.memref_slice %arg13[%dma_start3A_480, %dma_start3A_481] : memref<2x128xi32, #tpu.memory_space<vmem>> -> memref<1x128xi32, #tpu.memory_space<vmem>>
      %dma_start3A_483 = tpu.memref_squeeze %dma_start3A_482 : memref<1x128xi32, #tpu.memory_space<vmem>> -> memref<128xi32, #tpu.memory_space<vmem>>
      %dma_start3A_484 = arith.constant 0 : i32
      %dma_start3A_485 = arith.constant 0 : i32
      %dma_start3A_486 = tpu.memref_slice %arg7[%dma_start3A_484, %dma_start3A_485] : memref<10112x128xf32, #tpu.memory_space<vmem_shared>> -> memref<10112x128xf32, #tpu.memory_space<vmem_shared>>
      tpu.enqueue_indirect_dma source(%arg9 : memref<128x128xf32, #tpu.memory_space<vmem>>) target(%dma_start3A_486 : memref<10112x128xf32, #tpu.memory_space<vmem_shared>>) offsets(%dma_start3A_483 : memref<128xi32, #tpu.memory_space<vmem>>) semaphore(%arg17 : memref<!tpu.dma_semaphore, #tpu.memory_space<semaphore_mem>>) {add = true}
      %dma_wait3A_487 = arith.constant 1 : i32
      %dma_wait3A_488 = arith.constant 0 : i32
      %dma_wait3A_489 = tpu.memref_slice %arg12[%dma_wait3A_487, %dma_wait3A_488] : memref<2x128xi32, #tpu.memory_space<vmem>> -> memref<1x128xi32, #tpu.memory_space<vmem>>
      %dma_wait3A_490 = tpu.memref_squeeze %dma_wait3A_489 : memref<1x128xi32, #tpu.memory_space<vmem>> -> memref<128xi32, #tpu.memory_space<vmem>>
      %dma_wait3A_491 = arith.constant 0 : i32
      %dma_wait3A_492 = arith.constant 0 : i32
      %dma_wait3A_493 = tpu.memref_slice %arg7[%dma_wait3A_491, %dma_wait3A_492] : memref<10112x128xf32, #tpu.memory_space<vmem_shared>> -> memref<10112x128xf32, #tpu.memory_space<vmem_shared>>
      tpu.wait_indirect_dma semaphore(%arg16 : memref<!tpu.dma_semaphore, #tpu.memory_space<semaphore_mem>>) src(%arg8 : memref<128x128xf32, #tpu.memory_space<vmem>>) dst(%dma_wait3A_493 : memref<10112x128xf32, #tpu.memory_space<vmem_shared>>)
      %add3A_494 = arith.constant 6 : i32
      %add3A_495 = arith.addi %add3A_278, %add3A_494 : i32
      %mul3A_496 = arith.constant 80 : i32
      %mul3A_497 = arith.muli %add3A, %mul3A_496 : i32
      %add3A_498 = arith.addi %mul3A_497, %add3A_495 : i32
      %dma_start3A_499 = arith.constant 0 : i32
      %dma_start3A_500 = arith.constant 0 : i32
      %dma_start3A_501 = tpu.memref_slice %arg12[%dma_start3A_499, %dma_start3A_500] : memref<2x128xi32, #tpu.memory_space<vmem>> -> memref<1x128xi32, #tpu.memory_space<vmem>>
      %dma_start3A_502 = tpu.memref_squeeze %dma_start3A_501 : memref<1x128xi32, #tpu.memory_space<vmem>> -> memref<128xi32, #tpu.memory_space<vmem>>
      %dma_start3A_503 = arith.constant 0 : i32
      %dma_start3A_504 = tpu.memref_slice %arg3[%add3A_498, %dma_start3A_503] : memref<2564x128xi32, #tpu.memory_space<hbm>> -> memref<1x128xi32, #tpu.memory_space<hbm>>
      %dma_start3A_505 = tpu.memref_squeeze %dma_start3A_504 : memref<1x128xi32, #tpu.memory_space<hbm>> -> memref<128xi32, #tpu.memory_space<hbm>>
      %dma_start3A_506 = arith.constant 0 : i32
      %dma_start3A_507 = tpu.memref_slice %arg12[%dma_start3A_499, %dma_start3A_506] : memref<2x128xi32, #tpu.memory_space<vmem>> -> memref<1x128xi32, #tpu.memory_space<vmem>>
      %dma_start3A_508 = tpu.memref_squeeze %dma_start3A_507 : memref<1x128xi32, #tpu.memory_space<vmem>> -> memref<128xi32, #tpu.memory_space<vmem>>
      %dma_start3A_509 = arith.constant 0 : i32
      %dma_start3A_510 = tpu.memref_slice %arg3[%add3A_498, %dma_start3A_509] : memref<2564x128xi32, #tpu.memory_space<hbm>> -> memref<1x128xi32, #tpu.memory_space<hbm>>
      %dma_start3A_511 = tpu.memref_squeeze %dma_start3A_510 : memref<1x128xi32, #tpu.memory_space<hbm>> -> memref<128xi32, #tpu.memory_space<hbm>>
      tpu.enqueue_dma source(%dma_start3A_511 : memref<128xi32, #tpu.memory_space<hbm>>) target(%dma_start3A_508 : memref<128xi32, #tpu.memory_space<vmem>>) target_semaphore(%arg20 : memref<!tpu.dma_semaphore, #tpu.memory_space<semaphore_mem>>)
      %dma_start3A_512 = arith.constant 1 : i32
      %dma_start3A_513 = arith.constant 0 : i32
      %dma_start3A_514 = tpu.memref_slice %arg12[%dma_start3A_512, %dma_start3A_513] : memref<2x128xi32, #tpu.memory_space<vmem>> -> memref<1x128xi32, #tpu.memory_space<vmem>>
      %dma_start3A_515 = tpu.memref_squeeze %dma_start3A_514 : memref<1x128xi32, #tpu.memory_space<vmem>> -> memref<128xi32, #tpu.memory_space<vmem>>
      %dma_start3A_516 = arith.constant 0 : i32
      %dma_start3A_517 = tpu.memref_slice %arg4[%add3A_498, %dma_start3A_516] : memref<2564x128xi32, #tpu.memory_space<hbm>> -> memref<1x128xi32, #tpu.memory_space<hbm>>
      %dma_start3A_518 = tpu.memref_squeeze %dma_start3A_517 : memref<1x128xi32, #tpu.memory_space<hbm>> -> memref<128xi32, #tpu.memory_space<hbm>>
      %dma_start3A_519 = arith.constant 0 : i32
      %dma_start3A_520 = tpu.memref_slice %arg12[%dma_start3A_512, %dma_start3A_519] : memref<2x128xi32, #tpu.memory_space<vmem>> -> memref<1x128xi32, #tpu.memory_space<vmem>>
      %dma_start3A_521 = tpu.memref_squeeze %dma_start3A_520 : memref<1x128xi32, #tpu.memory_space<vmem>> -> memref<128xi32, #tpu.memory_space<vmem>>
      %dma_start3A_522 = arith.constant 0 : i32
      %dma_start3A_523 = tpu.memref_slice %arg4[%add3A_498, %dma_start3A_522] : memref<2564x128xi32, #tpu.memory_space<hbm>> -> memref<1x128xi32, #tpu.memory_space<hbm>>
      %dma_start3A_524 = tpu.memref_squeeze %dma_start3A_523 : memref<1x128xi32, #tpu.memory_space<hbm>> -> memref<128xi32, #tpu.memory_space<hbm>>
      tpu.enqueue_dma source(%dma_start3A_524 : memref<128xi32, #tpu.memory_space<hbm>>) target(%dma_start3A_521 : memref<128xi32, #tpu.memory_space<vmem>>) target_semaphore(%arg20 : memref<!tpu.dma_semaphore, #tpu.memory_space<semaphore_mem>>)
      %add3A_525 = arith.constant 4 : i32
      %add3A_526 = arith.addi %add3A_278, %add3A_525 : i32
      %mul3A_527 = arith.constant 80 : i32
      %mul3A_528 = arith.muli %add3A, %mul3A_527 : i32
      %add3A_529 = arith.addi %mul3A_528, %add3A_526 : i32
      %dma_wait3A_530 = arith.constant 0 : i32
      %dma_wait3A_531 = arith.constant 0 : i32
      %dma_wait3A_532 = tpu.memref_slice %arg10[%dma_wait3A_530, %dma_wait3A_531] : memref<2x128xi32, #tpu.memory_space<vmem>> -> memref<1x128xi32, #tpu.memory_space<vmem>>
      %dma_wait3A_533 = tpu.memref_squeeze %dma_wait3A_532 : memref<1x128xi32, #tpu.memory_space<vmem>> -> memref<128xi32, #tpu.memory_space<vmem>>
      %dma_wait3A_534 = arith.constant 0 : i32
      %dma_wait3A_535 = tpu.memref_slice %arg3[%add3A_529, %dma_wait3A_534] : memref<2564x128xi32, #tpu.memory_space<hbm>> -> memref<1x128xi32, #tpu.memory_space<hbm>>
      %dma_wait3A_536 = tpu.memref_squeeze %dma_wait3A_535 : memref<1x128xi32, #tpu.memory_space<hbm>> -> memref<128xi32, #tpu.memory_space<hbm>>
      %dma_wait3A_537 = arith.constant 0 : i32
      %dma_wait3A_538 = tpu.memref_slice %arg10[%dma_wait3A_530, %dma_wait3A_537] : memref<2x128xi32, #tpu.memory_space<vmem>> -> memref<1x128xi32, #tpu.memory_space<vmem>>
      %dma_wait3A_539 = tpu.memref_squeeze %dma_wait3A_538 : memref<1x128xi32, #tpu.memory_space<vmem>> -> memref<128xi32, #tpu.memory_space<vmem>>
      %dma_wait3A_540 = arith.constant 0 : i32
      %dma_wait3A_541 = tpu.memref_slice %arg3[%add3A_529, %dma_wait3A_540] : memref<2564x128xi32, #tpu.memory_space<hbm>> -> memref<1x128xi32, #tpu.memory_space<hbm>>
      %dma_wait3A_542 = tpu.memref_squeeze %dma_wait3A_541 : memref<1x128xi32, #tpu.memory_space<hbm>> -> memref<128xi32, #tpu.memory_space<hbm>>
      tpu.wait_dma2 semaphore(%arg18 : memref<!tpu.dma_semaphore, #tpu.memory_space<semaphore_mem>>) src(%dma_wait3A_542 : memref<128xi32, #tpu.memory_space<hbm>>) dst(%dma_wait3A_539 : memref<128xi32, #tpu.memory_space<vmem>>)
      %dma_wait3A_543 = arith.constant 1 : i32
      %dma_wait3A_544 = arith.constant 0 : i32
      %dma_wait3A_545 = tpu.memref_slice %arg10[%dma_wait3A_543, %dma_wait3A_544] : memref<2x128xi32, #tpu.memory_space<vmem>> -> memref<1x128xi32, #tpu.memory_space<vmem>>
      %dma_wait3A_546 = tpu.memref_squeeze %dma_wait3A_545 : memref<1x128xi32, #tpu.memory_space<vmem>> -> memref<128xi32, #tpu.memory_space<vmem>>
      %dma_wait3A_547 = arith.constant 0 : i32
      %dma_wait3A_548 = tpu.memref_slice %arg4[%add3A_529, %dma_wait3A_547] : memref<2564x128xi32, #tpu.memory_space<hbm>> -> memref<1x128xi32, #tpu.memory_space<hbm>>
      %dma_wait3A_549 = tpu.memref_squeeze %dma_wait3A_548 : memref<1x128xi32, #tpu.memory_space<hbm>> -> memref<128xi32, #tpu.memory_space<hbm>>
      %dma_wait3A_550 = arith.constant 0 : i32
      %dma_wait3A_551 = tpu.memref_slice %arg10[%dma_wait3A_543, %dma_wait3A_550] : memref<2x128xi32, #tpu.memory_space<vmem>> -> memref<1x128xi32, #tpu.memory_space<vmem>>
      %dma_wait3A_552 = tpu.memref_squeeze %dma_wait3A_551 : memref<1x128xi32, #tpu.memory_space<vmem>> -> memref<128xi32, #tpu.memory_space<vmem>>
      %dma_wait3A_553 = arith.constant 0 : i32
      %dma_wait3A_554 = tpu.memref_slice %arg4[%add3A_529, %dma_wait3A_553] : memref<2564x128xi32, #tpu.memory_space<hbm>> -> memref<1x128xi32, #tpu.memory_space<hbm>>
      %dma_wait3A_555 = tpu.memref_squeeze %dma_wait3A_554 : memref<1x128xi32, #tpu.memory_space<hbm>> -> memref<128xi32, #tpu.memory_space<hbm>>
      tpu.wait_dma2 semaphore(%arg18 : memref<!tpu.dma_semaphore, #tpu.memory_space<semaphore_mem>>) src(%dma_wait3A_555 : memref<128xi32, #tpu.memory_space<hbm>>) dst(%dma_wait3A_552 : memref<128xi32, #tpu.memory_space<vmem>>)
      %dma_start3A_556 = arith.constant 0 : i32
      %dma_start3A_557 = arith.constant 0 : i32
      %dma_start3A_558 = tpu.memref_slice %arg10[%dma_start3A_556, %dma_start3A_557] : memref<2x128xi32, #tpu.memory_space<vmem>> -> memref<1x128xi32, #tpu.memory_space<vmem>>
      %dma_start3A_559 = tpu.memref_squeeze %dma_start3A_558 : memref<1x128xi32, #tpu.memory_space<vmem>> -> memref<128xi32, #tpu.memory_space<vmem>>
      %dma_start3A_560 = arith.constant 0 : i32
      %dma_start3A_561 = arith.constant 0 : i32
      %dma_start3A_562 = tpu.memref_slice %arg2[%dma_start3A_560, %dma_start3A_561] : memref<10000x128xf32, #tpu.memory_space<hbm>> -> memref<10000x128xf32, #tpu.memory_space<hbm>>
      tpu.enqueue_indirect_dma source(%dma_start3A_562 : memref<10000x128xf32, #tpu.memory_space<hbm>>) target(%arg8 : memref<128x128xf32, #tpu.memory_space<vmem>>) offsets(%dma_start3A_559 : memref<128xi32, #tpu.memory_space<vmem>>) semaphore(%arg14 : memref<!tpu.dma_semaphore, #tpu.memory_space<semaphore_mem>>)
      %dma_wait3A_563 = arith.constant 1 : i32
      %dma_wait3A_564 = arith.constant 0 : i32
      %dma_wait3A_565 = tpu.memref_slice %arg13[%dma_wait3A_563, %dma_wait3A_564] : memref<2x128xi32, #tpu.memory_space<vmem>> -> memref<1x128xi32, #tpu.memory_space<vmem>>
      %dma_wait3A_566 = tpu.memref_squeeze %dma_wait3A_565 : memref<1x128xi32, #tpu.memory_space<vmem>> -> memref<128xi32, #tpu.memory_space<vmem>>
      %dma_wait3A_567 = arith.constant 0 : i32
      %dma_wait3A_568 = arith.constant 0 : i32
      %dma_wait3A_569 = tpu.memref_slice %arg7[%dma_wait3A_567, %dma_wait3A_568] : memref<10112x128xf32, #tpu.memory_space<vmem_shared>> -> memref<10112x128xf32, #tpu.memory_space<vmem_shared>>
      tpu.wait_indirect_dma semaphore(%arg17 : memref<!tpu.dma_semaphore, #tpu.memory_space<semaphore_mem>>) src(%arg9 : memref<128x128xf32, #tpu.memory_space<vmem>>) dst(%dma_wait3A_569 : memref<10112x128xf32, #tpu.memory_space<vmem_shared>>)
      %add3A_570 = arith.constant 7 : i32
      %add3A_571 = arith.addi %add3A_278, %add3A_570 : i32
      %mul3A_572 = arith.constant 80 : i32
      %mul3A_573 = arith.muli %add3A, %mul3A_572 : i32
      %add3A_574 = arith.addi %mul3A_573, %add3A_571 : i32
      %dma_start3A_575 = arith.constant 0 : i32
      %dma_start3A_576 = arith.constant 0 : i32
      %dma_start3A_577 = tpu.memref_slice %arg13[%dma_start3A_575, %dma_start3A_576] : memref<2x128xi32, #tpu.memory_space<vmem>> -> memref<1x128xi32, #tpu.memory_space<vmem>>
      %dma_start3A_578 = tpu.memref_squeeze %dma_start3A_577 : memref<1x128xi32, #tpu.memory_space<vmem>> -> memref<128xi32, #tpu.memory_space<vmem>>
      %dma_start3A_579 = arith.constant 0 : i32
      %dma_start3A_580 = tpu.memref_slice %arg3[%add3A_574, %dma_start3A_579] : memref<2564x128xi32, #tpu.memory_space<hbm>> -> memref<1x128xi32, #tpu.memory_space<hbm>>
      %dma_start3A_581 = tpu.memref_squeeze %dma_start3A_580 : memref<1x128xi32, #tpu.memory_space<hbm>> -> memref<128xi32, #tpu.memory_space<hbm>>
      %dma_start3A_582 = arith.constant 0 : i32
      %dma_start3A_583 = tpu.memref_slice %arg13[%dma_start3A_575, %dma_start3A_582] : memref<2x128xi32, #tpu.memory_space<vmem>> -> memref<1x128xi32, #tpu.memory_space<vmem>>
      %dma_start3A_584 = tpu.memref_squeeze %dma_start3A_583 : memref<1x128xi32, #tpu.memory_space<vmem>> -> memref<128xi32, #tpu.memory_space<vmem>>
      %dma_start3A_585 = arith.constant 0 : i32
      %dma_start3A_586 = tpu.memref_slice %arg3[%add3A_574, %dma_start3A_585] : memref<2564x128xi32, #tpu.memory_space<hbm>> -> memref<1x128xi32, #tpu.memory_space<hbm>>
      %dma_start3A_587 = tpu.memref_squeeze %dma_start3A_586 : memref<1x128xi32, #tpu.memory_space<hbm>> -> memref<128xi32, #tpu.memory_space<hbm>>
      tpu.enqueue_dma source(%dma_start3A_587 : memref<128xi32, #tpu.memory_space<hbm>>) target(%dma_start3A_584 : memref<128xi32, #tpu.memory_space<vmem>>) target_semaphore(%arg21 : memref<!tpu.dma_semaphore, #tpu.memory_space<semaphore_mem>>)
      %dma_start3A_588 = arith.constant 1 : i32
      %dma_start3A_589 = arith.constant 0 : i32
      %dma_start3A_590 = tpu.memref_slice %arg13[%dma_start3A_588, %dma_start3A_589] : memref<2x128xi32, #tpu.memory_space<vmem>> -> memref<1x128xi32, #tpu.memory_space<vmem>>
      %dma_start3A_591 = tpu.memref_squeeze %dma_start3A_590 : memref<1x128xi32, #tpu.memory_space<vmem>> -> memref<128xi32, #tpu.memory_space<vmem>>
      %dma_start3A_592 = arith.constant 0 : i32
      %dma_start3A_593 = tpu.memref_slice %arg4[%add3A_574, %dma_start3A_592] : memref<2564x128xi32, #tpu.memory_space<hbm>> -> memref<1x128xi32, #tpu.memory_space<hbm>>
      %dma_start3A_594 = tpu.memref_squeeze %dma_start3A_593 : memref<1x128xi32, #tpu.memory_space<hbm>> -> memref<128xi32, #tpu.memory_space<hbm>>
      %dma_start3A_595 = arith.constant 0 : i32
      %dma_start3A_596 = tpu.memref_slice %arg13[%dma_start3A_588, %dma_start3A_595] : memref<2x128xi32, #tpu.memory_space<vmem>> -> memref<1x128xi32, #tpu.memory_space<vmem>>
      %dma_start3A_597 = tpu.memref_squeeze %dma_start3A_596 : memref<1x128xi32, #tpu.memory_space<vmem>> -> memref<128xi32, #tpu.memory_space<vmem>>
      %dma_start3A_598 = arith.constant 0 : i32
      %dma_start3A_599 = tpu.memref_slice %arg4[%add3A_574, %dma_start3A_598] : memref<2564x128xi32, #tpu.memory_space<hbm>> -> memref<1x128xi32, #tpu.memory_space<hbm>>
      %dma_start3A_600 = tpu.memref_squeeze %dma_start3A_599 : memref<1x128xi32, #tpu.memory_space<hbm>> -> memref<128xi32, #tpu.memory_space<hbm>>
      tpu.enqueue_dma source(%dma_start3A_600 : memref<128xi32, #tpu.memory_space<hbm>>) target(%dma_start3A_597 : memref<128xi32, #tpu.memory_space<vmem>>) target_semaphore(%arg21 : memref<!tpu.dma_semaphore, #tpu.memory_space<semaphore_mem>>)
      %add3A_601 = arith.constant 5 : i32
      %add3A_602 = arith.addi %add3A_278, %add3A_601 : i32
      %mul3A_603 = arith.constant 80 : i32
      %mul3A_604 = arith.muli %add3A, %mul3A_603 : i32
      %add3A_605 = arith.addi %mul3A_604, %add3A_602 : i32
      %dma_wait3A_606 = arith.constant 0 : i32
      %dma_wait3A_607 = arith.constant 0 : i32
      %dma_wait3A_608 = tpu.memref_slice %arg11[%dma_wait3A_606, %dma_wait3A_607] : memref<2x128xi32, #tpu.memory_space<vmem>> -> memref<1x128xi32, #tpu.memory_space<vmem>>
      %dma_wait3A_609 = tpu.memref_squeeze %dma_wait3A_608 : memref<1x128xi32, #tpu.memory_space<vmem>> -> memref<128xi32, #tpu.memory_space<vmem>>
      %dma_wait3A_610 = arith.constant 0 : i32
      %dma_wait3A_611 = tpu.memref_slice %arg3[%add3A_605, %dma_wait3A_610] : memref<2564x128xi32, #tpu.memory_space<hbm>> -> memref<1x128xi32, #tpu.memory_space<hbm>>
      %dma_wait3A_612 = tpu.memref_squeeze %dma_wait3A_611 : memref<1x128xi32, #tpu.memory_space<hbm>> -> memref<128xi32, #tpu.memory_space<hbm>>
      %dma_wait3A_613 = arith.constant 0 : i32
      %dma_wait3A_614 = tpu.memref_slice %arg11[%dma_wait3A_606, %dma_wait3A_613] : memref<2x128xi32, #tpu.memory_space<vmem>> -> memref<1x128xi32, #tpu.memory_space<vmem>>
      %dma_wait3A_615 = tpu.memref_squeeze %dma_wait3A_614 : memref<1x128xi32, #tpu.memory_space<vmem>> -> memref<128xi32, #tpu.memory_space<vmem>>
      %dma_wait3A_616 = arith.constant 0 : i32
      %dma_wait3A_617 = tpu.memref_slice %arg3[%add3A_605, %dma_wait3A_616] : memref<2564x128xi32, #tpu.memory_space<hbm>> -> memref<1x128xi32, #tpu.memory_space<hbm>>
      %dma_wait3A_618 = tpu.memref_squeeze %dma_wait3A_617 : memref<1x128xi32, #tpu.memory_space<hbm>> -> memref<128xi32, #tpu.memory_space<hbm>>
      tpu.wait_dma2 semaphore(%arg19 : memref<!tpu.dma_semaphore, #tpu.memory_space<semaphore_mem>>) src(%dma_wait3A_618 : memref<128xi32, #tpu.memory_space<hbm>>) dst(%dma_wait3A_615 : memref<128xi32, #tpu.memory_space<vmem>>)
      %dma_wait3A_619 = arith.constant 1 : i32
      %dma_wait3A_620 = arith.constant 0 : i32
      %dma_wait3A_621 = tpu.memref_slice %arg11[%dma_wait3A_619, %dma_wait3A_620] : memref<2x128xi32, #tpu.memory_space<vmem>> -> memref<1x128xi32, #tpu.memory_space<vmem>>
      %dma_wait3A_622 = tpu.memref_squeeze %dma_wait3A_621 : memref<1x128xi32, #tpu.memory_space<vmem>> -> memref<128xi32, #tpu.memory_space<vmem>>
      %dma_wait3A_623 = arith.constant 0 : i32
      %dma_wait3A_624 = tpu.memref_slice %arg4[%add3A_605, %dma_wait3A_623] : memref<2564x128xi32, #tpu.memory_space<hbm>> -> memref<1x128xi32, #tpu.memory_space<hbm>>
      %dma_wait3A_625 = tpu.memref_squeeze %dma_wait3A_624 : memref<1x128xi32, #tpu.memory_space<hbm>> -> memref<128xi32, #tpu.memory_space<hbm>>
      %dma_wait3A_626 = arith.constant 0 : i32
      %dma_wait3A_627 = tpu.memref_slice %arg11[%dma_wait3A_619, %dma_wait3A_626] : memref<2x128xi32, #tpu.memory_space<vmem>> -> memref<1x128xi32, #tpu.memory_space<vmem>>
      %dma_wait3A_628 = tpu.memref_squeeze %dma_wait3A_627 : memref<1x128xi32, #tpu.memory_space<vmem>> -> memref<128xi32, #tpu.memory_space<vmem>>
      %dma_wait3A_629 = arith.constant 0 : i32
      %dma_wait3A_630 = tpu.memref_slice %arg4[%add3A_605, %dma_wait3A_629] : memref<2564x128xi32, #tpu.memory_space<hbm>> -> memref<1x128xi32, #tpu.memory_space<hbm>>
      %dma_wait3A_631 = tpu.memref_squeeze %dma_wait3A_630 : memref<1x128xi32, #tpu.memory_space<hbm>> -> memref<128xi32, #tpu.memory_space<hbm>>
      tpu.wait_dma2 semaphore(%arg19 : memref<!tpu.dma_semaphore, #tpu.memory_space<semaphore_mem>>) src(%dma_wait3A_631 : memref<128xi32, #tpu.memory_space<hbm>>) dst(%dma_wait3A_628 : memref<128xi32, #tpu.memory_space<vmem>>)
      %dma_start3A_632 = arith.constant 0 : i32
      %dma_start3A_633 = arith.constant 0 : i32
      %dma_start3A_634 = tpu.memref_slice %arg11[%dma_start3A_632, %dma_start3A_633] : memref<2x128xi32, #tpu.memory_space<vmem>> -> memref<1x128xi32, #tpu.memory_space<vmem>>
      %dma_start3A_635 = tpu.memref_squeeze %dma_start3A_634 : memref<1x128xi32, #tpu.memory_space<vmem>> -> memref<128xi32, #tpu.memory_space<vmem>>
      %dma_start3A_636 = arith.constant 0 : i32
      %dma_start3A_637 = arith.constant 0 : i32
      %dma_start3A_638 = tpu.memref_slice %arg2[%dma_start3A_636, %dma_start3A_637] : memref<10000x128xf32, #tpu.memory_space<hbm>> -> memref<10000x128xf32, #tpu.memory_space<hbm>>
      tpu.enqueue_indirect_dma source(%dma_start3A_638 : memref<10000x128xf32, #tpu.memory_space<hbm>>) target(%arg9 : memref<128x128xf32, #tpu.memory_space<vmem>>) offsets(%dma_start3A_635 : memref<128xi32, #tpu.memory_space<vmem>>) semaphore(%arg15 : memref<!tpu.dma_semaphore, #tpu.memory_space<semaphore_mem>>)
    }
    %scan3A_198 = arith.constant 20 : i32
    %dma_wait3A_199 = arith.constant 0 : i32
    %dma_wait3A_200 = arith.constant 0 : i32
    %dma_wait3A_201 = tpu.memref_slice %arg10[%dma_wait3A_199, %dma_wait3A_200] : memref<2x128xi32, #tpu.memory_space<vmem>> -> memref<1x128xi32, #tpu.memory_space<vmem>>
    %dma_wait3A_202 = tpu.memref_squeeze %dma_wait3A_201 : memref<1x128xi32, #tpu.memory_space<vmem>> -> memref<128xi32, #tpu.memory_space<vmem>>
    %dma_wait3A_203 = arith.constant 0 : i32
    %dma_wait3A_204 = arith.constant 0 : i32
    %dma_wait3A_205 = tpu.memref_slice %arg2[%dma_wait3A_203, %dma_wait3A_204] : memref<10000x128xf32, #tpu.memory_space<hbm>> -> memref<10000x128xf32, #tpu.memory_space<hbm>>
    tpu.wait_indirect_dma semaphore(%arg14 : memref<!tpu.dma_semaphore, #tpu.memory_space<semaphore_mem>>) src(%dma_wait3A_205 : memref<10000x128xf32, #tpu.memory_space<hbm>>) dst(%arg8 : memref<128x128xf32, #tpu.memory_space<vmem>>)
    %dma_wait3A_206 = arith.constant 0 : i32
    %dma_wait3A_207 = arith.constant 0 : i32
    %dma_wait3A_208 = tpu.memref_slice %arg11[%dma_wait3A_206, %dma_wait3A_207] : memref<2x128xi32, #tpu.memory_space<vmem>> -> memref<1x128xi32, #tpu.memory_space<vmem>>
    %dma_wait3A_209 = tpu.memref_squeeze %dma_wait3A_208 : memref<1x128xi32, #tpu.memory_space<vmem>> -> memref<128xi32, #tpu.memory_space<vmem>>
    %dma_wait3A_210 = arith.constant 0 : i32
    %dma_wait3A_211 = arith.constant 0 : i32
    %dma_wait3A_212 = tpu.memref_slice %arg2[%dma_wait3A_210, %dma_wait3A_211] : memref<10000x128xf32, #tpu.memory_space<hbm>> -> memref<10000x128xf32, #tpu.memory_space<hbm>>
    tpu.wait_indirect_dma semaphore(%arg15 : memref<!tpu.dma_semaphore, #tpu.memory_space<semaphore_mem>>) src(%dma_wait3A_212 : memref<10000x128xf32, #tpu.memory_space<hbm>>) dst(%arg9 : memref<128x128xf32, #tpu.memory_space<vmem>>)
    %mul3A_213 = arith.constant 80 : i32
    %mul3A_214 = arith.muli %add3A, %mul3A_213 : i32
    %add3A_215 = arith.constant 82 : i32
    %add3A_216 = arith.addi %mul3A_214, %add3A_215 : i32
    %dma_wait3A_217 = arith.constant 0 : i32
    %dma_wait3A_218 = arith.constant 0 : i32
    %dma_wait3A_219 = tpu.memref_slice %arg12[%dma_wait3A_217, %dma_wait3A_218] : memref<2x128xi32, #tpu.memory_space<vmem>> -> memref<1x128xi32, #tpu.memory_space<vmem>>
    %dma_wait3A_220 = tpu.memref_squeeze %dma_wait3A_219 : memref<1x128xi32, #tpu.memory_space<vmem>> -> memref<128xi32, #tpu.memory_space<vmem>>
    %dma_wait3A_221 = arith.constant 0 : i32
    %dma_wait3A_222 = tpu.memref_slice %arg3[%add3A_216, %dma_wait3A_221] : memref<2564x128xi32, #tpu.memory_space<hbm>> -> memref<1x128xi32, #tpu.memory_space<hbm>>
    %dma_wait3A_223 = tpu.memref_squeeze %dma_wait3A_222 : memref<1x128xi32, #tpu.memory_space<hbm>> -> memref<128xi32, #tpu.memory_space<hbm>>
    %dma_wait3A_224 = arith.constant 0 : i32
    %dma_wait3A_225 = tpu.memref_slice %arg12[%dma_wait3A_217, %dma_wait3A_224] : memref<2x128xi32, #tpu.memory_space<vmem>> -> memref<1x128xi32, #tpu.memory_space<vmem>>
    %dma_wait3A_226 = tpu.memref_squeeze %dma_wait3A_225 : memref<1x128xi32, #tpu.memory_space<vmem>> -> memref<128xi32, #tpu.memory_space<vmem>>
    %dma_wait3A_227 = arith.constant 0 : i32
    %dma_wait3A_228 = tpu.memref_slice %arg3[%add3A_216, %dma_wait3A_227] : memref<2564x128xi32, #tpu.memory_space<hbm>> -> memref<1x128xi32, #tpu.memory_space<hbm>>
    %dma_wait3A_229 = tpu.memref_squeeze %dma_wait3A_228 : memref<1x128xi32, #tpu.memory_space<hbm>> -> memref<128xi32, #tpu.memory_space<hbm>>
    tpu.wait_dma2 semaphore(%arg20 : memref<!tpu.dma_semaphore, #tpu.memory_space<semaphore_mem>>) src(%dma_wait3A_229 : memref<128xi32, #tpu.memory_space<hbm>>) dst(%dma_wait3A_226 : memref<128xi32, #tpu.memory_space<vmem>>)
    %dma_wait3A_230 = arith.constant 1 : i32
    %dma_wait3A_231 = arith.constant 0 : i32
    %dma_wait3A_232 = tpu.memref_slice %arg12[%dma_wait3A_230, %dma_wait3A_231] : memref<2x128xi32, #tpu.memory_space<vmem>> -> memref<1x128xi32, #tpu.memory_space<vmem>>
    %dma_wait3A_233 = tpu.memref_squeeze %dma_wait3A_232 : memref<1x128xi32, #tpu.memory_space<vmem>> -> memref<128xi32, #tpu.memory_space<vmem>>
    %dma_wait3A_234 = arith.constant 0 : i32
    %dma_wait3A_235 = tpu.memref_slice %arg4[%add3A_216, %dma_wait3A_234] : memref<2564x128xi32, #tpu.memory_space<hbm>> -> memref<1x128xi32, #tpu.memory_space<hbm>>
    %dma_wait3A_236 = tpu.memref_squeeze %dma_wait3A_235 : memref<1x128xi32, #tpu.memory_space<hbm>> -> memref<128xi32, #tpu.memory_space<hbm>>
    %dma_wait3A_237 = arith.constant 0 : i32
    %dma_wait3A_238 = tpu.memref_slice %arg12[%dma_wait3A_230, %dma_wait3A_237] : memref<2x128xi32, #tpu.memory_space<vmem>> -> memref<1x128xi32, #tpu.memory_space<vmem>>
    %dma_wait3A_239 = tpu.memref_squeeze %dma_wait3A_238 : memref<1x128xi32, #tpu.memory_space<vmem>> -> memref<128xi32, #tpu.memory_space<vmem>>
    %dma_wait3A_240 = arith.constant 0 : i32
    %dma_wait3A_241 = tpu.memref_slice %arg4[%add3A_216, %dma_wait3A_240] : memref<2564x128xi32, #tpu.memory_space<hbm>> -> memref<1x128xi32, #tpu.memory_space<hbm>>
    %dma_wait3A_242 = tpu.memref_squeeze %dma_wait3A_241 : memref<1x128xi32, #tpu.memory_space<hbm>> -> memref<128xi32, #tpu.memory_space<hbm>>
    tpu.wait_dma2 semaphore(%arg20 : memref<!tpu.dma_semaphore, #tpu.memory_space<semaphore_mem>>) src(%dma_wait3A_242 : memref<128xi32, #tpu.memory_space<hbm>>) dst(%dma_wait3A_239 : memref<128xi32, #tpu.memory_space<vmem>>)
    %mul3A_243 = arith.constant 80 : i32
    %mul3A_244 = arith.muli %add3A, %mul3A_243 : i32
    %add3A_245 = arith.constant 83 : i32
    %add3A_246 = arith.addi %mul3A_244, %add3A_245 : i32
    %dma_wait3A_247 = arith.constant 0 : i32
    %dma_wait3A_248 = arith.constant 0 : i32
    %dma_wait3A_249 = tpu.memref_slice %arg13[%dma_wait3A_247, %dma_wait3A_248] : memref<2x128xi32, #tpu.memory_space<vmem>> -> memref<1x128xi32, #tpu.memory_space<vmem>>
    %dma_wait3A_250 = tpu.memref_squeeze %dma_wait3A_249 : memref<1x128xi32, #tpu.memory_space<vmem>> -> memref<128xi32, #tpu.memory_space<vmem>>
    %dma_wait3A_251 = arith.constant 0 : i32
    %dma_wait3A_252 = tpu.memref_slice %arg3[%add3A_246, %dma_wait3A_251] : memref<2564x128xi32, #tpu.memory_space<hbm>> -> memref<1x128xi32, #tpu.memory_space<hbm>>
    %dma_wait3A_253 = tpu.memref_squeeze %dma_wait3A_252 : memref<1x128xi32, #tpu.memory_space<hbm>> -> memref<128xi32, #tpu.memory_space<hbm>>
    %dma_wait3A_254 = arith.constant 0 : i32
    %dma_wait3A_255 = tpu.memref_slice %arg13[%dma_wait3A_247, %dma_wait3A_254] : memref<2x128xi32, #tpu.memory_space<vmem>> -> memref<1x128xi32, #tpu.memory_space<vmem>>
    %dma_wait3A_256 = tpu.memref_squeeze %dma_wait3A_255 : memref<1x128xi32, #tpu.memory_space<vmem>> -> memref<128xi32, #tpu.memory_space<vmem>>
    %dma_wait3A_257 = arith.constant 0 : i32
    %dma_wait3A_258 = tpu.memref_slice %arg3[%add3A_246, %dma_wait3A_257] : memref<2564x128xi32, #tpu.memory_space<hbm>> -> memref<1x128xi32, #tpu.memory_space<hbm>>
    %dma_wait3A_259 = tpu.memref_squeeze %dma_wait3A_258 : memref<1x128xi32, #tpu.memory_space<hbm>> -> memref<128xi32, #tpu.memory_space<hbm>>
    tpu.wait_dma2 semaphore(%arg21 : memref<!tpu.dma_semaphore, #tpu.memory_space<semaphore_mem>>) src(%dma_wait3A_259 : memref<128xi32, #tpu.memory_space<hbm>>) dst(%dma_wait3A_256 : memref<128xi32, #tpu.memory_space<vmem>>)
    %dma_wait3A_260 = arith.constant 1 : i32
    %dma_wait3A_261 = arith.constant 0 : i32
    %dma_wait3A_262 = tpu.memref_slice %arg13[%dma_wait3A_260, %dma_wait3A_261] : memref<2x128xi32, #tpu.memory_space<vmem>> -> memref<1x128xi32, #tpu.memory_space<vmem>>
    %dma_wait3A_263 = tpu.memref_squeeze %dma_wait3A_262 : memref<1x128xi32, #tpu.memory_space<vmem>> -> memref<128xi32, #tpu.memory_space<vmem>>
    %dma_wait3A_264 = arith.constant 0 : i32
    %dma_wait3A_265 = tpu.memref_slice %arg4[%add3A_246, %dma_wait3A_264] : memref<2564x128xi32, #tpu.memory_space<hbm>> -> memref<1x128xi32, #tpu.memory_space<hbm>>
    %dma_wait3A_266 = tpu.memref_squeeze %dma_wait3A_265 : memref<1x128xi32, #tpu.memory_space<hbm>> -> memref<128xi32, #tpu.memory_space<hbm>>
    %dma_wait3A_267 = arith.constant 0 : i32
    %dma_wait3A_268 = tpu.memref_slice %arg13[%dma_wait3A_260, %dma_wait3A_267] : memref<2x128xi32, #tpu.memory_space<vmem>> -> memref<1x128xi32, #tpu.memory_space<vmem>>
    %dma_wait3A_269 = tpu.memref_squeeze %dma_wait3A_268 : memref<1x128xi32, #tpu.memory_space<vmem>> -> memref<128xi32, #tpu.memory_space<vmem>>
    %dma_wait3A_270 = arith.constant 0 : i32
    %dma_wait3A_271 = tpu.memref_slice %arg4[%add3A_246, %dma_wait3A_270] : memref<2564x128xi32, #tpu.memory_space<hbm>> -> memref<1x128xi32, #tpu.memory_space<hbm>>
    %dma_wait3A_272 = tpu.memref_squeeze %dma_wait3A_271 : memref<1x128xi32, #tpu.memory_space<hbm>> -> memref<128xi32, #tpu.memory_space<hbm>>
    tpu.wait_dma2 semaphore(%arg21 : memref<!tpu.dma_semaphore, #tpu.memory_space<semaphore_mem>>) src(%dma_wait3A_272 : memref<128xi32, #tpu.memory_space<hbm>>) dst(%dma_wait3A_269 : memref<128xi32, #tpu.memory_space<vmem>>)
    %barrier3A_273 = arith.constant 0 : index
    tpu.barrier barrier_id(%barrier3A_273)
    "tpu.region"() ({
      %run_scoped3A = tpu.sem_alloc : memref<!tpu.dma_semaphore, #tpu.memory_space<semaphore_mem>>
      %dma_start3A_274 = arith.constant 0 : i32
      %dma_start3A_275 = tpu.memref_slice %arg6[%arg0, %mul3A_2, %dma_start3A_274] : memref<2x10112x128xf32, #tpu.memory_space<hbm>> -> memref<1x632x128xf32, #tpu.memory_space<hbm>>
      %dma_start3A_276 = tpu.memref_squeeze %dma_start3A_275 : memref<1x632x128xf32, #tpu.memory_space<hbm>> -> memref<632x128xf32, #tpu.memory_space<hbm>>
      %dma_start3A_277 = arith.constant 0 : i32
      %dma_start3A_278 = tpu.memref_slice %arg7[%mul3A_2, %dma_start3A_277] : memref<10112x128xf32, #tpu.memory_space<vmem_shared>> -> memref<632x128xf32, #tpu.memory_space<vmem_shared>>
      tpu.enqueue_dma source(%dma_start3A_278 : memref<632x128xf32, #tpu.memory_space<vmem_shared>>) target(%dma_start3A_276 : memref<632x128xf32, #tpu.memory_space<hbm>>) target_semaphore(%run_scoped3A : memref<!tpu.dma_semaphore, #tpu.memory_space<semaphore_mem>>)
      %dma_wait3A_279 = arith.constant 0 : i32
      %dma_wait3A_280 = tpu.memref_slice %arg6[%arg0, %mul3A_2, %dma_wait3A_279] : memref<2x10112x128xf32, #tpu.memory_space<hbm>> -> memref<1x632x128xf32, #tpu.memory_space<hbm>>
      %dma_wait3A_281 = tpu.memref_squeeze %dma_wait3A_280 : memref<1x632x128xf32, #tpu.memory_space<hbm>> -> memref<632x128xf32, #tpu.memory_space<hbm>>
      %dma_wait3A_282 = arith.constant 0 : i32
      %dma_wait3A_283 = tpu.memref_slice %arg7[%mul3A_2, %dma_wait3A_282] : memref<10112x128xf32, #tpu.memory_space<vmem_shared>> -> memref<632x128xf32, #tpu.memory_space<vmem_shared>>
      tpu.wait_dma2 semaphore(%run_scoped3A : memref<!tpu.dma_semaphore, #tpu.memory_space<semaphore_mem>>) src(%dma_wait3A_283 : memref<632x128xf32, #tpu.memory_space<vmem_shared>>) dst(%dma_wait3A_281 : memref<632x128xf32, #tpu.memory_space<hbm>>)
      tpu.yield
    }) : () -> ()
    return
  }
}

#map = affine_map<(d0, d1) -> (0, 0)>
#map1 = affine_map<(d0, d1) -> (0, 0, 0)>
module attributes {stable_mosaic.version = 14 : i64} {
  func.func @body(%arg0: i32, %arg1: i32, %arg2: memref<10000x128xf32, #tpu.memory_space<hbm>>, %arg3: memref<2564x128xi32, #tpu.memory_space<hbm>>, %arg4: memref<2564x128xi32, #tpu.memory_space<hbm>>, %arg5: memref<10112x128xf32, #tpu.memory_space<hbm>>, %arg6: memref<2x10112x128xf32, #tpu.memory_space<hbm>>, %arg7: memref<10112x128xf32, #tpu.memory_space<vmem_shared>>, %arg8: memref<128x128xf32, #tpu.memory_space<vmem>>, %arg9: memref<128x128xf32, #tpu.memory_space<vmem>>, %arg10: memref<2x128xi32, #tpu.memory_space<vmem>>, %arg11: memref<2x128xi32, #tpu.memory_space<vmem>>, %arg12: memref<2x128xi32, #tpu.memory_space<vmem>>, %arg13: memref<2x128xi32, #tpu.memory_space<vmem>>, %arg14: memref<!tpu.dma_semaphore, #tpu.memory_space<semaphore_mem>>, %arg15: memref<!tpu.dma_semaphore, #tpu.memory_space<semaphore_mem>>, %arg16: memref<!tpu.dma_semaphore, #tpu.memory_space<semaphore_mem>>, %arg17: memref<!tpu.dma_semaphore, #tpu.memory_space<semaphore_mem>>, %arg18: memref<!tpu.dma_semaphore, #tpu.memory_space<semaphore_mem>>, %arg19: memref<!tpu.dma_semaphore, #tpu.memory_space<semaphore_mem>>, %arg20: memref<!tpu.dma_semaphore, #tpu.memory_space<semaphore_mem>>, %arg21: memref<!tpu.dma_semaphore, #tpu.memory_space<semaphore_mem>>) attributes {dimension_semantics = [#tpu.dimension_semantics<core_parallel>, #tpu.dimension_semantics<subcore_parallel>], iteration_bounds = array<i64: 2, 16>, scalar_prefetch = 0 : i64, scratch_operands = 15 : i64, tpu.core_type = #tpu.core_type<sc_vector_subcore>, window_params = [{transform_indices = #map}, {transform_indices = #map}, {transform_indices = #map}, {transform_indices = #map}, {transform_indices = #map1}]} {
    %mul3A = arith.constant 16 : i32
    %mul3A_0 = arith.muli %arg0, %mul3A : i32
    %add3A = arith.addi %mul3A_0, %arg1 : i32
    %mul3A_1 = arith.constant 632 : i32
    %mul3A_2 = arith.muli %arg1, %mul3A_1 : i32
    "tpu.region"() ({
      %run_scoped3A = tpu.sem_alloc : memref<!tpu.dma_semaphore, #tpu.memory_space<semaphore_mem>>
      %dma_start3A_274 = arith.constant 0 : i32
      %dma_start3A_275 = tpu.memref_slice %arg7[%mul3A_2, %dma_start3A_274] : memref<10112x128xf32, #tpu.memory_space<vmem_shared>> -> memref<632x128xf32, #tpu.memory_space<vmem_shared>>
      %dma_start3A_276 = arith.constant 0 : i32
      %dma_start3A_277 = tpu.memref_slice %arg5[%mul3A_2, %dma_start3A_276] : memref<10112x128xf32, #tpu.memory_space<hbm>> -> memref<632x128xf32, #tpu.memory_space<hbm>>
      tpu.enqueue_dma source(%dma_start3A_277 : memref<632x128xf32, #tpu.memory_space<hbm>>) target(%dma_start3A_275 : memref<632x128xf32, #tpu.memory_space<vmem_shared>>) target_semaphore(%run_scoped3A : memref<!tpu.dma_semaphore, #tpu.memory_space<semaphore_mem>>)
      %dma_wait3A_278 = arith.constant 0 : i32
      %dma_wait3A_279 = tpu.memref_slice %arg7[%mul3A_2, %dma_wait3A_278] : memref<10112x128xf32, #tpu.memory_space<vmem_shared>> -> memref<632x128xf32, #tpu.memory_space<vmem_shared>>
      %dma_wait3A_280 = arith.constant 0 : i32
      %dma_wait3A_281 = tpu.memref_slice %arg5[%mul3A_2, %dma_wait3A_280] : memref<10112x128xf32, #tpu.memory_space<hbm>> -> memref<632x128xf32, #tpu.memory_space<hbm>>
      tpu.wait_dma2 semaphore(%run_scoped3A : memref<!tpu.dma_semaphore, #tpu.memory_space<semaphore_mem>>) src(%dma_wait3A_281 : memref<632x128xf32, #tpu.memory_space<hbm>>) dst(%dma_wait3A_279 : memref<632x128xf32, #tpu.memory_space<vmem_shared>>)
      tpu.yield
    }) : () -> ()
    %barrier3A = arith.constant 0 : index
    tpu.barrier barrier_id(%barrier3A)
    %mul3A_3 = arith.constant 80 : i32
    %mul3A_4 = arith.muli %add3A, %mul3A_3 : i32
    %add3A_5 = arith.constant 0 : i32
    %add3A_6 = arith.addi %mul3A_4, %add3A_5 : i32
    %dma_start3A = arith.constant 0 : i32
    %dma_start3A_7 = arith.constant 0 : i32
    %dma_start3A_8 = tpu.memref_slice %arg10[%dma_start3A, %dma_start3A_7] : memref<2x128xi32, #tpu.memory_space<vmem>> -> memref<1x128xi32, #tpu.memory_space<vmem>>
    %dma_start3A_9 = tpu.memref_squeeze %dma_start3A_8 : memref<1x128xi32, #tpu.memory_space<vmem>> -> memref<128xi32, #tpu.memory_space<vmem>>
    %dma_start3A_10 = arith.constant 0 : i32
    %dma_start3A_11 = tpu.memref_slice %arg3[%add3A_6, %dma_start3A_10] : memref<2564x128xi32, #tpu.memory_space<hbm>> -> memref<1x128xi32, #tpu.memory_space<hbm>>
    %dma_start3A_12 = tpu.memref_squeeze %dma_start3A_11 : memref<1x128xi32, #tpu.memory_space<hbm>> -> memref<128xi32, #tpu.memory_space<hbm>>
    %dma_start3A_13 = arith.constant 0 : i32
    %dma_start3A_14 = tpu.memref_slice %arg10[%dma_start3A, %dma_start3A_13] : memref<2x128xi32, #tpu.memory_space<vmem>> -> memref<1x128xi32, #tpu.memory_space<vmem>>
    %dma_start3A_15 = tpu.memref_squeeze %dma_start3A_14 : memref<1x128xi32, #tpu.memory_space<vmem>> -> memref<128xi32, #tpu.memory_space<vmem>>
    %dma_start3A_16 = arith.constant 0 : i32
    %dma_start3A_17 = tpu.memref_slice %arg3[%add3A_6, %dma_start3A_16] : memref<2564x128xi32, #tpu.memory_space<hbm>> -> memref<1x128xi32, #tpu.memory_space<hbm>>
    %dma_start3A_18 = tpu.memref_squeeze %dma_start3A_17 : memref<1x128xi32, #tpu.memory_space<hbm>> -> memref<128xi32, #tpu.memory_space<hbm>>
    tpu.enqueue_dma source(%dma_start3A_18 : memref<128xi32, #tpu.memory_space<hbm>>) target(%dma_start3A_15 : memref<128xi32, #tpu.memory_space<vmem>>) target_semaphore(%arg18 : memref<!tpu.dma_semaphore, #tpu.memory_space<semaphore_mem>>)
    %dma_start3A_19 = arith.constant 1 : i32
    %dma_start3A_20 = arith.constant 0 : i32
    %dma_start3A_21 = tpu.memref_slice %arg10[%dma_start3A_19, %dma_start3A_20] : memref<2x128xi32, #tpu.memory_space<vmem>> -> memref<1x128xi32, #tpu.memory_space<vmem>>
    %dma_start3A_22 = tpu.memref_squeeze %dma_start3A_21 : memref<1x128xi32, #tpu.memory_space<vmem>> -> memref<128xi32, #tpu.memory_space<vmem>>
    %dma_start3A_23 = arith.constant 0 : i32
    %dma_start3A_24 = tpu.memref_slice %arg4[%add3A_6, %dma_start3A_23] : memref<2564x128xi32, #tpu.memory_space<hbm>> -> memref<1x128xi32, #tpu.memory_space<hbm>>
    %dma_start3A_25 = tpu.memref_squeeze %dma_start3A_24 : memref<1x128xi32, #tpu.memory_space<hbm>> -> memref<128xi32, #tpu.memory_space<hbm>>
    %dma_start3A_26 = arith.constant 0 : i32
    %dma_start3A_27 = tpu.memref_slice %arg10[%dma_start3A_19, %dma_start3A_26] : memref<2x128xi32, #tpu.memory_space<vmem>> -> memref<1x128xi32, #tpu.memory_space<vmem>>
    %dma_start3A_28 = tpu.memref_squeeze %dma_start3A_27 : memref<1x128xi32, #tpu.memory_space<vmem>> -> memref<128xi32, #tpu.memory_space<vmem>>
    %dma_start3A_29 = arith.constant 0 : i32
    %dma_start3A_30 = tpu.memref_slice %arg4[%add3A_6, %dma_start3A_29] : memref<2564x128xi32, #tpu.memory_space<hbm>> -> memref<1x128xi32, #tpu.memory_space<hbm>>
    %dma_start3A_31 = tpu.memref_squeeze %dma_start3A_30 : memref<1x128xi32, #tpu.memory_space<hbm>> -> memref<128xi32, #tpu.memory_space<hbm>>
    tpu.enqueue_dma source(%dma_start3A_31 : memref<128xi32, #tpu.memory_space<hbm>>) target(%dma_start3A_28 : memref<128xi32, #tpu.memory_space<vmem>>) target_semaphore(%arg18 : memref<!tpu.dma_semaphore, #tpu.memory_space<semaphore_mem>>)
    %mul3A_32 = arith.constant 80 : i32
    %mul3A_33 = arith.muli %add3A, %mul3A_32 : i32
    %add3A_34 = arith.constant 1 : i32
    %add3A_35 = arith.addi %mul3A_33, %add3A_34 : i32
    %dma_start3A_36 = arith.constant 0 : i32
    %dma_start3A_37 = arith.constant 0 : i32
    %dma_start3A_38 = tpu.memref_slice %arg11[%dma_start3A_36, %dma_start3A_37] : memref<2x128xi32, #tpu.memory_space<vmem>> -> memref<1x128xi32, #tpu.memory_space<vmem>>
    %dma_start3A_39 = tpu.memref_squeeze %dma_start3A_38 : memref<1x128xi32, #tpu.memory_space<vmem>> -> memref<128xi32, #tpu.memory_space<vmem>>
    %dma_start3A_40 = arith.constant 0 : i32
    %dma_start3A_41 = tpu.memref_slice %arg3[%add3A_35, %dma_start3A_40] : memref<2564x128xi32, #tpu.memory_space<hbm>> -> memref<1x128xi32, #tpu.memory_space<hbm>>
    %dma_start3A_42 = tpu.memref_squeeze %dma_start3A_41 : memref<1x128xi32, #tpu.memory_space<hbm>> -> memref<128xi32, #tpu.memory_space<hbm>>
    %dma_start3A_43 = arith.constant 0 : i32
    %dma_start3A_44 = tpu.memref_slice %arg11[%dma_start3A_36, %dma_start3A_43] : memref<2x128xi32, #tpu.memory_space<vmem>> -> memref<1x128xi32, #tpu.memory_space<vmem>>
    %dma_start3A_45 = tpu.memref_squeeze %dma_start3A_44 : memref<1x128xi32, #tpu.memory_space<vmem>> -> memref<128xi32, #tpu.memory_space<vmem>>
    %dma_start3A_46 = arith.constant 0 : i32
    %dma_start3A_47 = tpu.memref_slice %arg3[%add3A_35, %dma_start3A_46] : memref<2564x128xi32, #tpu.memory_space<hbm>> -> memref<1x128xi32, #tpu.memory_space<hbm>>
    %dma_start3A_48 = tpu.memref_squeeze %dma_start3A_47 : memref<1x128xi32, #tpu.memory_space<hbm>> -> memref<128xi32, #tpu.memory_space<hbm>>
    tpu.enqueue_dma source(%dma_start3A_48 : memref<128xi32, #tpu.memory_space<hbm>>) target(%dma_start3A_45 : memref<128xi32, #tpu.memory_space<vmem>>) target_semaphore(%arg19 : memref<!tpu.dma_semaphore, #tpu.memory_space<semaphore_mem>>)
    %dma_start3A_49 = arith.constant 1 : i32
    %dma_start3A_50 = arith.constant 0 : i32
    %dma_start3A_51 = tpu.memref_slice %arg11[%dma_start3A_49, %dma_start3A_50] : memref<2x128xi32, #tpu.memory_space<vmem>> -> memref<1x128xi32, #tpu.memory_space<vmem>>
    %dma_start3A_52 = tpu.memref_squeeze %dma_start3A_51 : memref<1x128xi32, #tpu.memory_space<vmem>> -> memref<128xi32, #tpu.memory_space<vmem>>
    %dma_start3A_53 = arith.constant 0 : i32
    %dma_start3A_54 = tpu.memref_slice %arg4[%add3A_35, %dma_start3A_53] : memref<2564x128xi32, #tpu.memory_space<hbm>> -> memref<1x128xi32, #tpu.memory_space<hbm>>
    %dma_start3A_55 = tpu.memref_squeeze %dma_start3A_54 : memref<1x128xi32, #tpu.memory_space<hbm>> -> memref<128xi32, #tpu.memory_space<hbm>>
    %dma_start3A_56 = arith.constant 0 : i32
    %dma_start3A_57 = tpu.memref_slice %arg11[%dma_start3A_49, %dma_start3A_56] : memref<2x128xi32, #tpu.memory_space<vmem>> -> memref<1x128xi32, #tpu.memory_space<vmem>>
    %dma_start3A_58 = tpu.memref_squeeze %dma_start3A_57 : memref<1x128xi32, #tpu.memory_space<vmem>> -> memref<128xi32, #tpu.memory_space<vmem>>
    %dma_start3A_59 = arith.constant 0 : i32
    %dma_start3A_60 = tpu.memref_slice %arg4[%add3A_35, %dma_start3A_59] : memref<2564x128xi32, #tpu.memory_space<hbm>> -> memref<1x128xi32, #tpu.memory_space<hbm>>
    %dma_start3A_61 = tpu.memref_squeeze %dma_start3A_60 : memref<1x128xi32, #tpu.memory_space<hbm>> -> memref<128xi32, #tpu.memory_space<hbm>>
    tpu.enqueue_dma source(%dma_start3A_61 : memref<128xi32, #tpu.memory_space<hbm>>) target(%dma_start3A_58 : memref<128xi32, #tpu.memory_space<vmem>>) target_semaphore(%arg19 : memref<!tpu.dma_semaphore, #tpu.memory_space<semaphore_mem>>)
    %mul3A_62 = arith.constant 80 : i32
    %mul3A_63 = arith.muli %add3A, %mul3A_62 : i32
    %add3A_64 = arith.constant 2 : i32
    %add3A_65 = arith.addi %mul3A_63, %add3A_64 : i32
    %dma_start3A_66 = arith.constant 0 : i32
    %dma_start3A_67 = arith.constant 0 : i32
    %dma_start3A_68 = tpu.memref_slice %arg12[%dma_start3A_66, %dma_start3A_67] : memref<2x128xi32, #tpu.memory_space<vmem>> -> memref<1x128xi32, #tpu.memory_space<vmem>>
    %dma_start3A_69 = tpu.memref_squeeze %dma_start3A_68 : memref<1x128xi32, #tpu.memory_space<vmem>> -> memref<128xi32, #tpu.memory_space<vmem>>
    %dma_start3A_70 = arith.constant 0 : i32
    %dma_start3A_71 = tpu.memref_slice %arg3[%add3A_65, %dma_start3A_70] : memref<2564x128xi32, #tpu.memory_space<hbm>> -> memref<1x128xi32, #tpu.memory_space<hbm>>
    %dma_start3A_72 = tpu.memref_squeeze %dma_start3A_71 : memref<1x128xi32, #tpu.memory_space<hbm>> -> memref<128xi32, #tpu.memory_space<hbm>>
    %dma_start3A_73 = arith.constant 0 : i32
    %dma_start3A_74 = tpu.memref_slice %arg12[%dma_start3A_66, %dma_start3A_73] : memref<2x128xi32, #tpu.memory_space<vmem>> -> memref<1x128xi32, #tpu.memory_space<vmem>>
    %dma_start3A_75 = tpu.memref_squeeze %dma_start3A_74 : memref<1x128xi32, #tpu.memory_space<vmem>> -> memref<128xi32, #tpu.memory_space<vmem>>
    %dma_start3A_76 = arith.constant 0 : i32
    %dma_start3A_77 = tpu.memref_slice %arg3[%add3A_65, %dma_start3A_76] : memref<2564x128xi32, #tpu.memory_space<hbm>> -> memref<1x128xi32, #tpu.memory_space<hbm>>
    %dma_start3A_78 = tpu.memref_squeeze %dma_start3A_77 : memref<1x128xi32, #tpu.memory_space<hbm>> -> memref<128xi32, #tpu.memory_space<hbm>>
    tpu.enqueue_dma source(%dma_start3A_78 : memref<128xi32, #tpu.memory_space<hbm>>) target(%dma_start3A_75 : memref<128xi32, #tpu.memory_space<vmem>>) target_semaphore(%arg20 : memref<!tpu.dma_semaphore, #tpu.memory_space<semaphore_mem>>)
    %dma_start3A_79 = arith.constant 1 : i32
    %dma_start3A_80 = arith.constant 0 : i32
    %dma_start3A_81 = tpu.memref_slice %arg12[%dma_start3A_79, %dma_start3A_80] : memref<2x128xi32, #tpu.memory_space<vmem>> -> memref<1x128xi32, #tpu.memory_space<vmem>>
    %dma_start3A_82 = tpu.memref_squeeze %dma_start3A_81 : memref<1x128xi32, #tpu.memory_space<vmem>> -> memref<128xi32, #tpu.memory_space<vmem>>
    %dma_start3A_83 = arith.constant 0 : i32
    %dma_start3A_84 = tpu.memref_slice %arg4[%add3A_65, %dma_start3A_83] : memref<2564x128xi32, #tpu.memory_space<hbm>> -> memref<1x128xi32, #tpu.memory_space<hbm>>
    %dma_start3A_85 = tpu.memref_squeeze %dma_start3A_84 : memref<1x128xi32, #tpu.memory_space<hbm>> -> memref<128xi32, #tpu.memory_space<hbm>>
    %dma_start3A_86 = arith.constant 0 : i32
    %dma_start3A_87 = tpu.memref_slice %arg12[%dma_start3A_79, %dma_start3A_86] : memref<2x128xi32, #tpu.memory_space<vmem>> -> memref<1x128xi32, #tpu.memory_space<vmem>>
    %dma_start3A_88 = tpu.memref_squeeze %dma_start3A_87 : memref<1x128xi32, #tpu.memory_space<vmem>> -> memref<128xi32, #tpu.memory_space<vmem>>
    %dma_start3A_89 = arith.constant 0 : i32
    %dma_start3A_90 = tpu.memref_slice %arg4[%add3A_65, %dma_start3A_89] : memref<2564x128xi32, #tpu.memory_space<hbm>> -> memref<1x128xi32, #tpu.memory_space<hbm>>
    %dma_start3A_91 = tpu.memref_squeeze %dma_start3A_90 : memref<1x128xi32, #tpu.memory_space<hbm>> -> memref<128xi32, #tpu.memory_space<hbm>>
    tpu.enqueue_dma source(%dma_start3A_91 : memref<128xi32, #tpu.memory_space<hbm>>) target(%dma_start3A_88 : memref<128xi32, #tpu.memory_space<vmem>>) target_semaphore(%arg20 : memref<!tpu.dma_semaphore, #tpu.memory_space<semaphore_mem>>)
    %mul3A_92 = arith.constant 80 : i32
    %mul3A_93 = arith.muli %add3A, %mul3A_92 : i32
    %add3A_94 = arith.constant 3 : i32
    %add3A_95 = arith.addi %mul3A_93, %add3A_94 : i32
    %dma_start3A_96 = arith.constant 0 : i32
    %dma_start3A_97 = arith.constant 0 : i32
    %dma_start3A_98 = tpu.memref_slice %arg13[%dma_start3A_96, %dma_start3A_97] : memref<2x128xi32, #tpu.memory_space<vmem>> -> memref<1x128xi32, #tpu.memory_space<vmem>>
    %dma_start3A_99 = tpu.memref_squeeze %dma_start3A_98 : memref<1x128xi32, #tpu.memory_space<vmem>> -> memref<128xi32, #tpu.memory_space<vmem>>
    %dma_start3A_100 = arith.constant 0 : i32
    %dma_start3A_101 = tpu.memref_slice %arg3[%add3A_95, %dma_start3A_100] : memref<2564x128xi32, #tpu.memory_space<hbm>> -> memref<1x128xi32, #tpu.memory_space<hbm>>
    %dma_start3A_102 = tpu.memref_squeeze %dma_start3A_101 : memref<1x128xi32, #tpu.memory_space<hbm>> -> memref<128xi32, #tpu.memory_space<hbm>>
    %dma_start3A_103 = arith.constant 0 : i32
    %dma_start3A_104 = tpu.memref_slice %arg13[%dma_start3A_96, %dma_start3A_103] : memref<2x128xi32, #tpu.memory_space<vmem>> -> memref<1x128xi32, #tpu.memory_space<vmem>>
    %dma_start3A_105 = tpu.memref_squeeze %dma_start3A_104 : memref<1x128xi32, #tpu.memory_space<vmem>> -> memref<128xi32, #tpu.memory_space<vmem>>
    %dma_start3A_106 = arith.constant 0 : i32
    %dma_start3A_107 = tpu.memref_slice %arg3[%add3A_95, %dma_start3A_106] : memref<2564x128xi32, #tpu.memory_space<hbm>> -> memref<1x128xi32, #tpu.memory_space<hbm>>
    %dma_start3A_108 = tpu.memref_squeeze %dma_start3A_107 : memref<1x128xi32, #tpu.memory_space<hbm>> -> memref<128xi32, #tpu.memory_space<hbm>>
    tpu.enqueue_dma source(%dma_start3A_108 : memref<128xi32, #tpu.memory_space<hbm>>) target(%dma_start3A_105 : memref<128xi32, #tpu.memory_space<vmem>>) target_semaphore(%arg21 : memref<!tpu.dma_semaphore, #tpu.memory_space<semaphore_mem>>)
    %dma_start3A_109 = arith.constant 1 : i32
    %dma_start3A_110 = arith.constant 0 : i32
    %dma_start3A_111 = tpu.memref_slice %arg13[%dma_start3A_109, %dma_start3A_110] : memref<2x128xi32, #tpu.memory_space<vmem>> -> memref<1x128xi32, #tpu.memory_space<vmem>>
    %dma_start3A_112 = tpu.memref_squeeze %dma_start3A_111 : memref<1x128xi32, #tpu.memory_space<vmem>> -> memref<128xi32, #tpu.memory_space<vmem>>
    %dma_start3A_113 = arith.constant 0 : i32
    %dma_start3A_114 = tpu.memref_slice %arg4[%add3A_95, %dma_start3A_113] : memref<2564x128xi32, #tpu.memory_space<hbm>> -> memref<1x128xi32, #tpu.memory_space<hbm>>
    %dma_start3A_115 = tpu.memref_squeeze %dma_start3A_114 : memref<1x128xi32, #tpu.memory_space<hbm>> -> memref<128xi32, #tpu.memory_space<hbm>>
    %dma_start3A_116 = arith.constant 0 : i32
    %dma_start3A_117 = tpu.memref_slice %arg13[%dma_start3A_109, %dma_start3A_116] : memref<2x128xi32, #tpu.memory_space<vmem>> -> memref<1x128xi32, #tpu.memory_space<vmem>>
    %dma_start3A_118 = tpu.memref_squeeze %dma_start3A_117 : memref<1x128xi32, #tpu.memory_space<vmem>> -> memref<128xi32, #tpu.memory_space<vmem>>
    %dma_start3A_119 = arith.constant 0 : i32
    %dma_start3A_120 = tpu.memref_slice %arg4[%add3A_95, %dma_start3A_119] : memref<2564x128xi32, #tpu.memory_space<hbm>> -> memref<1x128xi32, #tpu.memory_space<hbm>>
    %dma_start3A_121 = tpu.memref_squeeze %dma_start3A_120 : memref<1x128xi32, #tpu.memory_space<hbm>> -> memref<128xi32, #tpu.memory_space<hbm>>
    tpu.enqueue_dma source(%dma_start3A_121 : memref<128xi32, #tpu.memory_space<hbm>>) target(%dma_start3A_118 : memref<128xi32, #tpu.memory_space<vmem>>) target_semaphore(%arg21 : memref<!tpu.dma_semaphore, #tpu.memory_space<semaphore_mem>>)
    %mul3A_122 = arith.constant 80 : i32
    %mul3A_123 = arith.muli %add3A, %mul3A_122 : i32
    %add3A_124 = arith.constant 0 : i32
    %add3A_125 = arith.addi %mul3A_123, %add3A_124 : i32
    %dma_wait3A = arith.constant 0 : i32
    %dma_wait3A_126 = arith.constant 0 : i32
    %dma_wait3A_127 = tpu.memref_slice %arg10[%dma_wait3A, %dma_wait3A_126] : memref<2x128xi32, #tpu.memory_space<vmem>> -> memref<1x128xi32, #tpu.memory_space<vmem>>
    %dma_wait3A_128 = tpu.memref_squeeze %dma_wait3A_127 : memref<1x128xi32, #tpu.memory_space<vmem>> -> memref<128xi32, #tpu.memory_space<vmem>>
    %dma_wait3A_129 = arith.constant 0 : i32
    %dma_wait3A_130 = tpu.memref_slice %arg3[%add3A_125, %dma_wait3A_129] : memref<2564x128xi32, #tpu.memory_space<hbm>> -> memref<1x128xi32, #tpu.memory_space<hbm>>
    %dma_wait3A_131 = tpu.memref_squeeze %dma_wait3A_130 : memref<1x128xi32, #tpu.memory_space<hbm>> -> memref<128xi32, #tpu.memory_space<hbm>>
    %dma_wait3A_132 = arith.constant 0 : i32
    %dma_wait3A_133 = tpu.memref_slice %arg10[%dma_wait3A, %dma_wait3A_132] : memref<2x128xi32, #tpu.memory_space<vmem>> -> memref<1x128xi32, #tpu.memory_space<vmem>>
    %dma_wait3A_134 = tpu.memref_squeeze %dma_wait3A_133 : memref<1x128xi32, #tpu.memory_space<vmem>> -> memref<128xi32, #tpu.memory_space<vmem>>
    %dma_wait3A_135 = arith.constant 0 : i32
    %dma_wait3A_136 = tpu.memref_slice %arg3[%add3A_125, %dma_wait3A_135] : memref<2564x128xi32, #tpu.memory_space<hbm>> -> memref<1x128xi32, #tpu.memory_space<hbm>>
    %dma_wait3A_137 = tpu.memref_squeeze %dma_wait3A_136 : memref<1x128xi32, #tpu.memory_space<hbm>> -> memref<128xi32, #tpu.memory_space<hbm>>
    tpu.wait_dma2 semaphore(%arg18 : memref<!tpu.dma_semaphore, #tpu.memory_space<semaphore_mem>>) src(%dma_wait3A_137 : memref<128xi32, #tpu.memory_space<hbm>>) dst(%dma_wait3A_134 : memref<128xi32, #tpu.memory_space<vmem>>)
    %dma_wait3A_138 = arith.constant 1 : i32
    %dma_wait3A_139 = arith.constant 0 : i32
    %dma_wait3A_140 = tpu.memref_slice %arg10[%dma_wait3A_138, %dma_wait3A_139] : memref<2x128xi32, #tpu.memory_space<vmem>> -> memref<1x128xi32, #tpu.memory_space<vmem>>
    %dma_wait3A_141 = tpu.memref_squeeze %dma_wait3A_140 : memref<1x128xi32, #tpu.memory_space<vmem>> -> memref<128xi32, #tpu.memory_space<vmem>>
    %dma_wait3A_142 = arith.constant 0 : i32
    %dma_wait3A_143 = tpu.memref_slice %arg4[%add3A_125, %dma_wait3A_142] : memref<2564x128xi32, #tpu.memory_space<hbm>> -> memref<1x128xi32, #tpu.memory_space<hbm>>
    %dma_wait3A_144 = tpu.memref_squeeze %dma_wait3A_143 : memref<1x128xi32, #tpu.memory_space<hbm>> -> memref<128xi32, #tpu.memory_space<hbm>>
    %dma_wait3A_145 = arith.constant 0 : i32
    %dma_wait3A_146 = tpu.memref_slice %arg10[%dma_wait3A_138, %dma_wait3A_145] : memref<2x128xi32, #tpu.memory_space<vmem>> -> memref<1x128xi32, #tpu.memory_space<vmem>>
    %dma_wait3A_147 = tpu.memref_squeeze %dma_wait3A_146 : memref<1x128xi32, #tpu.memory_space<vmem>> -> memref<128xi32, #tpu.memory_space<vmem>>
    %dma_wait3A_148 = arith.constant 0 : i32
    %dma_wait3A_149 = tpu.memref_slice %arg4[%add3A_125, %dma_wait3A_148] : memref<2564x128xi32, #tpu.memory_space<hbm>> -> memref<1x128xi32, #tpu.memory_space<hbm>>
    %dma_wait3A_150 = tpu.memref_squeeze %dma_wait3A_149 : memref<1x128xi32, #tpu.memory_space<hbm>> -> memref<128xi32, #tpu.memory_space<hbm>>
    tpu.wait_dma2 semaphore(%arg18 : memref<!tpu.dma_semaphore, #tpu.memory_space<semaphore_mem>>) src(%dma_wait3A_150 : memref<128xi32, #tpu.memory_space<hbm>>) dst(%dma_wait3A_147 : memref<128xi32, #tpu.memory_space<vmem>>)
    %dma_start3A_151 = arith.constant 0 : i32
    %dma_start3A_152 = arith.constant 0 : i32
    %dma_start3A_153 = tpu.memref_slice %arg10[%dma_start3A_151, %dma_start3A_152] : memref<2x128xi32, #tpu.memory_space<vmem>> -> memref<1x128xi32, #tpu.memory_space<vmem>>
    %dma_start3A_154 = tpu.memref_squeeze %dma_start3A_153 : memref<1x128xi32, #tpu.memory_space<vmem>> -> memref<128xi32, #tpu.memory_space<vmem>>
    %dma_start3A_155 = arith.constant 0 : i32
    %dma_start3A_156 = arith.constant 0 : i32
    %dma_start3A_157 = tpu.memref_slice %arg2[%dma_start3A_155, %dma_start3A_156] : memref<10000x128xf32, #tpu.memory_space<hbm>> -> memref<10000x128xf32, #tpu.memory_space<hbm>>
    tpu.enqueue_indirect_dma source(%dma_start3A_157 : memref<10000x128xf32, #tpu.memory_space<hbm>>) target(%arg8 : memref<128x128xf32, #tpu.memory_space<vmem>>) offsets(%dma_start3A_154 : memref<128xi32, #tpu.memory_space<vmem>>) semaphore(%arg14 : memref<!tpu.dma_semaphore, #tpu.memory_space<semaphore_mem>>)
    %mul3A_158 = arith.constant 80 : i32
    %mul3A_159 = arith.muli %add3A, %mul3A_158 : i32
    %add3A_160 = arith.constant 1 : i32
    %add3A_161 = arith.addi %mul3A_159, %add3A_160 : i32
    %dma_wait3A_162 = arith.constant 0 : i32
    %dma_wait3A_163 = arith.constant 0 : i32
    %dma_wait3A_164 = tpu.memref_slice %arg11[%dma_wait3A_162, %dma_wait3A_163] : memref<2x128xi32, #tpu.memory_space<vmem>> -> memref<1x128xi32, #tpu.memory_space<vmem>>
    %dma_wait3A_165 = tpu.memref_squeeze %dma_wait3A_164 : memref<1x128xi32, #tpu.memory_space<vmem>> -> memref<128xi32, #tpu.memory_space<vmem>>
    %dma_wait3A_166 = arith.constant 0 : i32
    %dma_wait3A_167 = tpu.memref_slice %arg3[%add3A_161, %dma_wait3A_166] : memref<2564x128xi32, #tpu.memory_space<hbm>> -> memref<1x128xi32, #tpu.memory_space<hbm>>
    %dma_wait3A_168 = tpu.memref_squeeze %dma_wait3A_167 : memref<1x128xi32, #tpu.memory_space<hbm>> -> memref<128xi32, #tpu.memory_space<hbm>>
    %dma_wait3A_169 = arith.constant 0 : i32
    %dma_wait3A_170 = tpu.memref_slice %arg11[%dma_wait3A_162, %dma_wait3A_169] : memref<2x128xi32, #tpu.memory_space<vmem>> -> memref<1x128xi32, #tpu.memory_space<vmem>>
    %dma_wait3A_171 = tpu.memref_squeeze %dma_wait3A_170 : memref<1x128xi32, #tpu.memory_space<vmem>> -> memref<128xi32, #tpu.memory_space<vmem>>
    %dma_wait3A_172 = arith.constant 0 : i32
    %dma_wait3A_173 = tpu.memref_slice %arg3[%add3A_161, %dma_wait3A_172] : memref<2564x128xi32, #tpu.memory_space<hbm>> -> memref<1x128xi32, #tpu.memory_space<hbm>>
    %dma_wait3A_174 = tpu.memref_squeeze %dma_wait3A_173 : memref<1x128xi32, #tpu.memory_space<hbm>> -> memref<128xi32, #tpu.memory_space<hbm>>
    tpu.wait_dma2 semaphore(%arg19 : memref<!tpu.dma_semaphore, #tpu.memory_space<semaphore_mem>>) src(%dma_wait3A_174 : memref<128xi32, #tpu.memory_space<hbm>>) dst(%dma_wait3A_171 : memref<128xi32, #tpu.memory_space<vmem>>)
    %dma_wait3A_175 = arith.constant 1 : i32
    %dma_wait3A_176 = arith.constant 0 : i32
    %dma_wait3A_177 = tpu.memref_slice %arg11[%dma_wait3A_175, %dma_wait3A_176] : memref<2x128xi32, #tpu.memory_space<vmem>> -> memref<1x128xi32, #tpu.memory_space<vmem>>
    %dma_wait3A_178 = tpu.memref_squeeze %dma_wait3A_177 : memref<1x128xi32, #tpu.memory_space<vmem>> -> memref<128xi32, #tpu.memory_space<vmem>>
    %dma_wait3A_179 = arith.constant 0 : i32
    %dma_wait3A_180 = tpu.memref_slice %arg4[%add3A_161, %dma_wait3A_179] : memref<2564x128xi32, #tpu.memory_space<hbm>> -> memref<1x128xi32, #tpu.memory_space<hbm>>
    %dma_wait3A_181 = tpu.memref_squeeze %dma_wait3A_180 : memref<1x128xi32, #tpu.memory_space<hbm>> -> memref<128xi32, #tpu.memory_space<hbm>>
    %dma_wait3A_182 = arith.constant 0 : i32
    %dma_wait3A_183 = tpu.memref_slice %arg11[%dma_wait3A_175, %dma_wait3A_182] : memref<2x128xi32, #tpu.memory_space<vmem>> -> memref<1x128xi32, #tpu.memory_space<vmem>>
    %dma_wait3A_184 = tpu.memref_squeeze %dma_wait3A_183 : memref<1x128xi32, #tpu.memory_space<vmem>> -> memref<128xi32, #tpu.memory_space<vmem>>
    %dma_wait3A_185 = arith.constant 0 : i32
    %dma_wait3A_186 = tpu.memref_slice %arg4[%add3A_161, %dma_wait3A_185] : memref<2564x128xi32, #tpu.memory_space<hbm>> -> memref<1x128xi32, #tpu.memory_space<hbm>>
    %dma_wait3A_187 = tpu.memref_squeeze %dma_wait3A_186 : memref<1x128xi32, #tpu.memory_space<hbm>> -> memref<128xi32, #tpu.memory_space<hbm>>
    tpu.wait_dma2 semaphore(%arg19 : memref<!tpu.dma_semaphore, #tpu.memory_space<semaphore_mem>>) src(%dma_wait3A_187 : memref<128xi32, #tpu.memory_space<hbm>>) dst(%dma_wait3A_184 : memref<128xi32, #tpu.memory_space<vmem>>)
    %dma_start3A_188 = arith.constant 0 : i32
    %dma_start3A_189 = arith.constant 0 : i32
    %dma_start3A_190 = tpu.memref_slice %arg11[%dma_start3A_188, %dma_start3A_189] : memref<2x128xi32, #tpu.memory_space<vmem>> -> memref<1x128xi32, #tpu.memory_space<vmem>>
    %dma_start3A_191 = tpu.memref_squeeze %dma_start3A_190 : memref<1x128xi32, #tpu.memory_space<vmem>> -> memref<128xi32, #tpu.memory_space<vmem>>
    %dma_start3A_192 = arith.constant 0 : i32
    %dma_start3A_193 = arith.constant 0 : i32
    %dma_start3A_194 = tpu.memref_slice %arg2[%dma_start3A_192, %dma_start3A_193] : memref<10000x128xf32, #tpu.memory_space<hbm>> -> memref<10000x128xf32, #tpu.memory_space<hbm>>
    tpu.enqueue_indirect_dma source(%dma_start3A_194 : memref<10000x128xf32, #tpu.memory_space<hbm>>) target(%arg9 : memref<128x128xf32, #tpu.memory_space<vmem>>) offsets(%dma_start3A_191 : memref<128xi32, #tpu.memory_space<vmem>>) semaphore(%arg15 : memref<!tpu.dma_semaphore, #tpu.memory_space<semaphore_mem>>)
    %scan3A = arith.constant 0 : i32
    %scan3A_195 = arith.constant 20 : i32
    %scan3A_196 = arith.addi %scan3A, %scan3A_195 : i32
    %scan3A_197 = arith.constant 1 : i32
    scf.for %scan3A_274 = %scan3A to %scan3A_196 step %scan3A_197  : i32 {
      %mul3A_275 = arith.constant 4 : i32
      %mul3A_276 = arith.muli %scan3A_274, %mul3A_275 : i32
      %add3A_277 = arith.constant 0 : i32
      %add3A_278 = arith.addi %add3A_277, %mul3A_276 : i32
      %dma_wait3A_279 = arith.constant 0 : i32
      %dma_wait3A_280 = arith.constant 0 : i32
      %dma_wait3A_281 = tpu.memref_slice %arg10[%dma_wait3A_279, %dma_wait3A_280] : memref<2x128xi32, #tpu.memory_space<vmem>> -> memref<1x128xi32, #tpu.memory_space<vmem>>
      %dma_wait3A_282 = tpu.memref_squeeze %dma_wait3A_281 : memref<1x128xi32, #tpu.memory_space<vmem>> -> memref<128xi32, #tpu.memory_space<vmem>>
      %dma_wait3A_283 = arith.constant 0 : i32
      %dma_wait3A_284 = arith.constant 0 : i32
      %dma_wait3A_285 = tpu.memref_slice %arg2[%dma_wait3A_283, %dma_wait3A_284] : memref<10000x128xf32, #tpu.memory_space<hbm>> -> memref<10000x128xf32, #tpu.memory_space<hbm>>
      tpu.wait_indirect_dma semaphore(%arg14 : memref<!tpu.dma_semaphore, #tpu.memory_space<semaphore_mem>>) src(%dma_wait3A_285 : memref<10000x128xf32, #tpu.memory_space<hbm>>) dst(%arg8 : memref<128x128xf32, #tpu.memory_space<vmem>>)
      %dma_start3A_286 = arith.constant 1 : i32
      %dma_start3A_287 = arith.constant 0 : i32
      %dma_start3A_288 = tpu.memref_slice %arg10[%dma_start3A_286, %dma_start3A_287] : memref<2x128xi32, #tpu.memory_space<vmem>> -> memref<1x128xi32, #tpu.memory_space<vmem>>
      %dma_start3A_289 = tpu.memref_squeeze %dma_start3A_288 : memref<1x128xi32, #tpu.memory_space<vmem>> -> memref<128xi32, #tpu.memory_space<vmem>>
      %dma_start3A_290 = arith.constant 0 : i32
      %dma_start3A_291 = arith.constant 0 : i32
      %dma_start3A_292 = tpu.memref_slice %arg7[%dma_start3A_290, %dma_start3A_291] : memref<10112x128xf32, #tpu.memory_space<vmem_shared>> -> memref<10112x128xf32, #tpu.memory_space<vmem_shared>>
      tpu.enqueue_indirect_dma source(%arg8 : memref<128x128xf32, #tpu.memory_space<vmem>>) target(%dma_start3A_292 : memref<10112x128xf32, #tpu.memory_space<vmem_shared>>) offsets(%dma_start3A_289 : memref<128xi32, #tpu.memory_space<vmem>>) semaphore(%arg16 : memref<!tpu.dma_semaphore, #tpu.memory_space<semaphore_mem>>) {add = true}
      %dma_wait3A_293 = arith.constant 0 : i32
      %dma_wait3A_294 = arith.constant 0 : i32
      %dma_wait3A_295 = tpu.memref_slice %arg11[%dma_wait3A_293, %dma_wait3A_294] : memref<2x128xi32, #tpu.memory_space<vmem>> -> memref<1x128xi32, #tpu.memory_space<vmem>>
      %dma_wait3A_296 = tpu.memref_squeeze %dma_wait3A_295 : memref<1x128xi32, #tpu.memory_space<vmem>> -> memref<128xi32, #tpu.memory_space<vmem>>
      %dma_wait3A_297 = arith.constant 0 : i32
      %dma_wait3A_298 = arith.constant 0 : i32
      %dma_wait3A_299 = tpu.memref_slice %arg2[%dma_wait3A_297, %dma_wait3A_298] : memref<10000x128xf32, #tpu.memory_space<hbm>> -> memref<10000x128xf32, #tpu.memory_space<hbm>>
      tpu.wait_indirect_dma semaphore(%arg15 : memref<!tpu.dma_semaphore, #tpu.memory_space<semaphore_mem>>) src(%dma_wait3A_299 : memref<10000x128xf32, #tpu.memory_space<hbm>>) dst(%arg9 : memref<128x128xf32, #tpu.memory_space<vmem>>)
      %dma_start3A_300 = arith.constant 1 : i32
      %dma_start3A_301 = arith.constant 0 : i32
      %dma_start3A_302 = tpu.memref_slice %arg11[%dma_start3A_300, %dma_start3A_301] : memref<2x128xi32, #tpu.memory_space<vmem>> -> memref<1x128xi32, #tpu.memory_space<vmem>>
      %dma_start3A_303 = tpu.memref_squeeze %dma_start3A_302 : memref<1x128xi32, #tpu.memory_space<vmem>> -> memref<128xi32, #tpu.memory_space<vmem>>
      %dma_start3A_304 = arith.constant 0 : i32
      %dma_start3A_305 = arith.constant 0 : i32
      %dma_start3A_306 = tpu.memref_slice %arg7[%dma_start3A_304, %dma_start3A_305] : memref<10112x128xf32, #tpu.memory_space<vmem_shared>> -> memref<10112x128xf32, #tpu.memory_space<vmem_shared>>
      tpu.enqueue_indirect_dma source(%arg9 : memref<128x128xf32, #tpu.memory_space<vmem>>) target(%dma_start3A_306 : memref<10112x128xf32, #tpu.memory_space<vmem_shared>>) offsets(%dma_start3A_303 : memref<128xi32, #tpu.memory_space<vmem>>) semaphore(%arg17 : memref<!tpu.dma_semaphore, #tpu.memory_space<semaphore_mem>>) {add = true}
      %dma_wait3A_307 = arith.constant 1 : i32
      %dma_wait3A_308 = arith.constant 0 : i32
      %dma_wait3A_309 = tpu.memref_slice %arg10[%dma_wait3A_307, %dma_wait3A_308] : memref<2x128xi32, #tpu.memory_space<vmem>> -> memref<1x128xi32, #tpu.memory_space<vmem>>
      %dma_wait3A_310 = tpu.memref_squeeze %dma_wait3A_309 : memref<1x128xi32, #tpu.memory_space<vmem>> -> memref<128xi32, #tpu.memory_space<vmem>>
      %dma_wait3A_311 = arith.constant 0 : i32
      %dma_wait3A_312 = arith.constant 0 : i32
      %dma_wait3A_313 = tpu.memref_slice %arg7[%dma_wait3A_311, %dma_wait3A_312] : memref<10112x128xf32, #tpu.memory_space<vmem_shared>> -> memref<10112x128xf32, #tpu.memory_space<vmem_shared>>
      tpu.wait_indirect_dma semaphore(%arg16 : memref<!tpu.dma_semaphore, #tpu.memory_space<semaphore_mem>>) src(%arg8 : memref<128x128xf32, #tpu.memory_space<vmem>>) dst(%dma_wait3A_313 : memref<10112x128xf32, #tpu.memory_space<vmem_shared>>)
      %add3A_314 = arith.constant 4 : i32
      %add3A_315 = arith.addi %add3A_278, %add3A_314 : i32
      %mul3A_316 = arith.constant 80 : i32
      %mul3A_317 = arith.muli %add3A, %mul3A_316 : i32
      %add3A_318 = arith.addi %mul3A_317, %add3A_315 : i32
      %dma_start3A_319 = arith.constant 0 : i32
      %dma_start3A_320 = arith.constant 0 : i32
      %dma_start3A_321 = tpu.memref_slice %arg10[%dma_start3A_319, %dma_start3A_320] : memref<2x128xi32, #tpu.memory_space<vmem>> -> memref<1x128xi32, #tpu.memory_space<vmem>>
      %dma_start3A_322 = tpu.memref_squeeze %dma_start3A_321 : memref<1x128xi32, #tpu.memory_space<vmem>> -> memref<128xi32, #tpu.memory_space<vmem>>
      %dma_start3A_323 = arith.constant 0 : i32
      %dma_start3A_324 = tpu.memref_slice %arg3[%add3A_318, %dma_start3A_323] : memref<2564x128xi32, #tpu.memory_space<hbm>> -> memref<1x128xi32, #tpu.memory_space<hbm>>
      %dma_start3A_325 = tpu.memref_squeeze %dma_start3A_324 : memref<1x128xi32, #tpu.memory_space<hbm>> -> memref<128xi32, #tpu.memory_space<hbm>>
      %dma_start3A_326 = arith.constant 0 : i32
      %dma_start3A_327 = tpu.memref_slice %arg10[%dma_start3A_319, %dma_start3A_326] : memref<2x128xi32, #tpu.memory_space<vmem>> -> memref<1x128xi32, #tpu.memory_space<vmem>>
      %dma_start3A_328 = tpu.memref_squeeze %dma_start3A_327 : memref<1x128xi32, #tpu.memory_space<vmem>> -> memref<128xi32, #tpu.memory_space<vmem>>
      %dma_start3A_329 = arith.constant 0 : i32
      %dma_start3A_330 = tpu.memref_slice %arg3[%add3A_318, %dma_start3A_329] : memref<2564x128xi32, #tpu.memory_space<hbm>> -> memref<1x128xi32, #tpu.memory_space<hbm>>
      %dma_start3A_331 = tpu.memref_squeeze %dma_start3A_330 : memref<1x128xi32, #tpu.memory_space<hbm>> -> memref<128xi32, #tpu.memory_space<hbm>>
      tpu.enqueue_dma source(%dma_start3A_331 : memref<128xi32, #tpu.memory_space<hbm>>) target(%dma_start3A_328 : memref<128xi32, #tpu.memory_space<vmem>>) target_semaphore(%arg18 : memref<!tpu.dma_semaphore, #tpu.memory_space<semaphore_mem>>)
      %dma_start3A_332 = arith.constant 1 : i32
      %dma_start3A_333 = arith.constant 0 : i32
      %dma_start3A_334 = tpu.memref_slice %arg10[%dma_start3A_332, %dma_start3A_333] : memref<2x128xi32, #tpu.memory_space<vmem>> -> memref<1x128xi32, #tpu.memory_space<vmem>>
      %dma_start3A_335 = tpu.memref_squeeze %dma_start3A_334 : memref<1x128xi32, #tpu.memory_space<vmem>> -> memref<128xi32, #tpu.memory_space<vmem>>
      %dma_start3A_336 = arith.constant 0 : i32
      %dma_start3A_337 = tpu.memref_slice %arg4[%add3A_318, %dma_start3A_336] : memref<2564x128xi32, #tpu.memory_space<hbm>> -> memref<1x128xi32, #tpu.memory_space<hbm>>
      %dma_start3A_338 = tpu.memref_squeeze %dma_start3A_337 : memref<1x128xi32, #tpu.memory_space<hbm>> -> memref<128xi32, #tpu.memory_space<hbm>>
      %dma_start3A_339 = arith.constant 0 : i32
      %dma_start3A_340 = tpu.memref_slice %arg10[%dma_start3A_332, %dma_start3A_339] : memref<2x128xi32, #tpu.memory_space<vmem>> -> memref<1x128xi32, #tpu.memory_space<vmem>>
      %dma_start3A_341 = tpu.memref_squeeze %dma_start3A_340 : memref<1x128xi32, #tpu.memory_space<vmem>> -> memref<128xi32, #tpu.memory_space<vmem>>
      %dma_start3A_342 = arith.constant 0 : i32
      %dma_start3A_343 = tpu.memref_slice %arg4[%add3A_318, %dma_start3A_342] : memref<2564x128xi32, #tpu.memory_space<hbm>> -> memref<1x128xi32, #tpu.memory_space<hbm>>
      %dma_start3A_344 = tpu.memref_squeeze %dma_start3A_343 : memref<1x128xi32, #tpu.memory_space<hbm>> -> memref<128xi32, #tpu.memory_space<hbm>>
      tpu.enqueue_dma source(%dma_start3A_344 : memref<128xi32, #tpu.memory_space<hbm>>) target(%dma_start3A_341 : memref<128xi32, #tpu.memory_space<vmem>>) target_semaphore(%arg18 : memref<!tpu.dma_semaphore, #tpu.memory_space<semaphore_mem>>)
      %add3A_345 = arith.constant 2 : i32
      %add3A_346 = arith.addi %add3A_278, %add3A_345 : i32
      %mul3A_347 = arith.constant 80 : i32
      %mul3A_348 = arith.muli %add3A, %mul3A_347 : i32
      %add3A_349 = arith.addi %mul3A_348, %add3A_346 : i32
      %dma_wait3A_350 = arith.constant 0 : i32
      %dma_wait3A_351 = arith.constant 0 : i32
      %dma_wait3A_352 = tpu.memref_slice %arg12[%dma_wait3A_350, %dma_wait3A_351] : memref<2x128xi32, #tpu.memory_space<vmem>> -> memref<1x128xi32, #tpu.memory_space<vmem>>
      %dma_wait3A_353 = tpu.memref_squeeze %dma_wait3A_352 : memref<1x128xi32, #tpu.memory_space<vmem>> -> memref<128xi32, #tpu.memory_space<vmem>>
      %dma_wait3A_354 = arith.constant 0 : i32
      %dma_wait3A_355 = tpu.memref_slice %arg3[%add3A_349, %dma_wait3A_354] : memref<2564x128xi32, #tpu.memory_space<hbm>> -> memref<1x128xi32, #tpu.memory_space<hbm>>
      %dma_wait3A_356 = tpu.memref_squeeze %dma_wait3A_355 : memref<1x128xi32, #tpu.memory_space<hbm>> -> memref<128xi32, #tpu.memory_space<hbm>>
      %dma_wait3A_357 = arith.constant 0 : i32
      %dma_wait3A_358 = tpu.memref_slice %arg12[%dma_wait3A_350, %dma_wait3A_357] : memref<2x128xi32, #tpu.memory_space<vmem>> -> memref<1x128xi32, #tpu.memory_space<vmem>>
      %dma_wait3A_359 = tpu.memref_squeeze %dma_wait3A_358 : memref<1x128xi32, #tpu.memory_space<vmem>> -> memref<128xi32, #tpu.memory_space<vmem>>
      %dma_wait3A_360 = arith.constant 0 : i32
      %dma_wait3A_361 = tpu.memref_slice %arg3[%add3A_349, %dma_wait3A_360] : memref<2564x128xi32, #tpu.memory_space<hbm>> -> memref<1x128xi32, #tpu.memory_space<hbm>>
      %dma_wait3A_362 = tpu.memref_squeeze %dma_wait3A_361 : memref<1x128xi32, #tpu.memory_space<hbm>> -> memref<128xi32, #tpu.memory_space<hbm>>
      tpu.wait_dma2 semaphore(%arg20 : memref<!tpu.dma_semaphore, #tpu.memory_space<semaphore_mem>>) src(%dma_wait3A_362 : memref<128xi32, #tpu.memory_space<hbm>>) dst(%dma_wait3A_359 : memref<128xi32, #tpu.memory_space<vmem>>)
      %dma_wait3A_363 = arith.constant 1 : i32
      %dma_wait3A_364 = arith.constant 0 : i32
      %dma_wait3A_365 = tpu.memref_slice %arg12[%dma_wait3A_363, %dma_wait3A_364] : memref<2x128xi32, #tpu.memory_space<vmem>> -> memref<1x128xi32, #tpu.memory_space<vmem>>
      %dma_wait3A_366 = tpu.memref_squeeze %dma_wait3A_365 : memref<1x128xi32, #tpu.memory_space<vmem>> -> memref<128xi32, #tpu.memory_space<vmem>>
      %dma_wait3A_367 = arith.constant 0 : i32
      %dma_wait3A_368 = tpu.memref_slice %arg4[%add3A_349, %dma_wait3A_367] : memref<2564x128xi32, #tpu.memory_space<hbm>> -> memref<1x128xi32, #tpu.memory_space<hbm>>
      %dma_wait3A_369 = tpu.memref_squeeze %dma_wait3A_368 : memref<1x128xi32, #tpu.memory_space<hbm>> -> memref<128xi32, #tpu.memory_space<hbm>>
      %dma_wait3A_370 = arith.constant 0 : i32
      %dma_wait3A_371 = tpu.memref_slice %arg12[%dma_wait3A_363, %dma_wait3A_370] : memref<2x128xi32, #tpu.memory_space<vmem>> -> memref<1x128xi32, #tpu.memory_space<vmem>>
      %dma_wait3A_372 = tpu.memref_squeeze %dma_wait3A_371 : memref<1x128xi32, #tpu.memory_space<vmem>> -> memref<128xi32, #tpu.memory_space<vmem>>
      %dma_wait3A_373 = arith.constant 0 : i32
      %dma_wait3A_374 = tpu.memref_slice %arg4[%add3A_349, %dma_wait3A_373] : memref<2564x128xi32, #tpu.memory_space<hbm>> -> memref<1x128xi32, #tpu.memory_space<hbm>>
      %dma_wait3A_375 = tpu.memref_squeeze %dma_wait3A_374 : memref<1x128xi32, #tpu.memory_space<hbm>> -> memref<128xi32, #tpu.memory_space<hbm>>
      tpu.wait_dma2 semaphore(%arg20 : memref<!tpu.dma_semaphore, #tpu.memory_space<semaphore_mem>>) src(%dma_wait3A_375 : memref<128xi32, #tpu.memory_space<hbm>>) dst(%dma_wait3A_372 : memref<128xi32, #tpu.memory_space<vmem>>)
      %dma_start3A_376 = arith.constant 0 : i32
      %dma_start3A_377 = arith.constant 0 : i32
      %dma_start3A_378 = tpu.memref_slice %arg12[%dma_start3A_376, %dma_start3A_377] : memref<2x128xi32, #tpu.memory_space<vmem>> -> memref<1x128xi32, #tpu.memory_space<vmem>>
      %dma_start3A_379 = tpu.memref_squeeze %dma_start3A_378 : memref<1x128xi32, #tpu.memory_space<vmem>> -> memref<128xi32, #tpu.memory_space<vmem>>
      %dma_start3A_380 = arith.constant 0 : i32
      %dma_start3A_381 = arith.constant 0 : i32
      %dma_start3A_382 = tpu.memref_slice %arg2[%dma_start3A_380, %dma_start3A_381] : memref<10000x128xf32, #tpu.memory_space<hbm>> -> memref<10000x128xf32, #tpu.memory_space<hbm>>
      tpu.enqueue_indirect_dma source(%dma_start3A_382 : memref<10000x128xf32, #tpu.memory_space<hbm>>) target(%arg8 : memref<128x128xf32, #tpu.memory_space<vmem>>) offsets(%dma_start3A_379 : memref<128xi32, #tpu.memory_space<vmem>>) semaphore(%arg14 : memref<!tpu.dma_semaphore, #tpu.memory_space<semaphore_mem>>)
      %dma_wait3A_383 = arith.constant 1 : i32
      %dma_wait3A_384 = arith.constant 0 : i32
      %dma_wait3A_385 = tpu.memref_slice %arg11[%dma_wait3A_383, %dma_wait3A_384] : memref<2x128xi32, #tpu.memory_space<vmem>> -> memref<1x128xi32, #tpu.memory_space<vmem>>
      %dma_wait3A_386 = tpu.memref_squeeze %dma_wait3A_385 : memref<1x128xi32, #tpu.memory_space<vmem>> -> memref<128xi32, #tpu.memory_space<vmem>>
      %dma_wait3A_387 = arith.constant 0 : i32
      %dma_wait3A_388 = arith.constant 0 : i32
      %dma_wait3A_389 = tpu.memref_slice %arg7[%dma_wait3A_387, %dma_wait3A_388] : memref<10112x128xf32, #tpu.memory_space<vmem_shared>> -> memref<10112x128xf32, #tpu.memory_space<vmem_shared>>
      tpu.wait_indirect_dma semaphore(%arg17 : memref<!tpu.dma_semaphore, #tpu.memory_space<semaphore_mem>>) src(%arg9 : memref<128x128xf32, #tpu.memory_space<vmem>>) dst(%dma_wait3A_389 : memref<10112x128xf32, #tpu.memory_space<vmem_shared>>)
      %add3A_390 = arith.constant 5 : i32
      %add3A_391 = arith.addi %add3A_278, %add3A_390 : i32
      %mul3A_392 = arith.constant 80 : i32
      %mul3A_393 = arith.muli %add3A, %mul3A_392 : i32
      %add3A_394 = arith.addi %mul3A_393, %add3A_391 : i32
      %dma_start3A_395 = arith.constant 0 : i32
      %dma_start3A_396 = arith.constant 0 : i32
      %dma_start3A_397 = tpu.memref_slice %arg11[%dma_start3A_395, %dma_start3A_396] : memref<2x128xi32, #tpu.memory_space<vmem>> -> memref<1x128xi32, #tpu.memory_space<vmem>>
      %dma_start3A_398 = tpu.memref_squeeze %dma_start3A_397 : memref<1x128xi32, #tpu.memory_space<vmem>> -> memref<128xi32, #tpu.memory_space<vmem>>
      %dma_start3A_399 = arith.constant 0 : i32
      %dma_start3A_400 = tpu.memref_slice %arg3[%add3A_394, %dma_start3A_399] : memref<2564x128xi32, #tpu.memory_space<hbm>> -> memref<1x128xi32, #tpu.memory_space<hbm>>
      %dma_start3A_401 = tpu.memref_squeeze %dma_start3A_400 : memref<1x128xi32, #tpu.memory_space<hbm>> -> memref<128xi32, #tpu.memory_space<hbm>>
      %dma_start3A_402 = arith.constant 0 : i32
      %dma_start3A_403 = tpu.memref_slice %arg11[%dma_start3A_395, %dma_start3A_402] : memref<2x128xi32, #tpu.memory_space<vmem>> -> memref<1x128xi32, #tpu.memory_space<vmem>>
      %dma_start3A_404 = tpu.memref_squeeze %dma_start3A_403 : memref<1x128xi32, #tpu.memory_space<vmem>> -> memref<128xi32, #tpu.memory_space<vmem>>
      %dma_start3A_405 = arith.constant 0 : i32
      %dma_start3A_406 = tpu.memref_slice %arg3[%add3A_394, %dma_start3A_405] : memref<2564x128xi32, #tpu.memory_space<hbm>> -> memref<1x128xi32, #tpu.memory_space<hbm>>
      %dma_start3A_407 = tpu.memref_squeeze %dma_start3A_406 : memref<1x128xi32, #tpu.memory_space<hbm>> -> memref<128xi32, #tpu.memory_space<hbm>>
      tpu.enqueue_dma source(%dma_start3A_407 : memref<128xi32, #tpu.memory_space<hbm>>) target(%dma_start3A_404 : memref<128xi32, #tpu.memory_space<vmem>>) target_semaphore(%arg19 : memref<!tpu.dma_semaphore, #tpu.memory_space<semaphore_mem>>)
      %dma_start3A_408 = arith.constant 1 : i32
      %dma_start3A_409 = arith.constant 0 : i32
      %dma_start3A_410 = tpu.memref_slice %arg11[%dma_start3A_408, %dma_start3A_409] : memref<2x128xi32, #tpu.memory_space<vmem>> -> memref<1x128xi32, #tpu.memory_space<vmem>>
      %dma_start3A_411 = tpu.memref_squeeze %dma_start3A_410 : memref<1x128xi32, #tpu.memory_space<vmem>> -> memref<128xi32, #tpu.memory_space<vmem>>
      %dma_start3A_412 = arith.constant 0 : i32
      %dma_start3A_413 = tpu.memref_slice %arg4[%add3A_394, %dma_start3A_412] : memref<2564x128xi32, #tpu.memory_space<hbm>> -> memref<1x128xi32, #tpu.memory_space<hbm>>
      %dma_start3A_414 = tpu.memref_squeeze %dma_start3A_413 : memref<1x128xi32, #tpu.memory_space<hbm>> -> memref<128xi32, #tpu.memory_space<hbm>>
      %dma_start3A_415 = arith.constant 0 : i32
      %dma_start3A_416 = tpu.memref_slice %arg11[%dma_start3A_408, %dma_start3A_415] : memref<2x128xi32, #tpu.memory_space<vmem>> -> memref<1x128xi32, #tpu.memory_space<vmem>>
      %dma_start3A_417 = tpu.memref_squeeze %dma_start3A_416 : memref<1x128xi32, #tpu.memory_space<vmem>> -> memref<128xi32, #tpu.memory_space<vmem>>
      %dma_start3A_418 = arith.constant 0 : i32
      %dma_start3A_419 = tpu.memref_slice %arg4[%add3A_394, %dma_start3A_418] : memref<2564x128xi32, #tpu.memory_space<hbm>> -> memref<1x128xi32, #tpu.memory_space<hbm>>
      %dma_start3A_420 = tpu.memref_squeeze %dma_start3A_419 : memref<1x128xi32, #tpu.memory_space<hbm>> -> memref<128xi32, #tpu.memory_space<hbm>>
      tpu.enqueue_dma source(%dma_start3A_420 : memref<128xi32, #tpu.memory_space<hbm>>) target(%dma_start3A_417 : memref<128xi32, #tpu.memory_space<vmem>>) target_semaphore(%arg19 : memref<!tpu.dma_semaphore, #tpu.memory_space<semaphore_mem>>)
      %add3A_421 = arith.constant 3 : i32
      %add3A_422 = arith.addi %add3A_278, %add3A_421 : i32
      %mul3A_423 = arith.constant 80 : i32
      %mul3A_424 = arith.muli %add3A, %mul3A_423 : i32
      %add3A_425 = arith.addi %mul3A_424, %add3A_422 : i32
      %dma_wait3A_426 = arith.constant 0 : i32
      %dma_wait3A_427 = arith.constant 0 : i32
      %dma_wait3A_428 = tpu.memref_slice %arg13[%dma_wait3A_426, %dma_wait3A_427] : memref<2x128xi32, #tpu.memory_space<vmem>> -> memref<1x128xi32, #tpu.memory_space<vmem>>
      %dma_wait3A_429 = tpu.memref_squeeze %dma_wait3A_428 : memref<1x128xi32, #tpu.memory_space<vmem>> -> memref<128xi32, #tpu.memory_space<vmem>>
      %dma_wait3A_430 = arith.constant 0 : i32
      %dma_wait3A_431 = tpu.memref_slice %arg3[%add3A_425, %dma_wait3A_430] : memref<2564x128xi32, #tpu.memory_space<hbm>> -> memref<1x128xi32, #tpu.memory_space<hbm>>
      %dma_wait3A_432 = tpu.memref_squeeze %dma_wait3A_431 : memref<1x128xi32, #tpu.memory_space<hbm>> -> memref<128xi32, #tpu.memory_space<hbm>>
      %dma_wait3A_433 = arith.constant 0 : i32
      %dma_wait3A_434 = tpu.memref_slice %arg13[%dma_wait3A_426, %dma_wait3A_433] : memref<2x128xi32, #tpu.memory_space<vmem>> -> memref<1x128xi32, #tpu.memory_space<vmem>>
      %dma_wait3A_435 = tpu.memref_squeeze %dma_wait3A_434 : memref<1x128xi32, #tpu.memory_space<vmem>> -> memref<128xi32, #tpu.memory_space<vmem>>
      %dma_wait3A_436 = arith.constant 0 : i32
      %dma_wait3A_437 = tpu.memref_slice %arg3[%add3A_425, %dma_wait3A_436] : memref<2564x128xi32, #tpu.memory_space<hbm>> -> memref<1x128xi32, #tpu.memory_space<hbm>>
      %dma_wait3A_438 = tpu.memref_squeeze %dma_wait3A_437 : memref<1x128xi32, #tpu.memory_space<hbm>> -> memref<128xi32, #tpu.memory_space<hbm>>
      tpu.wait_dma2 semaphore(%arg21 : memref<!tpu.dma_semaphore, #tpu.memory_space<semaphore_mem>>) src(%dma_wait3A_438 : memref<128xi32, #tpu.memory_space<hbm>>) dst(%dma_wait3A_435 : memref<128xi32, #tpu.memory_space<vmem>>)
      %dma_wait3A_439 = arith.constant 1 : i32
      %dma_wait3A_440 = arith.constant 0 : i32
      %dma_wait3A_441 = tpu.memref_slice %arg13[%dma_wait3A_439, %dma_wait3A_440] : memref<2x128xi32, #tpu.memory_space<vmem>> -> memref<1x128xi32, #tpu.memory_space<vmem>>
      %dma_wait3A_442 = tpu.memref_squeeze %dma_wait3A_441 : memref<1x128xi32, #tpu.memory_space<vmem>> -> memref<128xi32, #tpu.memory_space<vmem>>
      %dma_wait3A_443 = arith.constant 0 : i32
      %dma_wait3A_444 = tpu.memref_slice %arg4[%add3A_425, %dma_wait3A_443] : memref<2564x128xi32, #tpu.memory_space<hbm>> -> memref<1x128xi32, #tpu.memory_space<hbm>>
      %dma_wait3A_445 = tpu.memref_squeeze %dma_wait3A_444 : memref<1x128xi32, #tpu.memory_space<hbm>> -> memref<128xi32, #tpu.memory_space<hbm>>
      %dma_wait3A_446 = arith.constant 0 : i32
      %dma_wait3A_447 = tpu.memref_slice %arg13[%dma_wait3A_439, %dma_wait3A_446] : memref<2x128xi32, #tpu.memory_space<vmem>> -> memref<1x128xi32, #tpu.memory_space<vmem>>
      %dma_wait3A_448 = tpu.memref_squeeze %dma_wait3A_447 : memref<1x128xi32, #tpu.memory_space<vmem>> -> memref<128xi32, #tpu.memory_space<vmem>>
      %dma_wait3A_449 = arith.constant 0 : i32
      %dma_wait3A_450 = tpu.memref_slice %arg4[%add3A_425, %dma_wait3A_449] : memref<2564x128xi32, #tpu.memory_space<hbm>> -> memref<1x128xi32, #tpu.memory_space<hbm>>
      %dma_wait3A_451 = tpu.memref_squeeze %dma_wait3A_450 : memref<1x128xi32, #tpu.memory_space<hbm>> -> memref<128xi32, #tpu.memory_space<hbm>>
      tpu.wait_dma2 semaphore(%arg21 : memref<!tpu.dma_semaphore, #tpu.memory_space<semaphore_mem>>) src(%dma_wait3A_451 : memref<128xi32, #tpu.memory_space<hbm>>) dst(%dma_wait3A_448 : memref<128xi32, #tpu.memory_space<vmem>>)
      %dma_start3A_452 = arith.constant 0 : i32
      %dma_start3A_453 = arith.constant 0 : i32
      %dma_start3A_454 = tpu.memref_slice %arg13[%dma_start3A_452, %dma_start3A_453] : memref<2x128xi32, #tpu.memory_space<vmem>> -> memref<1x128xi32, #tpu.memory_space<vmem>>
      %dma_start3A_455 = tpu.memref_squeeze %dma_start3A_454 : memref<1x128xi32, #tpu.memory_space<vmem>> -> memref<128xi32, #tpu.memory_space<vmem>>
      %dma_start3A_456 = arith.constant 0 : i32
      %dma_start3A_457 = arith.constant 0 : i32
      %dma_start3A_458 = tpu.memref_slice %arg2[%dma_start3A_456, %dma_start3A_457] : memref<10000x128xf32, #tpu.memory_space<hbm>> -> memref<10000x128xf32, #tpu.memory_space<hbm>>
      tpu.enqueue_indirect_dma source(%dma_start3A_458 : memref<10000x128xf32, #tpu.memory_space<hbm>>) target(%arg9 : memref<128x128xf32, #tpu.memory_space<vmem>>) offsets(%dma_start3A_455 : memref<128xi32, #tpu.memory_space<vmem>>) semaphore(%arg15 : memref<!tpu.dma_semaphore, #tpu.memory_space<semaphore_mem>>)
      %dma_wait3A_459 = arith.constant 0 : i32
      %dma_wait3A_460 = arith.constant 0 : i32
      %dma_wait3A_461 = tpu.memref_slice %arg12[%dma_wait3A_459, %dma_wait3A_460] : memref<2x128xi32, #tpu.memory_space<vmem>> -> memref<1x128xi32, #tpu.memory_space<vmem>>
      %dma_wait3A_462 = tpu.memref_squeeze %dma_wait3A_461 : memref<1x128xi32, #tpu.memory_space<vmem>> -> memref<128xi32, #tpu.memory_space<vmem>>
      %dma_wait3A_463 = arith.constant 0 : i32
      %dma_wait3A_464 = arith.constant 0 : i32
      %dma_wait3A_465 = tpu.memref_slice %arg2[%dma_wait3A_463, %dma_wait3A_464] : memref<10000x128xf32, #tpu.memory_space<hbm>> -> memref<10000x128xf32, #tpu.memory_space<hbm>>
      tpu.wait_indirect_dma semaphore(%arg14 : memref<!tpu.dma_semaphore, #tpu.memory_space<semaphore_mem>>) src(%dma_wait3A_465 : memref<10000x128xf32, #tpu.memory_space<hbm>>) dst(%arg8 : memref<128x128xf32, #tpu.memory_space<vmem>>)
      %dma_start3A_466 = arith.constant 1 : i32
      %dma_start3A_467 = arith.constant 0 : i32
      %dma_start3A_468 = tpu.memref_slice %arg12[%dma_start3A_466, %dma_start3A_467] : memref<2x128xi32, #tpu.memory_space<vmem>> -> memref<1x128xi32, #tpu.memory_space<vmem>>
      %dma_start3A_469 = tpu.memref_squeeze %dma_start3A_468 : memref<1x128xi32, #tpu.memory_space<vmem>> -> memref<128xi32, #tpu.memory_space<vmem>>
      %dma_start3A_470 = arith.constant 0 : i32
      %dma_start3A_471 = arith.constant 0 : i32
      %dma_start3A_472 = tpu.memref_slice %arg7[%dma_start3A_470, %dma_start3A_471] : memref<10112x128xf32, #tpu.memory_space<vmem_shared>> -> memref<10112x128xf32, #tpu.memory_space<vmem_shared>>
      tpu.enqueue_indirect_dma source(%arg8 : memref<128x128xf32, #tpu.memory_space<vmem>>) target(%dma_start3A_472 : memref<10112x128xf32, #tpu.memory_space<vmem_shared>>) offsets(%dma_start3A_469 : memref<128xi32, #tpu.memory_space<vmem>>) semaphore(%arg16 : memref<!tpu.dma_semaphore, #tpu.memory_space<semaphore_mem>>) {add = true}
      %dma_wait3A_473 = arith.constant 0 : i32
      %dma_wait3A_474 = arith.constant 0 : i32
      %dma_wait3A_475 = tpu.memref_slice %arg13[%dma_wait3A_473, %dma_wait3A_474] : memref<2x128xi32, #tpu.memory_space<vmem>> -> memref<1x128xi32, #tpu.memory_space<vmem>>
      %dma_wait3A_476 = tpu.memref_squeeze %dma_wait3A_475 : memref<1x128xi32, #tpu.memory_space<vmem>> -> memref<128xi32, #tpu.memory_space<vmem>>
      %dma_wait3A_477 = arith.constant 0 : i32
      %dma_wait3A_478 = arith.constant 0 : i32
      %dma_wait3A_479 = tpu.memref_slice %arg2[%dma_wait3A_477, %dma_wait3A_478] : memref<10000x128xf32, #tpu.memory_space<hbm>> -> memref<10000x128xf32, #tpu.memory_space<hbm>>
      tpu.wait_indirect_dma semaphore(%arg15 : memref<!tpu.dma_semaphore, #tpu.memory_space<semaphore_mem>>) src(%dma_wait3A_479 : memref<10000x128xf32, #tpu.memory_space<hbm>>) dst(%arg9 : memref<128x128xf32, #tpu.memory_space<vmem>>)
      %dma_start3A_480 = arith.constant 1 : i32
      %dma_start3A_481 = arith.constant 0 : i32
      %dma_start3A_482 = tpu.memref_slice %arg13[%dma_start3A_480, %dma_start3A_481] : memref<2x128xi32, #tpu.memory_space<vmem>> -> memref<1x128xi32, #tpu.memory_space<vmem>>
      %dma_start3A_483 = tpu.memref_squeeze %dma_start3A_482 : memref<1x128xi32, #tpu.memory_space<vmem>> -> memref<128xi32, #tpu.memory_space<vmem>>
      %dma_start3A_484 = arith.constant 0 : i32
      %dma_start3A_485 = arith.constant 0 : i32
      %dma_start3A_486 = tpu.memref_slice %arg7[%dma_start3A_484, %dma_start3A_485] : memref<10112x128xf32, #tpu.memory_space<vmem_shared>> -> memref<10112x128xf32, #tpu.memory_space<vmem_shared>>
      tpu.enqueue_indirect_dma source(%arg9 : memref<128x128xf32, #tpu.memory_space<vmem>>) target(%dma_start3A_486 : memref<10112x128xf32, #tpu.memory_space<vmem_shared>>) offsets(%dma_start3A_483 : memref<128xi32, #tpu.memory_space<vmem>>) semaphore(%arg17 : memref<!tpu.dma_semaphore, #tpu.memory_space<semaphore_mem>>) {add = true}
      %dma_wait3A_487 = arith.constant 1 : i32
      %dma_wait3A_488 = arith.constant 0 : i32
      %dma_wait3A_489 = tpu.memref_slice %arg12[%dma_wait3A_487, %dma_wait3A_488] : memref<2x128xi32, #tpu.memory_space<vmem>> -> memref<1x128xi32, #tpu.memory_space<vmem>>
      %dma_wait3A_490 = tpu.memref_squeeze %dma_wait3A_489 : memref<1x128xi32, #tpu.memory_space<vmem>> -> memref<128xi32, #tpu.memory_space<vmem>>
      %dma_wait3A_491 = arith.constant 0 : i32
      %dma_wait3A_492 = arith.constant 0 : i32
      %dma_wait3A_493 = tpu.memref_slice %arg7[%dma_wait3A_491, %dma_wait3A_492] : memref<10112x128xf32, #tpu.memory_space<vmem_shared>> -> memref<10112x128xf32, #tpu.memory_space<vmem_shared>>
      tpu.wait_indirect_dma semaphore(%arg16 : memref<!tpu.dma_semaphore, #tpu.memory_space<semaphore_mem>>) src(%arg8 : memref<128x128xf32, #tpu.memory_space<vmem>>) dst(%dma_wait3A_493 : memref<10112x128xf32, #tpu.memory_space<vmem_shared>>)
      %add3A_494 = arith.constant 6 : i32
      %add3A_495 = arith.addi %add3A_278, %add3A_494 : i32
      %mul3A_496 = arith.constant 80 : i32
      %mul3A_497 = arith.muli %add3A, %mul3A_496 : i32
      %add3A_498 = arith.addi %mul3A_497, %add3A_495 : i32
      %dma_start3A_499 = arith.constant 0 : i32
      %dma_start3A_500 = arith.constant 0 : i32
      %dma_start3A_501 = tpu.memref_slice %arg12[%dma_start3A_499, %dma_start3A_500] : memref<2x128xi32, #tpu.memory_space<vmem>> -> memref<1x128xi32, #tpu.memory_space<vmem>>
      %dma_start3A_502 = tpu.memref_squeeze %dma_start3A_501 : memref<1x128xi32, #tpu.memory_space<vmem>> -> memref<128xi32, #tpu.memory_space<vmem>>
      %dma_start3A_503 = arith.constant 0 : i32
      %dma_start3A_504 = tpu.memref_slice %arg3[%add3A_498, %dma_start3A_503] : memref<2564x128xi32, #tpu.memory_space<hbm>> -> memref<1x128xi32, #tpu.memory_space<hbm>>
      %dma_start3A_505 = tpu.memref_squeeze %dma_start3A_504 : memref<1x128xi32, #tpu.memory_space<hbm>> -> memref<128xi32, #tpu.memory_space<hbm>>
      %dma_start3A_506 = arith.constant 0 : i32
      %dma_start3A_507 = tpu.memref_slice %arg12[%dma_start3A_499, %dma_start3A_506] : memref<2x128xi32, #tpu.memory_space<vmem>> -> memref<1x128xi32, #tpu.memory_space<vmem>>
      %dma_start3A_508 = tpu.memref_squeeze %dma_start3A_507 : memref<1x128xi32, #tpu.memory_space<vmem>> -> memref<128xi32, #tpu.memory_space<vmem>>
      %dma_start3A_509 = arith.constant 0 : i32
      %dma_start3A_510 = tpu.memref_slice %arg3[%add3A_498, %dma_start3A_509] : memref<2564x128xi32, #tpu.memory_space<hbm>> -> memref<1x128xi32, #tpu.memory_space<hbm>>
      %dma_start3A_511 = tpu.memref_squeeze %dma_start3A_510 : memref<1x128xi32, #tpu.memory_space<hbm>> -> memref<128xi32, #tpu.memory_space<hbm>>
      tpu.enqueue_dma source(%dma_start3A_511 : memref<128xi32, #tpu.memory_space<hbm>>) target(%dma_start3A_508 : memref<128xi32, #tpu.memory_space<vmem>>) target_semaphore(%arg20 : memref<!tpu.dma_semaphore, #tpu.memory_space<semaphore_mem>>)
      %dma_start3A_512 = arith.constant 1 : i32
      %dma_start3A_513 = arith.constant 0 : i32
      %dma_start3A_514 = tpu.memref_slice %arg12[%dma_start3A_512, %dma_start3A_513] : memref<2x128xi32, #tpu.memory_space<vmem>> -> memref<1x128xi32, #tpu.memory_space<vmem>>
      %dma_start3A_515 = tpu.memref_squeeze %dma_start3A_514 : memref<1x128xi32, #tpu.memory_space<vmem>> -> memref<128xi32, #tpu.memory_space<vmem>>
      %dma_start3A_516 = arith.constant 0 : i32
      %dma_start3A_517 = tpu.memref_slice %arg4[%add3A_498, %dma_start3A_516] : memref<2564x128xi32, #tpu.memory_space<hbm>> -> memref<1x128xi32, #tpu.memory_space<hbm>>
      %dma_start3A_518 = tpu.memref_squeeze %dma_start3A_517 : memref<1x128xi32, #tpu.memory_space<hbm>> -> memref<128xi32, #tpu.memory_space<hbm>>
      %dma_start3A_519 = arith.constant 0 : i32
      %dma_start3A_520 = tpu.memref_slice %arg12[%dma_start3A_512, %dma_start3A_519] : memref<2x128xi32, #tpu.memory_space<vmem>> -> memref<1x128xi32, #tpu.memory_space<vmem>>
      %dma_start3A_521 = tpu.memref_squeeze %dma_start3A_520 : memref<1x128xi32, #tpu.memory_space<vmem>> -> memref<128xi32, #tpu.memory_space<vmem>>
      %dma_start3A_522 = arith.constant 0 : i32
      %dma_start3A_523 = tpu.memref_slice %arg4[%add3A_498, %dma_start3A_522] : memref<2564x128xi32, #tpu.memory_space<hbm>> -> memref<1x128xi32, #tpu.memory_space<hbm>>
      %dma_start3A_524 = tpu.memref_squeeze %dma_start3A_523 : memref<1x128xi32, #tpu.memory_space<hbm>> -> memref<128xi32, #tpu.memory_space<hbm>>
      tpu.enqueue_dma source(%dma_start3A_524 : memref<128xi32, #tpu.memory_space<hbm>>) target(%dma_start3A_521 : memref<128xi32, #tpu.memory_space<vmem>>) target_semaphore(%arg20 : memref<!tpu.dma_semaphore, #tpu.memory_space<semaphore_mem>>)
      %add3A_525 = arith.constant 4 : i32
      %add3A_526 = arith.addi %add3A_278, %add3A_525 : i32
      %mul3A_527 = arith.constant 80 : i32
      %mul3A_528 = arith.muli %add3A, %mul3A_527 : i32
      %add3A_529 = arith.addi %mul3A_528, %add3A_526 : i32
      %dma_wait3A_530 = arith.constant 0 : i32
      %dma_wait3A_531 = arith.constant 0 : i32
      %dma_wait3A_532 = tpu.memref_slice %arg10[%dma_wait3A_530, %dma_wait3A_531] : memref<2x128xi32, #tpu.memory_space<vmem>> -> memref<1x128xi32, #tpu.memory_space<vmem>>
      %dma_wait3A_533 = tpu.memref_squeeze %dma_wait3A_532 : memref<1x128xi32, #tpu.memory_space<vmem>> -> memref<128xi32, #tpu.memory_space<vmem>>
      %dma_wait3A_534 = arith.constant 0 : i32
      %dma_wait3A_535 = tpu.memref_slice %arg3[%add3A_529, %dma_wait3A_534] : memref<2564x128xi32, #tpu.memory_space<hbm>> -> memref<1x128xi32, #tpu.memory_space<hbm>>
      %dma_wait3A_536 = tpu.memref_squeeze %dma_wait3A_535 : memref<1x128xi32, #tpu.memory_space<hbm>> -> memref<128xi32, #tpu.memory_space<hbm>>
      %dma_wait3A_537 = arith.constant 0 : i32
      %dma_wait3A_538 = tpu.memref_slice %arg10[%dma_wait3A_530, %dma_wait3A_537] : memref<2x128xi32, #tpu.memory_space<vmem>> -> memref<1x128xi32, #tpu.memory_space<vmem>>
      %dma_wait3A_539 = tpu.memref_squeeze %dma_wait3A_538 : memref<1x128xi32, #tpu.memory_space<vmem>> -> memref<128xi32, #tpu.memory_space<vmem>>
      %dma_wait3A_540 = arith.constant 0 : i32
      %dma_wait3A_541 = tpu.memref_slice %arg3[%add3A_529, %dma_wait3A_540] : memref<2564x128xi32, #tpu.memory_space<hbm>> -> memref<1x128xi32, #tpu.memory_space<hbm>>
      %dma_wait3A_542 = tpu.memref_squeeze %dma_wait3A_541 : memref<1x128xi32, #tpu.memory_space<hbm>> -> memref<128xi32, #tpu.memory_space<hbm>>
      tpu.wait_dma2 semaphore(%arg18 : memref<!tpu.dma_semaphore, #tpu.memory_space<semaphore_mem>>) src(%dma_wait3A_542 : memref<128xi32, #tpu.memory_space<hbm>>) dst(%dma_wait3A_539 : memref<128xi32, #tpu.memory_space<vmem>>)
      %dma_wait3A_543 = arith.constant 1 : i32
      %dma_wait3A_544 = arith.constant 0 : i32
      %dma_wait3A_545 = tpu.memref_slice %arg10[%dma_wait3A_543, %dma_wait3A_544] : memref<2x128xi32, #tpu.memory_space<vmem>> -> memref<1x128xi32, #tpu.memory_space<vmem>>
      %dma_wait3A_546 = tpu.memref_squeeze %dma_wait3A_545 : memref<1x128xi32, #tpu.memory_space<vmem>> -> memref<128xi32, #tpu.memory_space<vmem>>
      %dma_wait3A_547 = arith.constant 0 : i32
      %dma_wait3A_548 = tpu.memref_slice %arg4[%add3A_529, %dma_wait3A_547] : memref<2564x128xi32, #tpu.memory_space<hbm>> -> memref<1x128xi32, #tpu.memory_space<hbm>>
      %dma_wait3A_549 = tpu.memref_squeeze %dma_wait3A_548 : memref<1x128xi32, #tpu.memory_space<hbm>> -> memref<128xi32, #tpu.memory_space<hbm>>
      %dma_wait3A_550 = arith.constant 0 : i32
      %dma_wait3A_551 = tpu.memref_slice %arg10[%dma_wait3A_543, %dma_wait3A_550] : memref<2x128xi32, #tpu.memory_space<vmem>> -> memref<1x128xi32, #tpu.memory_space<vmem>>
      %dma_wait3A_552 = tpu.memref_squeeze %dma_wait3A_551 : memref<1x128xi32, #tpu.memory_space<vmem>> -> memref<128xi32, #tpu.memory_space<vmem>>
      %dma_wait3A_553 = arith.constant 0 : i32
      %dma_wait3A_554 = tpu.memref_slice %arg4[%add3A_529, %dma_wait3A_553] : memref<2564x128xi32, #tpu.memory_space<hbm>> -> memref<1x128xi32, #tpu.memory_space<hbm>>
      %dma_wait3A_555 = tpu.memref_squeeze %dma_wait3A_554 : memref<1x128xi32, #tpu.memory_space<hbm>> -> memref<128xi32, #tpu.memory_space<hbm>>
      tpu.wait_dma2 semaphore(%arg18 : memref<!tpu.dma_semaphore, #tpu.memory_space<semaphore_mem>>) src(%dma_wait3A_555 : memref<128xi32, #tpu.memory_space<hbm>>) dst(%dma_wait3A_552 : memref<128xi32, #tpu.memory_space<vmem>>)
      %dma_start3A_556 = arith.constant 0 : i32
      %dma_start3A_557 = arith.constant 0 : i32
      %dma_start3A_558 = tpu.memref_slice %arg10[%dma_start3A_556, %dma_start3A_557] : memref<2x128xi32, #tpu.memory_space<vmem>> -> memref<1x128xi32, #tpu.memory_space<vmem>>
      %dma_start3A_559 = tpu.memref_squeeze %dma_start3A_558 : memref<1x128xi32, #tpu.memory_space<vmem>> -> memref<128xi32, #tpu.memory_space<vmem>>
      %dma_start3A_560 = arith.constant 0 : i32
      %dma_start3A_561 = arith.constant 0 : i32
      %dma_start3A_562 = tpu.memref_slice %arg2[%dma_start3A_560, %dma_start3A_561] : memref<10000x128xf32, #tpu.memory_space<hbm>> -> memref<10000x128xf32, #tpu.memory_space<hbm>>
      tpu.enqueue_indirect_dma source(%dma_start3A_562 : memref<10000x128xf32, #tpu.memory_space<hbm>>) target(%arg8 : memref<128x128xf32, #tpu.memory_space<vmem>>) offsets(%dma_start3A_559 : memref<128xi32, #tpu.memory_space<vmem>>) semaphore(%arg14 : memref<!tpu.dma_semaphore, #tpu.memory_space<semaphore_mem>>)
      %dma_wait3A_563 = arith.constant 1 : i32
      %dma_wait3A_564 = arith.constant 0 : i32
      %dma_wait3A_565 = tpu.memref_slice %arg13[%dma_wait3A_563, %dma_wait3A_564] : memref<2x128xi32, #tpu.memory_space<vmem>> -> memref<1x128xi32, #tpu.memory_space<vmem>>
      %dma_wait3A_566 = tpu.memref_squeeze %dma_wait3A_565 : memref<1x128xi32, #tpu.memory_space<vmem>> -> memref<128xi32, #tpu.memory_space<vmem>>
      %dma_wait3A_567 = arith.constant 0 : i32
      %dma_wait3A_568 = arith.constant 0 : i32
      %dma_wait3A_569 = tpu.memref_slice %arg7[%dma_wait3A_567, %dma_wait3A_568] : memref<10112x128xf32, #tpu.memory_space<vmem_shared>> -> memref<10112x128xf32, #tpu.memory_space<vmem_shared>>
      tpu.wait_indirect_dma semaphore(%arg17 : memref<!tpu.dma_semaphore, #tpu.memory_space<semaphore_mem>>) src(%arg9 : memref<128x128xf32, #tpu.memory_space<vmem>>) dst(%dma_wait3A_569 : memref<10112x128xf32, #tpu.memory_space<vmem_shared>>)
      %add3A_570 = arith.constant 7 : i32
      %add3A_571 = arith.addi %add3A_278, %add3A_570 : i32
      %mul3A_572 = arith.constant 80 : i32
      %mul3A_573 = arith.muli %add3A, %mul3A_572 : i32
      %add3A_574 = arith.addi %mul3A_573, %add3A_571 : i32
      %dma_start3A_575 = arith.constant 0 : i32
      %dma_start3A_576 = arith.constant 0 : i32
      %dma_start3A_577 = tpu.memref_slice %arg13[%dma_start3A_575, %dma_start3A_576] : memref<2x128xi32, #tpu.memory_space<vmem>> -> memref<1x128xi32, #tpu.memory_space<vmem>>
      %dma_start3A_578 = tpu.memref_squeeze %dma_start3A_577 : memref<1x128xi32, #tpu.memory_space<vmem>> -> memref<128xi32, #tpu.memory_space<vmem>>
      %dma_start3A_579 = arith.constant 0 : i32
      %dma_start3A_580 = tpu.memref_slice %arg3[%add3A_574, %dma_start3A_579] : memref<2564x128xi32, #tpu.memory_space<hbm>> -> memref<1x128xi32, #tpu.memory_space<hbm>>
      %dma_start3A_581 = tpu.memref_squeeze %dma_start3A_580 : memref<1x128xi32, #tpu.memory_space<hbm>> -> memref<128xi32, #tpu.memory_space<hbm>>
      %dma_start3A_582 = arith.constant 0 : i32
      %dma_start3A_583 = tpu.memref_slice %arg13[%dma_start3A_575, %dma_start3A_582] : memref<2x128xi32, #tpu.memory_space<vmem>> -> memref<1x128xi32, #tpu.memory_space<vmem>>
      %dma_start3A_584 = tpu.memref_squeeze %dma_start3A_583 : memref<1x128xi32, #tpu.memory_space<vmem>> -> memref<128xi32, #tpu.memory_space<vmem>>
      %dma_start3A_585 = arith.constant 0 : i32
      %dma_start3A_586 = tpu.memref_slice %arg3[%add3A_574, %dma_start3A_585] : memref<2564x128xi32, #tpu.memory_space<hbm>> -> memref<1x128xi32, #tpu.memory_space<hbm>>
      %dma_start3A_587 = tpu.memref_squeeze %dma_start3A_586 : memref<1x128xi32, #tpu.memory_space<hbm>> -> memref<128xi32, #tpu.memory_space<hbm>>
      tpu.enqueue_dma source(%dma_start3A_587 : memref<128xi32, #tpu.memory_space<hbm>>) target(%dma_start3A_584 : memref<128xi32, #tpu.memory_space<vmem>>) target_semaphore(%arg21 : memref<!tpu.dma_semaphore, #tpu.memory_space<semaphore_mem>>)
      %dma_start3A_588 = arith.constant 1 : i32
      %dma_start3A_589 = arith.constant 0 : i32
      %dma_start3A_590 = tpu.memref_slice %arg13[%dma_start3A_588, %dma_start3A_589] : memref<2x128xi32, #tpu.memory_space<vmem>> -> memref<1x128xi32, #tpu.memory_space<vmem>>
      %dma_start3A_591 = tpu.memref_squeeze %dma_start3A_590 : memref<1x128xi32, #tpu.memory_space<vmem>> -> memref<128xi32, #tpu.memory_space<vmem>>
      %dma_start3A_592 = arith.constant 0 : i32
      %dma_start3A_593 = tpu.memref_slice %arg4[%add3A_574, %dma_start3A_592] : memref<2564x128xi32, #tpu.memory_space<hbm>> -> memref<1x128xi32, #tpu.memory_space<hbm>>
      %dma_start3A_594 = tpu.memref_squeeze %dma_start3A_593 : memref<1x128xi32, #tpu.memory_space<hbm>> -> memref<128xi32, #tpu.memory_space<hbm>>
      %dma_start3A_595 = arith.constant 0 : i32
      %dma_start3A_596 = tpu.memref_slice %arg13[%dma_start3A_588, %dma_start3A_595] : memref<2x128xi32, #tpu.memory_space<vmem>> -> memref<1x128xi32, #tpu.memory_space<vmem>>
      %dma_start3A_597 = tpu.memref_squeeze %dma_start3A_596 : memref<1x128xi32, #tpu.memory_space<vmem>> -> memref<128xi32, #tpu.memory_space<vmem>>
      %dma_start3A_598 = arith.constant 0 : i32
      %dma_start3A_599 = tpu.memref_slice %arg4[%add3A_574, %dma_start3A_598] : memref<2564x128xi32, #tpu.memory_space<hbm>> -> memref<1x128xi32, #tpu.memory_space<hbm>>
      %dma_start3A_600 = tpu.memref_squeeze %dma_start3A_599 : memref<1x128xi32, #tpu.memory_space<hbm>> -> memref<128xi32, #tpu.memory_space<hbm>>
      tpu.enqueue_dma source(%dma_start3A_600 : memref<128xi32, #tpu.memory_space<hbm>>) target(%dma_start3A_597 : memref<128xi32, #tpu.memory_space<vmem>>) target_semaphore(%arg21 : memref<!tpu.dma_semaphore, #tpu.memory_space<semaphore_mem>>)
      %add3A_601 = arith.constant 5 : i32
      %add3A_602 = arith.addi %add3A_278, %add3A_601 : i32
      %mul3A_603 = arith.constant 80 : i32
      %mul3A_604 = arith.muli %add3A, %mul3A_603 : i32
      %add3A_605 = arith.addi %mul3A_604, %add3A_602 : i32
      %dma_wait3A_606 = arith.constant 0 : i32
      %dma_wait3A_607 = arith.constant 0 : i32
      %dma_wait3A_608 = tpu.memref_slice %arg11[%dma_wait3A_606, %dma_wait3A_607] : memref<2x128xi32, #tpu.memory_space<vmem>> -> memref<1x128xi32, #tpu.memory_space<vmem>>
      %dma_wait3A_609 = tpu.memref_squeeze %dma_wait3A_608 : memref<1x128xi32, #tpu.memory_space<vmem>> -> memref<128xi32, #tpu.memory_space<vmem>>
      %dma_wait3A_610 = arith.constant 0 : i32
      %dma_wait3A_611 = tpu.memref_slice %arg3[%add3A_605, %dma_wait3A_610] : memref<2564x128xi32, #tpu.memory_space<hbm>> -> memref<1x128xi32, #tpu.memory_space<hbm>>
      %dma_wait3A_612 = tpu.memref_squeeze %dma_wait3A_611 : memref<1x128xi32, #tpu.memory_space<hbm>> -> memref<128xi32, #tpu.memory_space<hbm>>
      %dma_wait3A_613 = arith.constant 0 : i32
      %dma_wait3A_614 = tpu.memref_slice %arg11[%dma_wait3A_606, %dma_wait3A_613] : memref<2x128xi32, #tpu.memory_space<vmem>> -> memref<1x128xi32, #tpu.memory_space<vmem>>
      %dma_wait3A_615 = tpu.memref_squeeze %dma_wait3A_614 : memref<1x128xi32, #tpu.memory_space<vmem>> -> memref<128xi32, #tpu.memory_space<vmem>>
      %dma_wait3A_616 = arith.constant 0 : i32
      %dma_wait3A_617 = tpu.memref_slice %arg3[%add3A_605, %dma_wait3A_616] : memref<2564x128xi32, #tpu.memory_space<hbm>> -> memref<1x128xi32, #tpu.memory_space<hbm>>
      %dma_wait3A_618 = tpu.memref_squeeze %dma_wait3A_617 : memref<1x128xi32, #tpu.memory_space<hbm>> -> memref<128xi32, #tpu.memory_space<hbm>>
      tpu.wait_dma2 semaphore(%arg19 : memref<!tpu.dma_semaphore, #tpu.memory_space<semaphore_mem>>) src(%dma_wait3A_618 : memref<128xi32, #tpu.memory_space<hbm>>) dst(%dma_wait3A_615 : memref<128xi32, #tpu.memory_space<vmem>>)
      %dma_wait3A_619 = arith.constant 1 : i32
      %dma_wait3A_620 = arith.constant 0 : i32
      %dma_wait3A_621 = tpu.memref_slice %arg11[%dma_wait3A_619, %dma_wait3A_620] : memref<2x128xi32, #tpu.memory_space<vmem>> -> memref<1x128xi32, #tpu.memory_space<vmem>>
      %dma_wait3A_622 = tpu.memref_squeeze %dma_wait3A_621 : memref<1x128xi32, #tpu.memory_space<vmem>> -> memref<128xi32, #tpu.memory_space<vmem>>
      %dma_wait3A_623 = arith.constant 0 : i32
      %dma_wait3A_624 = tpu.memref_slice %arg4[%add3A_605, %dma_wait3A_623] : memref<2564x128xi32, #tpu.memory_space<hbm>> -> memref<1x128xi32, #tpu.memory_space<hbm>>
      %dma_wait3A_625 = tpu.memref_squeeze %dma_wait3A_624 : memref<1x128xi32, #tpu.memory_space<hbm>> -> memref<128xi32, #tpu.memory_space<hbm>>
      %dma_wait3A_626 = arith.constant 0 : i32
      %dma_wait3A_627 = tpu.memref_slice %arg11[%dma_wait3A_619, %dma_wait3A_626] : memref<2x128xi32, #tpu.memory_space<vmem>> -> memref<1x128xi32, #tpu.memory_space<vmem>>
      %dma_wait3A_628 = tpu.memref_squeeze %dma_wait3A_627 : memref<1x128xi32, #tpu.memory_space<vmem>> -> memref<128xi32, #tpu.memory_space<vmem>>
      %dma_wait3A_629 = arith.constant 0 : i32
      %dma_wait3A_630 = tpu.memref_slice %arg4[%add3A_605, %dma_wait3A_629] : memref<2564x128xi32, #tpu.memory_space<hbm>> -> memref<1x128xi32, #tpu.memory_space<hbm>>
      %dma_wait3A_631 = tpu.memref_squeeze %dma_wait3A_630 : memref<1x128xi32, #tpu.memory_space<hbm>> -> memref<128xi32, #tpu.memory_space<hbm>>
      tpu.wait_dma2 semaphore(%arg19 : memref<!tpu.dma_semaphore, #tpu.memory_space<semaphore_mem>>) src(%dma_wait3A_631 : memref<128xi32, #tpu.memory_space<hbm>>) dst(%dma_wait3A_628 : memref<128xi32, #tpu.memory_space<vmem>>)
      %dma_start3A_632 = arith.constant 0 : i32
      %dma_start3A_633 = arith.constant 0 : i32
      %dma_start3A_634 = tpu.memref_slice %arg11[%dma_start3A_632, %dma_start3A_633] : memref<2x128xi32, #tpu.memory_space<vmem>> -> memref<1x128xi32, #tpu.memory_space<vmem>>
      %dma_start3A_635 = tpu.memref_squeeze %dma_start3A_634 : memref<1x128xi32, #tpu.memory_space<vmem>> -> memref<128xi32, #tpu.memory_space<vmem>>
      %dma_start3A_636 = arith.constant 0 : i32
      %dma_start3A_637 = arith.constant 0 : i32
      %dma_start3A_638 = tpu.memref_slice %arg2[%dma_start3A_636, %dma_start3A_637] : memref<10000x128xf32, #tpu.memory_space<hbm>> -> memref<10000x128xf32, #tpu.memory_space<hbm>>
      tpu.enqueue_indirect_dma source(%dma_start3A_638 : memref<10000x128xf32, #tpu.memory_space<hbm>>) target(%arg9 : memref<128x128xf32, #tpu.memory_space<vmem>>) offsets(%dma_start3A_635 : memref<128xi32, #tpu.memory_space<vmem>>) semaphore(%arg15 : memref<!tpu.dma_semaphore, #tpu.memory_space<semaphore_mem>>)
    }
    %scan3A_198 = arith.constant 20 : i32
    %dma_wait3A_199 = arith.constant 0 : i32
    %dma_wait3A_200 = arith.constant 0 : i32
    %dma_wait3A_201 = tpu.memref_slice %arg10[%dma_wait3A_199, %dma_wait3A_200] : memref<2x128xi32, #tpu.memory_space<vmem>> -> memref<1x128xi32, #tpu.memory_space<vmem>>
    %dma_wait3A_202 = tpu.memref_squeeze %dma_wait3A_201 : memref<1x128xi32, #tpu.memory_space<vmem>> -> memref<128xi32, #tpu.memory_space<vmem>>
    %dma_wait3A_203 = arith.constant 0 : i32
    %dma_wait3A_204 = arith.constant 0 : i32
    %dma_wait3A_205 = tpu.memref_slice %arg2[%dma_wait3A_203, %dma_wait3A_204] : memref<10000x128xf32, #tpu.memory_space<hbm>> -> memref<10000x128xf32, #tpu.memory_space<hbm>>
    tpu.wait_indirect_dma semaphore(%arg14 : memref<!tpu.dma_semaphore, #tpu.memory_space<semaphore_mem>>) src(%dma_wait3A_205 : memref<10000x128xf32, #tpu.memory_space<hbm>>) dst(%arg8 : memref<128x128xf32, #tpu.memory_space<vmem>>)
    %dma_wait3A_206 = arith.constant 0 : i32
    %dma_wait3A_207 = arith.constant 0 : i32
    %dma_wait3A_208 = tpu.memref_slice %arg11[%dma_wait3A_206, %dma_wait3A_207] : memref<2x128xi32, #tpu.memory_space<vmem>> -> memref<1x128xi32, #tpu.memory_space<vmem>>
    %dma_wait3A_209 = tpu.memref_squeeze %dma_wait3A_208 : memref<1x128xi32, #tpu.memory_space<vmem>> -> memref<128xi32, #tpu.memory_space<vmem>>
    %dma_wait3A_210 = arith.constant 0 : i32
    %dma_wait3A_211 = arith.constant 0 : i32
    %dma_wait3A_212 = tpu.memref_slice %arg2[%dma_wait3A_210, %dma_wait3A_211] : memref<10000x128xf32, #tpu.memory_space<hbm>> -> memref<10000x128xf32, #tpu.memory_space<hbm>>
    tpu.wait_indirect_dma semaphore(%arg15 : memref<!tpu.dma_semaphore, #tpu.memory_space<semaphore_mem>>) src(%dma_wait3A_212 : memref<10000x128xf32, #tpu.memory_space<hbm>>) dst(%arg9 : memref<128x128xf32, #tpu.memory_space<vmem>>)
    %mul3A_213 = arith.constant 80 : i32
    %mul3A_214 = arith.muli %add3A, %mul3A_213 : i32
    %add3A_215 = arith.constant 82 : i32
    %add3A_216 = arith.addi %mul3A_214, %add3A_215 : i32
    %dma_wait3A_217 = arith.constant 0 : i32
    %dma_wait3A_218 = arith.constant 0 : i32
    %dma_wait3A_219 = tpu.memref_slice %arg12[%dma_wait3A_217, %dma_wait3A_218] : memref<2x128xi32, #tpu.memory_space<vmem>> -> memref<1x128xi32, #tpu.memory_space<vmem>>
    %dma_wait3A_220 = tpu.memref_squeeze %dma_wait3A_219 : memref<1x128xi32, #tpu.memory_space<vmem>> -> memref<128xi32, #tpu.memory_space<vmem>>
    %dma_wait3A_221 = arith.constant 0 : i32
    %dma_wait3A_222 = tpu.memref_slice %arg3[%add3A_216, %dma_wait3A_221] : memref<2564x128xi32, #tpu.memory_space<hbm>> -> memref<1x128xi32, #tpu.memory_space<hbm>>
    %dma_wait3A_223 = tpu.memref_squeeze %dma_wait3A_222 : memref<1x128xi32, #tpu.memory_space<hbm>> -> memref<128xi32, #tpu.memory_space<hbm>>
    %dma_wait3A_224 = arith.constant 0 : i32
    %dma_wait3A_225 = tpu.memref_slice %arg12[%dma_wait3A_217, %dma_wait3A_224] : memref<2x128xi32, #tpu.memory_space<vmem>> -> memref<1x128xi32, #tpu.memory_space<vmem>>
    %dma_wait3A_226 = tpu.memref_squeeze %dma_wait3A_225 : memref<1x128xi32, #tpu.memory_space<vmem>> -> memref<128xi32, #tpu.memory_space<vmem>>
    %dma_wait3A_227 = arith.constant 0 : i32
    %dma_wait3A_228 = tpu.memref_slice %arg3[%add3A_216, %dma_wait3A_227] : memref<2564x128xi32, #tpu.memory_space<hbm>> -> memref<1x128xi32, #tpu.memory_space<hbm>>
    %dma_wait3A_229 = tpu.memref_squeeze %dma_wait3A_228 : memref<1x128xi32, #tpu.memory_space<hbm>> -> memref<128xi32, #tpu.memory_space<hbm>>
    tpu.wait_dma2 semaphore(%arg20 : memref<!tpu.dma_semaphore, #tpu.memory_space<semaphore_mem>>) src(%dma_wait3A_229 : memref<128xi32, #tpu.memory_space<hbm>>) dst(%dma_wait3A_226 : memref<128xi32, #tpu.memory_space<vmem>>)
    %dma_wait3A_230 = arith.constant 1 : i32
    %dma_wait3A_231 = arith.constant 0 : i32
    %dma_wait3A_232 = tpu.memref_slice %arg12[%dma_wait3A_230, %dma_wait3A_231] : memref<2x128xi32, #tpu.memory_space<vmem>> -> memref<1x128xi32, #tpu.memory_space<vmem>>
    %dma_wait3A_233 = tpu.memref_squeeze %dma_wait3A_232 : memref<1x128xi32, #tpu.memory_space<vmem>> -> memref<128xi32, #tpu.memory_space<vmem>>
    %dma_wait3A_234 = arith.constant 0 : i32
    %dma_wait3A_235 = tpu.memref_slice %arg4[%add3A_216, %dma_wait3A_234] : memref<2564x128xi32, #tpu.memory_space<hbm>> -> memref<1x128xi32, #tpu.memory_space<hbm>>
    %dma_wait3A_236 = tpu.memref_squeeze %dma_wait3A_235 : memref<1x128xi32, #tpu.memory_space<hbm>> -> memref<128xi32, #tpu.memory_space<hbm>>
    %dma_wait3A_237 = arith.constant 0 : i32
    %dma_wait3A_238 = tpu.memref_slice %arg12[%dma_wait3A_230, %dma_wait3A_237] : memref<2x128xi32, #tpu.memory_space<vmem>> -> memref<1x128xi32, #tpu.memory_space<vmem>>
    %dma_wait3A_239 = tpu.memref_squeeze %dma_wait3A_238 : memref<1x128xi32, #tpu.memory_space<vmem>> -> memref<128xi32, #tpu.memory_space<vmem>>
    %dma_wait3A_240 = arith.constant 0 : i32
    %dma_wait3A_241 = tpu.memref_slice %arg4[%add3A_216, %dma_wait3A_240] : memref<2564x128xi32, #tpu.memory_space<hbm>> -> memref<1x128xi32, #tpu.memory_space<hbm>>
    %dma_wait3A_242 = tpu.memref_squeeze %dma_wait3A_241 : memref<1x128xi32, #tpu.memory_space<hbm>> -> memref<128xi32, #tpu.memory_space<hbm>>
    tpu.wait_dma2 semaphore(%arg20 : memref<!tpu.dma_semaphore, #tpu.memory_space<semaphore_mem>>) src(%dma_wait3A_242 : memref<128xi32, #tpu.memory_space<hbm>>) dst(%dma_wait3A_239 : memref<128xi32, #tpu.memory_space<vmem>>)
    %mul3A_243 = arith.constant 80 : i32
    %mul3A_244 = arith.muli %add3A, %mul3A_243 : i32
    %add3A_245 = arith.constant 83 : i32
    %add3A_246 = arith.addi %mul3A_244, %add3A_245 : i32
    %dma_wait3A_247 = arith.constant 0 : i32
    %dma_wait3A_248 = arith.constant 0 : i32
    %dma_wait3A_249 = tpu.memref_slice %arg13[%dma_wait3A_247, %dma_wait3A_248] : memref<2x128xi32, #tpu.memory_space<vmem>> -> memref<1x128xi32, #tpu.memory_space<vmem>>
    %dma_wait3A_250 = tpu.memref_squeeze %dma_wait3A_249 : memref<1x128xi32, #tpu.memory_space<vmem>> -> memref<128xi32, #tpu.memory_space<vmem>>
    %dma_wait3A_251 = arith.constant 0 : i32
    %dma_wait3A_252 = tpu.memref_slice %arg3[%add3A_246, %dma_wait3A_251] : memref<2564x128xi32, #tpu.memory_space<hbm>> -> memref<1x128xi32, #tpu.memory_space<hbm>>
    %dma_wait3A_253 = tpu.memref_squeeze %dma_wait3A_252 : memref<1x128xi32, #tpu.memory_space<hbm>> -> memref<128xi32, #tpu.memory_space<hbm>>
    %dma_wait3A_254 = arith.constant 0 : i32
    %dma_wait3A_255 = tpu.memref_slice %arg13[%dma_wait3A_247, %dma_wait3A_254] : memref<2x128xi32, #tpu.memory_space<vmem>> -> memref<1x128xi32, #tpu.memory_space<vmem>>
    %dma_wait3A_256 = tpu.memref_squeeze %dma_wait3A_255 : memref<1x128xi32, #tpu.memory_space<vmem>> -> memref<128xi32, #tpu.memory_space<vmem>>
    %dma_wait3A_257 = arith.constant 0 : i32
    %dma_wait3A_258 = tpu.memref_slice %arg3[%add3A_246, %dma_wait3A_257] : memref<2564x128xi32, #tpu.memory_space<hbm>> -> memref<1x128xi32, #tpu.memory_space<hbm>>
    %dma_wait3A_259 = tpu.memref_squeeze %dma_wait3A_258 : memref<1x128xi32, #tpu.memory_space<hbm>> -> memref<128xi32, #tpu.memory_space<hbm>>
    tpu.wait_dma2 semaphore(%arg21 : memref<!tpu.dma_semaphore, #tpu.memory_space<semaphore_mem>>) src(%dma_wait3A_259 : memref<128xi32, #tpu.memory_space<hbm>>) dst(%dma_wait3A_256 : memref<128xi32, #tpu.memory_space<vmem>>)
    %dma_wait3A_260 = arith.constant 1 : i32
    %dma_wait3A_261 = arith.constant 0 : i32
    %dma_wait3A_262 = tpu.memref_slice %arg13[%dma_wait3A_260, %dma_wait3A_261] : memref<2x128xi32, #tpu.memory_space<vmem>> -> memref<1x128xi32, #tpu.memory_space<vmem>>
    %dma_wait3A_263 = tpu.memref_squeeze %dma_wait3A_262 : memref<1x128xi32, #tpu.memory_space<vmem>> -> memref<128xi32, #tpu.memory_space<vmem>>
    %dma_wait3A_264 = arith.constant 0 : i32
    %dma_wait3A_265 = tpu.memref_slice %arg4[%add3A_246, %dma_wait3A_264] : memref<2564x128xi32, #tpu.memory_space<hbm>> -> memref<1x128xi32, #tpu.memory_space<hbm>>
    %dma_wait3A_266 = tpu.memref_squeeze %dma_wait3A_265 : memref<1x128xi32, #tpu.memory_space<hbm>> -> memref<128xi32, #tpu.memory_space<hbm>>
    %dma_wait3A_267 = arith.constant 0 : i32
    %dma_wait3A_268 = tpu.memref_slice %arg13[%dma_wait3A_260, %dma_wait3A_267] : memref<2x128xi32, #tpu.memory_space<vmem>> -> memref<1x128xi32, #tpu.memory_space<vmem>>
    %dma_wait3A_269 = tpu.memref_squeeze %dma_wait3A_268 : memref<1x128xi32, #tpu.memory_space<vmem>> -> memref<128xi32, #tpu.memory_space<vmem>>
    %dma_wait3A_270 = arith.constant 0 : i32
    %dma_wait3A_271 = tpu.memref_slice %arg4[%add3A_246, %dma_wait3A_270] : memref<2564x128xi32, #tpu.memory_space<hbm>> -> memref<1x128xi32, #tpu.memory_space<hbm>>
    %dma_wait3A_272 = tpu.memref_squeeze %dma_wait3A_271 : memref<1x128xi32, #tpu.memory_space<hbm>> -> memref<128xi32, #tpu.memory_space<hbm>>
    tpu.wait_dma2 semaphore(%arg21 : memref<!tpu.dma_semaphore, #tpu.memory_space<semaphore_mem>>) src(%dma_wait3A_272 : memref<128xi32, #tpu.memory_space<hbm>>) dst(%dma_wait3A_269 : memref<128xi32, #tpu.memory_space<vmem>>)
    %barrier3A_273 = arith.constant 0 : index
    tpu.barrier barrier_id(%barrier3A_273)
    "tpu.region"() ({
      %run_scoped3A = tpu.sem_alloc : memref<!tpu.dma_semaphore, #tpu.memory_space<semaphore_mem>>
      %dma_start3A_274 = arith.constant 0 : i32
      %dma_start3A_275 = tpu.memref_slice %arg6[%arg0, %mul3A_2, %dma_start3A_274] : memref<2x10112x128xf32, #tpu.memory_space<hbm>> -> memref<1x632x128xf32, #tpu.memory_space<hbm>>
      %dma_start3A_276 = tpu.memref_squeeze %dma_start3A_275 : memref<1x632x128xf32, #tpu.memory_space<hbm>> -> memref<632x128xf32, #tpu.memory_space<hbm>>
      %dma_start3A_277 = arith.constant 0 : i32
      %dma_start3A_278 = tpu.memref_slice %arg7[%mul3A_2, %dma_start3A_277] : memref<10112x128xf32, #tpu.memory_space<vmem_shared>> -> memref<632x128xf32, #tpu.memory_space<vmem_shared>>
      tpu.enqueue_dma source(%dma_start3A_278 : memref<632x128xf32, #tpu.memory_space<vmem_shared>>) target(%dma_start3A_276 : memref<632x128xf32, #tpu.memory_space<hbm>>) target_semaphore(%run_scoped3A : memref<!tpu.dma_semaphore, #tpu.memory_space<semaphore_mem>>)
      %dma_wait3A_279 = arith.constant 0 : i32
      %dma_wait3A_280 = tpu.memref_slice %arg6[%arg0, %mul3A_2, %dma_wait3A_279] : memref<2x10112x128xf32, #tpu.memory_space<hbm>> -> memref<1x632x128xf32, #tpu.memory_space<hbm>>
      %dma_wait3A_281 = tpu.memref_squeeze %dma_wait3A_280 : memref<1x632x128xf32, #tpu.memory_space<hbm>> -> memref<632x128xf32, #tpu.memory_space<hbm>>
      %dma_wait3A_282 = arith.constant 0 : i32
      %dma_wait3A_283 = tpu.memref_slice %arg7[%mul3A_2, %dma_wait3A_282] : memref<10112x128xf32, #tpu.memory_space<vmem_shared>> -> memref<632x128xf32, #tpu.memory_space<vmem_shared>>
      tpu.wait_dma2 semaphore(%run_scoped3A : memref<!tpu.dma_semaphore, #tpu.memory_space<semaphore_mem>>) src(%dma_wait3A_283 : memref<632x128xf32, #tpu.memory_space<vmem_shared>>) dst(%dma_wait3A_281 : memref<632x128xf32, #tpu.memory_space<hbm>>)
      tpu.yield
    }) : () -> ()
    return
  }
}

module attributes {stable_mosaic.version = 14 : i64} {
  func.func @_tc_first_body(%arg0: i32, %arg1: memref<1x2000x128xf32, #tpu.memory_space<vmem>>, %arg2: memref<1x2000x128xf32, #tpu.memory_space<vmem>>, %arg3: memref<1x2000x16xf32, #tpu.memory_space<vmem>>, %arg4: memref<1x2000x16xf32, #tpu.memory_space<vmem>>, %arg5: memref<2000x128xf32, #tpu.memory_space<vmem>>, %arg6: memref<128x128xf32, #tpu.memory_space<vmem>>, %arg7: memref<128x128xf32, #tpu.memory_space<vmem>>, %arg8: memref<1x128xf32, #tpu.memory_space<vmem>>, %arg9: memref<2000x128xf32, #tpu.memory_space<vmem>>, %arg10: memref<2000x128xf32, #tpu.memory_space<vmem>>) attributes {dimension_semantics = [#tpu.dimension_semantics<arbitrary>], iteration_bounds = array<i64: 5>, scalar_prefetch = 0 : i64, scratch_operands = 0 : i64, tpu.core_type = #tpu.core_type<tc>, window_params = [{transform_indices = @transform_0, window_bounds = array<i64: 1, 2000, 128>}, {transform_indices = @transform_1, window_bounds = array<i64: 1, 2000, 128>}, {transform_indices = @transform_2, window_bounds = array<i64: 1, 2000, 16>}, {transform_indices = @transform_3, window_bounds = array<i64: 1, 2000, 16>}, {transform_indices = @transform_4, window_bounds = array<i64: 2000, 128>}, {pipeline_mode = #tpu.pipeline_mode<synchronous>, transform_indices = @transform_5, window_bounds = array<i64: 128, 128>}, {pipeline_mode = #tpu.pipeline_mode<synchronous>, transform_indices = @transform_6, window_bounds = array<i64: 128, 128>}, {pipeline_mode = #tpu.pipeline_mode<synchronous>, transform_indices = @transform_7, window_bounds = array<i64: 1, 128>}, {transform_indices = @transform_8, window_bounds = array<i64: 2000, 128>}, {transform_indices = @transform_9, window_bounds = array<i64: 2000, 128>}]} {
    %get3A = arith.constant 0 : index
    %get3A_0 = arith.constant 0 : index
    %get3A_1 = arith.constant 0 : index
    %get3A_2 = vector.load %arg3[%get3A, %get3A_0, %get3A_1] : memref<1x2000x16xf32, #tpu.memory_space<vmem>>, vector<1x2000x16xf32>
    %get3A_3 = vector.shape_cast %get3A_2 : vector<1x2000x16xf32> to vector<2000x16xf32>
    %slice3A = vector.extract_strided_slice %get3A_3 {offsets = [0, 0], sizes = [2000, 1], strides = [1, 1]} : vector<2000x16xf32> to vector<2000x1xf32>
    %get3A_4 = arith.constant 0 : index
    %get3A_5 = arith.constant 0 : index
    %get3A_6 = arith.constant 0 : index
    %get3A_7 = vector.load %arg4[%get3A_4, %get3A_5, %get3A_6] : memref<1x2000x16xf32, #tpu.memory_space<vmem>>, vector<1x2000x16xf32>
    %get3A_8 = vector.shape_cast %get3A_7 : vector<1x2000x16xf32> to vector<2000x16xf32>
    %slice3A_9 = vector.extract_strided_slice %get3A_8 {offsets = [0, 0], sizes = [2000, 1], strides = [1, 1]} : vector<2000x16xf32> to vector<2000x1xf32>
    %add3A = arith.addf %slice3A, %slice3A_9 : vector<2000x1xf32>
    %max3A = arith.constant 1.000000e+00 : f32
    %max3A_10 = vector.broadcast %max3A : f32 to vector<2000x1xf32>
    %max3A_11 = arith.maximumf %add3A, %max3A_10 : vector<2000x1xf32>
    %div3A = arith.constant 1.000000e+00 : f32
    %div3A_12 = vector.broadcast %div3A : f32 to vector<2000x1xf32>
    %div3A_13 = arith.divf %div3A_12, %max3A_11 : vector<2000x1xf32>
    %broadcast_in_dim3A = vector.shape_cast %div3A_13 : vector<2000x1xf32> to vector<2000x1xf32>
    %broadcast_in_dim3A_14 = vector.broadcast %broadcast_in_dim3A : vector<2000x1xf32> to vector<2000x128xf32>
    %swap3A = arith.constant 0 : index
    %swap3A_15 = arith.constant 0 : index
    %swap3A_16 = vector.load %arg10[%swap3A, %swap3A_15] : memref<2000x128xf32, #tpu.memory_space<vmem>>, vector<2000x128xf32>
    tpu.vector_store %arg10[%swap3A, %swap3A_15], %broadcast_in_dim3A_14 {strides = array<i32>} : memref<2000x128xf32, #tpu.memory_space<vmem>>, vector<2000x128xf32>,
    %get3A_17 = arith.constant 0 : index
    %get3A_18 = arith.constant 0 : index
    %get3A_19 = arith.constant 0 : index
    %get3A_20 = vector.load %arg1[%get3A_17, %get3A_18, %get3A_19] : memref<1x2000x128xf32, #tpu.memory_space<vmem>>, vector<1x2000x128xf32>
    %get3A_21 = vector.shape_cast %get3A_20 : vector<1x2000x128xf32> to vector<2000x128xf32>
    %get3A_22 = arith.constant 0 : index
    %get3A_23 = arith.constant 0 : index
    %get3A_24 = arith.constant 0 : index
    %get3A_25 = vector.load %arg2[%get3A_22, %get3A_23, %get3A_24] : memref<1x2000x128xf32, #tpu.memory_space<vmem>>, vector<1x2000x128xf32>
    %get3A_26 = vector.shape_cast %get3A_25 : vector<1x2000x128xf32> to vector<2000x128xf32>
    %add3A_27 = arith.addf %get3A_21, %get3A_26 : vector<2000x128xf32>
    %mul3A = vector.broadcast %div3A_13 : vector<2000x1xf32> to vector<2000x128xf32>
    %mul3A_28 = arith.mulf %add3A_27, %mul3A : vector<2000x128xf32>
    %get3A_29 = arith.constant 0 : index
    %get3A_30 = arith.constant 0 : index
    %get3A_31 = vector.load %arg6[%get3A_29, %get3A_30] : memref<128x128xf32, #tpu.memory_space<vmem>>, vector<128x128xf32>
    %dot_general3A = arith.constant dense<0.000000e+00> : vector<2000x128xf32>
    %dot_general3A_32 = tpu.matmul %mul3A_28, %get3A_31, %dot_general3A {dimension_numbers = #tpu.dot_dimension_numbers<[1], [0], [0], [1], [0, 0, 1, 1], [], []>, precision = #tpu.contract_precision<fp32>, transpose_lhs_hint = false} : vector<2000x128xf32>, vector<128x128xf32>, vector<2000x128xf32> -> vector<2000x128xf32>
    %get3A_33 = arith.constant 0 : index
    %get3A_34 = arith.constant 0 : index
    %get3A_35 = vector.load %arg5[%get3A_33, %get3A_34] : memref<2000x128xf32, #tpu.memory_space<vmem>>, vector<2000x128xf32>
    %get3A_36 = arith.constant 0 : index
    %get3A_37 = arith.constant 0 : index
    %get3A_38 = vector.load %arg7[%get3A_36, %get3A_37] : memref<128x128xf32, #tpu.memory_space<vmem>>, vector<128x128xf32>
    %dot_general3A_39 = arith.constant dense<0.000000e+00> : vector<2000x128xf32>
    %dot_general3A_40 = tpu.matmul %get3A_35, %get3A_38, %dot_general3A_39 {dimension_numbers = #tpu.dot_dimension_numbers<[1], [0], [0], [1], [0, 0, 1, 1], [], []>, precision = #tpu.contract_precision<fp32>, transpose_lhs_hint = false} : vector<2000x128xf32>, vector<128x128xf32>, vector<2000x128xf32> -> vector<2000x128xf32>
    %add3A_41 = arith.addf %dot_general3A_32, %dot_general3A_40 : vector<2000x128xf32>
    %get3A_42 = arith.constant 0 : index
    %get3A_43 = arith.constant 0 : index
    %get3A_44 = vector.load %arg8[%get3A_42, %get3A_43] : memref<1x128xf32, #tpu.memory_space<vmem>>, vector<1x128xf32>
    %add3A_45 = vector.broadcast %get3A_44 : vector<1x128xf32> to vector<2000x128xf32>
    %add3A_46 = arith.addf %add3A_41, %add3A_45 : vector<2000x128xf32>
    %gt3A = arith.constant 0.000000e+00 : f32
    %gt3A_47 = vector.broadcast %gt3A : f32 to vector<2000x128xf32>
    %gt3A_48 = arith.cmpf ogt, %add3A_46, %gt3A_47 : vector<2000x128xf32>
    %exp3A = math.exp %add3A_46 : vector<2000x128xf32>
    %sub3A = arith.constant 1.000000e+00 : f32
    %sub3A_49 = vector.broadcast %sub3A : f32 to vector<2000x128xf32>
    %sub3A_50 = arith.subf %exp3A, %sub3A_49 : vector<2000x128xf32>
    %select_n3A = arith.select %gt3A_48, %add3A_46, %sub3A_50 : vector<2000x128xi1>, vector<2000x128xf32>
    %swap3A_51 = arith.constant 0 : index
    %swap3A_52 = arith.constant 0 : index
    %swap3A_53 = vector.load %arg9[%swap3A_51, %swap3A_52] : memref<2000x128xf32, #tpu.memory_space<vmem>>, vector<2000x128xf32>
    tpu.vector_store %arg9[%swap3A_51, %swap3A_52], %select_n3A {strides = array<i32>} : memref<2000x128xf32, #tpu.memory_space<vmem>>, vector<2000x128xf32>,
    return
  }
  func.func @transform_0(%arg0: i32) -> (i32, i32, i32) {
    %c0_i32 = arith.constant 0 : i32
    %c0_i32_0 = arith.constant 0 : i32
    %c0_i32_1 = arith.constant 0 : i32
    return %c0_i32, %arg0, %c0_i32_0 : i32, i32, i32
  }
  func.func @transform_1(%arg0: i32) -> (i32, i32, i32) {
    %c1_i32 = arith.constant 1 : i32
    %c0_i32 = arith.constant 0 : i32
    %c0_i32_0 = arith.constant 0 : i32
    return %c1_i32, %arg0, %c0_i32 : i32, i32, i32
  }
  func.func @transform_2(%arg0: i32) -> (i32, i32, i32) {
    %c0_i32 = arith.constant 0 : i32
    %c0_i32_0 = arith.constant 0 : i32
    %c0_i32_1 = arith.constant 0 : i32
    return %c0_i32, %arg0, %c0_i32_0 : i32, i32, i32
  }
  func.func @transform_3(%arg0: i32) -> (i32, i32, i32) {
    %c1_i32 = arith.constant 1 : i32
    %c0_i32 = arith.constant 0 : i32
    %c0_i32_0 = arith.constant 0 : i32
    return %c1_i32, %arg0, %c0_i32 : i32, i32, i32
  }
  func.func @transform_4(%arg0: i32) -> (i32, i32) {
    %c0_i32 = arith.constant 0 : i32
    %c0_i32_0 = arith.constant 0 : i32
    return %arg0, %c0_i32 : i32, i32
  }
  func.func @transform_5(%arg0: i32) -> (i32, i32) {
    %c0_i32 = arith.constant 0 : i32
    %c0_i32_0 = arith.constant 0 : i32
    %c0_i32_1 = arith.constant 0 : i32
    return %c0_i32, %c0_i32_0 : i32, i32
  }
  func.func @transform_6(%arg0: i32) -> (i32, i32) {
    %c0_i32 = arith.constant 0 : i32
    %c0_i32_0 = arith.constant 0 : i32
    %c0_i32_1 = arith.constant 0 : i32
    return %c0_i32, %c0_i32_0 : i32, i32
  }
  func.func @transform_7(%arg0: i32) -> (i32, i32) {
    %c0_i32 = arith.constant 0 : i32
    %c0_i32_0 = arith.constant 0 : i32
    %c0_i32_1 = arith.constant 0 : i32
    return %c0_i32, %c0_i32_0 : i32, i32
  }
  func.func @transform_8(%arg0: i32) -> (i32, i32) {
    %c0_i32 = arith.constant 0 : i32
    %c0_i32_0 = arith.constant 0 : i32
    return %arg0, %c0_i32 : i32, i32
  }
  func.func @transform_9(%arg0: i32) -> (i32, i32) {
    %c0_i32 = arith.constant 0 : i32
    %c0_i32_0 = arith.constant 0 : i32
    return %arg0, %c0_i32 : i32, i32
  }
}

module attributes {stable_mosaic.version = 14 : i64} {
  func.func @_tc_mid_body(%arg0: i32, %arg1: memref<1x2000x128xf32, #tpu.memory_space<vmem>>, %arg2: memref<1x2000x128xf32, #tpu.memory_space<vmem>>, %arg3: memref<2000x128xf32, #tpu.memory_space<vmem>>, %arg4: memref<2000x128xf32, #tpu.memory_space<vmem>>, %arg5: memref<128x128xf32, #tpu.memory_space<vmem>>, %arg6: memref<128x128xf32, #tpu.memory_space<vmem>>, %arg7: memref<1x128xf32, #tpu.memory_space<vmem>>, %arg8: memref<2000x128xf32, #tpu.memory_space<vmem>>) attributes {dimension_semantics = [#tpu.dimension_semantics<arbitrary>], iteration_bounds = array<i64: 5>, scalar_prefetch = 0 : i64, scratch_operands = 0 : i64, tpu.core_type = #tpu.core_type<tc>, window_params = [{transform_indices = @transform_0, window_bounds = array<i64: 1, 2000, 128>}, {transform_indices = @transform_1, window_bounds = array<i64: 1, 2000, 128>}, {transform_indices = @transform_2, window_bounds = array<i64: 2000, 128>}, {transform_indices = @transform_3, window_bounds = array<i64: 2000, 128>}, {pipeline_mode = #tpu.pipeline_mode<synchronous>, transform_indices = @transform_4, window_bounds = array<i64: 128, 128>}, {pipeline_mode = #tpu.pipeline_mode<synchronous>, transform_indices = @transform_5, window_bounds = array<i64: 128, 128>}, {pipeline_mode = #tpu.pipeline_mode<synchronous>, transform_indices = @transform_6, window_bounds = array<i64: 1, 128>}, {transform_indices = @transform_7, window_bounds = array<i64: 2000, 128>}]} {
    %get3A = arith.constant 0 : index
    %get3A_0 = arith.constant 0 : index
    %get3A_1 = arith.constant 0 : index
    %get3A_2 = vector.load %arg1[%get3A, %get3A_0, %get3A_1] : memref<1x2000x128xf32, #tpu.memory_space<vmem>>, vector<1x2000x128xf32>
    %get3A_3 = vector.shape_cast %get3A_2 : vector<1x2000x128xf32> to vector<2000x128xf32>
    %get3A_4 = arith.constant 0 : index
    %get3A_5 = arith.constant 0 : index
    %get3A_6 = arith.constant 0 : index
    %get3A_7 = vector.load %arg2[%get3A_4, %get3A_5, %get3A_6] : memref<1x2000x128xf32, #tpu.memory_space<vmem>>, vector<1x2000x128xf32>
    %get3A_8 = vector.shape_cast %get3A_7 : vector<1x2000x128xf32> to vector<2000x128xf32>
    %add3A = arith.addf %get3A_3, %get3A_8 : vector<2000x128xf32>
    %get3A_9 = arith.constant 0 : index
    %get3A_10 = arith.constant 0 : index
    %get3A_11 = vector.load %arg3[%get3A_9, %get3A_10] : memref<2000x128xf32, #tpu.memory_space<vmem>>, vector<2000x128xf32>
    %mul3A = arith.mulf %add3A, %get3A_11 : vector<2000x128xf32>
    %get3A_12 = arith.constant 0 : index
    %get3A_13 = arith.constant 0 : index
    %get3A_14 = vector.load %arg5[%get3A_12, %get3A_13] : memref<128x128xf32, #tpu.memory_space<vmem>>, vector<128x128xf32>
    %dot_general3A = arith.constant dense<0.000000e+00> : vector<2000x128xf32>
    %dot_general3A_15 = tpu.matmul %mul3A, %get3A_14, %dot_general3A {dimension_numbers = #tpu.dot_dimension_numbers<[1], [0], [0], [1], [0, 0, 1, 1], [], []>, precision = #tpu.contract_precision<fp32>, transpose_lhs_hint = false} : vector<2000x128xf32>, vector<128x128xf32>, vector<2000x128xf32> -> vector<2000x128xf32>
    %get3A_16 = arith.constant 0 : index
    %get3A_17 = arith.constant 0 : index
    %get3A_18 = vector.load %arg4[%get3A_16, %get3A_17] : memref<2000x128xf32, #tpu.memory_space<vmem>>, vector<2000x128xf32>
    %get3A_19 = arith.constant 0 : index
    %get3A_20 = arith.constant 0 : index
    %get3A_21 = vector.load %arg6[%get3A_19, %get3A_20] : memref<128x128xf32, #tpu.memory_space<vmem>>, vector<128x128xf32>
    %dot_general3A_22 = arith.constant dense<0.000000e+00> : vector<2000x128xf32>
    %dot_general3A_23 = tpu.matmul %get3A_18, %get3A_21, %dot_general3A_22 {dimension_numbers = #tpu.dot_dimension_numbers<[1], [0], [0], [1], [0, 0, 1, 1], [], []>, precision = #tpu.contract_precision<fp32>, transpose_lhs_hint = false} : vector<2000x128xf32>, vector<128x128xf32>, vector<2000x128xf32> -> vector<2000x128xf32>
    %add3A_24 = arith.addf %dot_general3A_15, %dot_general3A_23 : vector<2000x128xf32>
    %get3A_25 = arith.constant 0 : index
    %get3A_26 = arith.constant 0 : index
    %get3A_27 = vector.load %arg7[%get3A_25, %get3A_26] : memref<1x128xf32, #tpu.memory_space<vmem>>, vector<1x128xf32>
    %add3A_28 = vector.broadcast %get3A_27 : vector<1x128xf32> to vector<2000x128xf32>
    %add3A_29 = arith.addf %add3A_24, %add3A_28 : vector<2000x128xf32>
    %gt3A = arith.constant 0.000000e+00 : f32
    %gt3A_30 = vector.broadcast %gt3A : f32 to vector<2000x128xf32>
    %gt3A_31 = arith.cmpf ogt, %add3A_29, %gt3A_30 : vector<2000x128xf32>
    %exp3A = math.exp %add3A_29 : vector<2000x128xf32>
    %sub3A = arith.constant 1.000000e+00 : f32
    %sub3A_32 = vector.broadcast %sub3A : f32 to vector<2000x128xf32>
    %sub3A_33 = arith.subf %exp3A, %sub3A_32 : vector<2000x128xf32>
    %select_n3A = arith.select %gt3A_31, %add3A_29, %sub3A_33 : vector<2000x128xi1>, vector<2000x128xf32>
    %swap3A = arith.constant 0 : index
    %swap3A_34 = arith.constant 0 : index
    %swap3A_35 = vector.load %arg8[%swap3A, %swap3A_34] : memref<2000x128xf32, #tpu.memory_space<vmem>>, vector<2000x128xf32>
    tpu.vector_store %arg8[%swap3A, %swap3A_34], %select_n3A {strides = array<i32>} : memref<2000x128xf32, #tpu.memory_space<vmem>>, vector<2000x128xf32>,
    return
  }
  func.func @transform_0(%arg0: i32) -> (i32, i32, i32) {
    %c0_i32 = arith.constant 0 : i32
    %c0_i32_0 = arith.constant 0 : i32
    %c0_i32_1 = arith.constant 0 : i32
    return %c0_i32, %arg0, %c0_i32_0 : i32, i32, i32
  }
  func.func @transform_1(%arg0: i32) -> (i32, i32, i32) {
    %c1_i32 = arith.constant 1 : i32
    %c0_i32 = arith.constant 0 : i32
    %c0_i32_0 = arith.constant 0 : i32
    return %c1_i32, %arg0, %c0_i32 : i32, i32, i32
  }
  func.func @transform_2(%arg0: i32) -> (i32, i32) {
    %c0_i32 = arith.constant 0 : i32
    %c0_i32_0 = arith.constant 0 : i32
    return %arg0, %c0_i32 : i32, i32
  }
  func.func @transform_3(%arg0: i32) -> (i32, i32) {
    %c0_i32 = arith.constant 0 : i32
    %c0_i32_0 = arith.constant 0 : i32
    return %arg0, %c0_i32 : i32, i32
  }
  func.func @transform_4(%arg0: i32) -> (i32, i32) {
    %c0_i32 = arith.constant 0 : i32
    %c0_i32_0 = arith.constant 0 : i32
    %c0_i32_1 = arith.constant 0 : i32
    return %c0_i32, %c0_i32_0 : i32, i32
  }
  func.func @transform_5(%arg0: i32) -> (i32, i32) {
    %c0_i32 = arith.constant 0 : i32
    %c0_i32_0 = arith.constant 0 : i32
    %c0_i32_1 = arith.constant 0 : i32
    return %c0_i32, %c0_i32_0 : i32, i32
  }
  func.func @transform_6(%arg0: i32) -> (i32, i32) {
    %c0_i32 = arith.constant 0 : i32
    %c0_i32_0 = arith.constant 0 : i32
    %c0_i32_1 = arith.constant 0 : i32
    return %c0_i32, %c0_i32_0 : i32, i32
  }
  func.func @transform_7(%arg0: i32) -> (i32, i32) {
    %c0_i32 = arith.constant 0 : i32
    %c0_i32_0 = arith.constant 0 : i32
    return %arg0, %c0_i32 : i32, i32
  }
}

module attributes {stable_mosaic.version = 14 : i64} {
  func.func @_tc_mid_body(%arg0: i32, %arg1: memref<1x2000x128xf32, #tpu.memory_space<vmem>>, %arg2: memref<1x2000x128xf32, #tpu.memory_space<vmem>>, %arg3: memref<2000x128xf32, #tpu.memory_space<vmem>>, %arg4: memref<2000x128xf32, #tpu.memory_space<vmem>>, %arg5: memref<128x128xf32, #tpu.memory_space<vmem>>, %arg6: memref<128x128xf32, #tpu.memory_space<vmem>>, %arg7: memref<1x128xf32, #tpu.memory_space<vmem>>, %arg8: memref<2000x128xf32, #tpu.memory_space<vmem>>) attributes {dimension_semantics = [#tpu.dimension_semantics<arbitrary>], iteration_bounds = array<i64: 5>, scalar_prefetch = 0 : i64, scratch_operands = 0 : i64, tpu.core_type = #tpu.core_type<tc>, window_params = [{transform_indices = @transform_0, window_bounds = array<i64: 1, 2000, 128>}, {transform_indices = @transform_1, window_bounds = array<i64: 1, 2000, 128>}, {transform_indices = @transform_2, window_bounds = array<i64: 2000, 128>}, {transform_indices = @transform_3, window_bounds = array<i64: 2000, 128>}, {pipeline_mode = #tpu.pipeline_mode<synchronous>, transform_indices = @transform_4, window_bounds = array<i64: 128, 128>}, {pipeline_mode = #tpu.pipeline_mode<synchronous>, transform_indices = @transform_5, window_bounds = array<i64: 128, 128>}, {pipeline_mode = #tpu.pipeline_mode<synchronous>, transform_indices = @transform_6, window_bounds = array<i64: 1, 128>}, {transform_indices = @transform_7, window_bounds = array<i64: 2000, 128>}]} {
    %get3A = arith.constant 0 : index
    %get3A_0 = arith.constant 0 : index
    %get3A_1 = arith.constant 0 : index
    %get3A_2 = vector.load %arg1[%get3A, %get3A_0, %get3A_1] : memref<1x2000x128xf32, #tpu.memory_space<vmem>>, vector<1x2000x128xf32>
    %get3A_3 = vector.shape_cast %get3A_2 : vector<1x2000x128xf32> to vector<2000x128xf32>
    %get3A_4 = arith.constant 0 : index
    %get3A_5 = arith.constant 0 : index
    %get3A_6 = arith.constant 0 : index
    %get3A_7 = vector.load %arg2[%get3A_4, %get3A_5, %get3A_6] : memref<1x2000x128xf32, #tpu.memory_space<vmem>>, vector<1x2000x128xf32>
    %get3A_8 = vector.shape_cast %get3A_7 : vector<1x2000x128xf32> to vector<2000x128xf32>
    %add3A = arith.addf %get3A_3, %get3A_8 : vector<2000x128xf32>
    %get3A_9 = arith.constant 0 : index
    %get3A_10 = arith.constant 0 : index
    %get3A_11 = vector.load %arg3[%get3A_9, %get3A_10] : memref<2000x128xf32, #tpu.memory_space<vmem>>, vector<2000x128xf32>
    %mul3A = arith.mulf %add3A, %get3A_11 : vector<2000x128xf32>
    %get3A_12 = arith.constant 0 : index
    %get3A_13 = arith.constant 0 : index
    %get3A_14 = vector.load %arg5[%get3A_12, %get3A_13] : memref<128x128xf32, #tpu.memory_space<vmem>>, vector<128x128xf32>
    %dot_general3A = arith.constant dense<0.000000e+00> : vector<2000x128xf32>
    %dot_general3A_15 = tpu.matmul %mul3A, %get3A_14, %dot_general3A {dimension_numbers = #tpu.dot_dimension_numbers<[1], [0], [0], [1], [0, 0, 1, 1], [], []>, precision = #tpu.contract_precision<fp32>, transpose_lhs_hint = false} : vector<2000x128xf32>, vector<128x128xf32>, vector<2000x128xf32> -> vector<2000x128xf32>
    %get3A_16 = arith.constant 0 : index
    %get3A_17 = arith.constant 0 : index
    %get3A_18 = vector.load %arg4[%get3A_16, %get3A_17] : memref<2000x128xf32, #tpu.memory_space<vmem>>, vector<2000x128xf32>
    %get3A_19 = arith.constant 0 : index
    %get3A_20 = arith.constant 0 : index
    %get3A_21 = vector.load %arg6[%get3A_19, %get3A_20] : memref<128x128xf32, #tpu.memory_space<vmem>>, vector<128x128xf32>
    %dot_general3A_22 = arith.constant dense<0.000000e+00> : vector<2000x128xf32>
    %dot_general3A_23 = tpu.matmul %get3A_18, %get3A_21, %dot_general3A_22 {dimension_numbers = #tpu.dot_dimension_numbers<[1], [0], [0], [1], [0, 0, 1, 1], [], []>, precision = #tpu.contract_precision<fp32>, transpose_lhs_hint = false} : vector<2000x128xf32>, vector<128x128xf32>, vector<2000x128xf32> -> vector<2000x128xf32>
    %add3A_24 = arith.addf %dot_general3A_15, %dot_general3A_23 : vector<2000x128xf32>
    %get3A_25 = arith.constant 0 : index
    %get3A_26 = arith.constant 0 : index
    %get3A_27 = vector.load %arg7[%get3A_25, %get3A_26] : memref<1x128xf32, #tpu.memory_space<vmem>>, vector<1x128xf32>
    %add3A_28 = vector.broadcast %get3A_27 : vector<1x128xf32> to vector<2000x128xf32>
    %add3A_29 = arith.addf %add3A_24, %add3A_28 : vector<2000x128xf32>
    %reduce_max3A = arith.constant dense<0xFF800000> : vector<2000xf32>
    %reduce_max3A_30 = vector.multi_reduction <maximumf>, %add3A_29, %reduce_max3A [1] : vector<2000x128xf32> to vector<2000xf32>
    %broadcast_in_dim3A = vector.shape_cast %reduce_max3A_30 : vector<2000xf32> to vector<2000x1xf32>
    %sub3A = vector.broadcast %broadcast_in_dim3A : vector<2000x1xf32> to vector<2000x128xf32>
    %sub3A_31 = arith.subf %add3A_29, %sub3A : vector<2000x128xf32>
    %exp3A = math.exp %sub3A_31 : vector<2000x128xf32>
    %reduce_sum3A = arith.constant dense<0.000000e+00> : vector<2000xf32>
    %reduce_sum3A_32 = vector.multi_reduction <add>, %exp3A, %reduce_sum3A [1] : vector<2000x128xf32> to vector<2000xf32>
    %broadcast_in_dim3A_33 = vector.shape_cast %reduce_sum3A_32 : vector<2000xf32> to vector<2000x1xf32>
    %log3A = math.log %broadcast_in_dim3A_33 : vector<2000x1xf32>
    %add3A_34 = arith.addf %log3A, %broadcast_in_dim3A : vector<2000x1xf32>
    %sub3A_35 = vector.broadcast %add3A_34 : vector<2000x1xf32> to vector<2000x128xf32>
    %sub3A_36 = arith.subf %add3A_29, %sub3A_35 : vector<2000x128xf32>
    %swap3A = arith.constant 0 : index
    %swap3A_37 = arith.constant 0 : index
    %swap3A_38 = vector.load %arg8[%swap3A, %swap3A_37] : memref<2000x128xf32, #tpu.memory_space<vmem>>, vector<2000x128xf32>
    tpu.vector_store %arg8[%swap3A, %swap3A_37], %sub3A_36 {strides = array<i32>} : memref<2000x128xf32, #tpu.memory_space<vmem>>, vector<2000x128xf32>,
    return
  }
  func.func @transform_0(%arg0: i32) -> (i32, i32, i32) {
    %c0_i32 = arith.constant 0 : i32
    %c0_i32_0 = arith.constant 0 : i32
    %c0_i32_1 = arith.constant 0 : i32
    return %c0_i32, %arg0, %c0_i32_0 : i32, i32, i32
  }
  func.func @transform_1(%arg0: i32) -> (i32, i32, i32) {
    %c1_i32 = arith.constant 1 : i32
    %c0_i32 = arith.constant 0 : i32
    %c0_i32_0 = arith.constant 0 : i32
    return %c1_i32, %arg0, %c0_i32 : i32, i32, i32
  }
  func.func @transform_2(%arg0: i32) -> (i32, i32) {
    %c0_i32 = arith.constant 0 : i32
    %c0_i32_0 = arith.constant 0 : i32
    return %arg0, %c0_i32 : i32, i32
  }
  func.func @transform_3(%arg0: i32) -> (i32, i32) {
    %c0_i32 = arith.constant 0 : i32
    %c0_i32_0 = arith.constant 0 : i32
    return %arg0, %c0_i32 : i32, i32
  }
  func.func @transform_4(%arg0: i32) -> (i32, i32) {
    %c0_i32 = arith.constant 0 : i32
    %c0_i32_0 = arith.constant 0 : i32
    %c0_i32_1 = arith.constant 0 : i32
    return %c0_i32, %c0_i32_0 : i32, i32
  }
  func.func @transform_5(%arg0: i32) -> (i32, i32) {
    %c0_i32 = arith.constant 0 : i32
    %c0_i32_0 = arith.constant 0 : i32
    %c0_i32_1 = arith.constant 0 : i32
    return %c0_i32, %c0_i32_0 : i32, i32
  }
  func.func @transform_6(%arg0: i32) -> (i32, i32) {
    %c0_i32 = arith.constant 0 : i32
    %c0_i32_0 = arith.constant 0 : i32
    %c0_i32_1 = arith.constant 0 : i32
    return %c0_i32, %c0_i32_0 : i32, i32
  }
  func.func @transform_7(%arg0: i32) -> (i32, i32) {
    %c0_i32 = arith.constant 0 : i32
    %c0_i32_0 = arith.constant 0 : i32
    return %arg0, %c0_i32 : i32, i32
  }
}

</mosaic_0001>

<sc_bundles>
// kernel: kernel.10.cloned.1.call-start
scs
__scs_entry_jumppad:
0x0: {  	(pc) =	sbr.rel $0x88, $3  }
0x1: {  	(tag) =	ssettag $0x0;
	lr =	simm.s32 $0x1  }
0x2: {  	[smem:$0x3F93] =	sst lr;
	_ =	strace $0xD0000000  }
0x3: {  	_ = 	snop  }
0x4: {  	_ = 	snop  }
0x5: {  	_ = 	snop  }
0x6: {  	_ = 	snop  }
0x7: {  	_ = 	snop  }
__scs_overlays_trampoline_lowered:
0x8: {  	[smem:$0x3FA2] =	sst s0  }
0x9: {  	[smem:$0x3FA3] =	sst s1  }
0xa: {  	[smem:$0x3FA4] =	sst s2  }
0xb: {  	[smem:$0x3FA5] =	sst s3  }
0xc: {  	[smem:$0x3FA6] =	sst s4  }
0xd: {  	[smem:$0x3FA7] =	sst s5  }
0xe: {  	[smem:$0x3FA8] =	sst s6  }
0xf: {  	[smem:$0x3FA9] =	sst s7  }
0x10: {  	[smem:$0x3FAA] =	sst s8  }
0x11: {  	[smem:$0x3FAB] =	sst s9;
	s0 =	simm.s32 @!p0 $0x0  }
0x12: {  	s1 =	sld [smem:$0x3F91];
	s0 =	simm.s32 @p0 $0x1  }
0x13: {  	[smem:$0x3FAC] =	sst s0;
	s0 =	simm.s32 @!p1 $0x0  }
0x14: {  	s2 =	sld [smem:$0x3F90];
	s0 =	simm.s32 @p1 $0x1  }
0x15: {  	[smem:$0x3FAD] =	sst s0;
	s0 =	simm.s32 @!p2 $0x0  }
0x16: {  	s3 =	sld [smem:$0x3FDB];
	s0 =	simm.s32 @p2 $0x1  }
0x17: {  	s4 =	simm.s32 $0x1BF5;
	[smem:$0x3FAF] =	sst s0  }
0x18: {  	s0 =	sld [smem:$0x3F92];
	_ =	swait.ge [sflag:s4], $0x0  }
0x19: {  	s7 =	sld [smem:$0x3F93]  }
0x1a: {  	s8 =	sadd.s32 $0xFFFFE003, lr  }
0x1b: {  	s9 =	sadd.s32 $0xFFFFFEF7, lr;
	s5 =	simm.s32 $0xFFFFFFFF;
	p2 =	slt.u32 s8, $0xFFFFF086  }
0x1c: {  	p1 =	slt.u32 s9, $0xF7A;
	s5 =	simm.s32 @!p2 $0x0  }
0x1d: {  	s5 =	simm.s32 @p1 $0x1;
	p0 =	seq.s32 s7, s2  }
0x1e: {  	s7 =	smul.u32 @!p0 $0xF7A, s2;
	p2 =	seq.s32 @!p0 s5, $0x0  }
0x1f: {  	s9 =	smul.u32 $0xF7A, s1;
	s8 =	simm.s32 @!p0 $0x1BF5;
	p2 =	por !p2, p0  }
0x20: {  	[sflag:s8] =	ssyncset.s32 @!p0 $0xFFFFF086;
	s6 =	sadd.s32 @!p0 s3, s7;
	s7 =	simm.s32 @!p0 $0x108  }
0x21: {  	s3 =	sadd.s32 s3, s9;
	s6 =	sadd.s32 @!p0 $0x88, s6;
	s7 =	simm.s32 @p2 $0x1082  }
0x22: {  	[simem:s7], [sflag:s8] =	dma.local @!p0 [hbm:s6], $0xF7A  }
0x23: {  	s9 =	sor.u32 $0xD0000000, s2;
	s6 =	simm.s32 $0x108;
	_ =	swait.ge @!p0 [sflag:s8], $0x0  }
0x24: {  	s3 =	sadd.s32 $0x88, s3;
	s6 =	simm.s32 @!p1 $0x1082;
	[sflag:s4] =	ssyncset.s32 $0xFFFFF086  }
0x25: {  	[simem:s6], [sflag:s4] =	dma.local [hbm:s3], $0xF7A  }
0x26: {  	[smem:$0x3F93] =	sst s1;
	(tag) =	ssettag s2;
	_ =	strace s9  }
0x27: {  	s1 =	sld [smem:$0x3FA3]  }
0x28: {  	s2 =	sld [smem:$0x3FA4]  }
0x29: {  	s4 =	sld [smem:$0x3FA6]  }
0x2a: {  	p0 =	seq.s32 s5, $0x0;
	s5 =	sld [smem:$0x3FA7]  }
0x2b: {  	s6 =	sld [smem:$0x3FA8]  }
0x2c: {  	s7 =	sld [smem:$0x3FA9]  }
0x2d: {  	s3 =	simm.s32 $0x108;
	s8 =	sld [smem:$0x3FAA]  }
0x2e: {  	s3 =	simm.s32 @!p0 $0x1082;
	s9 =	sld [smem:$0x3FAB]  }
0x2f: {  	lr =	sadd.s32 s0, s3;
	s0 =	sld [smem:$0x3FA2]  }
0x30: {  	s3 =	sld [smem:$0x3FA5]  }
0x31: {  	[smem:$0x3FAE] =	sst s10  }
0x32: {  	s10 =	sld [smem:$0x3FAC];
	_ =	sdelay $0x3  }
0x33: {  	p0 =	seq.s32 s10, $0x1;
	s10 =	sld [smem:$0x3FAE];
	_ =	sdelay $0x3  }
0x34: {  	[smem:$0x3FAE] =	sst s10  }
0x35: {  	s10 =	sld [smem:$0x3FAD];
	_ =	sdelay $0x3  }
0x36: {  	p1 =	seq.s32 s10, $0x1;
	s10 =	sld [smem:$0x3FAE];
	_ =	sdelay $0x3  }
0x37: {  	[smem:$0x3FAE] =	sst s10  }
0x38: {  	s10 =	sld [smem:$0x3FAF]  }
0x39: {  	_ = 	snop;
	(pc) =	sbr.ind lr, $3  }
0x3a: {  	_ = 	snop  }
0x3b: {  	_ = 	snop  }
0x3c: {  	p2 =	seq.s32 s10, $0x1;
	s10 =	sld [smem:$0x3FAE]  }
0x3d: {  	_ =	shalt  }
0x3e: {  	_ =	shalt  }
0x3f: {  	_ =	shalt  }
0x40: {  	_ =	shalt  }
0x41: {  	_ =	shalt  }
0x42: {  	_ =	shalt  }
0x43: {  	_ =	shalt  }
0x44: {  	_ =	shalt  }
0x45: {  	_ =	shalt  }
0x46: {  	_ =	shalt  }
0x47: {  	_ =	shalt  }
0x48: {  	_ =	shalt  }
0x49: {  	_ =	shalt  }
0x4a: {  	_ =	shalt  }
0x4b: {  	_ =	shalt  }
0x4c: {  	_ =	shalt  }
0x4d: {  	_ =	shalt  }
0x4e: {  	_ =	shalt  }
0x4f: {  	_ =	shalt  }
0x50: {  	_ =	shalt  }
0x51: {  	_ =	shalt  }
0x52: {  	_ =	shalt  }
0x53: {  	_ =	shalt  }
0x54: {  	_ =	shalt  }
0x55: {  	_ =	shalt  }
0x56: {  	_ =	shalt  }
0x57: {  	_ =	shalt  }
0x58: {  	_ =	shalt  }
0x59: {  	_ =	shalt  }
0x5a: {  	_ =	shalt  }
0x5b: {  	_ =	shalt  }
0x5c: {  	_ =	shalt  }
0x5d: {  	_ =	shalt  }
0x5e: {  	_ =	shalt  }
0x5f: {  	_ =	shalt  }
0x60: {  	_ =	shalt  }
0x61: {  	_ =	shalt  }
0x62: {  	_ =	shalt  }
0x63: {  	_ =	shalt  }
0x64: {  	_ =	shalt  }
0x65: {  	_ =	shalt  }
0x66: {  	_ =	shalt  }
0x67: {  	_ =	shalt  }
0x68: {  	_ =	shalt  }
0x69: {  	_ =	shalt  }
0x6a: {  	_ =	shalt  }
0x6b: {  	_ =	shalt  }
0x6c: {  	_ =	shalt  }
0x6d: {  	_ =	shalt  }
0x6e: {  	_ =	shalt  }
0x6f: {  	_ =	shalt  }
0x70: {  	_ =	shalt  }
0x71: {  	_ =	shalt  }
0x72: {  	_ =	shalt  }
0x73: {  	_ =	shalt  }
0x74: {  	_ =	shalt  }
0x75: {  	_ =	shalt  }
0x76: {  	_ =	shalt  }
0x77: {  	_ =	shalt  }
0x78: {  	_ =	shalt  }
0x79: {  	_ =	shalt  }
0x7a: {  	_ =	shalt  }
0x7b: {  	_ =	shalt  }
0x7c: {  	_ =	shalt  }
0x7d: {  	_ =	shalt  }
0x7e: {  	_ =	shalt  }
0x7f: {  	_ =	shalt  }
0x80: {  	_ =	shalt  }
0x81: {  	_ =	shalt  }
0x82: {  	_ =	shalt  }
0x83: {  	_ =	shalt  }
0x84: {  	_ =	shalt  }
0x85: {  	_ =	shalt  }
0x86: {  	_ =	shalt  }
0x87: {  	_ =	shalt  }
.Lfunc_end0:
.L_simem_size_0:
called_computation_lowered:
.L_overlay_start_0:
0x88: {  	s2 =	sld [smem:$0x3FD9]  }
0x89: {  	s3 =	sld [smem:$0x3FFE];
	_ =	sdelay $0x1  }
0x8a: {  	s1 =	srdreg.scid  }
0x8b: {  	s0 =	sand.u32 $0x1, s1  }
0x8c: {  	s17 =	sshll.u32 s0, $0xA;
	s2 =	sadd.s32 s3, s2  }
0x8d: {  	s2 =	sadd.s32 s2, s17  }
0x8e: {  	[smem:$0x3FBA] =	sst s2  }
0x8f: {  	_ = 	snop  }
0x90: {  	s2 =	sld [smem:$0x3FC9]  }
0x91: {  	s18 =	sld [smem:$0x3FD0];
	(tm) =	ssettm $0x1  }
0x92: {  	s4 =	sld [smem:$0x3FFB];
	_ =	sdelay $0x3  }
0x93: {  	_ =	strace s4  }
0x94: {  	s4 =	sld [smem:$0x3FFC];
	_ =	sdelay $0x3  }
0x95: {  	_ =	strace s4  }
0x96: {  	s4 =	sld [smem:$0x3FFD];
	_ =	sdelay $0x3  }
0x97: {  	_ =	strace s4  }
0x98: {  	_ =	strace $0x8FFFFFFF  }
0x99: {  	s19 =	sld [smem:$0x3FDB];
	_ =	sdelay $0x1  }
0x9a: {  	s5 =	simm.s32 $_scs_section_size  }
0x9b: {  	s6 =	simm.s32 $_size__tile_overlayer_lowered;
	s7 =	simm.s32 $_tile_overlayer_lowered  }
0x9c: {  	s22 =	simm.s32 $0x1BFF;
	s21 =	sshll.u32 s7, $0x1;
	s4 =	sadd.s32 s5, s19  }
0x9d: {  	s8 =	simm.s32 $0x0;
	s20 =	sshll.u32 s6, $0x1;
	s6 =	sadd.s32 s21, s4  }
0x9e: {  	[timem:s8], [sflag:s22] =	dma.local [hbm:s6], s20  }
0x9f: {  	_ =	swait.ge [sflag:s22], s20  }
0xa0: {  	s5 =	ssub.s32 $0x0, s20;
	[sflag:s22] =	ssyncset.done $0x0  }
0xa1: {  	[sflag:s22] =	ssyncadd.s32 s5;
	_ =	sdelay $0x1  }
0xa2: {  	s23 =	simm.s32 $0x1B8B  }
0xa3: {  	_ =	swait.ge [sflag:s23], $0x1  }
0xa4: {  	[sflag:s23] =	ssyncset.done $0x0  }
0xa5: {  	s25 =	simm.s32 $0x1B8E;
	s24 =	sld [smem:$0x3FFE];
	[sflag:s23] =	ssyncadd.s32 $0xFFFFFFFF  }
0xa6: {  	s26 =	simm.s32 $execute0_lowered;
	[smem:$0x3FD2] =	sst s25  }
0xa7: {  	s6 =	sshll.u32 s26, $0x1;
	_ =	strace $0x80000046;
	[dreg:$0x1] =	wrdreg $0xFFFFFFFF  }
0xa8: {  	s28 =	simm.s32 $_size_execute0_lowered;
	s4 =	sadd.s32 s4, s6;
	[dreg:$0x0] =	wrdreg $0x0  }
0xa9: {  	s6 =	sshll.u32 s28, $0x1;
	[dreg:$0x2] =	wrdreg s4  }
0xaa: {  	[dreg:$0x3] =	wrdreg s6  }
0xab: {  	[dreg:$0x4] =	wrdreg $0xC0  }
0xac: {  	_ =	task [dreg:s8], $0x5FFFF  }
0xad: {  	[dreg:$0x1] =	wrdreg $0xFFFFFFFF  }
0xae: {  	[dreg:$0x0] =	wrdreg $0x60  }
0xaf: {  	[dreg:$0x2] =	wrdreg s2  }
0xb0: {  	[dreg:$0x3] =	wrdreg s18  }
0xb1: {  	[dreg:$0x4] =	wrdreg s24  }
0xb2: {  	[dreg:$0x5] =	wrdreg $0x0  }
0xb3: {  	[dreg:$0x6] =	wrdreg $0x1C0000  }
0xb4: {  	[dreg:$0x7] =	wrdreg $0x9  }
0xb5: {  	_ =	task.clear_ibuf [dreg:s8], $0x8FFFF;
	_ =	strace $0x90000046  }
0xb6: {  	s29 =	simm.s32 $0x9;
	_ =	strace $0x80000048  }
0xb7: {  	_ =	swait.ge [sflag:s29], $0x1  }
0xb8: {  	[sflag:s29] =	ssyncadd.s32 $0xFFFFFFFF  }
0xb9: {  	_ =	strace $0x90000048  }
0xba: {  	_ =	sfence  }
0xbb: {  	s30 =	sld [smem:$0x0];
	_ =	sdelay $0x2  }
0xbc: {  	s31 =	sshll.u32 s1, $0xD;
	s1 =	sshrl.u32 s1, $0x2  }
0xbd: {  	s3 =	sand.u32 $0x4000, s31;
	s1 =	sadd.s32 s1, s30  }
0xbe: {  	s0 =	sor.u32 s3, s0;
	s1 =	sshll.u32 s1, $0x11  }
0xbf: {  	s0 =	sor.u32 s1, s0  }
0xc0: {  	s0 =	sadd.s32 $0x8F2B, s0  }
0xc1: {  	[sflag:s0] =	ssyncadd.remote.s32 $0x1  }
0xc2: {  	_ =	sfence.sel $0xFFFF  }
0xc3: {  	[dreg:$0x0] =	wrdreg $0xFFFFFFFF;
	(pc) =	sbr.abs _section_cstart, $3  }
0xc4: {  	[dreg:$0x1] =	wrdreg $0xFFFFFFFF  }
0xc5: {  	_ =	task.clear_ibuf [dreg:s8], $0x2FFFF;
	_ =	strace $0x9FFFFFFF  }
0xc6: {  	(tm) =	ssettm $0x7FFFFFFF  }
0xc7: {  	_ =	shalt  }
tec
execute0_lowered:
.L_overlay_start_1:
0x0: {  	(tag) =	ssettag $0x1  }
0x1: {  	s0 =	rddreg [dreg:$0x1]  }
0x2: {  	s2 =	rddreg [dreg:$0x2]  }
0x3: {  	s30 =	rddreg [dreg:$0x3]  }
0x4: {  	s4 =	rddreg [dreg:$0x4]  }
0x5: {  	s17 =	stileid.u32;
	s7 =	srdreg.scid  }
0x6: {  	s5 =	simm.s32 $0x0;
	s28 =	simm.s32 $0x1BC00;
	s6 =	smul.u32 $0x13C00, s17  }
0x7: {  	s29 =	simm.s32 $0x1BD80;
	s8 =	smul.u32 $0x2780, s17;
	s7 =	sand.u32 $0x1, s7  }
0x8: {  	[smem:$0x7FF] =	sst s5;
	s10 =	sadd.s32 $0x4800, s2;
	s20 =	smul.u32 $0x50, s17  }
0x9: {  	s14 =	sadd.s32 $0x3B200, s2;
	s19 =	sshll.u32 s17, $0x6;
	s9 =	smul.u32 $0x13C000, s7  }
0xa: {  	_ =	strace $0x80000047;
	s13 =	smul.u32 $0x27800, s7;
	[dreg:$0xc] =	wrdreg s14  }
0xb: {  	s18 =	sshll.u32 s7, $0x4;
	s15 =	ssub.s32 $0x2, s7;
	s7 =	smul.u32 $0x500, s7  }
0xc: {  	s22 =	sor.u32 $0x1C0D, s19;
	s11 =	sshrl.u32 s6, $0x3;
	s12 =	sshrl.u32 s8, $0x3  }
0xd: {  	s14 =	sor.u32 s17, s18;
	s16 =	sshrl.u32 s15, $0x1;
	s21 =	sadd.s32 s8, s4  }
0xe: {  	[dreg:$0xf] =	wrdreg s22;
	s11 =	sadd.s32 s11, s2;
	s9 =	sadd.s32 s6, s9  }
0xf: {  	s12 =	sadd.s32 s12, s2;
	s13 =	sadd.s32 s8, s13;
	s14 =	smul.u32 $0x500, s14  }
0x10: {  	s6 =	sadd.s32 s6, s30;
	[dreg:$0x10] =	wrdreg s21;
	s25 =	sadd.s32 s20, s7  }
0x11: {  	s9 =	sshrl.u32 s9, $0x3;
	[dreg:$0xd] =	wrdreg s6;
	s11 =	sadd.s32 $0xEA00, s11  }
0x12: {  	s13 =	sshrl.u32 s13, $0x3;
	s23 =	sadd.s32 $0x36200, s12;
	[dreg:$0xe] =	wrdreg s11  }
0x13: {  	s6 =	sshll.u32 s25, $0x4;
	[dreg:$0x11] =	wrdreg s23;
	s24 =	sadd.s32 s0, s14  }
0x14: {  	s9 =	sadd.s32 s9, s2;
	s26 =	sadd.s32 s10, s14;
	[dreg:$0x12] =	wrdreg s24  }
0x15: {  	s2 =	sadd.s32 s13, s2;
	s8 =	sadd.s32 s6, s0;
	[dreg:$0x13] =	wrdreg s26  }
0x16: {  	s1 =	sor.u32 $0x10, s14;
	s11 =	sadd.s32 s6, s10;
	[dreg:$0x6] =	wrdreg s8  }
0x17: {  	s13 =	ssub.s32 s15, s16;
	s3 =	sadd.s32 s0, s1;
	[dreg:$0x7] =	wrdreg s11  }
0x18: {  	s12 =	sor.u32 $0x60, s6;
	s7 =	sadd.s32 s10, s1;
	[dreg:$0x14] =	wrdreg s3  }
0x19: {  	s15 =	sor.u32 $0x20, s14;
	s16 =	sadd.s32 s12, s0;
	[dreg:$0x15] =	wrdreg s7  }
0x1a: {  	s31 =	simm.s32 $0x1BE00;
	s17 =	sadd.s32 s0, s15;
	[dreg:$0x8] =	wrdreg s16  }
0x1b: {  	s20 =	sor.u32 $0x30, s14;
	s19 =	sadd.s32 s10, s15;
	[dreg:$0x16] =	wrdreg s17  }
0x1c: {  	s6 =	sor.u32 $0x40, s6;
	s18 =	sadd.s32 s12, s10;
	[dreg:$0x17] =	wrdreg s19  }
0x1d: {  	s14 =	simm.s32 $0x3;
	s21 =	sadd.s32 s0, s20;
	[dreg:$0x9] =	wrdreg s18  }
0x1e: {  	s23 =	sadd.s32 s10, s20;
	s24 =	sadd.s32 $0x45200, s9;
	[dreg:$0x18] =	wrdreg s21  }
0x1f: {  	s2 =	sadd.s32 $0x3B400, s2;
	s0 =	sadd.s32 s6, s0;
	[dreg:$0x19] =	wrdreg s23  }
0x20: {  	s25 =	smax.u32 s13, $0x1;
	s26 =	sadd.s32 s6, s10;
	[dreg:$0x1a] =	wrdreg s24  }
0x21: {  	s15 =	simm.s32 $0x1BF00;
	s6 =	simm.s32 $0x5;
	[dreg:$0x1b] =	wrdreg s2  }
0x22: {  	s10 =	simm.s32 $0x6;
	s12 =	simm.s32 $0x1;
	[dreg:$0x1c] =	wrdreg s25  }
0x23: {  	s13 =	simm.s32 $0x2;
	s20 =	simm.s32 $0x9;
	[dreg:$0xa] =	wrdreg s0  }
0x24: {  	s1 =	simm.s32 $0xB;
	[dreg:$0xb] =	wrdreg s26;
	s23 =	simm.s32 $0xD  }
0x25: {  	s3 =	simm.s32 $0x1E780;
	s25 =	simm.s32 $0x1BC80;
	s2 =	simm.s32 $0x1BE80  }
0x26: {  	s18 =	simm.s32 $0x1BF80;
	s7 =	simm.s32 $0x80;
	s24 =	simm.s32 $0x13C00  }
0x27: {  	s16 =	simm.s32 $0x7;
	s17 =	simm.s32 $0x4;
	s21 =	simm.s32 $0xA  }
0x28: {  	s19 =	simm.s32 $0x8;
	s26 =	simm.s32 $0xC;
	s0 =	simm.s32 $0x0  }
.LBB2_1:
0x29: {  	[dreg:$0x1d] =	wrdreg s0  }
0x2a: {  	s9 =	rddreg [dreg:$0xd]  }
0x2b: {  	s11 =	rddreg [dreg:$0xe];
	s9 =	sshrl.u32 s9, $0x3  }
0x2c: {  	[dreg:$0x1e] =	wrdreg s9  }
0x2d: {  	[spmem:s9], [sflag:s22] =	dma.local [hbm:s11], $0x2780  }
0x2e: {  	_ =	swait.ge [sflag:s23], $0x2780  }
0x2f: {  	s8 =	rddreg [dreg:$0x10]  }
0x30: {  	[sflag:s23] =	ssyncset.done $0x0;
	s11 =	rddreg [dreg:$0x11];
	s9 =	sshrl.u32 s8, $0x3  }
0x31: {  	[sflag:s23] =	ssyncadd.s32 $0xFFFFD880;
	[dreg:$0x1f] =	wrdreg s9  }
0x32: {  	[spmem:s9], [sflag:s22] =	dma.local [hbm:s11], $0x4F0  }
0x33: {  	_ =	swait.ge [sflag:s23], $0x4F0  }
0x34: {  	[sflag:s23] =	ssyncset.done $0x0  }
0x35: {  	s0 =	rddreg [dreg:$0xc];
	[sflag:s23] =	ssyncadd.s32 $0xFFFFFB10  }
0x36: {  	[tilespmem:s3], [sflag:$0xD] =	stream.linear.gather [hbm4b:s0+s5], $0x800, $0x38;
	[tilespmem:$0x1EF80] =	vst v63  }
0x37: {  	_ =	swait.ge [sflag:s23], $0x800  }
0x38: {  	[sflag:s23] =	ssyncset.done $0x0  }
0x39: {  	[sflag:s23] =	ssyncadd.s32 $0xFFFFF800  }
0x3a: {  	[bflag:$0x0] =	sbarrier.arrive $0xFFFF  }
0x3b: {  	s3 =	rddreg [dreg:$0x12]  }
0x3c: {  	[tilespmem:s28], [sflag:$0x5] =	stream.linear.gather [hbm4b:s3+s5], $0x80, $0x38;
	[tilespmem:$0x1EF80] =	vst v63  }
0x3d: {  	s8 =	rddreg [dreg:$0x13]  }
0x3e: {  	[tilespmem:s25], [sflag:$0x5] =	stream.linear.gather [hbm4b:s8+s5], $0x80, $0x38;
	[tilespmem:$0x1EF80] =	vst v63  }
0x3f: {  	s0 =	simm.s32 $0x1BD00;
	s11 =	rddreg [dreg:$0x14]  }
0x40: {  	[tilespmem:s0], [sflag:$0x6] =	stream.linear.gather [hbm4b:s11+s5], $0x80, $0x38;
	[tilespmem:$0x1EF80] =	vst v63  }
0x41: {  	s22 =	rddreg [dreg:$0x15]  }
0x42: {  	[tilespmem:s29], [sflag:$0x6] =	stream.linear.gather [hbm4b:s22+s5], $0x80, $0x38;
	[tilespmem:$0x1EF80] =	vst v63  }
0x43: {  	s23 =	rddreg [dreg:$0x16]  }
0x44: {  	[tilespmem:s31], [sflag:$0x7] =	stream.linear.gather [hbm4b:s23+s5], $0x80, $0x38;
	[tilespmem:$0x1EF80] =	vst v63  }
0x45: {  	s3 =	rddreg [dreg:$0x17]  }
0x46: {  	[tilespmem:s2], [sflag:$0x7] =	stream.linear.gather [hbm4b:s3+s5], $0x80, $0x38;
	[tilespmem:$0x1EF80] =	vst v63  }
0x47: {  	s8 =	rddreg [dreg:$0x18]  }
0x48: {  	[tilespmem:s15], [sflag:$0x8] =	stream.linear.gather [hbm4b:s8+s5], $0x80, $0x38;
	[tilespmem:$0x1EF80] =	vst v63  }
0x49: {  	s11 =	rddreg [dreg:$0x19]  }
0x4a: {  	[tilespmem:s18], [sflag:$0x8] =	stream.linear.gather [hbm4b:s11+s5], $0x80, $0x38;
	[tilespmem:$0x1EF80] =	vst v63  }
0x4b: {  	_ =	swait.ge [sflag:s6], $0x80  }
0x4c: {  	[sflag:s6] =	ssyncset.done $0x0  }
0x4d: {  	[sflag:s6] =	ssyncadd.s32 $0xFFFFFF80  }
0x4e: {  	_ =	swait.ge [sflag:s6], $0x80  }
0x4f: {  	[sflag:s6] =	ssyncset.done $0x0  }
0x50: {  	[sflag:s6] =	ssyncadd.s32 $0xFFFFFF80  }
0x51: {  	s3 =	rddreg [dreg:$0x0]  }
0x52: {  	[tilespmem:s24], [sflag:$0x1] =	stream.indirect.gather [hbm4b:s3+s7], $0x80, s28, s7, $0xb8;
	[tilespmem:$0x1EF80] =	vst v63  }
0x53: {  	_ =	swait.ge [sflag:s10], $0x80  }
0x54: {  	[sflag:s10] =	ssyncset.done $0x0  }
0x55: {  	[sflag:s10] =	ssyncadd.s32 $0xFFFFFF80  }
0x56: {  	_ =	swait.ge [sflag:s10], $0x80  }
0x57: {  	[sflag:s10] =	ssyncset.done $0x0  }
0x58: {  	s8 =	simm.s32 $0x17C00;
	[sflag:s10] =	ssyncadd.s32 $0xFFFFFF80  }
0x59: {  	[tilespmem:s8], [sflag:$0x2] =	stream.indirect.gather [hbm4b:s3+s7], $0x80, s0, s7, $0xb8;
	[tilespmem:$0x1EF80] =	vst v63  }
0x5a: {  	_ =	swait.ge [sflag:s12], $0x4000  }
0x5b: {  	[sflag:s12] =	ssyncset.done $0x0  }
0x5c: {  	[sflag:s12] =	ssyncadd.s32 $0xFFFFC000  }
0x5d: {  	[spmem:s30] =	stream.indirect.scatter.add.f32 [tilespmem:s24], [sflag:$0x3], $0x80, s25, s7, $0xb8;
	[tilespmem:$0x1EF80] =	vst v63  }
0x5e: {  	s11 =	simm.s32 $0x1E780  }
0x5f: {  	[spmem:s4] =	stream.indirect.scatter.add.f32 [tilespmem:s11], [sflag:$0x9], $0x10, s25, s7, $0xb8;
	[tilespmem:$0x1EF80] =	vst v63  }
0x60: {  	_ =	swait.ge [sflag:s13], $0x4000  }
0x61: {  	[sflag:s13] =	ssyncset.done $0x0  }
0x62: {  	[sflag:s13] =	ssyncadd.s32 $0xFFFFC000  }
0x63: {  	[spmem:s30] =	stream.indirect.scatter.add.f32 [tilespmem:s8], [sflag:$0x4], $0x80, s29, s7, $0xb8;
	[tilespmem:$0x1EF80] =	vst v63  }
0x64: {  	_ = 	snop  }
0x65: {  	[spmem:s4] =	stream.indirect.scatter.add.f32 [tilespmem:s11], [sflag:$0xA], $0x10, s29, s7, $0xb8;
	[tilespmem:$0x1EF80] =	vst v63  }
0x66: {  	_ =	swait.ge [sflag:s14], $0x4000  }
0x67: {  	[sflag:s14] =	ssyncset.done $0x0  }
0x68: {  	[sflag:s14] =	ssyncadd.s32 $0xFFFFC000  }
0x69: {  	_ =	swait.ge [sflag:s20], $0x800  }
0x6a: {  	s22 =	rddreg [dreg:$0xa];
	[sflag:s20] =	ssyncset.done $0x0  }
0x6b: {  	s23 =	rddreg [dreg:$0xb];
	[sflag:s20] =	ssyncadd.s32 $0xFFFFF800;
	s9 =	sadd.s32 $0x0, s22  }
0x6c: {  	[tilespmem:s28], [sflag:$0x5] =	stream.linear.gather [hbm4b:s9+s5], $0x80, $0x38;
	[tilespmem:$0x1EF80] =	vst v63  }
0x6d: {  	s20 =	sadd.s32 $0x0, s23  }
0x6e: {  	[tilespmem:s25], [sflag:$0x5] =	stream.linear.gather [hbm4b:s20+s5], $0x80, $0x38;
	[tilespmem:$0x1EF80] =	vst v63  }
0x6f: {  	_ =	swait.ge [sflag:s16], $0x80  }
0x70: {  	[sflag:s16] =	ssyncset.done $0x0  }
0x71: {  	[sflag:s16] =	ssyncadd.s32 $0xFFFFFF80  }
0x72: {  	_ =	swait.ge [sflag:s16], $0x80  }
0x73: {  	[sflag:s16] =	ssyncset.done $0x0  }
0x74: {  	[sflag:s16] =	ssyncadd.s32 $0xFFFFFF80  }
0x75: {  	[tilespmem:s24], [sflag:$0x1] =	stream.indirect.gather [hbm4b:s3+s7], $0x80, s31, s7, $0xb8;
	[tilespmem:$0x1EF80] =	vst v63  }
0x76: {  	_ =	swait.ge [sflag:s17], $0x4000  }
0x77: {  	[sflag:s17] =	ssyncset.done $0x0  }
0x78: {  	[sflag:s17] =	ssyncadd.s32 $0xFFFFC000  }
0x79: {  	_ =	swait.ge [sflag:s21], $0x800  }
0x7a: {  	s22 =	rddreg [dreg:$0x6]  }
0x7b: {  	s23 =	rddreg [dreg:$0x7];
	[sflag:s21] =	ssyncset.done $0x0;
	s9 =	sadd.s32 $0x0, s22  }
0x7c: {  	[sflag:s21] =	ssyncadd.s32 $0xFFFFF800;
	s22 =	sadd.s32 $0x0, s23;
	s25 =	sadd.s32 $0x50, s9  }
0x7d: {  	[tilespmem:s0], [sflag:$0x6] =	stream.linear.gather [hbm4b:s25+s5], $0x80, $0x38;
	[tilespmem:$0x1EF80] =	vst v63  }
0x7e: {  	s0 =	sadd.s32 $0x50, s22  }
0x7f: {  	[tilespmem:s29], [sflag:$0x6] =	stream.linear.gather [hbm4b:s0+s5], $0x80, $0x38;
	[tilespmem:$0x1EF80] =	vst v63  }
0x80: {  	_ =	swait.ge [sflag:s19], $0x80  }
0x81: {  	[sflag:s19] =	ssyncset.done $0x0  }
0x82: {  	[sflag:s19] =	ssyncadd.s32 $0xFFFFFF80  }
0x83: {  	_ =	swait.ge [sflag:s19], $0x80  }
0x84: {  	[sflag:s19] =	ssyncset.done $0x0  }
0x85: {  	[sflag:s19] =	ssyncadd.s32 $0xFFFFFF80  }
0x86: {  	[tilespmem:s8], [sflag:$0x2] =	stream.indirect.gather [hbm4b:s3+s7], $0x80, s15, s7, $0xb8;
	[tilespmem:$0x1EF80] =	vst v63  }
0x87: {  	_ =	swait.ge [sflag:s12], $0x4000  }
0x88: {  	[sflag:s12] =	ssyncset.done $0x0  }
0x89: {  	[sflag:s12] =	ssyncadd.s32 $0xFFFFC000  }
0x8a: {  	[spmem:s30] =	stream.indirect.scatter.add.f32 [tilespmem:s24], [sflag:$0x3], $0x80, s2, s7, $0xb8;
	[tilespmem:$0x1EF80] =	vst v63  }
0x8b: {  	_ = 	snop  }
0x8c: {  	[spmem:s4] =	stream.indirect.scatter.add.f32 [tilespmem:s11], [sflag:$0xB], $0x10, s2, s7, $0xb8;
	[tilespmem:$0x1EF80] =	vst v63  }
0x8d: {  	_ =	swait.ge [sflag:s13], $0x4000  }
0x8e: {  	[sflag:s13] =	ssyncset.done $0x0  }
0x8f: {  	[sflag:s13] =	ssyncadd.s32 $0xFFFFC000  }
0x90: {  	[spmem:s30] =	stream.indirect.scatter.add.f32 [tilespmem:s8], [sflag:$0x4], $0x80, s18, s7, $0xb8;
	[tilespmem:$0x1EF80] =	vst v63  }
0x91: {  	_ = 	snop  }
0x92: {  	[spmem:s4] =	stream.indirect.scatter.add.f32 [tilespmem:s11], [sflag:$0xC], $0x10, s18, s7, $0xb8;
	[tilespmem:$0x1EF80] =	vst v63  }
0x93: {  	_ =	swait.ge [sflag:s14], $0x4000  }
0x94: {  	[sflag:s14] =	ssyncset.done $0x0  }
0x95: {  	[sflag:s14] =	ssyncadd.s32 $0xFFFFC000  }
0x96: {  	_ =	swait.ge [sflag:s1], $0x800  }
0x97: {  	s20 =	rddreg [dreg:$0x8];
	[sflag:s1] =	ssyncset.done $0x0  }
0x98: {  	s21 =	rddreg [dreg:$0x9];
	[sflag:s1] =	ssyncadd.s32 $0xFFFFF800;
	s23 =	sadd.s32 $0x0, s20  }
0x99: {  	[tilespmem:s31], [sflag:$0x7] =	stream.linear.gather [hbm4b:s23+s5], $0x80, $0x38;
	[tilespmem:$0x1EF80] =	vst v63  }
0x9a: {  	s29 =	sadd.s32 $0x0, s21  }
0x9b: {  	[tilespmem:s2], [sflag:$0x7] =	stream.linear.gather [hbm4b:s29+s5], $0x80, $0x38;
	[tilespmem:$0x1EF80] =	vst v63  }
0x9c: {  	_ =	swait.ge [sflag:s6], $0x80  }
0x9d: {  	[sflag:s6] =	ssyncset.done $0x0  }
0x9e: {  	[sflag:s6] =	ssyncadd.s32 $0xFFFFFF80  }
0x9f: {  	_ =	swait.ge [sflag:s6], $0x80  }
0xa0: {  	[sflag:s6] =	ssyncset.done $0x0  }
0xa1: {  	[sflag:s6] =	ssyncadd.s32 $0xFFFFFF80  }
0xa2: {  	[tilespmem:s24], [sflag:$0x1] =	stream.indirect.gather [hbm4b:s3+s7], $0x80, s28, s7, $0xb8;
	[tilespmem:$0x1EF80] =	vst v63  }
0xa3: {  	_ =	swait.ge [sflag:s17], $0x4000  }
0xa4: {  	[sflag:s17] =	ssyncset.done $0x0  }
0xa5: {  	[sflag:s17] =	ssyncadd.s32 $0xFFFFC000  }
0xa6: {  	_ =	swait.ge [sflag:s26], $0x800  }
0xa7: {  	[sflag:s26] =	ssyncset.done $0x0  }
0xa8: {  	s9 =	sadd.s32 $0x70, s9;
	[sflag:s26] =	ssyncadd.s32 $0xFFFFF800  }
0xa9: {  	[tilespmem:s15], [sflag:$0x8] =	stream.linear.gather [hbm4b:s9+s5], $0x80, $0x38;
	[tilespmem:$0x1EF80] =	vst v63  }
0xaa: {  	s31 =	sadd.s32 $0x70, s22  }
0xab: {  	[tilespmem:s18], [sflag:$0x8] =	stream.linear.gather [hbm4b:s31+s5], $0x80, $0x38;
	[tilespmem:$0x1EF80] =	vst v63  }
0xac: {  	_ =	swait.ge [sflag:s10], $0x80  }
0xad: {  	s20 =	simm.s32 $0x9;
	s21 =	simm.s32 $0xA;
	[sflag:s10] =	ssyncset.done $0x0  }
0xae: {  	s1 =	simm.s32 $0xB;
	s26 =	smov.u32 s4;
	[sflag:s10] =	ssyncadd.s32 $0xFFFFFF80  }
0xaf: {  	s4 =	smov.u32 s30;
	s9 =	simm.s32 $0x40;
	_ =	swait.ge [sflag:s10], $0x80  }
0xb0: {  	s15 =	simm.s32 $0xC;
	s18 =	simm.s32 $0x1BF80;
	[sflag:s10] =	ssyncset.done $0x0  }
.LBB2_2:
0xb1: {  	[sflag:s10] =	ssyncadd.s32 $0xFFFFFF80  }
0xb2: {  	s30 =	simm.s32 $0x1BD00;
	s8 =	simm.s32 $0x17C00;
	s3 =	rddreg [dreg:$0x0]  }
0xb3: {  	[tilespmem:s8], [sflag:$0x2] =	stream.indirect.gather [hbm4b:s3+s7], $0x80, s30, s7, $0xb8;
	[tilespmem:$0x1EF80] =	vst v63  }
0xb4: {  	_ =	swait.ge [sflag:s12], $0x4000  }
0xb5: {  	[sflag:s12] =	ssyncset.done $0x0  }
0xb6: {  	s0 =	simm.s32 $0x1BC80;
	[sflag:s12] =	ssyncadd.s32 $0xFFFFC000  }
0xb7: {  	[spmem:s4] =	stream.indirect.scatter.add.f32 [tilespmem:s24], [sflag:$0x3], $0x80, s0, s7, $0xb8;
	[tilespmem:$0x1EF80] =	vst v63  }
0xb8: {  	s2 =	simm.s32 $0x1E780  }
0xb9: {  	[spmem:s26] =	stream.indirect.scatter.add.f32 [tilespmem:s2], [sflag:$0x9], $0x10, s0, s7, $0xb8;
	[tilespmem:$0x1EF80] =	vst v63  }
0xba: {  	_ =	swait.ge [sflag:s13], $0x4000  }
0xbb: {  	[sflag:s13] =	ssyncset.done $0x0  }
0xbc: {  	s29 =	simm.s32 $0x1BD80;
	[sflag:s13] =	ssyncadd.s32 $0xFFFFC000  }
0xbd: {  	[spmem:s4] =	stream.indirect.scatter.add.f32 [tilespmem:s8], [sflag:$0x4], $0x80, s29, s7, $0xb8;
	[tilespmem:$0x1EF80] =	vst v63  }
0xbe: {  	_ = 	snop  }
0xbf: {  	[spmem:s26] =	stream.indirect.scatter.add.f32 [tilespmem:s2], [sflag:$0xA], $0x10, s29, s7, $0xb8;
	[tilespmem:$0x1EF80] =	vst v63  }
0xc0: {  	_ =	swait.ge [sflag:s14], $0x4000  }
0xc1: {  	[sflag:s14] =	ssyncset.done $0x0  }
0xc2: {  	[sflag:s14] =	ssyncadd.s32 $0xFFFFC000  }
0xc3: {  	_ =	swait.ge [sflag:s20], $0x800  }
0xc4: {  	s22 =	smov.u32 s9;
	s23 =	rddreg [dreg:$0xa];
	[sflag:s20] =	ssyncset.done $0x0  }
0xc5: {  	s25 =	rddreg [dreg:$0xb];
	[sflag:s20] =	ssyncadd.s32 $0xFFFFF800;
	s23 =	sadd.s32 s22, s23  }
0xc6: {  	[tilespmem:s28], [sflag:$0x5] =	stream.linear.gather [hbm4b:s23+s5], $0x80, $0x38;
	[tilespmem:$0x1EF80] =	vst v63  }
0xc7: {  	s25 =	sadd.s32 s22, s25  }
0xc8: {  	[tilespmem:s0], [sflag:$0x5] =	stream.linear.gather [hbm4b:s25+s5], $0x80, $0x38;
	[tilespmem:$0x1EF80] =	vst v63  }
0xc9: {  	_ =	swait.ge [sflag:s16], $0x80  }
0xca: {  	[sflag:s16] =	ssyncset.done $0x0  }
0xcb: {  	[sflag:s16] =	ssyncadd.s32 $0xFFFFFF80  }
0xcc: {  	_ =	swait.ge [sflag:s16], $0x80  }
0xcd: {  	[sflag:s16] =	ssyncset.done $0x0  }
0xce: {  	s11 =	simm.s32 $0x13C00;
	s24 =	simm.s32 $0x1BE00;
	[sflag:s16] =	ssyncadd.s32 $0xFFFFFF80  }
0xcf: {  	[tilespmem:s11], [sflag:$0x1] =	stream.indirect.gather [hbm4b:s3+s7], $0x80, s24, s7, $0xb8;
	[tilespmem:$0x1EF80] =	vst v63  }
0xd0: {  	_ =	swait.ge [sflag:s17], $0x4000  }
0xd1: {  	[sflag:s17] =	ssyncset.done $0x0  }
0xd2: {  	[sflag:s17] =	ssyncadd.s32 $0xFFFFC000  }
0xd3: {  	_ =	swait.ge [sflag:s21], $0x800  }
0xd4: {  	s31 =	rddreg [dreg:$0x6]  }
0xd5: {  	s0 =	rddreg [dreg:$0x7];
	[sflag:s21] =	ssyncset.done $0x0;
	s23 =	sadd.s32 s22, s31  }
0xd6: {  	[sflag:s21] =	ssyncadd.s32 $0xFFFFF800;
	s25 =	sadd.s32 s22, s0;
	s28 =	sadd.s32 $0x50, s23  }
0xd7: {  	[tilespmem:s30], [sflag:$0x6] =	stream.linear.gather [hbm4b:s28+s5], $0x80, $0x38;
	[tilespmem:$0x1EF80] =	vst v63  }
0xd8: {  	s28 =	sadd.s32 $0x50, s25  }
0xd9: {  	[tilespmem:s29], [sflag:$0x6] =	stream.linear.gather [hbm4b:s28+s5], $0x80, $0x38;
	[tilespmem:$0x1EF80] =	vst v63  }
0xda: {  	_ =	swait.ge [sflag:s19], $0x80  }
0xdb: {  	[sflag:s19] =	ssyncset.done $0x0  }
0xdc: {  	[sflag:s19] =	ssyncadd.s32 $0xFFFFFF80  }
0xdd: {  	_ =	swait.ge [sflag:s19], $0x80  }
0xde: {  	[sflag:s19] =	ssyncset.done $0x0  }
0xdf: {  	s31 =	simm.s32 $0x1BF00;
	[sflag:s19] =	ssyncadd.s32 $0xFFFFFF80  }
0xe0: {  	[tilespmem:s8], [sflag:$0x2] =	stream.indirect.gather [hbm4b:s3+s7], $0x80, s31, s7, $0xb8;
	[tilespmem:$0x1EF80] =	vst v63  }
0xe1: {  	_ =	swait.ge [sflag:s12], $0x4000  }
0xe2: {  	[sflag:s12] =	ssyncset.done $0x0  }
0xe3: {  	s29 =	simm.s32 $0x1BE80;
	[sflag:s12] =	ssyncadd.s32 $0xFFFFC000  }
0xe4: {  	[spmem:s4] =	stream.indirect.scatter.add.f32 [tilespmem:s11], [sflag:$0x3], $0x80, s29, s7, $0xb8;
	[tilespmem:$0x1EF80] =	vst v63  }
0xe5: {  	_ = 	snop  }
0xe6: {  	[spmem:s26] =	stream.indirect.scatter.add.f32 [tilespmem:s2], [sflag:$0xB], $0x10, s29, s7, $0xb8;
	[tilespmem:$0x1EF80] =	vst v63  }
0xe7: {  	_ =	swait.ge [sflag:s13], $0x4000  }
0xe8: {  	[sflag:s13] =	ssyncset.done $0x0  }
0xe9: {  	[sflag:s13] =	ssyncadd.s32 $0xFFFFC000  }
0xea: {  	[spmem:s4] =	stream.indirect.scatter.add.f32 [tilespmem:s8], [sflag:$0x4], $0x80, s18, s7, $0xb8;
	[tilespmem:$0x1EF80] =	vst v63  }
0xeb: {  	_ = 	snop  }
0xec: {  	[spmem:s26] =	stream.indirect.scatter.add.f32 [tilespmem:s2], [sflag:$0xC], $0x10, s18, s7, $0xb8;
	[tilespmem:$0x1EF80] =	vst v63  }
0xed: {  	_ =	swait.ge [sflag:s14], $0x4000  }
0xee: {  	[sflag:s14] =	ssyncset.done $0x0  }
0xef: {  	[sflag:s14] =	ssyncadd.s32 $0xFFFFC000  }
0xf0: {  	_ =	swait.ge [sflag:s1], $0x800  }
0xf1: {  	s28 =	rddreg [dreg:$0x8];
	[sflag:s1] =	ssyncset.done $0x0  }
0xf2: {  	s8 =	rddreg [dreg:$0x9];
	[sflag:s1] =	ssyncadd.s32 $0xFFFFF800;
	s28 =	sadd.s32 s22, s28  }
0xf3: {  	[tilespmem:s24], [sflag:$0x7] =	stream.linear.gather [hbm4b:s28+s5], $0x80, $0x38;
	[tilespmem:$0x1EF80] =	vst v63  }
0xf4: {  	s22 =	sadd.s32 s22, s8  }
0xf5: {  	[tilespmem:s29], [sflag:$0x7] =	stream.linear.gather [hbm4b:s22+s5], $0x80, $0x38;
	[tilespmem:$0x1EF80] =	vst v63  }
0xf6: {  	_ =	swait.ge [sflag:s6], $0x80  }
0xf7: {  	[sflag:s6] =	ssyncset.done $0x0  }
0xf8: {  	[sflag:s6] =	ssyncadd.s32 $0xFFFFFF80  }
0xf9: {  	_ =	swait.ge [sflag:s6], $0x80  }
0xfa: {  	[sflag:s6] =	ssyncset.done $0x0  }
0xfb: {  	s24 =	simm.s32 $0x13C00;
	s28 =	simm.s32 $0x1BC00;
	[sflag:s6] =	ssyncadd.s32 $0xFFFFFF80  }
0xfc: {  	[tilespmem:s24], [sflag:$0x1] =	stream.indirect.gather [hbm4b:s3+s7], $0x80, s28, s7, $0xb8;
	[tilespmem:$0x1EF80] =	vst v63  }
0xfd: {  	_ =	swait.ge [sflag:s17], $0x4000  }
0xfe: {  	[sflag:s17] =	ssyncset.done $0x0  }
0xff: {  	[sflag:s17] =	ssyncadd.s32 $0xFFFFC000  }
0x100: {  	_ =	swait.ge [sflag:s15], $0x800  }
0x101: {  	[sflag:s15] =	ssyncset.done $0x0  }
0x102: {  	s29 =	sadd.s32 $0x70, s23;
	[sflag:s15] =	ssyncadd.s32 $0xFFFFF800  }
0x103: {  	[tilespmem:s31], [sflag:$0x8] =	stream.linear.gather [hbm4b:s29+s5], $0x80, $0x38;
	[tilespmem:$0x1EF80] =	vst v63  }
0x104: {  	p0 =	sne.s32 s9, $0x4C0;
	s30 =	sadd.s32 $0x70, s25  }
0x105: {  	[tilespmem:s18], [sflag:$0x8] =	stream.linear.gather [hbm4b:s30+s5], $0x80, $0x38;
	[tilespmem:$0x1EF80] =	vst v63  }
.Ltmp0:
0x106: {  	_ =	swait.ge [sflag:s10], $0x80;
	(pc) =	sbr.rel @p0 .LBB2_2-.Ltmp0, $4  }
0x107: {  	[sflag:s10] =	ssyncset.done $0x0  }
0x108: {  	[sflag:s10] =	ssyncadd.s32 $0xFFFFFF80  }
0x109: {  	s9 =	sadd.s32 $0x40, s9;
	_ =	swait.ge [sflag:s10], $0x80  }
0x10a: {  	s0 =	simm.s32 $0x1BD00;
	s11 =	simm.s32 $0x17C00;
	[sflag:s10] =	ssyncset.done $0x0  }
0x10b: {  	[sflag:s10] =	ssyncadd.s32 $0xFFFFFF80  }
0x10c: {  	s1 =	rddreg [dreg:$0x0]  }
0x10d: {  	[tilespmem:s11], [sflag:$0x2] =	stream.indirect.gather [hbm4b:s1+s7], $0x80, s0, s7, $0xb8;
	[tilespmem:$0x1EF80] =	vst v63  }
0x10e: {  	_ =	swait.ge [sflag:s12], $0x4000  }
0x10f: {  	[sflag:s12] =	ssyncset.done $0x0  }
0x110: {  	[sflag:s12] =	ssyncadd.s32 $0xFFFFC000  }
0x111: {  	_ =	swait.ge [sflag:s13], $0x4000  }
0x112: {  	[sflag:s13] =	ssyncset.done $0x0  }
0x113: {  	[sflag:s13] =	ssyncadd.s32 $0xFFFFC000  }
0x114: {  	_ =	swait.ge [sflag:s16], $0x80  }
0x115: {  	[sflag:s16] =	ssyncset.done $0x0  }
0x116: {  	[sflag:s16] =	ssyncadd.s32 $0xFFFFFF80  }
0x117: {  	_ =	swait.ge [sflag:s16], $0x80  }
0x118: {  	[sflag:s16] =	ssyncset.done $0x0  }
0x119: {  	[sflag:s16] =	ssyncadd.s32 $0xFFFFFF80  }
0x11a: {  	_ =	swait.ge [sflag:s19], $0x80  }
0x11b: {  	[sflag:s19] =	ssyncset.done $0x0  }
0x11c: {  	[sflag:s19] =	ssyncadd.s32 $0xFFFFFF80  }
0x11d: {  	_ =	swait.ge [sflag:s19], $0x80  }
0x11e: {  	[sflag:s19] =	ssyncset.done $0x0  }
0x11f: {  	[sflag:s19] =	ssyncadd.s32 $0xFFFFFF80  }
0x120: {  	[bflag:$0x0] =	sbarrier.arrive $0xFFFF  }
0x121: {  	s22 =	rddreg [dreg:$0xf]  }
0x122: {  	s9 =	rddreg [dreg:$0x1a]  }
0x123: {  	s23 =	simm.s32 $0xD;
	s15 =	rddreg [dreg:$0x1e]  }
0x124: {  	[hbm:s9], [sflag:s22] =	dma.local [spmem:s15], $0x2780  }
0x125: {  	_ =	swait.ge [sflag:s23], $0x2780  }
0x126: {  	[sflag:s23] =	ssyncset.done $0x0;
	s18 =	rddreg [dreg:$0x1b]  }
0x127: {  	s20 =	rddreg [dreg:$0x1f];
	[sflag:s23] =	ssyncadd.s32 $0xFFFFD880  }
0x128: {  	[hbm:s18], [sflag:s22] =	dma.local [spmem:s20], $0x4F0  }
0x129: {  	_ =	swait.ge [sflag:s23], $0x4F0  }
0x12a: {  	s21 =	rddreg [dreg:$0x1d]  }
0x12b: {  	s25 =	rddreg [dreg:$0x1c];
	s0 =	sadd.s32 $0x1, s21  }
0x12c: {  	s31 =	simm.s32 $0x1BE00;
	p0 =	sne.s32 s0, s25  }
.Ltmp1:
0x12d: {  	s29 =	simm.s32 $0x1BD80;
	s2 =	simm.s32 $0x1BE80;
	(pc) =	sbr.rel @p0 .LBB2_1-.Ltmp1, $4  }
0x12e: {  	s30 =	smov.u32 s4;
	s4 =	smov.u32 s26;
	s26 =	simm.s32 $0xC  }
0x12f: {  	s3 =	simm.s32 $0x1E780;
	s1 =	simm.s32 $0xB;
	s15 =	simm.s32 $0x1BF00  }
0x130: {  	s18 =	simm.s32 $0x1BF80;
	s20 =	simm.s32 $0x9;
	[sflag:s23] =	ssyncset.done $0x0  }
0x131: {  	[sflag:s23] =	ssyncadd.s32 $0xFFFFFB10;
	s21 =	simm.s32 $0xA;
	s25 =	simm.s32 $0x1BC80  }
0x132: {  	_ =	sfence.sel $0x180000  }
0x133: {  	[bflag:$0x0] =	sbarrier.arrive $0xFFFF  }
0x134: {  	_ =	strace $0x90000047  }
0x135: {  	s0 =	stileid.u32;
	[bflag:$0x2] =	sbarrier.arrive $0xFFFF  }
0x136: {  	p0 =	sne.s32 s0, $0x0;
	s0 =	rddreg [dreg:$0x5]  }
0x137: {  	s0 =	sadd.s32 @!p0 $0x100000, s0  }
0x138: {  	[sflag:s0] =	ssyncadd.tile.s32 @!p0 $0x1;
	_ =	shalt  }
.Lfunc_end2:
_tile_overlayer_lowered:
.L_overlay_start_2:
0x139: {  	(tag) =	ssettag $0x2  }
0x13a: {  	s0 =	rddreg [dreg:$0x0];
	s2 =	stileid.u32  }
0x13b: {  	s1 =	rddreg [dreg:$0x1];
	p0 =	sne.s32 s2, $0x0  }
0x13c: {  	s3 =	rddreg [dreg:$0x2];
	[bflag:$0x3] =	sbarrier.arrive $0xFFFF;
	s2 =	simm.s32 @!p0 $0x1C0D  }
0x13d: {  	[timem:s3], [sflag:s2] =	dma.local @!p0 [hbm:s0], s1  }
0x13e: {  	s0 =	simm.s32 @!p0 $0xD  }
0x13f: {  	_ =	swait.ge @!p0 [sflag:s0], s1  }
0x140: {  	s1 =	ssub.s32 @!p0 $0x0, s1;
	[sflag:s0] =	ssyncset.done @!p0 $0x0  }
0x141: {  	[sflag:s0] =	ssyncadd.s32 @!p0 s1  }
0x142: {  	[bflag:$0x3] =	sbarrier.arrive $0xFFFF  }
0x143: {  	_ =	shalt  }

// kernel: kernel.13.cloned.1.call-start
scs
__scs_entry_jumppad:
0x0: {  	(pc) =	sbr.rel $0x88, $3  }
0x1: {  	(tag) =	ssettag $0x0;
	lr =	simm.s32 $0x1  }
0x2: {  	[smem:$0x3F93] =	sst lr;
	_ =	strace $0xD0000000  }
0x3: {  	_ = 	snop  }
0x4: {  	_ = 	snop  }
0x5: {  	_ = 	snop  }
0x6: {  	_ = 	snop  }
0x7: {  	_ = 	snop  }
__scs_overlays_trampoline_lowered:
0x8: {  	[smem:$0x3FA2] =	sst s0  }
0x9: {  	[smem:$0x3FA3] =	sst s1  }
0xa: {  	[smem:$0x3FA4] =	sst s2  }
0xb: {  	[smem:$0x3FA5] =	sst s3  }
0xc: {  	[smem:$0x3FA6] =	sst s4  }
0xd: {  	[smem:$0x3FA7] =	sst s5  }
0xe: {  	[smem:$0x3FA8] =	sst s6  }
0xf: {  	[smem:$0x3FA9] =	sst s7  }
0x10: {  	[smem:$0x3FAA] =	sst s8  }
0x11: {  	[smem:$0x3FAB] =	sst s9;
	s0 =	simm.s32 @!p0 $0x0  }
0x12: {  	s1 =	sld [smem:$0x3F91];
	s0 =	simm.s32 @p0 $0x1  }
0x13: {  	[smem:$0x3FAC] =	sst s0;
	s0 =	simm.s32 @!p1 $0x0  }
0x14: {  	s2 =	sld [smem:$0x3F90];
	s0 =	simm.s32 @p1 $0x1  }
0x15: {  	[smem:$0x3FAD] =	sst s0;
	s0 =	simm.s32 @!p2 $0x0  }
0x16: {  	s3 =	sld [smem:$0x3FDB];
	s0 =	simm.s32 @p2 $0x1  }
0x17: {  	s4 =	simm.s32 $0x1BF5;
	[smem:$0x3FAF] =	sst s0  }
0x18: {  	s0 =	sld [smem:$0x3F92];
	_ =	swait.ge [sflag:s4], $0x0  }
0x19: {  	s7 =	sld [smem:$0x3F93]  }
0x1a: {  	s8 =	sadd.s32 $0xFFFFE003, lr  }
0x1b: {  	s9 =	sadd.s32 $0xFFFFFEF7, lr;
	s5 =	simm.s32 $0xFFFFFFFF;
	p2 =	slt.u32 s8, $0xFFFFF086  }
0x1c: {  	p1 =	slt.u32 s9, $0xF7A;
	s5 =	simm.s32 @!p2 $0x0  }
0x1d: {  	s5 =	simm.s32 @p1 $0x1;
	p0 =	seq.s32 s7, s2  }
0x1e: {  	s7 =	smul.u32 @!p0 $0xF7A, s2;
	p2 =	seq.s32 @!p0 s5, $0x0  }
0x1f: {  	s9 =	smul.u32 $0xF7A, s1;
	s8 =	simm.s32 @!p0 $0x1BF5;
	p2 =	por !p2, p0  }
0x20: {  	[sflag:s8] =	ssyncset.s32 @!p0 $0xFFFFF086;
	s6 =	sadd.s32 @!p0 s3, s7;
	s7 =	simm.s32 @!p0 $0x108  }
0x21: {  	s3 =	sadd.s32 s3, s9;
	s6 =	sadd.s32 @!p0 $0x88, s6;
	s7 =	simm.s32 @p2 $0x1082  }
0x22: {  	[simem:s7], [sflag:s8] =	dma.local @!p0 [hbm:s6], $0xF7A  }
0x23: {  	s9 =	sor.u32 $0xD0000000, s2;
	s6 =	simm.s32 $0x108;
	_ =	swait.ge @!p0 [sflag:s8], $0x0  }
0x24: {  	s3 =	sadd.s32 $0x88, s3;
	s6 =	simm.s32 @!p1 $0x1082;
	[sflag:s4] =	ssyncset.s32 $0xFFFFF086  }
0x25: {  	[simem:s6], [sflag:s4] =	dma.local [hbm:s3], $0xF7A  }
0x26: {  	[smem:$0x3F93] =	sst s1;
	(tag) =	ssettag s2;
	_ =	strace s9  }
0x27: {  	s1 =	sld [smem:$0x3FA3]  }
0x28: {  	s2 =	sld [smem:$0x3FA4]  }
0x29: {  	s4 =	sld [smem:$0x3FA6]  }
0x2a: {  	p0 =	seq.s32 s5, $0x0;
	s5 =	sld [smem:$0x3FA7]  }
0x2b: {  	s6 =	sld [smem:$0x3FA8]  }
0x2c: {  	s7 =	sld [smem:$0x3FA9]  }
0x2d: {  	s3 =	simm.s32 $0x108;
	s8 =	sld [smem:$0x3FAA]  }
0x2e: {  	s3 =	simm.s32 @!p0 $0x1082;
	s9 =	sld [smem:$0x3FAB]  }
0x2f: {  	lr =	sadd.s32 s0, s3;
	s0 =	sld [smem:$0x3FA2]  }
0x30: {  	s3 =	sld [smem:$0x3FA5]  }
0x31: {  	[smem:$0x3FAE] =	sst s10  }
0x32: {  	s10 =	sld [smem:$0x3FAC];
	_ =	sdelay $0x3  }
0x33: {  	p0 =	seq.s32 s10, $0x1;
	s10 =	sld [smem:$0x3FAE];
	_ =	sdelay $0x3  }
0x34: {  	[smem:$0x3FAE] =	sst s10  }
0x35: {  	s10 =	sld [smem:$0x3FAD];
	_ =	sdelay $0x3  }
0x36: {  	p1 =	seq.s32 s10, $0x1;
	s10 =	sld [smem:$0x3FAE];
	_ =	sdelay $0x3  }
0x37: {  	[smem:$0x3FAE] =	sst s10  }
0x38: {  	s10 =	sld [smem:$0x3FAF]  }
0x39: {  	_ = 	snop;
	(pc) =	sbr.ind lr, $3  }
0x3a: {  	_ = 	snop  }
0x3b: {  	_ = 	snop  }
0x3c: {  	p2 =	seq.s32 s10, $0x1;
	s10 =	sld [smem:$0x3FAE]  }
0x3d: {  	_ =	shalt  }
0x3e: {  	_ =	shalt  }
0x3f: {  	_ =	shalt  }
0x40: {  	_ =	shalt  }
0x41: {  	_ =	shalt  }
0x42: {  	_ =	shalt  }
0x43: {  	_ =	shalt  }
0x44: {  	_ =	shalt  }
0x45: {  	_ =	shalt  }
0x46: {  	_ =	shalt  }
0x47: {  	_ =	shalt  }
0x48: {  	_ =	shalt  }
0x49: {  	_ =	shalt  }
0x4a: {  	_ =	shalt  }
0x4b: {  	_ =	shalt  }
0x4c: {  	_ =	shalt  }
0x4d: {  	_ =	shalt  }
0x4e: {  	_ =	shalt  }
0x4f: {  	_ =	shalt  }
0x50: {  	_ =	shalt  }
0x51: {  	_ =	shalt  }
0x52: {  	_ =	shalt  }
0x53: {  	_ =	shalt  }
0x54: {  	_ =	shalt  }
0x55: {  	_ =	shalt  }
0x56: {  	_ =	shalt  }
0x57: {  	_ =	shalt  }
0x58: {  	_ =	shalt  }
0x59: {  	_ =	shalt  }
0x5a: {  	_ =	shalt  }
0x5b: {  	_ =	shalt  }
0x5c: {  	_ =	shalt  }
0x5d: {  	_ =	shalt  }
0x5e: {  	_ =	shalt  }
0x5f: {  	_ =	shalt  }
0x60: {  	_ =	shalt  }
0x61: {  	_ =	shalt  }
0x62: {  	_ =	shalt  }
0x63: {  	_ =	shalt  }
0x64: {  	_ =	shalt  }
0x65: {  	_ =	shalt  }
0x66: {  	_ =	shalt  }
0x67: {  	_ =	shalt  }
0x68: {  	_ =	shalt  }
0x69: {  	_ =	shalt  }
0x6a: {  	_ =	shalt  }
0x6b: {  	_ =	shalt  }
0x6c: {  	_ =	shalt  }
0x6d: {  	_ =	shalt  }
0x6e: {  	_ =	shalt  }
0x6f: {  	_ =	shalt  }
0x70: {  	_ =	shalt  }
0x71: {  	_ =	shalt  }
0x72: {  	_ =	shalt  }
0x73: {  	_ =	shalt  }
0x74: {  	_ =	shalt  }
0x75: {  	_ =	shalt  }
0x76: {  	_ =	shalt  }
0x77: {  	_ =	shalt  }
0x78: {  	_ =	shalt  }
0x79: {  	_ =	shalt  }
0x7a: {  	_ =	shalt  }
0x7b: {  	_ =	shalt  }
0x7c: {  	_ =	shalt  }
0x7d: {  	_ =	shalt  }
0x7e: {  	_ =	shalt  }
0x7f: {  	_ =	shalt  }
0x80: {  	_ =	shalt  }
0x81: {  	_ =	shalt  }
0x82: {  	_ =	shalt  }
0x83: {  	_ =	shalt  }
0x84: {  	_ =	shalt  }
0x85: {  	_ =	shalt  }
0x86: {  	_ =	shalt  }
0x87: {  	_ =	shalt  }
.Lfunc_end0:
.L_simem_size_0:
called_computation.1_lowered:
.L_overlay_start_0:
0x88: {  	s2 =	sld [smem:$0x3FD9]  }
0x89: {  	s3 =	sld [smem:$0x3FFE];
	_ =	sdelay $0x1  }
0x8a: {  	s1 =	srdreg.scid  }
0x8b: {  	s0 =	sand.u32 $0x1, s1  }
0x8c: {  	s17 =	sshll.u32 s0, $0xA;
	s2 =	sadd.s32 s3, s2  }
0x8d: {  	s2 =	sadd.s32 s2, s17  }
0x8e: {  	[smem:$0x3FBA] =	sst s2  }
0x8f: {  	_ = 	snop  }
0x90: {  	s2 =	sld [smem:$0x3FD0];
	(tm) =	ssettm $0x1  }
0x91: {  	s18 =	sld [smem:$0x3FFB];
	_ =	sdelay $0x3  }
0x92: {  	_ =	strace s18  }
0x93: {  	s3 =	sld [smem:$0x3FFC];
	_ =	sdelay $0x3  }
0x94: {  	_ =	strace s3  }
0x95: {  	s3 =	sld [smem:$0x3FFD];
	_ =	sdelay $0x3  }
0x96: {  	_ =	strace s3  }
0x97: {  	_ =	strace $0x8FFFFFFF  }
0x98: {  	s19 =	sld [smem:$0x3FDB];
	_ =	sdelay $0x1  }
0x99: {  	s4 =	simm.s32 $_scs_section_size  }
0x9a: {  	s5 =	simm.s32 $_size__tile_overlayer_lowered;
	s6 =	simm.s32 $_tile_overlayer_lowered  }
0x9b: {  	s22 =	simm.s32 $0x1BFF;
	s21 =	sshll.u32 s6, $0x1;
	s3 =	sadd.s32 s4, s19  }
0x9c: {  	s7 =	simm.s32 $0x0;
	s20 =	sshll.u32 s5, $0x1;
	s5 =	sadd.s32 s21, s3  }
0x9d: {  	[timem:s7], [sflag:s22] =	dma.local [hbm:s5], s20  }
0x9e: {  	_ =	swait.ge [sflag:s22], s20  }
0x9f: {  	s4 =	ssub.s32 $0x0, s20;
	[sflag:s22] =	ssyncset.done $0x0  }
0xa0: {  	[sflag:s22] =	ssyncadd.s32 s4;
	_ =	sdelay $0x1  }
0xa1: {  	s23 =	simm.s32 $0x1B8B  }
0xa2: {  	_ =	swait.ge [sflag:s23], $0x1  }
0xa3: {  	[sflag:s23] =	ssyncset.done $0x0  }
0xa4: {  	s25 =	simm.s32 $0x1B8E;
	s24 =	sld [smem:$0x3FFE];
	[sflag:s23] =	ssyncadd.s32 $0xFFFFFFFF  }
0xa5: {  	s26 =	simm.s32 $execute0_lowered;
	[smem:$0x3FD2] =	sst s25  }
0xa6: {  	s5 =	sshll.u32 s26, $0x1;
	_ =	strace $0x80000049;
	[dreg:$0x1] =	wrdreg $0xFFFFFFFF  }
0xa7: {  	s28 =	simm.s32 $_size_execute0_lowered;
	s3 =	sadd.s32 s3, s5;
	[dreg:$0x0] =	wrdreg $0x0  }
0xa8: {  	s5 =	sshll.u32 s28, $0x1;
	[dreg:$0x2] =	wrdreg s3  }
0xa9: {  	[dreg:$0x3] =	wrdreg s5  }
0xaa: {  	[dreg:$0x4] =	wrdreg $0xC0  }
0xab: {  	_ =	task [dreg:s7], $0x5FFFF  }
0xac: {  	[dreg:$0x1] =	wrdreg $0xFFFFFFFF  }
0xad: {  	[dreg:$0x0] =	wrdreg $0x60  }
0xae: {  	[dreg:$0x2] =	wrdreg s24  }
0xaf: {  	[dreg:$0x3] =	wrdreg s2  }
0xb0: {  	[dreg:$0x4] =	wrdreg $0x0  }
0xb1: {  	[dreg:$0x5] =	wrdreg $0x9  }
0xb2: {  	_ =	task.clear_ibuf [dreg:s7], $0x6FFFF;
	_ =	strace $0x90000049  }
0xb3: {  	s29 =	simm.s32 $0x9;
	_ =	strace $0x8000004B  }
0xb4: {  	_ =	swait.ge [sflag:s29], $0x1  }
0xb5: {  	[sflag:s29] =	ssyncadd.s32 $0xFFFFFFFF  }
0xb6: {  	_ =	strace $0x9000004B  }
0xb7: {  	_ =	sfence  }
0xb8: {  	s30 =	sld [smem:$0x0];
	_ =	sdelay $0x2  }
0xb9: {  	s31 =	sshll.u32 s1, $0xD;
	s1 =	sshrl.u32 s1, $0x2  }
0xba: {  	s3 =	sand.u32 $0x4000, s31;
	s1 =	sadd.s32 s1, s30  }
0xbb: {  	s0 =	sor.u32 s3, s0;
	s1 =	sshll.u32 s1, $0x11  }
0xbc: {  	s0 =	sor.u32 s1, s0  }
0xbd: {  	s0 =	sadd.s32 $0x8F2B, s0  }
0xbe: {  	[sflag:s0] =	ssyncadd.remote.s32 $0x1  }
0xbf: {  	_ =	sfence.sel $0xFFFF  }
0xc0: {  	[dreg:$0x0] =	wrdreg $0xFFFFFFFF;
	(pc) =	sbr.abs _section_cstart, $3  }
0xc1: {  	[dreg:$0x1] =	wrdreg $0xFFFFFFFF  }
0xc2: {  	_ =	task.clear_ibuf [dreg:s7], $0x2FFFF;
	_ =	strace $0x9FFFFFFF  }
0xc3: {  	(tm) =	ssettm $0x7FFFFFFF  }
tec
execute0_lowered:
.L_overlay_start_1:
0x0: {  	(tag) =	ssettag $0x1  }
0x1: {  	s0 =	rddreg [dreg:$0x0]  }
0x2: {  	s1 =	rddreg [dreg:$0x1]  }
0x3: {  	s2 =	rddreg [dreg:$0x2]  }
0x4: {  	s3 =	simm.s32 $0x0;
	s12 =	stileid.u32;
	s4 =	srdreg.scid  }
0x5: {  	s28 =	simm.s32 $0x5;
	s29 =	simm.s32 $0x80;
	s30 =	simm.s32 $0x13C00  }
0x6: {  	s31 =	simm.s32 $0x6;
	[smem:$0x7FF] =	sst s3;
	s5 =	smul.u32 $0x13C00, s12  }
0x7: {  	s6 =	sand.u32 $0x1, s4;
	s4 =	sadd.s32 $0x36200, s0;
	s8 =	sadd.s32 $0x4800, s0  }
0x8: {  	s25 =	sshll.u32 s12, $0x6;
	s26 =	smul.u32 $0x50, s12;
	_ =	strace $0x8000004A  }
0x9: {  	s7 =	smul.u32 $0x13C000, s6;
	s10 =	sshll.u32 s6, $0x4;
	s11 =	ssub.s32 $0x2, s6  }
0xa: {  	s23 =	smul.u32 $0x500, s6;
	s13 =	sor.u32 $0x1C09, s25;
	s9 =	sshrl.u32 s5, $0x3  }
0xb: {  	s10 =	sor.u32 s12, s10;
	s22 =	sshrl.u32 s11, $0x1;
	[dreg:$0xc] =	wrdreg s13  }
0xc: {  	s9 =	sadd.s32 s9, s0;
	s7 =	sadd.s32 s5, s7;
	s10 =	smul.u32 $0x500, s10  }
0xd: {  	s11 =	ssub.s32 s11, s22;
	s5 =	sadd.s32 s5, s2;
	s7 =	sshrl.u32 s7, $0x3  }
0xe: {  	[dreg:$0xa] =	wrdreg s5;
	s24 =	sadd.s32 $0xEA00, s9;
	s5 =	sadd.s32 s26, s23  }
0xf: {  	s26 =	smax.u32 s11, $0x1;
	s9 =	simm.s32 $0x4;
	s11 =	simm.s32 $0x0  }
0x10: {  	s0 =	sadd.s32 s7, s0;
	[dreg:$0xb] =	wrdreg s24;
	s7 =	sadd.s32 s1, s10  }
0x11: {  	s12 =	sor.u32 $0x10, s10;
	s14 =	sadd.s32 s8, s10;
	[dreg:$0x16] =	wrdreg s26  }
0x12: {  	s16 =	sor.u32 $0x20, s10;
	s5 =	sshll.u32 s5, $0x4;
	[dreg:$0xd] =	wrdreg s7  }
0x13: {  	s10 =	sor.u32 $0x30, s10;
	[dreg:$0xe] =	wrdreg s14;
	s15 =	sadd.s32 s1, s12  }
0x14: {  	s26 =	simm.s32 $0x1BF80;
	s6 =	sadd.s32 s8, s12;
	[dreg:$0xf] =	wrdreg s15  }
0x15: {  	s17 =	sadd.s32 s1, s16;
	s18 =	sadd.s32 s5, s1;
	[dreg:$0x10] =	wrdreg s6  }
0x16: {  	s19 =	sadd.s32 s5, s8;
	s20 =	sor.u32 $0x60, s5;
	[dreg:$0x11] =	wrdreg s17  }
0x17: {  	s5 =	sor.u32 $0x40, s5;
	s23 =	sadd.s32 s1, s10;
	[dreg:$0x4] =	wrdreg s18  }
0x18: {  	s24 =	sadd.s32 s8, s10;
	s0 =	sadd.s32 $0x5D400, s0;
	[dreg:$0x5] =	wrdreg s19  }
0x19: {  	s10 =	simm.s32 $0x8;
	s6 =	sadd.s32 s8, s16;
	[dreg:$0x13] =	wrdreg s23  }
0x1a: {  	s21 =	sadd.s32 s20, s1;
	s22 =	sadd.s32 s20, s8;
	[dreg:$0x14] =	wrdreg s24  }
0x1b: {  	s1 =	sadd.s32 s5, s1;
	s25 =	sadd.s32 s5, s8;
	[dreg:$0x15] =	wrdreg s0  }
0x1c: {  	s18 =	simm.s32 $0x9;
	s19 =	simm.s32 $0x1BC00;
	[dreg:$0x12] =	wrdreg s6  }
0x1d: {  	s20 =	simm.s32 $0x1BC80;
	s23 =	simm.s32 $0x1BE00;
	[dreg:$0x6] =	wrdreg s21  }
0x1e: {  	s24 =	simm.s32 $0x1BE80;
	s0 =	simm.s32 $0x17C00;
	[dreg:$0x7] =	wrdreg s22  }
0x1f: {  	s5 =	simm.s32 $0x2;
	s8 =	simm.s32 $0x7;
	[dreg:$0x8] =	wrdreg s1  }
0x20: {  	[dreg:$0x9] =	wrdreg s25;
	s21 =	simm.s32 $0x1BD00;
	s22 =	simm.s32 $0x1BD80  }
0x21: {  	s25 =	simm.s32 $0x1BF00;
	s1 =	simm.s32 $0x1;
	s6 =	simm.s32 $0x3  }
.LBB2_1:
0x22: {  	s7 =	rddreg [dreg:$0xa]  }
0x23: {  	s14 =	rddreg [dreg:$0xb];
	s12 =	sshrl.u32 s7, $0x3  }
0x24: {  	[spmem:s12], [sflag:s13] =	dma.local [hbm:s14], $0x2780  }
0x25: {  	_ =	swait.ge [sflag:s18], $0x2780  }
0x26: {  	[sflag:s18] =	ssyncset.done $0x0  }
0x27: {  	[sflag:s18] =	ssyncadd.s32 $0xFFFFD880  }
0x28: {  	[bflag:$0x0] =	sbarrier.arrive $0xFFFF  }
0x29: {  	s15 =	rddreg [dreg:$0xd]  }
0x2a: {  	[tilespmem:s19], [sflag:$0x5] =	stream.linear.gather [hbm4b:s15+s3], $0x80, $0x38;
	[tilespmem:$0x1C000] =	vst v63  }
0x2b: {  	s16 =	rddreg [dreg:$0xe]  }
0x2c: {  	[tilespmem:s20], [sflag:$0x5] =	stream.linear.gather [hbm4b:s16+s3], $0x80, $0x38;
	[tilespmem:$0x1C000] =	vst v63  }
0x2d: {  	s17 =	rddreg [dreg:$0xf]  }
0x2e: {  	[tilespmem:s21], [sflag:$0x6] =	stream.linear.gather [hbm4b:s17+s3], $0x80, $0x38;
	[tilespmem:$0x1C000] =	vst v63  }
0x2f: {  	s13 =	rddreg [dreg:$0x10]  }
0x30: {  	[tilespmem:s22], [sflag:$0x6] =	stream.linear.gather [hbm4b:s13+s3], $0x80, $0x38;
	[tilespmem:$0x1C000] =	vst v63  }
0x31: {  	s14 =	rddreg [dreg:$0x11]  }
0x32: {  	[tilespmem:s23], [sflag:$0x7] =	stream.linear.gather [hbm4b:s14+s3], $0x80, $0x38;
	[tilespmem:$0x1C000] =	vst v63  }
0x33: {  	s15 =	rddreg [dreg:$0x12]  }
0x34: {  	[tilespmem:s24], [sflag:$0x7] =	stream.linear.gather [hbm4b:s15+s3], $0x80, $0x38;
	[tilespmem:$0x1C000] =	vst v63  }
0x35: {  	s16 =	rddreg [dreg:$0x13]  }
0x36: {  	[tilespmem:s25], [sflag:$0x8] =	stream.linear.gather [hbm4b:s16+s3], $0x80, $0x38;
	[tilespmem:$0x1C000] =	vst v63  }
0x37: {  	s17 =	rddreg [dreg:$0x14]  }
0x38: {  	[tilespmem:s26], [sflag:$0x8] =	stream.linear.gather [hbm4b:s17+s3], $0x80, $0x38;
	[tilespmem:$0x1C000] =	vst v63  }
0x39: {  	_ =	swait.ge [sflag:s28], $0x80  }
0x3a: {  	[sflag:s28] =	ssyncset.done $0x0  }
0x3b: {  	[sflag:s28] =	ssyncadd.s32 $0xFFFFFF80  }
0x3c: {  	_ =	swait.ge [sflag:s28], $0x80  }
0x3d: {  	[sflag:s28] =	ssyncset.done $0x0  }
0x3e: {  	[sflag:s28] =	ssyncadd.s32 $0xFFFFFF80  }
0x3f: {  	[tilespmem:s30], [sflag:$0x1] =	stream.indirect.gather [hbm4b:s4+s29], $0x80, s19, s29, $0xb8;
	[tilespmem:$0x1C000] =	vst v63  }
0x40: {  	_ =	swait.ge [sflag:s31], $0x80  }
0x41: {  	[sflag:s31] =	ssyncset.done $0x0  }
0x42: {  	[sflag:s31] =	ssyncadd.s32 $0xFFFFFF80  }
0x43: {  	_ =	swait.ge [sflag:s31], $0x80  }
0x44: {  	[sflag:s31] =	ssyncset.done $0x0  }
0x45: {  	[sflag:s31] =	ssyncadd.s32 $0xFFFFFF80  }
0x46: {  	[tilespmem:s0], [sflag:$0x2] =	stream.indirect.gather [hbm4b:s4+s29], $0x80, s21, s29, $0xb8;
	[tilespmem:$0x1C000] =	vst v63  }
0x47: {  	_ =	swait.ge [sflag:s1], $0x4000  }
0x48: {  	[sflag:s1] =	ssyncset.done $0x0  }
0x49: {  	[sflag:s1] =	ssyncadd.s32 $0xFFFFC000  }
0x4a: {  	[spmem:s2] =	stream.indirect.scatter.add.f32 [tilespmem:s30], [sflag:$0x3], $0x80, s20, s29, $0xb8;
	[tilespmem:$0x1C000] =	vst v63  }
0x4b: {  	_ =	swait.ge [sflag:s5], $0x4000  }
0x4c: {  	[sflag:s5] =	ssyncset.done $0x0  }
0x4d: {  	[sflag:s5] =	ssyncadd.s32 $0xFFFFC000  }
0x4e: {  	[spmem:s2] =	stream.indirect.scatter.add.f32 [tilespmem:s0], [sflag:$0x4], $0x80, s22, s29, $0xb8;
	[tilespmem:$0x1C000] =	vst v63  }
0x4f: {  	_ =	swait.ge [sflag:s6], $0x4000  }
0x50: {  	s7 =	rddreg [dreg:$0x8];
	[sflag:s6] =	ssyncset.done $0x0  }
0x51: {  	s14 =	rddreg [dreg:$0x9];
	[sflag:s6] =	ssyncadd.s32 $0xFFFFC000;
	s13 =	sadd.s32 $0x0, s7  }
0x52: {  	[tilespmem:s19], [sflag:$0x5] =	stream.linear.gather [hbm4b:s13+s3], $0x80, $0x38;
	[tilespmem:$0x1C000] =	vst v63  }
0x53: {  	s14 =	sadd.s32 $0x0, s14  }
0x54: {  	[tilespmem:s20], [sflag:$0x5] =	stream.linear.gather [hbm4b:s14+s3], $0x80, $0x38;
	[tilespmem:$0x1C000] =	vst v63  }
0x55: {  	_ =	swait.ge [sflag:s8], $0x80  }
0x56: {  	[sflag:s8] =	ssyncset.done $0x0  }
0x57: {  	[sflag:s8] =	ssyncadd.s32 $0xFFFFFF80  }
0x58: {  	_ =	swait.ge [sflag:s8], $0x80  }
0x59: {  	[sflag:s8] =	ssyncset.done $0x0  }
0x5a: {  	[sflag:s8] =	ssyncadd.s32 $0xFFFFFF80  }
0x5b: {  	[tilespmem:s30], [sflag:$0x1] =	stream.indirect.gather [hbm4b:s4+s29], $0x80, s23, s29, $0xb8;
	[tilespmem:$0x1C000] =	vst v63  }
0x5c: {  	_ =	swait.ge [sflag:s9], $0x4000  }
0x5d: {  	s15 =	rddreg [dreg:$0x4]  }
0x5e: {  	s16 =	rddreg [dreg:$0x5];
	[sflag:s9] =	ssyncset.done $0x0;
	s13 =	sadd.s32 $0x0, s15  }
0x5f: {  	[sflag:s9] =	ssyncadd.s32 $0xFFFFC000;
	s14 =	sadd.s32 $0x0, s16;
	s15 =	sadd.s32 $0x50, s13  }
0x60: {  	[tilespmem:s21], [sflag:$0x6] =	stream.linear.gather [hbm4b:s15+s3], $0x80, $0x38;
	[tilespmem:$0x1C000] =	vst v63  }
0x61: {  	s17 =	sadd.s32 $0x50, s14  }
0x62: {  	[tilespmem:s22], [sflag:$0x6] =	stream.linear.gather [hbm4b:s17+s3], $0x80, $0x38;
	[tilespmem:$0x1C000] =	vst v63  }
0x63: {  	_ =	swait.ge [sflag:s10], $0x80  }
0x64: {  	[sflag:s10] =	ssyncset.done $0x0  }
0x65: {  	[sflag:s10] =	ssyncadd.s32 $0xFFFFFF80  }
0x66: {  	_ =	swait.ge [sflag:s10], $0x80  }
0x67: {  	[sflag:s10] =	ssyncset.done $0x0  }
0x68: {  	[sflag:s10] =	ssyncadd.s32 $0xFFFFFF80  }
0x69: {  	[tilespmem:s0], [sflag:$0x2] =	stream.indirect.gather [hbm4b:s4+s29], $0x80, s25, s29, $0xb8;
	[tilespmem:$0x1C000] =	vst v63  }
0x6a: {  	_ =	swait.ge [sflag:s1], $0x4000  }
0x6b: {  	[sflag:s1] =	ssyncset.done $0x0  }
0x6c: {  	[sflag:s1] =	ssyncadd.s32 $0xFFFFC000  }
0x6d: {  	[spmem:s2] =	stream.indirect.scatter.add.f32 [tilespmem:s30], [sflag:$0x3], $0x80, s24, s29, $0xb8;
	[tilespmem:$0x1C000] =	vst v63  }
0x6e: {  	_ =	swait.ge [sflag:s5], $0x4000  }
0x6f: {  	[sflag:s5] =	ssyncset.done $0x0  }
0x70: {  	[sflag:s5] =	ssyncadd.s32 $0xFFFFC000  }
0x71: {  	[spmem:s2] =	stream.indirect.scatter.add.f32 [tilespmem:s0], [sflag:$0x4], $0x80, s26, s29, $0xb8;
	[tilespmem:$0x1C000] =	vst v63  }
0x72: {  	_ =	swait.ge [sflag:s6], $0x4000  }
0x73: {  	s7 =	rddreg [dreg:$0x6];
	[sflag:s6] =	ssyncset.done $0x0  }
0x74: {  	s16 =	rddreg [dreg:$0x7];
	[sflag:s6] =	ssyncadd.s32 $0xFFFFC000;
	s15 =	sadd.s32 $0x0, s7  }
0x75: {  	[tilespmem:s23], [sflag:$0x7] =	stream.linear.gather [hbm4b:s15+s3], $0x80, $0x38;
	[tilespmem:$0x1C000] =	vst v63  }
0x76: {  	s16 =	sadd.s32 $0x0, s16  }
0x77: {  	[tilespmem:s24], [sflag:$0x7] =	stream.linear.gather [hbm4b:s16+s3], $0x80, $0x38;
	[tilespmem:$0x1C000] =	vst v63  }
0x78: {  	_ =	swait.ge [sflag:s28], $0x80  }
0x79: {  	[sflag:s28] =	ssyncset.done $0x0  }
0x7a: {  	[sflag:s28] =	ssyncadd.s32 $0xFFFFFF80  }
0x7b: {  	_ =	swait.ge [sflag:s28], $0x80  }
0x7c: {  	[sflag:s28] =	ssyncset.done $0x0  }
0x7d: {  	[sflag:s28] =	ssyncadd.s32 $0xFFFFFF80  }
0x7e: {  	[tilespmem:s30], [sflag:$0x1] =	stream.indirect.gather [hbm4b:s4+s29], $0x80, s19, s29, $0xb8;
	[tilespmem:$0x1C000] =	vst v63  }
0x7f: {  	_ =	swait.ge [sflag:s9], $0x4000  }
0x80: {  	[sflag:s9] =	ssyncset.done $0x0  }
0x81: {  	s13 =	sadd.s32 $0x70, s13;
	[sflag:s9] =	ssyncadd.s32 $0xFFFFC000  }
0x82: {  	[tilespmem:s25], [sflag:$0x8] =	stream.linear.gather [hbm4b:s13+s3], $0x80, $0x38;
	[tilespmem:$0x1C000] =	vst v63  }
0x83: {  	s17 =	sadd.s32 $0x70, s14  }
0x84: {  	[tilespmem:s26], [sflag:$0x8] =	stream.linear.gather [hbm4b:s17+s3], $0x80, $0x38;
	[tilespmem:$0x1C000] =	vst v63  }
0x85: {  	_ =	swait.ge [sflag:s31], $0x80  }
0x86: {  	[sflag:s31] =	ssyncset.done $0x0  }
0x87: {  	[sflag:s31] =	ssyncadd.s32 $0xFFFFFF80  }
0x88: {  	_ =	swait.ge [sflag:s31], $0x80  }
0x89: {  	s13 =	simm.s32 $0x40;
	[sflag:s31] =	ssyncset.done $0x0  }
.LBB2_2:
0x8a: {  	[sflag:s31] =	ssyncadd.s32 $0xFFFFFF80  }
0x8b: {  	[tilespmem:s0], [sflag:$0x2] =	stream.indirect.gather [hbm4b:s4+s29], $0x80, s21, s29, $0xb8;
	[tilespmem:$0x1C000] =	vst v63  }
0x8c: {  	_ =	swait.ge [sflag:s1], $0x4000  }
0x8d: {  	[sflag:s1] =	ssyncset.done $0x0  }
0x8e: {  	[sflag:s1] =	ssyncadd.s32 $0xFFFFC000  }
0x8f: {  	[spmem:s2] =	stream.indirect.scatter.add.f32 [tilespmem:s30], [sflag:$0x3], $0x80, s20, s29, $0xb8;
	[tilespmem:$0x1C000] =	vst v63  }
0x90: {  	_ =	swait.ge [sflag:s5], $0x4000  }
0x91: {  	[sflag:s5] =	ssyncset.done $0x0  }
0x92: {  	[sflag:s5] =	ssyncadd.s32 $0xFFFFC000  }
0x93: {  	[spmem:s2] =	stream.indirect.scatter.add.f32 [tilespmem:s0], [sflag:$0x4], $0x80, s22, s29, $0xb8;
	[tilespmem:$0x1C000] =	vst v63  }
0x94: {  	_ =	swait.ge [sflag:s6], $0x4000  }
0x95: {  	s14 =	smov.u32 s13;
	s15 =	rddreg [dreg:$0x8];
	[sflag:s6] =	ssyncset.done $0x0  }
0x96: {  	s16 =	rddreg [dreg:$0x9];
	[sflag:s6] =	ssyncadd.s32 $0xFFFFC000;
	s15 =	sadd.s32 s14, s15  }
0x97: {  	[tilespmem:s19], [sflag:$0x5] =	stream.linear.gather [hbm4b:s15+s3], $0x80, $0x38;
	[tilespmem:$0x1C000] =	vst v63  }
0x98: {  	s16 =	sadd.s32 s14, s16  }
0x99: {  	[tilespmem:s20], [sflag:$0x5] =	stream.linear.gather [hbm4b:s16+s3], $0x80, $0x38;
	[tilespmem:$0x1C000] =	vst v63  }
0x9a: {  	_ =	swait.ge [sflag:s8], $0x80  }
0x9b: {  	[sflag:s8] =	ssyncset.done $0x0  }
0x9c: {  	[sflag:s8] =	ssyncadd.s32 $0xFFFFFF80  }
0x9d: {  	_ =	swait.ge [sflag:s8], $0x80  }
0x9e: {  	[sflag:s8] =	ssyncset.done $0x0  }
0x9f: {  	[sflag:s8] =	ssyncadd.s32 $0xFFFFFF80  }
0xa0: {  	[tilespmem:s30], [sflag:$0x1] =	stream.indirect.gather [hbm4b:s4+s29], $0x80, s23, s29, $0xb8;
	[tilespmem:$0x1C000] =	vst v63  }
0xa1: {  	_ =	swait.ge [sflag:s9], $0x4000  }
0xa2: {  	s17 =	rddreg [dreg:$0x4]  }
0xa3: {  	s7 =	rddreg [dreg:$0x5];
	[sflag:s9] =	ssyncset.done $0x0;
	s15 =	sadd.s32 s14, s17  }
0xa4: {  	[sflag:s9] =	ssyncadd.s32 $0xFFFFC000;
	s16 =	sadd.s32 s14, s7;
	s17 =	sadd.s32 $0x50, s15  }
0xa5: {  	[tilespmem:s21], [sflag:$0x6] =	stream.linear.gather [hbm4b:s17+s3], $0x80, $0x38;
	[tilespmem:$0x1C000] =	vst v63  }
0xa6: {  	s7 =	sadd.s32 $0x50, s16  }
0xa7: {  	[tilespmem:s22], [sflag:$0x6] =	stream.linear.gather [hbm4b:s7+s3], $0x80, $0x38;
	[tilespmem:$0x1C000] =	vst v63  }
0xa8: {  	_ =	swait.ge [sflag:s10], $0x80  }
0xa9: {  	[sflag:s10] =	ssyncset.done $0x0  }
0xaa: {  	[sflag:s10] =	ssyncadd.s32 $0xFFFFFF80  }
0xab: {  	_ =	swait.ge [sflag:s10], $0x80  }
0xac: {  	[sflag:s10] =	ssyncset.done $0x0  }
0xad: {  	[sflag:s10] =	ssyncadd.s32 $0xFFFFFF80  }
0xae: {  	[tilespmem:s0], [sflag:$0x2] =	stream.indirect.gather [hbm4b:s4+s29], $0x80, s25, s29, $0xb8;
	[tilespmem:$0x1C000] =	vst v63  }
0xaf: {  	_ =	swait.ge [sflag:s1], $0x4000  }
0xb0: {  	[sflag:s1] =	ssyncset.done $0x0  }
0xb1: {  	[sflag:s1] =	ssyncadd.s32 $0xFFFFC000  }
0xb2: {  	[spmem:s2] =	stream.indirect.scatter.add.f32 [tilespmem:s30], [sflag:$0x3], $0x80, s24, s29, $0xb8;
	[tilespmem:$0x1C000] =	vst v63  }
0xb3: {  	_ =	swait.ge [sflag:s5], $0x4000  }
0xb4: {  	[sflag:s5] =	ssyncset.done $0x0  }
0xb5: {  	[sflag:s5] =	ssyncadd.s32 $0xFFFFC000  }
0xb6: {  	[spmem:s2] =	stream.indirect.scatter.add.f32 [tilespmem:s0], [sflag:$0x4], $0x80, s26, s29, $0xb8;
	[tilespmem:$0x1C000] =	vst v63  }
0xb7: {  	_ =	swait.ge [sflag:s6], $0x4000  }
0xb8: {  	s17 =	rddreg [dreg:$0x6];
	[sflag:s6] =	ssyncset.done $0x0  }
0xb9: {  	s7 =	rddreg [dreg:$0x7];
	[sflag:s6] =	ssyncadd.s32 $0xFFFFC000;
	s17 =	sadd.s32 s14, s17  }
0xba: {  	[tilespmem:s23], [sflag:$0x7] =	stream.linear.gather [hbm4b:s17+s3], $0x80, $0x38;
	[tilespmem:$0x1C000] =	vst v63  }
0xbb: {  	s7 =	sadd.s32 s14, s7  }
0xbc: {  	[tilespmem:s24], [sflag:$0x7] =	stream.linear.gather [hbm4b:s7+s3], $0x80, $0x38;
	[tilespmem:$0x1C000] =	vst v63  }
0xbd: {  	_ =	swait.ge [sflag:s28], $0x80  }
0xbe: {  	[sflag:s28] =	ssyncset.done $0x0  }
0xbf: {  	[sflag:s28] =	ssyncadd.s32 $0xFFFFFF80  }
0xc0: {  	_ =	swait.ge [sflag:s28], $0x80  }
0xc1: {  	[sflag:s28] =	ssyncset.done $0x0  }
0xc2: {  	[sflag:s28] =	ssyncadd.s32 $0xFFFFFF80  }
0xc3: {  	[tilespmem:s30], [sflag:$0x1] =	stream.indirect.gather [hbm4b:s4+s29], $0x80, s19, s29, $0xb8;
	[tilespmem:$0x1C000] =	vst v63  }
0xc4: {  	_ =	swait.ge [sflag:s9], $0x4000  }
0xc5: {  	[sflag:s9] =	ssyncset.done $0x0  }
0xc6: {  	s15 =	sadd.s32 $0x70, s15;
	[sflag:s9] =	ssyncadd.s32 $0xFFFFC000  }
0xc7: {  	[tilespmem:s25], [sflag:$0x8] =	stream.linear.gather [hbm4b:s15+s3], $0x80, $0x38;
	[tilespmem:$0x1C000] =	vst v63  }
0xc8: {  	p0 =	sne.s32 s13, $0x4C0;
	s17 =	sadd.s32 $0x70, s16  }
0xc9: {  	[tilespmem:s26], [sflag:$0x8] =	stream.linear.gather [hbm4b:s17+s3], $0x80, $0x38;
	[tilespmem:$0x1C000] =	vst v63  }
.Ltmp0:
0xca: {  	_ =	swait.ge [sflag:s31], $0x80;
	(pc) =	sbr.rel @p0 .LBB2_2-.Ltmp0, $4  }
0xcb: {  	[sflag:s31] =	ssyncset.done $0x0  }
0xcc: {  	[sflag:s31] =	ssyncadd.s32 $0xFFFFFF80  }
0xcd: {  	_ =	swait.ge [sflag:s31], $0x80  }
0xce: {  	s13 =	sadd.s32 $0x40, s13;
	[sflag:s31] =	ssyncset.done $0x0  }
0xcf: {  	[sflag:s31] =	ssyncadd.s32 $0xFFFFFF80  }
0xd0: {  	[tilespmem:s0], [sflag:$0x2] =	stream.indirect.gather [hbm4b:s4+s29], $0x80, s21, s29, $0xb8;
	[tilespmem:$0x1C000] =	vst v63  }
0xd1: {  	_ =	swait.ge [sflag:s1], $0x4000  }
0xd2: {  	[sflag:s1] =	ssyncset.done $0x0  }
0xd3: {  	[sflag:s1] =	ssyncadd.s32 $0xFFFFC000  }
0xd4: {  	_ =	swait.ge [sflag:s5], $0x4000  }
0xd5: {  	[sflag:s5] =	ssyncset.done $0x0  }
0xd6: {  	[sflag:s5] =	ssyncadd.s32 $0xFFFFC000  }
0xd7: {  	_ =	swait.ge [sflag:s8], $0x80  }
0xd8: {  	[sflag:s8] =	ssyncset.done $0x0  }
0xd9: {  	[sflag:s8] =	ssyncadd.s32 $0xFFFFFF80  }
0xda: {  	_ =	swait.ge [sflag:s8], $0x80  }
0xdb: {  	[sflag:s8] =	ssyncset.done $0x0  }
0xdc: {  	[sflag:s8] =	ssyncadd.s32 $0xFFFFFF80  }
0xdd: {  	_ =	swait.ge [sflag:s10], $0x80  }
0xde: {  	[sflag:s10] =	ssyncset.done $0x0  }
0xdf: {  	[sflag:s10] =	ssyncadd.s32 $0xFFFFFF80  }
0xe0: {  	_ =	swait.ge [sflag:s10], $0x80  }
0xe1: {  	[sflag:s10] =	ssyncset.done $0x0  }
0xe2: {  	[sflag:s10] =	ssyncadd.s32 $0xFFFFFF80  }
0xe3: {  	[bflag:$0x0] =	sbarrier.arrive $0xFFFF  }
0xe4: {  	s13 =	rddreg [dreg:$0xc]  }
0xe5: {  	s7 =	rddreg [dreg:$0x15]  }
0xe6: {  	[hbm:s7], [sflag:s13] =	dma.local [spmem:s12], $0x2780  }
0xe7: {  	_ =	swait.ge [sflag:s18], $0x2780  }
0xe8: {  	s11 =	sadd.s32 $0x1, s11;
	s17 =	rddreg [dreg:$0x16]  }
0xe9: {  	p0 =	sne.s32 s11, s17  }
.Ltmp1:
0xea: {  	_ = 	snop;
	(pc) =	sbr.rel @p0 .LBB2_1-.Ltmp1, $3  }
0xeb: {  	_ =	sdelay $0x1  }
0xec: {  	[sflag:s18] =	ssyncset.done $0x0  }
0xed: {  	[sflag:s18] =	ssyncadd.s32 $0xFFFFD880  }
0xee: {  	_ =	sfence.sel $0x180000  }
0xef: {  	[bflag:$0x0] =	sbarrier.arrive $0xFFFF  }
0xf0: {  	_ =	strace $0x9000004A  }
0xf1: {  	s0 =	stileid.u32;
	[bflag:$0x2] =	sbarrier.arrive $0xFFFF  }
0xf2: {  	p0 =	sne.s32 s0, $0x0;
	s0 =	rddreg [dreg:$0x3]  }
0xf3: {  	s0 =	sadd.s32 @!p0 $0x100000, s0  }
0xf4: {  	[sflag:s0] =	ssyncadd.tile.s32 @!p0 $0x1;
	_ =	shalt  }
.Lfunc_end2:
_tile_overlayer_lowered:
.L_overlay_start_2:
0xf5: {  	(tag) =	ssettag $0x2  }
0xf6: {  	s0 =	rddreg [dreg:$0x0];
	s2 =	stileid.u32  }
0xf7: {  	s1 =	rddreg [dreg:$0x1];
	p0 =	sne.s32 s2, $0x0  }
0xf8: {  	s3 =	rddreg [dreg:$0x2];
	[bflag:$0x3] =	sbarrier.arrive $0xFFFF;
	s2 =	simm.s32 @!p0 $0x1C09  }
0xf9: {  	[timem:s3], [sflag:s2] =	dma.local @!p0 [hbm:s0], s1  }
0xfa: {  	s0 =	simm.s32 @!p0 $0x9  }
0xfb: {  	_ =	swait.ge @!p0 [sflag:s0], s1  }
0xfc: {  	s1 =	ssub.s32 @!p0 $0x0, s1;
	[sflag:s0] =	ssyncset.done @!p0 $0x0  }
0xfd: {  	[sflag:s0] =	ssyncadd.s32 @!p0 s1  }
0xfe: {  	[bflag:$0x3] =	sbarrier.arrive $0xFFFF  }
0xff: {  	_ =	shalt  }

// kernel: kernel.16.cloned.1.call-start
scs
__scs_entry_jumppad:
0x0: {  	(pc) =	sbr.rel $0x88, $3  }
0x1: {  	(tag) =	ssettag $0x0;
	lr =	simm.s32 $0x1  }
0x2: {  	[smem:$0x3F93] =	sst lr;
	_ =	strace $0xD0000000  }
0x3: {  	_ = 	snop  }
0x4: {  	_ = 	snop  }
0x5: {  	_ = 	snop  }
0x6: {  	_ = 	snop  }
0x7: {  	_ = 	snop  }
__scs_overlays_trampoline_lowered:
0x8: {  	[smem:$0x3FA2] =	sst s0  }
0x9: {  	[smem:$0x3FA3] =	sst s1  }
0xa: {  	[smem:$0x3FA4] =	sst s2  }
0xb: {  	[smem:$0x3FA5] =	sst s3  }
0xc: {  	[smem:$0x3FA6] =	sst s4  }
0xd: {  	[smem:$0x3FA7] =	sst s5  }
0xe: {  	[smem:$0x3FA8] =	sst s6  }
0xf: {  	[smem:$0x3FA9] =	sst s7  }
0x10: {  	[smem:$0x3FAA] =	sst s8  }
0x11: {  	[smem:$0x3FAB] =	sst s9;
	s0 =	simm.s32 @!p0 $0x0  }
0x12: {  	s1 =	sld [smem:$0x3F91];
	s0 =	simm.s32 @p0 $0x1  }
0x13: {  	[smem:$0x3FAC] =	sst s0;
	s0 =	simm.s32 @!p1 $0x0  }
0x14: {  	s2 =	sld [smem:$0x3F90];
	s0 =	simm.s32 @p1 $0x1  }
0x15: {  	[smem:$0x3FAD] =	sst s0;
	s0 =	simm.s32 @!p2 $0x0  }
0x16: {  	s3 =	sld [smem:$0x3FDB];
	s0 =	simm.s32 @p2 $0x1  }
0x17: {  	s4 =	simm.s32 $0x1BF5;
	[smem:$0x3FAF] =	sst s0  }
0x18: {  	s0 =	sld [smem:$0x3F92];
	_ =	swait.ge [sflag:s4], $0x0  }
0x19: {  	s7 =	sld [smem:$0x3F93]  }
0x1a: {  	s8 =	sadd.s32 $0xFFFFE003, lr  }
0x1b: {  	s9 =	sadd.s32 $0xFFFFFEF7, lr;
	s5 =	simm.s32 $0xFFFFFFFF;
	p2 =	slt.u32 s8, $0xFFFFF086  }
0x1c: {  	p1 =	slt.u32 s9, $0xF7A;
	s5 =	simm.s32 @!p2 $0x0  }
0x1d: {  	s5 =	simm.s32 @p1 $0x1;
	p0 =	seq.s32 s7, s2  }
0x1e: {  	s7 =	smul.u32 @!p0 $0xF7A, s2;
	p2 =	seq.s32 @!p0 s5, $0x0  }
0x1f: {  	s9 =	smul.u32 $0xF7A, s1;
	s8 =	simm.s32 @!p0 $0x1BF5;
	p2 =	por !p2, p0  }
0x20: {  	[sflag:s8] =	ssyncset.s32 @!p0 $0xFFFFF086;
	s6 =	sadd.s32 @!p0 s3, s7;
	s7 =	simm.s32 @!p0 $0x108  }
0x21: {  	s3 =	sadd.s32 s3, s9;
	s6 =	sadd.s32 @!p0 $0x88, s6;
	s7 =	simm.s32 @p2 $0x1082  }
0x22: {  	[simem:s7], [sflag:s8] =	dma.local @!p0 [hbm:s6], $0xF7A  }
0x23: {  	s9 =	sor.u32 $0xD0000000, s2;
	s6 =	simm.s32 $0x108;
	_ =	swait.ge @!p0 [sflag:s8], $0x0  }
0x24: {  	s3 =	sadd.s32 $0x88, s3;
	s6 =	simm.s32 @!p1 $0x1082;
	[sflag:s4] =	ssyncset.s32 $0xFFFFF086  }
0x25: {  	[simem:s6], [sflag:s4] =	dma.local [hbm:s3], $0xF7A  }
0x26: {  	[smem:$0x3F93] =	sst s1;
	(tag) =	ssettag s2;
	_ =	strace s9  }
0x27: {  	s1 =	sld [smem:$0x3FA3]  }
0x28: {  	s2 =	sld [smem:$0x3FA4]  }
0x29: {  	s4 =	sld [smem:$0x3FA6]  }
0x2a: {  	p0 =	seq.s32 s5, $0x0;
	s5 =	sld [smem:$0x3FA7]  }
0x2b: {  	s6 =	sld [smem:$0x3FA8]  }
0x2c: {  	s7 =	sld [smem:$0x3FA9]  }
0x2d: {  	s3 =	simm.s32 $0x108;
	s8 =	sld [smem:$0x3FAA]  }
0x2e: {  	s3 =	simm.s32 @!p0 $0x1082;
	s9 =	sld [smem:$0x3FAB]  }
0x2f: {  	lr =	sadd.s32 s0, s3;
	s0 =	sld [smem:$0x3FA2]  }
0x30: {  	s3 =	sld [smem:$0x3FA5]  }
0x31: {  	[smem:$0x3FAE] =	sst s10  }
0x32: {  	s10 =	sld [smem:$0x3FAC];
	_ =	sdelay $0x3  }
0x33: {  	p0 =	seq.s32 s10, $0x1;
	s10 =	sld [smem:$0x3FAE];
	_ =	sdelay $0x3  }
0x34: {  	[smem:$0x3FAE] =	sst s10  }
0x35: {  	s10 =	sld [smem:$0x3FAD];
	_ =	sdelay $0x3  }
0x36: {  	p1 =	seq.s32 s10, $0x1;
	s10 =	sld [smem:$0x3FAE];
	_ =	sdelay $0x3  }
0x37: {  	[smem:$0x3FAE] =	sst s10  }
0x38: {  	s10 =	sld [smem:$0x3FAF]  }
0x39: {  	_ = 	snop;
	(pc) =	sbr.ind lr, $3  }
0x3a: {  	_ = 	snop  }
0x3b: {  	_ = 	snop  }
0x3c: {  	p2 =	seq.s32 s10, $0x1;
	s10 =	sld [smem:$0x3FAE]  }
0x3d: {  	_ =	shalt  }
0x3e: {  	_ =	shalt  }
0x3f: {  	_ =	shalt  }
0x40: {  	_ =	shalt  }
0x41: {  	_ =	shalt  }
0x42: {  	_ =	shalt  }
0x43: {  	_ =	shalt  }
0x44: {  	_ =	shalt  }
0x45: {  	_ =	shalt  }
0x46: {  	_ =	shalt  }
0x47: {  	_ =	shalt  }
0x48: {  	_ =	shalt  }
0x49: {  	_ =	shalt  }
0x4a: {  	_ =	shalt  }
0x4b: {  	_ =	shalt  }
0x4c: {  	_ =	shalt  }
0x4d: {  	_ =	shalt  }
0x4e: {  	_ =	shalt  }
0x4f: {  	_ =	shalt  }
0x50: {  	_ =	shalt  }
0x51: {  	_ =	shalt  }
0x52: {  	_ =	shalt  }
0x53: {  	_ =	shalt  }
0x54: {  	_ =	shalt  }
0x55: {  	_ =	shalt  }
0x56: {  	_ =	shalt  }
0x57: {  	_ =	shalt  }
0x58: {  	_ =	shalt  }
0x59: {  	_ =	shalt  }
0x5a: {  	_ =	shalt  }
0x5b: {  	_ =	shalt  }
0x5c: {  	_ =	shalt  }
0x5d: {  	_ =	shalt  }
0x5e: {  	_ =	shalt  }
0x5f: {  	_ =	shalt  }
0x60: {  	_ =	shalt  }
0x61: {  	_ =	shalt  }
0x62: {  	_ =	shalt  }
0x63: {  	_ =	shalt  }
0x64: {  	_ =	shalt  }
0x65: {  	_ =	shalt  }
0x66: {  	_ =	shalt  }
0x67: {  	_ =	shalt  }
0x68: {  	_ =	shalt  }
0x69: {  	_ =	shalt  }
0x6a: {  	_ =	shalt  }
0x6b: {  	_ =	shalt  }
0x6c: {  	_ =	shalt  }
0x6d: {  	_ =	shalt  }
0x6e: {  	_ =	shalt  }
0x6f: {  	_ =	shalt  }
0x70: {  	_ =	shalt  }
0x71: {  	_ =	shalt  }
0x72: {  	_ =	shalt  }
0x73: {  	_ =	shalt  }
0x74: {  	_ =	shalt  }
0x75: {  	_ =	shalt  }
0x76: {  	_ =	shalt  }
0x77: {  	_ =	shalt  }
0x78: {  	_ =	shalt  }
0x79: {  	_ =	shalt  }
0x7a: {  	_ =	shalt  }
0x7b: {  	_ =	shalt  }
0x7c: {  	_ =	shalt  }
0x7d: {  	_ =	shalt  }
0x7e: {  	_ =	shalt  }
0x7f: {  	_ =	shalt  }
0x80: {  	_ =	shalt  }
0x81: {  	_ =	shalt  }
0x82: {  	_ =	shalt  }
0x83: {  	_ =	shalt  }
0x84: {  	_ =	shalt  }
0x85: {  	_ =	shalt  }
0x86: {  	_ =	shalt  }
0x87: {  	_ =	shalt  }
.Lfunc_end0:
.L_simem_size_0:
called_computation.2_lowered:
.L_overlay_start_0:
0x88: {  	s2 =	sld [smem:$0x3FD9]  }
0x89: {  	s3 =	sld [smem:$0x3FFE];
	_ =	sdelay $0x1  }
0x8a: {  	s1 =	srdreg.scid  }
0x8b: {  	s0 =	sand.u32 $0x1, s1  }
0x8c: {  	s17 =	sshll.u32 s0, $0xA;
	s2 =	sadd.s32 s3, s2  }
0x8d: {  	s2 =	sadd.s32 s2, s17  }
0x8e: {  	[smem:$0x3FBA] =	sst s2  }
0x8f: {  	_ = 	snop  }
0x90: {  	s2 =	sld [smem:$0x3FD0];
	(tm) =	ssettm $0x1  }
0x91: {  	s18 =	sld [smem:$0x3FFB];
	_ =	sdelay $0x3  }
0x92: {  	_ =	strace s18  }
0x93: {  	s3 =	sld [smem:$0x3FFC];
	_ =	sdelay $0x3  }
0x94: {  	_ =	strace s3  }
0x95: {  	s3 =	sld [smem:$0x3FFD];
	_ =	sdelay $0x3  }
0x96: {  	_ =	strace s3  }
0x97: {  	_ =	strace $0x8FFFFFFF  }
0x98: {  	s19 =	sld [smem:$0x3FDB];
	_ =	sdelay $0x1  }
0x99: {  	s4 =	simm.s32 $_scs_section_size  }
0x9a: {  	s5 =	simm.s32 $_size__tile_overlayer_lowered;
	s6 =	simm.s32 $_tile_overlayer_lowered  }
0x9b: {  	s22 =	simm.s32 $0x1BFF;
	s21 =	sshll.u32 s6, $0x1;
	s3 =	sadd.s32 s4, s19  }
0x9c: {  	s7 =	simm.s32 $0x0;
	s20 =	sshll.u32 s5, $0x1;
	s5 =	sadd.s32 s21, s3  }
0x9d: {  	[timem:s7], [sflag:s22] =	dma.local [hbm:s5], s20  }
0x9e: {  	_ =	swait.ge [sflag:s22], s20  }
0x9f: {  	s4 =	ssub.s32 $0x0, s20;
	[sflag:s22] =	ssyncset.done $0x0  }
0xa0: {  	[sflag:s22] =	ssyncadd.s32 s4;
	_ =	sdelay $0x1  }
0xa1: {  	s23 =	simm.s32 $0x1B8B  }
0xa2: {  	_ =	swait.ge [sflag:s23], $0x1  }
0xa3: {  	[sflag:s23] =	ssyncset.done $0x0  }
0xa4: {  	s25 =	simm.s32 $0x1B8E;
	s24 =	sld [smem:$0x3FFE];
	[sflag:s23] =	ssyncadd.s32 $0xFFFFFFFF  }
0xa5: {  	s26 =	simm.s32 $execute0_lowered;
	[smem:$0x3FD2] =	sst s25  }
0xa6: {  	s5 =	sshll.u32 s26, $0x1;
	_ =	strace $0x8000004C;
	[dreg:$0x1] =	wrdreg $0xFFFFFFFF  }
0xa7: {  	s28 =	simm.s32 $_size_execute0_lowered;
	s3 =	sadd.s32 s3, s5;
	[dreg:$0x0] =	wrdreg $0x0  }
0xa8: {  	s5 =	sshll.u32 s28, $0x1;
	[dreg:$0x2] =	wrdreg s3  }
0xa9: {  	[dreg:$0x3] =	wrdreg s5  }
0xaa: {  	[dreg:$0x4] =	wrdreg $0xC0  }
0xab: {  	_ =	task [dreg:s7], $0x5FFFF  }
0xac: {  	[dreg:$0x1] =	wrdreg $0xFFFFFFFF  }
0xad: {  	[dreg:$0x0] =	wrdreg $0x60  }
0xae: {  	[dreg:$0x2] =	wrdreg s24  }
0xaf: {  	[dreg:$0x3] =	wrdreg s2  }
0xb0: {  	[dreg:$0x4] =	wrdreg $0x0  }
0xb1: {  	[dreg:$0x5] =	wrdreg $0x9  }
0xb2: {  	_ =	task.clear_ibuf [dreg:s7], $0x6FFFF;
	_ =	strace $0x9000004C  }
0xb3: {  	s29 =	simm.s32 $0x9;
	_ =	strace $0x8000004E  }
0xb4: {  	_ =	swait.ge [sflag:s29], $0x1  }
0xb5: {  	[sflag:s29] =	ssyncadd.s32 $0xFFFFFFFF  }
0xb6: {  	_ =	strace $0x9000004E  }
0xb7: {  	_ =	sfence  }
0xb8: {  	s30 =	sld [smem:$0x0];
	_ =	sdelay $0x2  }
0xb9: {  	s31 =	sshll.u32 s1, $0xD;
	s1 =	sshrl.u32 s1, $0x2  }
0xba: {  	s3 =	sand.u32 $0x4000, s31;
	s1 =	sadd.s32 s1, s30  }
0xbb: {  	s0 =	sor.u32 s3, s0;
	s1 =	sshll.u32 s1, $0x11  }
0xbc: {  	s0 =	sor.u32 s1, s0  }
0xbd: {  	s0 =	sadd.s32 $0x8F2B, s0  }
0xbe: {  	[sflag:s0] =	ssyncadd.remote.s32 $0x1  }
0xbf: {  	_ =	sfence.sel $0xFFFF  }
0xc0: {  	[dreg:$0x0] =	wrdreg $0xFFFFFFFF;
	(pc) =	sbr.abs _section_cstart, $3  }
0xc1: {  	[dreg:$0x1] =	wrdreg $0xFFFFFFFF  }
0xc2: {  	_ =	task.clear_ibuf [dreg:s7], $0x2FFFF;
	_ =	strace $0x9FFFFFFF  }
0xc3: {  	(tm) =	ssettm $0x7FFFFFFF  }
tec
execute0_lowered:
.L_overlay_start_1:
0x0: {  	(tag) =	ssettag $0x1  }
0x1: {  	s0 =	rddreg [dreg:$0x0]  }
0x2: {  	s1 =	rddreg [dreg:$0x1]  }
0x3: {  	s2 =	rddreg [dreg:$0x2]  }
0x4: {  	s3 =	simm.s32 $0x0;
	s12 =	stileid.u32;
	s4 =	srdreg.scid  }
0x5: {  	s28 =	simm.s32 $0x5;
	s29 =	simm.s32 $0x80;
	s30 =	simm.s32 $0x13C00  }
0x6: {  	s31 =	simm.s32 $0x6;
	[smem:$0x7FF] =	sst s3;
	s5 =	smul.u32 $0x13C00, s12  }
0x7: {  	s6 =	sand.u32 $0x1, s4;
	s4 =	sadd.s32 $0x36200, s0;
	s8 =	sadd.s32 $0x4800, s0  }
0x8: {  	s25 =	sshll.u32 s12, $0x6;
	s26 =	smul.u32 $0x50, s12;
	_ =	strace $0x8000004D  }
0x9: {  	s7 =	smul.u32 $0x13C000, s6;
	s10 =	sshll.u32 s6, $0x4;
	s11 =	ssub.s32 $0x2, s6  }
0xa: {  	s23 =	smul.u32 $0x500, s6;
	s13 =	sor.u32 $0x1C09, s25;
	s9 =	sshrl.u32 s5, $0x3  }
0xb: {  	s10 =	sor.u32 s12, s10;
	s22 =	sshrl.u32 s11, $0x1;
	[dreg:$0xc] =	wrdreg s13  }
0xc: {  	s9 =	sadd.s32 s9, s0;
	s7 =	sadd.s32 s5, s7;
	s10 =	smul.u32 $0x500, s10  }
0xd: {  	s11 =	ssub.s32 s11, s22;
	s5 =	sadd.s32 s5, s2;
	s7 =	sshrl.u32 s7, $0x3  }
0xe: {  	[dreg:$0xa] =	wrdreg s5;
	s24 =	sadd.s32 $0xEA00, s9;
	s5 =	sadd.s32 s26, s23  }
0xf: {  	s26 =	smax.u32 s11, $0x1;
	s9 =	simm.s32 $0x4;
	s11 =	simm.s32 $0x0  }
0x10: {  	s0 =	sadd.s32 s7, s0;
	[dreg:$0xb] =	wrdreg s24;
	s7 =	sadd.s32 s1, s10  }
0x11: {  	s12 =	sor.u32 $0x10, s10;
	s14 =	sadd.s32 s8, s10;
	[dreg:$0x16] =	wrdreg s26  }
0x12: {  	s16 =	sor.u32 $0x20, s10;
	s5 =	sshll.u32 s5, $0x4;
	[dreg:$0xd] =	wrdreg s7  }
0x13: {  	s10 =	sor.u32 $0x30, s10;
	[dreg:$0xe] =	wrdreg s14;
	s15 =	sadd.s32 s1, s12  }
0x14: {  	s26 =	simm.s32 $0x1BF80;
	s6 =	sadd.s32 s8, s12;
	[dreg:$0xf] =	wrdreg s15  }
0x15: {  	s17 =	sadd.s32 s1, s16;
	s18 =	sadd.s32 s5, s1;
	[dreg:$0x10] =	wrdreg s6  }
0x16: {  	s19 =	sadd.s32 s5, s8;
	s20 =	sor.u32 $0x60, s5;
	[dreg:$0x11] =	wrdreg s17  }
0x17: {  	s5 =	sor.u32 $0x40, s5;
	s23 =	sadd.s32 s1, s10;
	[dreg:$0x4] =	wrdreg s18  }
0x18: {  	s24 =	sadd.s32 s8, s10;
	s0 =	sadd.s32 $0x5D400, s0;
	[dreg:$0x5] =	wrdreg s19  }
0x19: {  	s10 =	simm.s32 $0x8;
	s6 =	sadd.s32 s8, s16;
	[dreg:$0x13] =	wrdreg s23  }
0x1a: {  	s21 =	sadd.s32 s20, s1;
	s22 =	sadd.s32 s20, s8;
	[dreg:$0x14] =	wrdreg s24  }
0x1b: {  	s1 =	sadd.s32 s5, s1;
	s25 =	sadd.s32 s5, s8;
	[dreg:$0x15] =	wrdreg s0  }
0x1c: {  	s18 =	simm.s32 $0x9;
	s19 =	simm.s32 $0x1BC00;
	[dreg:$0x12] =	wrdreg s6  }
0x1d: {  	s20 =	simm.s32 $0x1BC80;
	s23 =	simm.s32 $0x1BE00;
	[dreg:$0x6] =	wrdreg s21  }
0x1e: {  	s24 =	simm.s32 $0x1BE80;
	s0 =	simm.s32 $0x17C00;
	[dreg:$0x7] =	wrdreg s22  }
0x1f: {  	s5 =	simm.s32 $0x2;
	s8 =	simm.s32 $0x7;
	[dreg:$0x8] =	wrdreg s1  }
0x20: {  	[dreg:$0x9] =	wrdreg s25;
	s21 =	simm.s32 $0x1BD00;
	s22 =	simm.s32 $0x1BD80  }
0x21: {  	s25 =	simm.s32 $0x1BF00;
	s1 =	simm.s32 $0x1;
	s6 =	simm.s32 $0x3  }
.LBB2_1:
0x22: {  	s7 =	rddreg [dreg:$0xa]  }
0x23: {  	s14 =	rddreg [dreg:$0xb];
	s12 =	sshrl.u32 s7, $0x3  }
0x24: {  	[spmem:s12], [sflag:s13] =	dma.local [hbm:s14], $0x2780  }
0x25: {  	_ =	swait.ge [sflag:s18], $0x2780  }
0x26: {  	[sflag:s18] =	ssyncset.done $0x0  }
0x27: {  	[sflag:s18] =	ssyncadd.s32 $0xFFFFD880  }
0x28: {  	[bflag:$0x0] =	sbarrier.arrive $0xFFFF  }
0x29: {  	s15 =	rddreg [dreg:$0xd]  }
0x2a: {  	[tilespmem:s19], [sflag:$0x5] =	stream.linear.gather [hbm4b:s15+s3], $0x80, $0x38;
	[tilespmem:$0x1C000] =	vst v63  }
0x2b: {  	s16 =	rddreg [dreg:$0xe]  }
0x2c: {  	[tilespmem:s20], [sflag:$0x5] =	stream.linear.gather [hbm4b:s16+s3], $0x80, $0x38;
	[tilespmem:$0x1C000] =	vst v63  }
0x2d: {  	s17 =	rddreg [dreg:$0xf]  }
0x2e: {  	[tilespmem:s21], [sflag:$0x6] =	stream.linear.gather [hbm4b:s17+s3], $0x80, $0x38;
	[tilespmem:$0x1C000] =	vst v63  }
0x2f: {  	s13 =	rddreg [dreg:$0x10]  }
0x30: {  	[tilespmem:s22], [sflag:$0x6] =	stream.linear.gather [hbm4b:s13+s3], $0x80, $0x38;
	[tilespmem:$0x1C000] =	vst v63  }
0x31: {  	s14 =	rddreg [dreg:$0x11]  }
0x32: {  	[tilespmem:s23], [sflag:$0x7] =	stream.linear.gather [hbm4b:s14+s3], $0x80, $0x38;
	[tilespmem:$0x1C000] =	vst v63  }
0x33: {  	s15 =	rddreg [dreg:$0x12]  }
0x34: {  	[tilespmem:s24], [sflag:$0x7] =	stream.linear.gather [hbm4b:s15+s3], $0x80, $0x38;
	[tilespmem:$0x1C000] =	vst v63  }
0x35: {  	s16 =	rddreg [dreg:$0x13]  }
0x36: {  	[tilespmem:s25], [sflag:$0x8] =	stream.linear.gather [hbm4b:s16+s3], $0x80, $0x38;
	[tilespmem:$0x1C000] =	vst v63  }
0x37: {  	s17 =	rddreg [dreg:$0x14]  }
0x38: {  	[tilespmem:s26], [sflag:$0x8] =	stream.linear.gather [hbm4b:s17+s3], $0x80, $0x38;
	[tilespmem:$0x1C000] =	vst v63  }
0x39: {  	_ =	swait.ge [sflag:s28], $0x80  }
0x3a: {  	[sflag:s28] =	ssyncset.done $0x0  }
0x3b: {  	[sflag:s28] =	ssyncadd.s32 $0xFFFFFF80  }
0x3c: {  	_ =	swait.ge [sflag:s28], $0x80  }
0x3d: {  	[sflag:s28] =	ssyncset.done $0x0  }
0x3e: {  	[sflag:s28] =	ssyncadd.s32 $0xFFFFFF80  }
0x3f: {  	[tilespmem:s30], [sflag:$0x1] =	stream.indirect.gather [hbm4b:s4+s29], $0x80, s19, s29, $0xb8;
	[tilespmem:$0x1C000] =	vst v63  }
0x40: {  	_ =	swait.ge [sflag:s31], $0x80  }
0x41: {  	[sflag:s31] =	ssyncset.done $0x0  }
0x42: {  	[sflag:s31] =	ssyncadd.s32 $0xFFFFFF80  }
0x43: {  	_ =	swait.ge [sflag:s31], $0x80  }
0x44: {  	[sflag:s31] =	ssyncset.done $0x0  }
0x45: {  	[sflag:s31] =	ssyncadd.s32 $0xFFFFFF80  }
0x46: {  	[tilespmem:s0], [sflag:$0x2] =	stream.indirect.gather [hbm4b:s4+s29], $0x80, s21, s29, $0xb8;
	[tilespmem:$0x1C000] =	vst v63  }
0x47: {  	_ =	swait.ge [sflag:s1], $0x4000  }
0x48: {  	[sflag:s1] =	ssyncset.done $0x0  }
0x49: {  	[sflag:s1] =	ssyncadd.s32 $0xFFFFC000  }
0x4a: {  	[spmem:s2] =	stream.indirect.scatter.add.f32 [tilespmem:s30], [sflag:$0x3], $0x80, s20, s29, $0xb8;
	[tilespmem:$0x1C000] =	vst v63  }
0x4b: {  	_ =	swait.ge [sflag:s5], $0x4000  }
0x4c: {  	[sflag:s5] =	ssyncset.done $0x0  }
0x4d: {  	[sflag:s5] =	ssyncadd.s32 $0xFFFFC000  }
0x4e: {  	[spmem:s2] =	stream.indirect.scatter.add.f32 [tilespmem:s0], [sflag:$0x4], $0x80, s22, s29, $0xb8;
	[tilespmem:$0x1C000] =	vst v63  }
0x4f: {  	_ =	swait.ge [sflag:s6], $0x4000  }
0x50: {  	s7 =	rddreg [dreg:$0x8];
	[sflag:s6] =	ssyncset.done $0x0  }
0x51: {  	s14 =	rddreg [dreg:$0x9];
	[sflag:s6] =	ssyncadd.s32 $0xFFFFC000;
	s13 =	sadd.s32 $0x0, s7  }
0x52: {  	[tilespmem:s19], [sflag:$0x5] =	stream.linear.gather [hbm4b:s13+s3], $0x80, $0x38;
	[tilespmem:$0x1C000] =	vst v63  }
0x53: {  	s14 =	sadd.s32 $0x0, s14  }
0x54: {  	[tilespmem:s20], [sflag:$0x5] =	stream.linear.gather [hbm4b:s14+s3], $0x80, $0x38;
	[tilespmem:$0x1C000] =	vst v63  }
0x55: {  	_ =	swait.ge [sflag:s8], $0x80  }
0x56: {  	[sflag:s8] =	ssyncset.done $0x0  }
0x57: {  	[sflag:s8] =	ssyncadd.s32 $0xFFFFFF80  }
0x58: {  	_ =	swait.ge [sflag:s8], $0x80  }
0x59: {  	[sflag:s8] =	ssyncset.done $0x0  }
0x5a: {  	[sflag:s8] =	ssyncadd.s32 $0xFFFFFF80  }
0x5b: {  	[tilespmem:s30], [sflag:$0x1] =	stream.indirect.gather [hbm4b:s4+s29], $0x80, s23, s29, $0xb8;
	[tilespmem:$0x1C000] =	vst v63  }
0x5c: {  	_ =	swait.ge [sflag:s9], $0x4000  }
0x5d: {  	s15 =	rddreg [dreg:$0x4]  }
0x5e: {  	s16 =	rddreg [dreg:$0x5];
	[sflag:s9] =	ssyncset.done $0x0;
	s13 =	sadd.s32 $0x0, s15  }
0x5f: {  	[sflag:s9] =	ssyncadd.s32 $0xFFFFC000;
	s14 =	sadd.s32 $0x0, s16;
	s15 =	sadd.s32 $0x50, s13  }
0x60: {  	[tilespmem:s21], [sflag:$0x6] =	stream.linear.gather [hbm4b:s15+s3], $0x80, $0x38;
	[tilespmem:$0x1C000] =	vst v63  }
0x61: {  	s17 =	sadd.s32 $0x50, s14  }
0x62: {  	[tilespmem:s22], [sflag:$0x6] =	stream.linear.gather [hbm4b:s17+s3], $0x80, $0x38;
	[tilespmem:$0x1C000] =	vst v63  }
0x63: {  	_ =	swait.ge [sflag:s10], $0x80  }
0x64: {  	[sflag:s10] =	ssyncset.done $0x0  }
0x65: {  	[sflag:s10] =	ssyncadd.s32 $0xFFFFFF80  }
0x66: {  	_ =	swait.ge [sflag:s10], $0x80  }
0x67: {  	[sflag:s10] =	ssyncset.done $0x0  }
0x68: {  	[sflag:s10] =	ssyncadd.s32 $0xFFFFFF80  }
0x69: {  	[tilespmem:s0], [sflag:$0x2] =	stream.indirect.gather [hbm4b:s4+s29], $0x80, s25, s29, $0xb8;
	[tilespmem:$0x1C000] =	vst v63  }
0x6a: {  	_ =	swait.ge [sflag:s1], $0x4000  }
0x6b: {  	[sflag:s1] =	ssyncset.done $0x0  }
0x6c: {  	[sflag:s1] =	ssyncadd.s32 $0xFFFFC000  }
0x6d: {  	[spmem:s2] =	stream.indirect.scatter.add.f32 [tilespmem:s30], [sflag:$0x3], $0x80, s24, s29, $0xb8;
	[tilespmem:$0x1C000] =	vst v63  }
0x6e: {  	_ =	swait.ge [sflag:s5], $0x4000  }
0x6f: {  	[sflag:s5] =	ssyncset.done $0x0  }
0x70: {  	[sflag:s5] =	ssyncadd.s32 $0xFFFFC000  }
0x71: {  	[spmem:s2] =	stream.indirect.scatter.add.f32 [tilespmem:s0], [sflag:$0x4], $0x80, s26, s29, $0xb8;
	[tilespmem:$0x1C000] =	vst v63  }
0x72: {  	_ =	swait.ge [sflag:s6], $0x4000  }
0x73: {  	s7 =	rddreg [dreg:$0x6];
	[sflag:s6] =	ssyncset.done $0x0  }
0x74: {  	s16 =	rddreg [dreg:$0x7];
	[sflag:s6] =	ssyncadd.s32 $0xFFFFC000;
	s15 =	sadd.s32 $0x0, s7  }
0x75: {  	[tilespmem:s23], [sflag:$0x7] =	stream.linear.gather [hbm4b:s15+s3], $0x80, $0x38;
	[tilespmem:$0x1C000] =	vst v63  }
0x76: {  	s16 =	sadd.s32 $0x0, s16  }
0x77: {  	[tilespmem:s24], [sflag:$0x7] =	stream.linear.gather [hbm4b:s16+s3], $0x80, $0x38;
	[tilespmem:$0x1C000] =	vst v63  }
0x78: {  	_ =	swait.ge [sflag:s28], $0x80  }
0x79: {  	[sflag:s28] =	ssyncset.done $0x0  }
0x7a: {  	[sflag:s28] =	ssyncadd.s32 $0xFFFFFF80  }
0x7b: {  	_ =	swait.ge [sflag:s28], $0x80  }
0x7c: {  	[sflag:s28] =	ssyncset.done $0x0  }
0x7d: {  	[sflag:s28] =	ssyncadd.s32 $0xFFFFFF80  }
0x7e: {  	[tilespmem:s30], [sflag:$0x1] =	stream.indirect.gather [hbm4b:s4+s29], $0x80, s19, s29, $0xb8;
	[tilespmem:$0x1C000] =	vst v63  }
0x7f: {  	_ =	swait.ge [sflag:s9], $0x4000  }
0x80: {  	[sflag:s9] =	ssyncset.done $0x0  }
0x81: {  	s13 =	sadd.s32 $0x70, s13;
	[sflag:s9] =	ssyncadd.s32 $0xFFFFC000  }
0x82: {  	[tilespmem:s25], [sflag:$0x8] =	stream.linear.gather [hbm4b:s13+s3], $0x80, $0x38;
	[tilespmem:$0x1C000] =	vst v63  }
0x83: {  	s17 =	sadd.s32 $0x70, s14  }
0x84: {  	[tilespmem:s26], [sflag:$0x8] =	stream.linear.gather [hbm4b:s17+s3], $0x80, $0x38;
	[tilespmem:$0x1C000] =	vst v63  }
0x85: {  	_ =	swait.ge [sflag:s31], $0x80  }
0x86: {  	[sflag:s31] =	ssyncset.done $0x0  }
0x87: {  	[sflag:s31] =	ssyncadd.s32 $0xFFFFFF80  }
0x88: {  	_ =	swait.ge [sflag:s31], $0x80  }
0x89: {  	s13 =	simm.s32 $0x40;
	[sflag:s31] =	ssyncset.done $0x0  }
.LBB2_2:
0x8a: {  	[sflag:s31] =	ssyncadd.s32 $0xFFFFFF80  }
0x8b: {  	[tilespmem:s0], [sflag:$0x2] =	stream.indirect.gather [hbm4b:s4+s29], $0x80, s21, s29, $0xb8;
	[tilespmem:$0x1C000] =	vst v63  }
0x8c: {  	_ =	swait.ge [sflag:s1], $0x4000  }
0x8d: {  	[sflag:s1] =	ssyncset.done $0x0  }
0x8e: {  	[sflag:s1] =	ssyncadd.s32 $0xFFFFC000  }
0x8f: {  	[spmem:s2] =	stream.indirect.scatter.add.f32 [tilespmem:s30], [sflag:$0x3], $0x80, s20, s29, $0xb8;
	[tilespmem:$0x1C000] =	vst v63  }
0x90: {  	_ =	swait.ge [sflag:s5], $0x4000  }
0x91: {  	[sflag:s5] =	ssyncset.done $0x0  }
0x92: {  	[sflag:s5] =	ssyncadd.s32 $0xFFFFC000  }
0x93: {  	[spmem:s2] =	stream.indirect.scatter.add.f32 [tilespmem:s0], [sflag:$0x4], $0x80, s22, s29, $0xb8;
	[tilespmem:$0x1C000] =	vst v63  }
0x94: {  	_ =	swait.ge [sflag:s6], $0x4000  }
0x95: {  	s14 =	smov.u32 s13;
	s15 =	rddreg [dreg:$0x8];
	[sflag:s6] =	ssyncset.done $0x0  }
0x96: {  	s16 =	rddreg [dreg:$0x9];
	[sflag:s6] =	ssyncadd.s32 $0xFFFFC000;
	s15 =	sadd.s32 s14, s15  }
0x97: {  	[tilespmem:s19], [sflag:$0x5] =	stream.linear.gather [hbm4b:s15+s3], $0x80, $0x38;
	[tilespmem:$0x1C000] =	vst v63  }
0x98: {  	s16 =	sadd.s32 s14, s16  }
0x99: {  	[tilespmem:s20], [sflag:$0x5] =	stream.linear.gather [hbm4b:s16+s3], $0x80, $0x38;
	[tilespmem:$0x1C000] =	vst v63  }
0x9a: {  	_ =	swait.ge [sflag:s8], $0x80  }
0x9b: {  	[sflag:s8] =	ssyncset.done $0x0  }
0x9c: {  	[sflag:s8] =	ssyncadd.s32 $0xFFFFFF80  }
0x9d: {  	_ =	swait.ge [sflag:s8], $0x80  }
0x9e: {  	[sflag:s8] =	ssyncset.done $0x0  }
0x9f: {  	[sflag:s8] =	ssyncadd.s32 $0xFFFFFF80  }
0xa0: {  	[tilespmem:s30], [sflag:$0x1] =	stream.indirect.gather [hbm4b:s4+s29], $0x80, s23, s29, $0xb8;
	[tilespmem:$0x1C000] =	vst v63  }
0xa1: {  	_ =	swait.ge [sflag:s9], $0x4000  }
0xa2: {  	s17 =	rddreg [dreg:$0x4]  }
0xa3: {  	s7 =	rddreg [dreg:$0x5];
	[sflag:s9] =	ssyncset.done $0x0;
	s15 =	sadd.s32 s14, s17  }
0xa4: {  	[sflag:s9] =	ssyncadd.s32 $0xFFFFC000;
	s16 =	sadd.s32 s14, s7;
	s17 =	sadd.s32 $0x50, s15  }
0xa5: {  	[tilespmem:s21], [sflag:$0x6] =	stream.linear.gather [hbm4b:s17+s3], $0x80, $0x38;
	[tilespmem:$0x1C000] =	vst v63  }
0xa6: {  	s7 =	sadd.s32 $0x50, s16  }
0xa7: {  	[tilespmem:s22], [sflag:$0x6] =	stream.linear.gather [hbm4b:s7+s3], $0x80, $0x38;
	[tilespmem:$0x1C000] =	vst v63  }
0xa8: {  	_ =	swait.ge [sflag:s10], $0x80  }
0xa9: {  	[sflag:s10] =	ssyncset.done $0x0  }
0xaa: {  	[sflag:s10] =	ssyncadd.s32 $0xFFFFFF80  }
0xab: {  	_ =	swait.ge [sflag:s10], $0x80  }
0xac: {  	[sflag:s10] =	ssyncset.done $0x0  }
0xad: {  	[sflag:s10] =	ssyncadd.s32 $0xFFFFFF80  }
0xae: {  	[tilespmem:s0], [sflag:$0x2] =	stream.indirect.gather [hbm4b:s4+s29], $0x80, s25, s29, $0xb8;
	[tilespmem:$0x1C000] =	vst v63  }
0xaf: {  	_ =	swait.ge [sflag:s1], $0x4000  }
0xb0: {  	[sflag:s1] =	ssyncset.done $0x0  }
0xb1: {  	[sflag:s1] =	ssyncadd.s32 $0xFFFFC000  }
0xb2: {  	[spmem:s2] =	stream.indirect.scatter.add.f32 [tilespmem:s30], [sflag:$0x3], $0x80, s24, s29, $0xb8;
	[tilespmem:$0x1C000] =	vst v63  }
0xb3: {  	_ =	swait.ge [sflag:s5], $0x4000  }
0xb4: {  	[sflag:s5] =	ssyncset.done $0x0  }
0xb5: {  	[sflag:s5] =	ssyncadd.s32 $0xFFFFC000  }
0xb6: {  	[spmem:s2] =	stream.indirect.scatter.add.f32 [tilespmem:s0], [sflag:$0x4], $0x80, s26, s29, $0xb8;
	[tilespmem:$0x1C000] =	vst v63  }
0xb7: {  	_ =	swait.ge [sflag:s6], $0x4000  }
0xb8: {  	s17 =	rddreg [dreg:$0x6];
	[sflag:s6] =	ssyncset.done $0x0  }
0xb9: {  	s7 =	rddreg [dreg:$0x7];
	[sflag:s6] =	ssyncadd.s32 $0xFFFFC000;
	s17 =	sadd.s32 s14, s17  }
0xba: {  	[tilespmem:s23], [sflag:$0x7] =	stream.linear.gather [hbm4b:s17+s3], $0x80, $0x38;
	[tilespmem:$0x1C000] =	vst v63  }
0xbb: {  	s7 =	sadd.s32 s14, s7  }
0xbc: {  	[tilespmem:s24], [sflag:$0x7] =	stream.linear.gather [hbm4b:s7+s3], $0x80, $0x38;
	[tilespmem:$0x1C000] =	vst v63  }
0xbd: {  	_ =	swait.ge [sflag:s28], $0x80  }
0xbe: {  	[sflag:s28] =	ssyncset.done $0x0  }
0xbf: {  	[sflag:s28] =	ssyncadd.s32 $0xFFFFFF80  }
0xc0: {  	_ =	swait.ge [sflag:s28], $0x80  }
0xc1: {  	[sflag:s28] =	ssyncset.done $0x0  }
0xc2: {  	[sflag:s28] =	ssyncadd.s32 $0xFFFFFF80  }
0xc3: {  	[tilespmem:s30], [sflag:$0x1] =	stream.indirect.gather [hbm4b:s4+s29], $0x80, s19, s29, $0xb8;
	[tilespmem:$0x1C000] =	vst v63  }
0xc4: {  	_ =	swait.ge [sflag:s9], $0x4000  }
0xc5: {  	[sflag:s9] =	ssyncset.done $0x0  }
0xc6: {  	s15 =	sadd.s32 $0x70, s15;
	[sflag:s9] =	ssyncadd.s32 $0xFFFFC000  }
0xc7: {  	[tilespmem:s25], [sflag:$0x8] =	stream.linear.gather [hbm4b:s15+s3], $0x80, $0x38;
	[tilespmem:$0x1C000] =	vst v63  }
0xc8: {  	p0 =	sne.s32 s13, $0x4C0;
	s17 =	sadd.s32 $0x70, s16  }
0xc9: {  	[tilespmem:s26], [sflag:$0x8] =	stream.linear.gather [hbm4b:s17+s3], $0x80, $0x38;
	[tilespmem:$0x1C000] =	vst v63  }
.Ltmp0:
0xca: {  	_ =	swait.ge [sflag:s31], $0x80;
	(pc) =	sbr.rel @p0 .LBB2_2-.Ltmp0, $4  }
0xcb: {  	[sflag:s31] =	ssyncset.done $0x0  }
0xcc: {  	[sflag:s31] =	ssyncadd.s32 $0xFFFFFF80  }
0xcd: {  	_ =	swait.ge [sflag:s31], $0x80  }
0xce: {  	s13 =	sadd.s32 $0x40, s13;
	[sflag:s31] =	ssyncset.done $0x0  }
0xcf: {  	[sflag:s31] =	ssyncadd.s32 $0xFFFFFF80  }
0xd0: {  	[tilespmem:s0], [sflag:$0x2] =	stream.indirect.gather [hbm4b:s4+s29], $0x80, s21, s29, $0xb8;
	[tilespmem:$0x1C000] =	vst v63  }
0xd1: {  	_ =	swait.ge [sflag:s1], $0x4000  }
0xd2: {  	[sflag:s1] =	ssyncset.done $0x0  }
0xd3: {  	[sflag:s1] =	ssyncadd.s32 $0xFFFFC000  }
0xd4: {  	_ =	swait.ge [sflag:s5], $0x4000  }
0xd5: {  	[sflag:s5] =	ssyncset.done $0x0  }
0xd6: {  	[sflag:s5] =	ssyncadd.s32 $0xFFFFC000  }
0xd7: {  	_ =	swait.ge [sflag:s8], $0x80  }
0xd8: {  	[sflag:s8] =	ssyncset.done $0x0  }
0xd9: {  	[sflag:s8] =	ssyncadd.s32 $0xFFFFFF80  }
0xda: {  	_ =	swait.ge [sflag:s8], $0x80  }
0xdb: {  	[sflag:s8] =	ssyncset.done $0x0  }
0xdc: {  	[sflag:s8] =	ssyncadd.s32 $0xFFFFFF80  }
0xdd: {  	_ =	swait.ge [sflag:s10], $0x80  }
0xde: {  	[sflag:s10] =	ssyncset.done $0x0  }
0xdf: {  	[sflag:s10] =	ssyncadd.s32 $0xFFFFFF80  }
0xe0: {  	_ =	swait.ge [sflag:s10], $0x80  }
0xe1: {  	[sflag:s10] =	ssyncset.done $0x0  }
0xe2: {  	[sflag:s10] =	ssyncadd.s32 $0xFFFFFF80  }
0xe3: {  	[bflag:$0x0] =	sbarrier.arrive $0xFFFF  }
0xe4: {  	s13 =	rddreg [dreg:$0xc]  }
0xe5: {  	s7 =	rddreg [dreg:$0x15]  }
0xe6: {  	[hbm:s7], [sflag:s13] =	dma.local [spmem:s12], $0x2780  }
0xe7: {  	_ =	swait.ge [sflag:s18], $0x2780  }
0xe8: {  	s11 =	sadd.s32 $0x1, s11;
	s17 =	rddreg [dreg:$0x16]  }
0xe9: {  	p0 =	sne.s32 s11, s17  }
.Ltmp1:
0xea: {  	_ = 	snop;
	(pc) =	sbr.rel @p0 .LBB2_1-.Ltmp1, $3  }
0xeb: {  	_ =	sdelay $0x1  }
0xec: {  	[sflag:s18] =	ssyncset.done $0x0  }
0xed: {  	[sflag:s18] =	ssyncadd.s32 $0xFFFFD880  }
0xee: {  	_ =	sfence.sel $0x180000  }
0xef: {  	[bflag:$0x0] =	sbarrier.arrive $0xFFFF  }
0xf0: {  	_ =	strace $0x9000004D  }
0xf1: {  	s0 =	stileid.u32;
	[bflag:$0x2] =	sbarrier.arrive $0xFFFF  }
0xf2: {  	p0 =	sne.s32 s0, $0x0;
	s0 =	rddreg [dreg:$0x3]  }
0xf3: {  	s0 =	sadd.s32 @!p0 $0x100000, s0  }
0xf4: {  	[sflag:s0] =	ssyncadd.tile.s32 @!p0 $0x1;
	_ =	shalt  }
.Lfunc_end2:
_tile_overlayer_lowered:
.L_overlay_start_2:
0xf5: {  	(tag) =	ssettag $0x2  }
0xf6: {  	s0 =	rddreg [dreg:$0x0];
	s2 =	stileid.u32  }
0xf7: {  	s1 =	rddreg [dreg:$0x1];
	p0 =	sne.s32 s2, $0x0  }
0xf8: {  	s3 =	rddreg [dreg:$0x2];
	[bflag:$0x3] =	sbarrier.arrive $0xFFFF;
	s2 =	simm.s32 @!p0 $0x1C09  }
0xf9: {  	[timem:s3], [sflag:s2] =	dma.local @!p0 [hbm:s0], s1  }
0xfa: {  	s0 =	simm.s32 @!p0 $0x9  }
0xfb: {  	_ =	swait.ge @!p0 [sflag:s0], s1  }
0xfc: {  	s1 =	ssub.s32 @!p0 $0x0, s1;
	[sflag:s0] =	ssyncset.done @!p0 $0x0  }
0xfd: {  	[sflag:s0] =	ssyncadd.s32 @!p0 s1  }
0xfe: {  	[bflag:$0x3] =	sbarrier.arrive $0xFFFF  }
0xff: {  	_ =	shalt  }

// kernel: kernel.19.cloned.1.call-start
scs
__scs_entry_jumppad:
0x0: {  	(pc) =	sbr.rel $0x88, $3  }
0x1: {  	(tag) =	ssettag $0x0;
	lr =	simm.s32 $0x1  }
0x2: {  	[smem:$0x3F93] =	sst lr;
	_ =	strace $0xD0000000  }
0x3: {  	_ = 	snop  }
0x4: {  	_ = 	snop  }
0x5: {  	_ = 	snop  }
0x6: {  	_ = 	snop  }
0x7: {  	_ = 	snop  }
__scs_overlays_trampoline_lowered:
0x8: {  	[smem:$0x3FA2] =	sst s0  }
0x9: {  	[smem:$0x3FA3] =	sst s1  }
0xa: {  	[smem:$0x3FA4] =	sst s2  }
0xb: {  	[smem:$0x3FA5] =	sst s3  }
0xc: {  	[smem:$0x3FA6] =	sst s4  }
0xd: {  	[smem:$0x3FA7] =	sst s5  }
0xe: {  	[smem:$0x3FA8] =	sst s6  }
0xf: {  	[smem:$0x3FA9] =	sst s7  }
0x10: {  	[smem:$0x3FAA] =	sst s8  }
0x11: {  	[smem:$0x3FAB] =	sst s9;
	s0 =	simm.s32 @!p0 $0x0  }
0x12: {  	s1 =	sld [smem:$0x3F91];
	s0 =	simm.s32 @p0 $0x1  }
0x13: {  	[smem:$0x3FAC] =	sst s0;
	s0 =	simm.s32 @!p1 $0x0  }
0x14: {  	s2 =	sld [smem:$0x3F90];
	s0 =	simm.s32 @p1 $0x1  }
0x15: {  	[smem:$0x3FAD] =	sst s0;
	s0 =	simm.s32 @!p2 $0x0  }
0x16: {  	s3 =	sld [smem:$0x3FDB];
	s0 =	simm.s32 @p2 $0x1  }
0x17: {  	s4 =	simm.s32 $0x1BF5;
	[smem:$0x3FAF] =	sst s0  }
0x18: {  	s0 =	sld [smem:$0x3F92];
	_ =	swait.ge [sflag:s4], $0x0  }
0x19: {  	s7 =	sld [smem:$0x3F93]  }
0x1a: {  	s8 =	sadd.s32 $0xFFFFE003, lr  }
0x1b: {  	s9 =	sadd.s32 $0xFFFFFEF7, lr;
	s5 =	simm.s32 $0xFFFFFFFF;
	p2 =	slt.u32 s8, $0xFFFFF086  }
0x1c: {  	p1 =	slt.u32 s9, $0xF7A;
	s5 =	simm.s32 @!p2 $0x0  }
0x1d: {  	s5 =	simm.s32 @p1 $0x1;
	p0 =	seq.s32 s7, s2  }
0x1e: {  	s7 =	smul.u32 @!p0 $0xF7A, s2;
	p2 =	seq.s32 @!p0 s5, $0x0  }
0x1f: {  	s9 =	smul.u32 $0xF7A, s1;
	s8 =	simm.s32 @!p0 $0x1BF5;
	p2 =	por !p2, p0  }
0x20: {  	[sflag:s8] =	ssyncset.s32 @!p0 $0xFFFFF086;
	s6 =	sadd.s32 @!p0 s3, s7;
	s7 =	simm.s32 @!p0 $0x108  }
0x21: {  	s3 =	sadd.s32 s3, s9;
	s6 =	sadd.s32 @!p0 $0x88, s6;
	s7 =	simm.s32 @p2 $0x1082  }
0x22: {  	[simem:s7], [sflag:s8] =	dma.local @!p0 [hbm:s6], $0xF7A  }
0x23: {  	s9 =	sor.u32 $0xD0000000, s2;
	s6 =	simm.s32 $0x108;
	_ =	swait.ge @!p0 [sflag:s8], $0x0  }
0x24: {  	s3 =	sadd.s32 $0x88, s3;
	s6 =	simm.s32 @!p1 $0x1082;
	[sflag:s4] =	ssyncset.s32 $0xFFFFF086  }
0x25: {  	[simem:s6], [sflag:s4] =	dma.local [hbm:s3], $0xF7A  }
0x26: {  	[smem:$0x3F93] =	sst s1;
	(tag) =	ssettag s2;
	_ =	strace s9  }
0x27: {  	s1 =	sld [smem:$0x3FA3]  }
0x28: {  	s2 =	sld [smem:$0x3FA4]  }
0x29: {  	s4 =	sld [smem:$0x3FA6]  }
0x2a: {  	p0 =	seq.s32 s5, $0x0;
	s5 =	sld [smem:$0x3FA7]  }
0x2b: {  	s6 =	sld [smem:$0x3FA8]  }
0x2c: {  	s7 =	sld [smem:$0x3FA9]  }
0x2d: {  	s3 =	simm.s32 $0x108;
	s8 =	sld [smem:$0x3FAA]  }
0x2e: {  	s3 =	simm.s32 @!p0 $0x1082;
	s9 =	sld [smem:$0x3FAB]  }
0x2f: {  	lr =	sadd.s32 s0, s3;
	s0 =	sld [smem:$0x3FA2]  }
0x30: {  	s3 =	sld [smem:$0x3FA5]  }
0x31: {  	[smem:$0x3FAE] =	sst s10  }
0x32: {  	s10 =	sld [smem:$0x3FAC];
	_ =	sdelay $0x3  }
0x33: {  	p0 =	seq.s32 s10, $0x1;
	s10 =	sld [smem:$0x3FAE];
	_ =	sdelay $0x3  }
0x34: {  	[smem:$0x3FAE] =	sst s10  }
0x35: {  	s10 =	sld [smem:$0x3FAD];
	_ =	sdelay $0x3  }
0x36: {  	p1 =	seq.s32 s10, $0x1;
	s10 =	sld [smem:$0x3FAE];
	_ =	sdelay $0x3  }
0x37: {  	[smem:$0x3FAE] =	sst s10  }
0x38: {  	s10 =	sld [smem:$0x3FAF]  }
0x39: {  	_ = 	snop;
	(pc) =	sbr.ind lr, $3  }
0x3a: {  	_ = 	snop  }
0x3b: {  	_ = 	snop  }
0x3c: {  	p2 =	seq.s32 s10, $0x1;
	s10 =	sld [smem:$0x3FAE]  }
0x3d: {  	_ =	shalt  }
0x3e: {  	_ =	shalt  }
0x3f: {  	_ =	shalt  }
0x40: {  	_ =	shalt  }
0x41: {  	_ =	shalt  }
0x42: {  	_ =	shalt  }
0x43: {  	_ =	shalt  }
0x44: {  	_ =	shalt  }
0x45: {  	_ =	shalt  }
0x46: {  	_ =	shalt  }
0x47: {  	_ =	shalt  }
0x48: {  	_ =	shalt  }
0x49: {  	_ =	shalt  }
0x4a: {  	_ =	shalt  }
0x4b: {  	_ =	shalt  }
0x4c: {  	_ =	shalt  }
0x4d: {  	_ =	shalt  }
0x4e: {  	_ =	shalt  }
0x4f: {  	_ =	shalt  }
0x50: {  	_ =	shalt  }
0x51: {  	_ =	shalt  }
0x52: {  	_ =	shalt  }
0x53: {  	_ =	shalt  }
0x54: {  	_ =	shalt  }
0x55: {  	_ =	shalt  }
0x56: {  	_ =	shalt  }
0x57: {  	_ =	shalt  }
0x58: {  	_ =	shalt  }
0x59: {  	_ =	shalt  }
0x5a: {  	_ =	shalt  }
0x5b: {  	_ =	shalt  }
0x5c: {  	_ =	shalt  }
0x5d: {  	_ =	shalt  }
0x5e: {  	_ =	shalt  }
0x5f: {  	_ =	shalt  }
0x60: {  	_ =	shalt  }
0x61: {  	_ =	shalt  }
0x62: {  	_ =	shalt  }
0x63: {  	_ =	shalt  }
0x64: {  	_ =	shalt  }
0x65: {  	_ =	shalt  }
0x66: {  	_ =	shalt  }
0x67: {  	_ =	shalt  }
0x68: {  	_ =	shalt  }
0x69: {  	_ =	shalt  }
0x6a: {  	_ =	shalt  }
0x6b: {  	_ =	shalt  }
0x6c: {  	_ =	shalt  }
0x6d: {  	_ =	shalt  }
0x6e: {  	_ =	shalt  }
0x6f: {  	_ =	shalt  }
0x70: {  	_ =	shalt  }
0x71: {  	_ =	shalt  }
0x72: {  	_ =	shalt  }
0x73: {  	_ =	shalt  }
0x74: {  	_ =	shalt  }
0x75: {  	_ =	shalt  }
0x76: {  	_ =	shalt  }
0x77: {  	_ =	shalt  }
0x78: {  	_ =	shalt  }
0x79: {  	_ =	shalt  }
0x7a: {  	_ =	shalt  }
0x7b: {  	_ =	shalt  }
0x7c: {  	_ =	shalt  }
0x7d: {  	_ =	shalt  }
0x7e: {  	_ =	shalt  }
0x7f: {  	_ =	shalt  }
0x80: {  	_ =	shalt  }
0x81: {  	_ =	shalt  }
0x82: {  	_ =	shalt  }
0x83: {  	_ =	shalt  }
0x84: {  	_ =	shalt  }
0x85: {  	_ =	shalt  }
0x86: {  	_ =	shalt  }
0x87: {  	_ =	shalt  }
.Lfunc_end0:
.L_simem_size_0:
called_computation.3_lowered:
.L_overlay_start_0:
0x88: {  	s2 =	sld [smem:$0x3FD9]  }
0x89: {  	s3 =	sld [smem:$0x3FFE];
	_ =	sdelay $0x1  }
0x8a: {  	s1 =	srdreg.scid  }
0x8b: {  	s0 =	sand.u32 $0x1, s1  }
0x8c: {  	s17 =	sshll.u32 s0, $0xA;
	s2 =	sadd.s32 s3, s2  }
0x8d: {  	s2 =	sadd.s32 s2, s17  }
0x8e: {  	[smem:$0x3FBA] =	sst s2  }
0x8f: {  	_ = 	snop  }
0x90: {  	s2 =	sld [smem:$0x3FD0];
	(tm) =	ssettm $0x1  }
0x91: {  	s18 =	sld [smem:$0x3FFB];
	_ =	sdelay $0x3  }
0x92: {  	_ =	strace s18  }
0x93: {  	s3 =	sld [smem:$0x3FFC];
	_ =	sdelay $0x3  }
0x94: {  	_ =	strace s3  }
0x95: {  	s3 =	sld [smem:$0x3FFD];
	_ =	sdelay $0x3  }
0x96: {  	_ =	strace s3  }
0x97: {  	_ =	strace $0x8FFFFFFF  }
0x98: {  	s19 =	sld [smem:$0x3FDB];
	_ =	sdelay $0x1  }
0x99: {  	s4 =	simm.s32 $_scs_section_size  }
0x9a: {  	s5 =	simm.s32 $_size__tile_overlayer_lowered;
	s6 =	simm.s32 $_tile_overlayer_lowered  }
0x9b: {  	s22 =	simm.s32 $0x1BFF;
	s21 =	sshll.u32 s6, $0x1;
	s3 =	sadd.s32 s4, s19  }
0x9c: {  	s7 =	simm.s32 $0x0;
	s20 =	sshll.u32 s5, $0x1;
	s5 =	sadd.s32 s21, s3  }
0x9d: {  	[timem:s7], [sflag:s22] =	dma.local [hbm:s5], s20  }
0x9e: {  	_ =	swait.ge [sflag:s22], s20  }
0x9f: {  	s4 =	ssub.s32 $0x0, s20;
	[sflag:s22] =	ssyncset.done $0x0  }
0xa0: {  	[sflag:s22] =	ssyncadd.s32 s4;
	_ =	sdelay $0x1  }
0xa1: {  	s23 =	simm.s32 $0x1B8B  }
0xa2: {  	_ =	swait.ge [sflag:s23], $0x1  }
0xa3: {  	[sflag:s23] =	ssyncset.done $0x0  }
0xa4: {  	s25 =	simm.s32 $0x1B8E;
	s24 =	sld [smem:$0x3FFE];
	[sflag:s23] =	ssyncadd.s32 $0xFFFFFFFF  }
0xa5: {  	s26 =	simm.s32 $execute0_lowered;
	[smem:$0x3FD2] =	sst s25  }
0xa6: {  	s5 =	sshll.u32 s26, $0x1;
	_ =	strace $0x8000004F;
	[dreg:$0x1] =	wrdreg $0xFFFFFFFF  }
0xa7: {  	s28 =	simm.s32 $_size_execute0_lowered;
	s3 =	sadd.s32 s3, s5;
	[dreg:$0x0] =	wrdreg $0x0  }
0xa8: {  	s5 =	sshll.u32 s28, $0x1;
	[dreg:$0x2] =	wrdreg s3  }
0xa9: {  	[dreg:$0x3] =	wrdreg s5  }
0xaa: {  	[dreg:$0x4] =	wrdreg $0xC0  }
0xab: {  	_ =	task [dreg:s7], $0x5FFFF  }
0xac: {  	[dreg:$0x1] =	wrdreg $0xFFFFFFFF  }
0xad: {  	[dreg:$0x0] =	wrdreg $0x60  }
0xae: {  	[dreg:$0x2] =	wrdreg s24  }
0xaf: {  	[dreg:$0x3] =	wrdreg s2  }
0xb0: {  	[dreg:$0x4] =	wrdreg $0x0  }
0xb1: {  	[dreg:$0x5] =	wrdreg $0x9  }
0xb2: {  	_ =	task.clear_ibuf [dreg:s7], $0x6FFFF;
	_ =	strace $0x9000004F  }
0xb3: {  	s29 =	simm.s32 $0x9;
	_ =	strace $0x80000051  }
0xb4: {  	_ =	swait.ge [sflag:s29], $0x1  }
0xb5: {  	[sflag:s29] =	ssyncadd.s32 $0xFFFFFFFF  }
0xb6: {  	_ =	strace $0x90000051  }
0xb7: {  	_ =	sfence  }
0xb8: {  	s30 =	sld [smem:$0x0];
	_ =	sdelay $0x2  }
0xb9: {  	s31 =	sshll.u32 s1, $0xD;
	s1 =	sshrl.u32 s1, $0x2  }
0xba: {  	s3 =	sand.u32 $0x4000, s31;
	s1 =	sadd.s32 s1, s30  }
0xbb: {  	s0 =	sor.u32 s3, s0;
	s1 =	sshll.u32 s1, $0x11  }
0xbc: {  	s0 =	sor.u32 s1, s0  }
0xbd: {  	s0 =	sadd.s32 $0x8F2B, s0  }
0xbe: {  	[sflag:s0] =	ssyncadd.remote.s32 $0x1  }
0xbf: {  	_ =	sfence.sel $0xFFFF  }
0xc0: {  	[dreg:$0x0] =	wrdreg $0xFFFFFFFF;
	(pc) =	sbr.abs _section_cstart, $3  }
0xc1: {  	[dreg:$0x1] =	wrdreg $0xFFFFFFFF  }
0xc2: {  	_ =	task.clear_ibuf [dreg:s7], $0x2FFFF;
	_ =	strace $0x9FFFFFFF  }
0xc3: {  	(tm) =	ssettm $0x7FFFFFFF  }
tec
execute0_lowered:
.L_overlay_start_1:
0x0: {  	(tag) =	ssettag $0x1  }
0x1: {  	s0 =	rddreg [dreg:$0x0]  }
0x2: {  	s1 =	rddreg [dreg:$0x1]  }
0x3: {  	s2 =	rddreg [dreg:$0x2]  }
0x4: {  	s3 =	simm.s32 $0x0;
	s12 =	stileid.u32;
	s4 =	srdreg.scid  }
0x5: {  	s28 =	simm.s32 $0x5;
	s29 =	simm.s32 $0x80;
	s30 =	simm.s32 $0x13C00  }
0x6: {  	s31 =	simm.s32 $0x6;
	[smem:$0x7FF] =	sst s3;
	s5 =	smul.u32 $0x13C00, s12  }
0x7: {  	s6 =	sand.u32 $0x1, s4;
	s4 =	sadd.s32 $0x36200, s0;
	s8 =	sadd.s32 $0x4800, s0  }
0x8: {  	s25 =	sshll.u32 s12, $0x6;
	s26 =	smul.u32 $0x50, s12;
	_ =	strace $0x80000050  }
0x9: {  	s7 =	smul.u32 $0x13C000, s6;
	s10 =	sshll.u32 s6, $0x4;
	s11 =	ssub.s32 $0x2, s6  }
0xa: {  	s23 =	smul.u32 $0x500, s6;
	s13 =	sor.u32 $0x1C09, s25;
	s9 =	sshrl.u32 s5, $0x3  }
0xb: {  	s10 =	sor.u32 s12, s10;
	s22 =	sshrl.u32 s11, $0x1;
	[dreg:$0xc] =	wrdreg s13  }
0xc: {  	s9 =	sadd.s32 s9, s0;
	s7 =	sadd.s32 s5, s7;
	s10 =	smul.u32 $0x500, s10  }
0xd: {  	s11 =	ssub.s32 s11, s22;
	s5 =	sadd.s32 s5, s2;
	s7 =	sshrl.u32 s7, $0x3  }
0xe: {  	[dreg:$0xa] =	wrdreg s5;
	s24 =	sadd.s32 $0xEA00, s9;
	s5 =	sadd.s32 s26, s23  }
0xf: {  	s26 =	smax.u32 s11, $0x1;
	s9 =	simm.s32 $0x4;
	s11 =	simm.s32 $0x0  }
0x10: {  	s0 =	sadd.s32 s7, s0;
	[dreg:$0xb] =	wrdreg s24;
	s7 =	sadd.s32 s1, s10  }
0x11: {  	s12 =	sor.u32 $0x10, s10;
	s14 =	sadd.s32 s8, s10;
	[dreg:$0x16] =	wrdreg s26  }
0x12: {  	s16 =	sor.u32 $0x20, s10;
	s5 =	sshll.u32 s5, $0x4;
	[dreg:$0xd] =	wrdreg s7  }
0x13: {  	s10 =	sor.u32 $0x30, s10;
	[dreg:$0xe] =	wrdreg s14;
	s15 =	sadd.s32 s1, s12  }
0x14: {  	s26 =	simm.s32 $0x1BF80;
	s6 =	sadd.s32 s8, s12;
	[dreg:$0xf] =	wrdreg s15  }
0x15: {  	s17 =	sadd.s32 s1, s16;
	s18 =	sadd.s32 s5, s1;
	[dreg:$0x10] =	wrdreg s6  }
0x16: {  	s19 =	sadd.s32 s5, s8;
	s20 =	sor.u32 $0x60, s5;
	[dreg:$0x11] =	wrdreg s17  }
0x17: {  	s5 =	sor.u32 $0x40, s5;
	s23 =	sadd.s32 s1, s10;
	[dreg:$0x4] =	wrdreg s18  }
0x18: {  	s24 =	sadd.s32 s8, s10;
	s0 =	sadd.s32 $0x5D400, s0;
	[dreg:$0x5] =	wrdreg s19  }
0x19: {  	s10 =	simm.s32 $0x8;
	s6 =	sadd.s32 s8, s16;
	[dreg:$0x13] =	wrdreg s23  }
0x1a: {  	s21 =	sadd.s32 s20, s1;
	s22 =	sadd.s32 s20, s8;
	[dreg:$0x14] =	wrdreg s24  }
0x1b: {  	s1 =	sadd.s32 s5, s1;
	s25 =	sadd.s32 s5, s8;
	[dreg:$0x15] =	wrdreg s0  }
0x1c: {  	s18 =	simm.s32 $0x9;
	s19 =	simm.s32 $0x1BC00;
	[dreg:$0x12] =	wrdreg s6  }
0x1d: {  	s20 =	simm.s32 $0x1BC80;
	s23 =	simm.s32 $0x1BE00;
	[dreg:$0x6] =	wrdreg s21  }
0x1e: {  	s24 =	simm.s32 $0x1BE80;
	s0 =	simm.s32 $0x17C00;
	[dreg:$0x7] =	wrdreg s22  }
0x1f: {  	s5 =	simm.s32 $0x2;
	s8 =	simm.s32 $0x7;
	[dreg:$0x8] =	wrdreg s1  }
0x20: {  	[dreg:$0x9] =	wrdreg s25;
	s21 =	simm.s32 $0x1BD00;
	s22 =	simm.s32 $0x1BD80  }
0x21: {  	s25 =	simm.s32 $0x1BF00;
	s1 =	simm.s32 $0x1;
	s6 =	simm.s32 $0x3  }
.LBB2_1:
0x22: {  	s7 =	rddreg [dreg:$0xa]  }
0x23: {  	s14 =	rddreg [dreg:$0xb];
	s12 =	sshrl.u32 s7, $0x3  }
0x24: {  	[spmem:s12], [sflag:s13] =	dma.local [hbm:s14], $0x2780  }
0x25: {  	_ =	swait.ge [sflag:s18], $0x2780  }
0x26: {  	[sflag:s18] =	ssyncset.done $0x0  }
0x27: {  	[sflag:s18] =	ssyncadd.s32 $0xFFFFD880  }
0x28: {  	[bflag:$0x0] =	sbarrier.arrive $0xFFFF  }
0x29: {  	s15 =	rddreg [dreg:$0xd]  }
0x2a: {  	[tilespmem:s19], [sflag:$0x5] =	stream.linear.gather [hbm4b:s15+s3], $0x80, $0x38;
	[tilespmem:$0x1C000] =	vst v63  }
0x2b: {  	s16 =	rddreg [dreg:$0xe]  }
0x2c: {  	[tilespmem:s20], [sflag:$0x5] =	stream.linear.gather [hbm4b:s16+s3], $0x80, $0x38;
	[tilespmem:$0x1C000] =	vst v63  }
0x2d: {  	s17 =	rddreg [dreg:$0xf]  }
0x2e: {  	[tilespmem:s21], [sflag:$0x6] =	stream.linear.gather [hbm4b:s17+s3], $0x80, $0x38;
	[tilespmem:$0x1C000] =	vst v63  }
0x2f: {  	s13 =	rddreg [dreg:$0x10]  }
0x30: {  	[tilespmem:s22], [sflag:$0x6] =	stream.linear.gather [hbm4b:s13+s3], $0x80, $0x38;
	[tilespmem:$0x1C000] =	vst v63  }
0x31: {  	s14 =	rddreg [dreg:$0x11]  }
0x32: {  	[tilespmem:s23], [sflag:$0x7] =	stream.linear.gather [hbm4b:s14+s3], $0x80, $0x38;
	[tilespmem:$0x1C000] =	vst v63  }
0x33: {  	s15 =	rddreg [dreg:$0x12]  }
0x34: {  	[tilespmem:s24], [sflag:$0x7] =	stream.linear.gather [hbm4b:s15+s3], $0x80, $0x38;
	[tilespmem:$0x1C000] =	vst v63  }
0x35: {  	s16 =	rddreg [dreg:$0x13]  }
0x36: {  	[tilespmem:s25], [sflag:$0x8] =	stream.linear.gather [hbm4b:s16+s3], $0x80, $0x38;
	[tilespmem:$0x1C000] =	vst v63  }
0x37: {  	s17 =	rddreg [dreg:$0x14]  }
0x38: {  	[tilespmem:s26], [sflag:$0x8] =	stream.linear.gather [hbm4b:s17+s3], $0x80, $0x38;
	[tilespmem:$0x1C000] =	vst v63  }
0x39: {  	_ =	swait.ge [sflag:s28], $0x80  }
0x3a: {  	[sflag:s28] =	ssyncset.done $0x0  }
0x3b: {  	[sflag:s28] =	ssyncadd.s32 $0xFFFFFF80  }
0x3c: {  	_ =	swait.ge [sflag:s28], $0x80  }
0x3d: {  	[sflag:s28] =	ssyncset.done $0x0  }
0x3e: {  	[sflag:s28] =	ssyncadd.s32 $0xFFFFFF80  }
0x3f: {  	[tilespmem:s30], [sflag:$0x1] =	stream.indirect.gather [hbm4b:s4+s29], $0x80, s19, s29, $0xb8;
	[tilespmem:$0x1C000] =	vst v63  }
0x40: {  	_ =	swait.ge [sflag:s31], $0x80  }
0x41: {  	[sflag:s31] =	ssyncset.done $0x0  }
0x42: {  	[sflag:s31] =	ssyncadd.s32 $0xFFFFFF80  }
0x43: {  	_ =	swait.ge [sflag:s31], $0x80  }
0x44: {  	[sflag:s31] =	ssyncset.done $0x0  }
0x45: {  	[sflag:s31] =	ssyncadd.s32 $0xFFFFFF80  }
0x46: {  	[tilespmem:s0], [sflag:$0x2] =	stream.indirect.gather [hbm4b:s4+s29], $0x80, s21, s29, $0xb8;
	[tilespmem:$0x1C000] =	vst v63  }
0x47: {  	_ =	swait.ge [sflag:s1], $0x4000  }
0x48: {  	[sflag:s1] =	ssyncset.done $0x0  }
0x49: {  	[sflag:s1] =	ssyncadd.s32 $0xFFFFC000  }
0x4a: {  	[spmem:s2] =	stream.indirect.scatter.add.f32 [tilespmem:s30], [sflag:$0x3], $0x80, s20, s29, $0xb8;
	[tilespmem:$0x1C000] =	vst v63  }
0x4b: {  	_ =	swait.ge [sflag:s5], $0x4000  }
0x4c: {  	[sflag:s5] =	ssyncset.done $0x0  }
0x4d: {  	[sflag:s5] =	ssyncadd.s32 $0xFFFFC000  }
0x4e: {  	[spmem:s2] =	stream.indirect.scatter.add.f32 [tilespmem:s0], [sflag:$0x4], $0x80, s22, s29, $0xb8;
	[tilespmem:$0x1C000] =	vst v63  }
0x4f: {  	_ =	swait.ge [sflag:s6], $0x4000  }
0x50: {  	s7 =	rddreg [dreg:$0x8];
	[sflag:s6] =	ssyncset.done $0x0  }
0x51: {  	s14 =	rddreg [dreg:$0x9];
	[sflag:s6] =	ssyncadd.s32 $0xFFFFC000;
	s13 =	sadd.s32 $0x0, s7  }
0x52: {  	[tilespmem:s19], [sflag:$0x5] =	stream.linear.gather [hbm4b:s13+s3], $0x80, $0x38;
	[tilespmem:$0x1C000] =	vst v63  }
0x53: {  	s14 =	sadd.s32 $0x0, s14  }
0x54: {  	[tilespmem:s20], [sflag:$0x5] =	stream.linear.gather [hbm4b:s14+s3], $0x80, $0x38;
	[tilespmem:$0x1C000] =	vst v63  }
0x55: {  	_ =	swait.ge [sflag:s8], $0x80  }
0x56: {  	[sflag:s8] =	ssyncset.done $0x0  }
0x57: {  	[sflag:s8] =	ssyncadd.s32 $0xFFFFFF80  }
0x58: {  	_ =	swait.ge [sflag:s8], $0x80  }
0x59: {  	[sflag:s8] =	ssyncset.done $0x0  }
0x5a: {  	[sflag:s8] =	ssyncadd.s32 $0xFFFFFF80  }
0x5b: {  	[tilespmem:s30], [sflag:$0x1] =	stream.indirect.gather [hbm4b:s4+s29], $0x80, s23, s29, $0xb8;
	[tilespmem:$0x1C000] =	vst v63  }
0x5c: {  	_ =	swait.ge [sflag:s9], $0x4000  }
0x5d: {  	s15 =	rddreg [dreg:$0x4]  }
0x5e: {  	s16 =	rddreg [dreg:$0x5];
	[sflag:s9] =	ssyncset.done $0x0;
	s13 =	sadd.s32 $0x0, s15  }
0x5f: {  	[sflag:s9] =	ssyncadd.s32 $0xFFFFC000;
	s14 =	sadd.s32 $0x0, s16;
	s15 =	sadd.s32 $0x50, s13  }
0x60: {  	[tilespmem:s21], [sflag:$0x6] =	stream.linear.gather [hbm4b:s15+s3], $0x80, $0x38;
	[tilespmem:$0x1C000] =	vst v63  }
0x61: {  	s17 =	sadd.s32 $0x50, s14  }
0x62: {  	[tilespmem:s22], [sflag:$0x6] =	stream.linear.gather [hbm4b:s17+s3], $0x80, $0x38;
	[tilespmem:$0x1C000] =	vst v63  }
0x63: {  	_ =	swait.ge [sflag:s10], $0x80  }
0x64: {  	[sflag:s10] =	ssyncset.done $0x0  }
0x65: {  	[sflag:s10] =	ssyncadd.s32 $0xFFFFFF80  }
0x66: {  	_ =	swait.ge [sflag:s10], $0x80  }
0x67: {  	[sflag:s10] =	ssyncset.done $0x0  }
0x68: {  	[sflag:s10] =	ssyncadd.s32 $0xFFFFFF80  }
0x69: {  	[tilespmem:s0], [sflag:$0x2] =	stream.indirect.gather [hbm4b:s4+s29], $0x80, s25, s29, $0xb8;
	[tilespmem:$0x1C000] =	vst v63  }
0x6a: {  	_ =	swait.ge [sflag:s1], $0x4000  }
0x6b: {  	[sflag:s1] =	ssyncset.done $0x0  }
0x6c: {  	[sflag:s1] =	ssyncadd.s32 $0xFFFFC000  }
0x6d: {  	[spmem:s2] =	stream.indirect.scatter.add.f32 [tilespmem:s30], [sflag:$0x3], $0x80, s24, s29, $0xb8;
	[tilespmem:$0x1C000] =	vst v63  }
0x6e: {  	_ =	swait.ge [sflag:s5], $0x4000  }
0x6f: {  	[sflag:s5] =	ssyncset.done $0x0  }
0x70: {  	[sflag:s5] =	ssyncadd.s32 $0xFFFFC000  }
0x71: {  	[spmem:s2] =	stream.indirect.scatter.add.f32 [tilespmem:s0], [sflag:$0x4], $0x80, s26, s29, $0xb8;
	[tilespmem:$0x1C000] =	vst v63  }
0x72: {  	_ =	swait.ge [sflag:s6], $0x4000  }
0x73: {  	s7 =	rddreg [dreg:$0x6];
	[sflag:s6] =	ssyncset.done $0x0  }
0x74: {  	s16 =	rddreg [dreg:$0x7];
	[sflag:s6] =	ssyncadd.s32 $0xFFFFC000;
	s15 =	sadd.s32 $0x0, s7  }
0x75: {  	[tilespmem:s23], [sflag:$0x7] =	stream.linear.gather [hbm4b:s15+s3], $0x80, $0x38;
	[tilespmem:$0x1C000] =	vst v63  }
0x76: {  	s16 =	sadd.s32 $0x0, s16  }
0x77: {  	[tilespmem:s24], [sflag:$0x7] =	stream.linear.gather [hbm4b:s16+s3], $0x80, $0x38;
	[tilespmem:$0x1C000] =	vst v63  }
0x78: {  	_ =	swait.ge [sflag:s28], $0x80  }
0x79: {  	[sflag:s28] =	ssyncset.done $0x0  }
0x7a: {  	[sflag:s28] =	ssyncadd.s32 $0xFFFFFF80  }
0x7b: {  	_ =	swait.ge [sflag:s28], $0x80  }
0x7c: {  	[sflag:s28] =	ssyncset.done $0x0  }
0x7d: {  	[sflag:s28] =	ssyncadd.s32 $0xFFFFFF80  }
0x7e: {  	[tilespmem:s30], [sflag:$0x1] =	stream.indirect.gather [hbm4b:s4+s29], $0x80, s19, s29, $0xb8;
	[tilespmem:$0x1C000] =	vst v63  }
0x7f: {  	_ =	swait.ge [sflag:s9], $0x4000  }
0x80: {  	[sflag:s9] =	ssyncset.done $0x0  }
0x81: {  	s13 =	sadd.s32 $0x70, s13;
	[sflag:s9] =	ssyncadd.s32 $0xFFFFC000  }
0x82: {  	[tilespmem:s25], [sflag:$0x8] =	stream.linear.gather [hbm4b:s13+s3], $0x80, $0x38;
	[tilespmem:$0x1C000] =	vst v63  }
0x83: {  	s17 =	sadd.s32 $0x70, s14  }
0x84: {  	[tilespmem:s26], [sflag:$0x8] =	stream.linear.gather [hbm4b:s17+s3], $0x80, $0x38;
	[tilespmem:$0x1C000] =	vst v63  }
0x85: {  	_ =	swait.ge [sflag:s31], $0x80  }
0x86: {  	[sflag:s31] =	ssyncset.done $0x0  }
0x87: {  	[sflag:s31] =	ssyncadd.s32 $0xFFFFFF80  }
0x88: {  	_ =	swait.ge [sflag:s31], $0x80  }
0x89: {  	s13 =	simm.s32 $0x40;
	[sflag:s31] =	ssyncset.done $0x0  }
.LBB2_2:
0x8a: {  	[sflag:s31] =	ssyncadd.s32 $0xFFFFFF80  }
0x8b: {  	[tilespmem:s0], [sflag:$0x2] =	stream.indirect.gather [hbm4b:s4+s29], $0x80, s21, s29, $0xb8;
	[tilespmem:$0x1C000] =	vst v63  }
0x8c: {  	_ =	swait.ge [sflag:s1], $0x4000  }
0x8d: {  	[sflag:s1] =	ssyncset.done $0x0  }
0x8e: {  	[sflag:s1] =	ssyncadd.s32 $0xFFFFC000  }
0x8f: {  	[spmem:s2] =	stream.indirect.scatter.add.f32 [tilespmem:s30], [sflag:$0x3], $0x80, s20, s29, $0xb8;
	[tilespmem:$0x1C000] =	vst v63  }
0x90: {  	_ =	swait.ge [sflag:s5], $0x4000  }
0x91: {  	[sflag:s5] =	ssyncset.done $0x0  }
0x92: {  	[sflag:s5] =	ssyncadd.s32 $0xFFFFC000  }
0x93: {  	[spmem:s2] =	stream.indirect.scatter.add.f32 [tilespmem:s0], [sflag:$0x4], $0x80, s22, s29, $0xb8;
	[tilespmem:$0x1C000] =	vst v63  }
0x94: {  	_ =	swait.ge [sflag:s6], $0x4000  }
0x95: {  	s14 =	smov.u32 s13;
	s15 =	rddreg [dreg:$0x8];
	[sflag:s6] =	ssyncset.done $0x0  }
0x96: {  	s16 =	rddreg [dreg:$0x9];
	[sflag:s6] =	ssyncadd.s32 $0xFFFFC000;
	s15 =	sadd.s32 s14, s15  }
0x97: {  	[tilespmem:s19], [sflag:$0x5] =	stream.linear.gather [hbm4b:s15+s3], $0x80, $0x38;
	[tilespmem:$0x1C000] =	vst v63  }
0x98: {  	s16 =	sadd.s32 s14, s16  }
0x99: {  	[tilespmem:s20], [sflag:$0x5] =	stream.linear.gather [hbm4b:s16+s3], $0x80, $0x38;
	[tilespmem:$0x1C000] =	vst v63  }
0x9a: {  	_ =	swait.ge [sflag:s8], $0x80  }
0x9b: {  	[sflag:s8] =	ssyncset.done $0x0  }
0x9c: {  	[sflag:s8] =	ssyncadd.s32 $0xFFFFFF80  }
0x9d: {  	_ =	swait.ge [sflag:s8], $0x80  }
0x9e: {  	[sflag:s8] =	ssyncset.done $0x0  }
0x9f: {  	[sflag:s8] =	ssyncadd.s32 $0xFFFFFF80  }
0xa0: {  	[tilespmem:s30], [sflag:$0x1] =	stream.indirect.gather [hbm4b:s4+s29], $0x80, s23, s29, $0xb8;
	[tilespmem:$0x1C000] =	vst v63  }
0xa1: {  	_ =	swait.ge [sflag:s9], $0x4000  }
0xa2: {  	s17 =	rddreg [dreg:$0x4]  }
0xa3: {  	s7 =	rddreg [dreg:$0x5];
	[sflag:s9] =	ssyncset.done $0x0;
	s15 =	sadd.s32 s14, s17  }
0xa4: {  	[sflag:s9] =	ssyncadd.s32 $0xFFFFC000;
	s16 =	sadd.s32 s14, s7;
	s17 =	sadd.s32 $0x50, s15  }
0xa5: {  	[tilespmem:s21], [sflag:$0x6] =	stream.linear.gather [hbm4b:s17+s3], $0x80, $0x38;
	[tilespmem:$0x1C000] =	vst v63  }
0xa6: {  	s7 =	sadd.s32 $0x50, s16  }
0xa7: {  	[tilespmem:s22], [sflag:$0x6] =	stream.linear.gather [hbm4b:s7+s3], $0x80, $0x38;
	[tilespmem:$0x1C000] =	vst v63  }
0xa8: {  	_ =	swait.ge [sflag:s10], $0x80  }
0xa9: {  	[sflag:s10] =	ssyncset.done $0x0  }
0xaa: {  	[sflag:s10] =	ssyncadd.s32 $0xFFFFFF80  }
0xab: {  	_ =	swait.ge [sflag:s10], $0x80  }
0xac: {  	[sflag:s10] =	ssyncset.done $0x0  }
0xad: {  	[sflag:s10] =	ssyncadd.s32 $0xFFFFFF80  }
0xae: {  	[tilespmem:s0], [sflag:$0x2] =	stream.indirect.gather [hbm4b:s4+s29], $0x80, s25, s29, $0xb8;
	[tilespmem:$0x1C000] =	vst v63  }
0xaf: {  	_ =	swait.ge [sflag:s1], $0x4000  }
0xb0: {  	[sflag:s1] =	ssyncset.done $0x0  }
0xb1: {  	[sflag:s1] =	ssyncadd.s32 $0xFFFFC000  }
0xb2: {  	[spmem:s2] =	stream.indirect.scatter.add.f32 [tilespmem:s30], [sflag:$0x3], $0x80, s24, s29, $0xb8;
	[tilespmem:$0x1C000] =	vst v63  }
0xb3: {  	_ =	swait.ge [sflag:s5], $0x4000  }
0xb4: {  	[sflag:s5] =	ssyncset.done $0x0  }
0xb5: {  	[sflag:s5] =	ssyncadd.s32 $0xFFFFC000  }
0xb6: {  	[spmem:s2] =	stream.indirect.scatter.add.f32 [tilespmem:s0], [sflag:$0x4], $0x80, s26, s29, $0xb8;
	[tilespmem:$0x1C000] =	vst v63  }
0xb7: {  	_ =	swait.ge [sflag:s6], $0x4000  }
0xb8: {  	s17 =	rddreg [dreg:$0x6];
	[sflag:s6] =	ssyncset.done $0x0  }
0xb9: {  	s7 =	rddreg [dreg:$0x7];
	[sflag:s6] =	ssyncadd.s32 $0xFFFFC000;
	s17 =	sadd.s32 s14, s17  }
0xba: {  	[tilespmem:s23], [sflag:$0x7] =	stream.linear.gather [hbm4b:s17+s3], $0x80, $0x38;
	[tilespmem:$0x1C000] =	vst v63  }
0xbb: {  	s7 =	sadd.s32 s14, s7  }
0xbc: {  	[tilespmem:s24], [sflag:$0x7] =	stream.linear.gather [hbm4b:s7+s3], $0x80, $0x38;
	[tilespmem:$0x1C000] =	vst v63  }
0xbd: {  	_ =	swait.ge [sflag:s28], $0x80  }
0xbe: {  	[sflag:s28] =	ssyncset.done $0x0  }
0xbf: {  	[sflag:s28] =	ssyncadd.s32 $0xFFFFFF80  }
0xc0: {  	_ =	swait.ge [sflag:s28], $0x80  }
0xc1: {  	[sflag:s28] =	ssyncset.done $0x0  }
0xc2: {  	[sflag:s28] =	ssyncadd.s32 $0xFFFFFF80  }
0xc3: {  	[tilespmem:s30], [sflag:$0x1] =	stream.indirect.gather [hbm4b:s4+s29], $0x80, s19, s29, $0xb8;
	[tilespmem:$0x1C000] =	vst v63  }
0xc4: {  	_ =	swait.ge [sflag:s9], $0x4000  }
0xc5: {  	[sflag:s9] =	ssyncset.done $0x0  }
0xc6: {  	s15 =	sadd.s32 $0x70, s15;
	[sflag:s9] =	ssyncadd.s32 $0xFFFFC000  }
0xc7: {  	[tilespmem:s25], [sflag:$0x8] =	stream.linear.gather [hbm4b:s15+s3], $0x80, $0x38;
	[tilespmem:$0x1C000] =	vst v63  }
0xc8: {  	p0 =	sne.s32 s13, $0x4C0;
	s17 =	sadd.s32 $0x70, s16  }
0xc9: {  	[tilespmem:s26], [sflag:$0x8] =	stream.linear.gather [hbm4b:s17+s3], $0x80, $0x38;
	[tilespmem:$0x1C000] =	vst v63  }
.Ltmp0:
0xca: {  	_ =	swait.ge [sflag:s31], $0x80;
	(pc) =	sbr.rel @p0 .LBB2_2-.Ltmp0, $4  }
0xcb: {  	[sflag:s31] =	ssyncset.done $0x0  }
0xcc: {  	[sflag:s31] =	ssyncadd.s32 $0xFFFFFF80  }
0xcd: {  	_ =	swait.ge [sflag:s31], $0x80  }
0xce: {  	s13 =	sadd.s32 $0x40, s13;
	[sflag:s31] =	ssyncset.done $0x0  }
0xcf: {  	[sflag:s31] =	ssyncadd.s32 $0xFFFFFF80  }
0xd0: {  	[tilespmem:s0], [sflag:$0x2] =	stream.indirect.gather [hbm4b:s4+s29], $0x80, s21, s29, $0xb8;
	[tilespmem:$0x1C000] =	vst v63  }
0xd1: {  	_ =	swait.ge [sflag:s1], $0x4000  }
0xd2: {  	[sflag:s1] =	ssyncset.done $0x0  }
0xd3: {  	[sflag:s1] =	ssyncadd.s32 $0xFFFFC000  }
0xd4: {  	_ =	swait.ge [sflag:s5], $0x4000  }
0xd5: {  	[sflag:s5] =	ssyncset.done $0x0  }
0xd6: {  	[sflag:s5] =	ssyncadd.s32 $0xFFFFC000  }
0xd7: {  	_ =	swait.ge [sflag:s8], $0x80  }
0xd8: {  	[sflag:s8] =	ssyncset.done $0x0  }
0xd9: {  	[sflag:s8] =	ssyncadd.s32 $0xFFFFFF80  }
0xda: {  	_ =	swait.ge [sflag:s8], $0x80  }
0xdb: {  	[sflag:s8] =	ssyncset.done $0x0  }
0xdc: {  	[sflag:s8] =	ssyncadd.s32 $0xFFFFFF80  }
0xdd: {  	_ =	swait.ge [sflag:s10], $0x80  }
0xde: {  	[sflag:s10] =	ssyncset.done $0x0  }
0xdf: {  	[sflag:s10] =	ssyncadd.s32 $0xFFFFFF80  }
0xe0: {  	_ =	swait.ge [sflag:s10], $0x80  }
0xe1: {  	[sflag:s10] =	ssyncset.done $0x0  }
0xe2: {  	[sflag:s10] =	ssyncadd.s32 $0xFFFFFF80  }
0xe3: {  	[bflag:$0x0] =	sbarrier.arrive $0xFFFF  }
0xe4: {  	s13 =	rddreg [dreg:$0xc]  }
0xe5: {  	s7 =	rddreg [dreg:$0x15]  }
0xe6: {  	[hbm:s7], [sflag:s13] =	dma.local [spmem:s12], $0x2780  }
0xe7: {  	_ =	swait.ge [sflag:s18], $0x2780  }
0xe8: {  	s11 =	sadd.s32 $0x1, s11;
	s17 =	rddreg [dreg:$0x16]  }
0xe9: {  	p0 =	sne.s32 s11, s17  }
.Ltmp1:
0xea: {  	_ = 	snop;
	(pc) =	sbr.rel @p0 .LBB2_1-.Ltmp1, $3  }
0xeb: {  	_ =	sdelay $0x1  }
0xec: {  	[sflag:s18] =	ssyncset.done $0x0  }
0xed: {  	[sflag:s18] =	ssyncadd.s32 $0xFFFFD880  }
0xee: {  	_ =	sfence.sel $0x180000  }
0xef: {  	[bflag:$0x0] =	sbarrier.arrive $0xFFFF  }
0xf0: {  	_ =	strace $0x90000050  }
0xf1: {  	s0 =	stileid.u32;
	[bflag:$0x2] =	sbarrier.arrive $0xFFFF  }
0xf2: {  	p0 =	sne.s32 s0, $0x0;
	s0 =	rddreg [dreg:$0x3]  }
0xf3: {  	s0 =	sadd.s32 @!p0 $0x100000, s0  }
0xf4: {  	[sflag:s0] =	ssyncadd.tile.s32 @!p0 $0x1;
	_ =	shalt  }
.Lfunc_end2:
_tile_overlayer_lowered:
.L_overlay_start_2:
0xf5: {  	(tag) =	ssettag $0x2  }
0xf6: {  	s0 =	rddreg [dreg:$0x0];
	s2 =	stileid.u32  }
0xf7: {  	s1 =	rddreg [dreg:$0x1];
	p0 =	sne.s32 s2, $0x0  }
0xf8: {  	s3 =	rddreg [dreg:$0x2];
	[bflag:$0x3] =	sbarrier.arrive $0xFFFF;
	s2 =	simm.s32 @!p0 $0x1C09  }
0xf9: {  	[timem:s3], [sflag:s2] =	dma.local @!p0 [hbm:s0], s1  }
0xfa: {  	s0 =	simm.s32 @!p0 $0x9  }
0xfb: {  	_ =	swait.ge @!p0 [sflag:s0], s1  }
0xfc: {  	s1 =	ssub.s32 @!p0 $0x0, s1;
	[sflag:s0] =	ssyncset.done @!p0 $0x0  }
0xfd: {  	[sflag:s0] =	ssyncadd.s32 @!p0 s1  }
0xfe: {  	[bflag:$0x3] =	sbarrier.arrive $0xFFFF  }
0xff: {  	_ =	shalt  }

</sc_bundles>
